<compile_context>
chip_gen: v7x
topology: tpu7x:2x2x1
jax: 0.10.2.dev20260603
libtpu: 0.0.44.dev20260713+nightly
codegen_flags: <defaults>
</compile_context>

<pallas_src>
import functools

import jax
import jax.numpy as jnp
from jax import lax
from jax.experimental import pallas as pl
from jax.experimental.pallas import tpu as pltpu
from jax.experimental.pallas import tpu_sc as plsc

TOPK = 32
BLK = 2048
CHUNK = 128
SUB = 32
QG = 8

_NEG_INF = float("-inf")
_BIG_I32 = 2**31 - 1


def _sims_chunkmax_body(q_ref, k_ref, sims_ref, cmax_ref, *, n_mem):
    j = pl.program_id(0)
    s = lax.dot_general(
        q_ref[...], k_ref[...],
        (((1,), (1,)), ((), ())),
        preferred_element_type=jnp.float32,
    )
    n_q = s.shape[0]
    s3 = s.reshape(n_q // QG, QG, BLK)
    for c in range(BLK // CHUNK):
        sims_ref[:, c, :, :] = lax.slice(
            s3, (0, 0, c * CHUNK), (n_q // QG, QG, (c + 1) * CHUNK))
    col = lax.broadcasted_iota(jnp.int32, (n_q, BLK), 1) + j * BLK
    sm = jnp.where(col < n_mem, s, _NEG_INF)
    parts = []
    for c in range(BLK // CHUNK):
        piece = lax.slice(sm, (0, c * CHUNK), (n_q, (c + 1) * CHUNK))
        parts.append(jnp.max(piece, axis=1, keepdims=True))
    cmax_ref[0, :, :] = jnp.concatenate(parts, axis=1)


def _chunk_select_body(cmaxt_ref, rows_ref, sel_ref, *, n_chunks):
    run = cmaxt_ref[...]
    n_q = run.shape[1]
    cid = lax.broadcasted_iota(jnp.int32, run.shape, 0)
    outs = []
    for _ in range(TOPK):
        m = jnp.max(run, axis=0, keepdims=True)
        elig = run == m
        gi = jnp.min(jnp.where(elig, cid, _BIG_I32), axis=0, keepdims=True)
        outs.append(gi)
        run = jnp.where(cid == gi, _NEG_INF, run)
    sel = jnp.concatenate(outs, axis=0)
    qcol = lax.broadcasted_iota(jnp.int32, (TOPK, n_q), 1)
    rows_ref[...] = ((qcol // QG) * (n_chunks * QG) + sel * QG
                     + (qcol % QG))
    sel_ref[...] = sel


def _submax_body(cand_ref, sel_ref, smax_ref, *, n_mem):
    nr, chunk_w = cand_ref.shape
    selc = sel_ref[...]
    off = lax.broadcasted_iota(jnp.int32, (nr, chunk_w), 1)
    gidx = selc * chunk_w + off
    run = jnp.where(gidx < n_mem, cand_ref[...], _NEG_INF)
    parts = []
    for t in range(chunk_w // SUB):
        piece = lax.slice(run, (0, t * SUB), (nr, (t + 1) * SUB))
        parts.append(jnp.max(piece, axis=1, keepdims=True))
    smax_ref[...] = jnp.concatenate(parts, axis=1)


def _sub_select_body(smaxt_ref, selt_ref, rows2_ref, sub_ref):
    n_slots, n_q = smaxt_ref.shape
    per = CHUNK // SUB
    run = smaxt_ref[...]
    selt = selt_ref[...]
    sub_id = (selt.reshape(TOPK, 1, n_q) * per
              + lax.broadcasted_iota(jnp.int32, (TOPK, per, n_q), 1)
              ).reshape(n_slots, n_q)
    slot = lax.broadcasted_iota(jnp.int32, (n_slots, n_q), 0)
    qcol = lax.broadcasted_iota(jnp.int32, (TOPK, n_q), 1)
    rows_out, sub_out = [], []
    for _ in range(TOPK):
        m = jnp.max(run, axis=0, keepdims=True)
        elig = run == m
        gi = jnp.min(jnp.where(elig, sub_id, _BIG_I32), axis=0,
                     keepdims=True)
        win = elig & (sub_id == gi)
        sl = jnp.min(jnp.where(win, slot, _BIG_I32), axis=0, keepdims=True)
        rows_out.append(sl)
        sub_out.append(gi)
        run = jnp.where(sub_id == gi, _NEG_INF, run)
    slots = jnp.concatenate(rows_out, axis=0)
    rows2_ref[...] = qcol * n_slots + slots
    sub_ref[...] = jnp.concatenate(sub_out, axis=0)


def _final_select_body(candt_ref, subt_ref, o_ref, *, n_mem):
    n_cand, n_q = candt_ref.shape
    subt = subt_ref[...]
    gidx = (subt.reshape(TOPK, 1, n_q) * SUB
            + lax.broadcasted_iota(jnp.int32, (TOPK, SUB, n_q), 1)
            ).reshape(n_cand, n_q)
    run = jnp.where(gidx < n_mem, candt_ref[...], _NEG_INF)
    outs = []
    for _ in range(TOPK):
        m = jnp.max(run, axis=0, keepdims=True)
        elig = run == m
        gi = jnp.min(jnp.where(elig, gidx, _BIG_I32), axis=0, keepdims=True)
        outs.append(gi)
        run = jnp.where(gidx == gi, _NEG_INF, run)
    o_ref[...] = jnp.concatenate(outs, axis=0)


def _sc_gather(tables, flat_idx, window=128, tc_tiling=True):
    n_idx = flat_idx.shape[0]
    idx2 = flat_idx.reshape(1, n_idx)
    mesh = plsc.VectorSubcoreMesh(
        core_axis_name="core", subcore_axis_name="subcore"
    )
    out_type = tuple(
        jax.ShapeDtypeStruct((n_idx, t.shape[1]), t.dtype) for t in tables
    )
    cp = pltpu.CompilerParams(use_tc_tiling_on_sc=tc_tiling)

    @functools.partial(pl.kernel, out_type=out_type, mesh=mesh,
                       compiler_params=cp)
    def gather_kernel(*refs):
        t_hbm = refs[:len(tables)]
        i_hbm = refs[len(tables)]
        o_hbm = refs[len(tables) + 1:]

        def body(i_vmem, *o_vmem):
            for t, o in zip(t_hbm, o_vmem):
                pltpu.sync_copy(t.at[i_vmem.at[0]], o)

        pltpu.emit_pipeline(
            body,
            grid=(n_idx // window,),
            in_specs=[pl.BlockSpec((1, window), lambda i: (0, i))],
            out_specs=[
                pl.BlockSpec((window, t.shape[1]), lambda i: (i, 0))
                for t in tables
            ],
            core_axis_name=("core", "subcore"),
            dimension_semantics=(pltpu.PARALLEL,),
        )(i_hbm, *o_hbm)

    outs = gather_kernel(*tables, idx2)
    return outs if isinstance(outs, (tuple, list)) else (outs,)


def kernel(q, k_memory, v_memory):
    n_q, d = q.shape
    n_mem = k_memory.shape[0]
    n_pad = (-n_mem) % BLK
    m_pad = n_mem + n_pad
    n_blocks = m_pad // BLK
    n_chunks = m_pad // CHUNK
    per = CHUNK // SUB
    k_pad = jnp.pad(k_memory, ((0, n_pad), (0, 0)))

    sims, cmax = pl.pallas_call(
        functools.partial(_sims_chunkmax_body, n_mem=n_mem),
        grid=(n_blocks,),
        in_specs=[
            pl.BlockSpec((n_q, d), lambda j: (0, 0)),
            pl.BlockSpec((BLK, d), lambda j: (j, 0)),
        ],
        out_specs=[
            pl.BlockSpec((n_q // QG, BLK // CHUNK, QG, CHUNK),
                         lambda j: (0, j, 0, 0)),
            pl.BlockSpec((1, n_q, BLK // CHUNK), lambda j: (j, 0, 0)),
        ],
        out_shape=[
            jax.ShapeDtypeStruct((n_q // QG, n_chunks, QG, CHUNK),
                                 jnp.float32),
            jax.ShapeDtypeStruct((n_blocks, n_q, BLK // CHUNK), jnp.float32),
        ],
    )(q, k_pad)
    cmaxt = cmax.transpose(0, 2, 1).reshape(n_chunks, n_q)

    chunk_rows, selt = pl.pallas_call(
        functools.partial(_chunk_select_body, n_chunks=n_chunks),
        out_shape=[
            jax.ShapeDtypeStruct((TOPK, n_q), jnp.int32),
            jax.ShapeDtypeStruct((TOPK, n_q), jnp.int32),
        ],
    )(cmaxt)

    sims_chunks = sims.reshape(n_q * n_chunks, CHUNK)
    (cand,) = _sc_gather((sims_chunks,), chunk_rows.T.reshape(-1))

    n_rows = n_q * TOPK
    d1_steps = 8
    (smax,) = pl.pallas_call(
        functools.partial(_submax_body, n_mem=n_mem),
        grid=(d1_steps,),
        in_specs=[
            pl.BlockSpec((n_rows // d1_steps, CHUNK), lambda i: (i, 0)),
            pl.BlockSpec((n_rows // d1_steps, 1), lambda i: (i, 0)),
        ],
        out_specs=[pl.BlockSpec((n_rows // d1_steps, per),
                                lambda i: (i, 0))],
        out_shape=[jax.ShapeDtypeStruct((n_rows, per), jnp.float32)],
    )(cand, selt.T.reshape(n_rows, 1))

    smaxt = smax.reshape(n_q, TOPK * per).T
    rows2, subt = pl.pallas_call(
        _sub_select_body,
        out_shape=[
            jax.ShapeDtypeStruct((TOPK, n_q), jnp.int32),
            jax.ShapeDtypeStruct((TOPK, n_q), jnp.int32),
        ],
    )(smaxt, selt)

    cand_subs = cand.reshape(n_rows * per, SUB)
    (cand2,) = _sc_gather((cand_subs,), rows2.T.reshape(-1),
                          tc_tiling=False)

    candt2 = cand2.reshape(n_q, TOPK, SUB).transpose(1, 2, 0).reshape(
        TOPK * SUB, n_q)
    (idxt,) = pl.pallas_call(
        functools.partial(_final_select_body, n_mem=n_mem),
        out_shape=[jax.ShapeDtypeStruct((TOPK, n_q), jnp.int32)],
    )(candt2, subt)

    flat_idx = idxt.T.reshape(-1)
    k_rows, v_rows = _sc_gather((k_memory, v_memory), flat_idx)
    return (k_rows, v_rows)

# --- scband reference (transcript-rebuilt; emitter-appended) ---
"""Pipeline reference for scband-kvmemory-40630390621011 (READ-ONLY COPY).

The authoritative reference and input builder live on the scoring server;
editing this copy changes nothing except your own understanding.
"""

import jax, jax.numpy as jnp
import numpy as np

K_FEATURES = 128
V_FEATURES = 128
MEMORY_SIZE = 100000
ITEMS_PER_QUERY = 32
N_QUERIES = 1024


def setup_inputs(seed: int = 0) -> dict:
    key = jax.random.key(seed)
    k1, k2, k3 = jax.random.split(key, 3)
    q = jax.random.normal(k1, (N_QUERIES, K_FEATURES), dtype=jnp.float32)
    k_memory = jax.random.normal(k2, (MEMORY_SIZE, K_FEATURES), dtype=jnp.float32)
    v_memory = jax.random.normal(k3, (MEMORY_SIZE, V_FEATURES), dtype=jnp.float32)
    return {"q": q, "k_memory": k_memory, "v_memory": v_memory}


def reference(q, k_memory, v_memory):
    # faiss.IndexFlatIP.search: max inner product search over memory keys
    sims = q @ k_memory.T  # [n, memory_size]
    distances, indices = jax.lax.top_k(sims, ITEMS_PER_QUERY)  # [n, i]
    # rearrange 'n i -> (n i)'
    flat_idx = indices.reshape(-1).astype(jnp.int32)
    k = jnp.take(k_memory, flat_idx, axis=0)  # [n*i, k_features]
    v = jnp.take(v_memory, flat_idx, axis=0)  # [n*i, v_features]
    return (k, v)

if __name__ == "__main__":
    import jax
    _d = setup_inputs()
    print(jax.jit(kernel)(*tuple(_d.values())))

</pallas_src>

<mosaic_0001>
#map = affine_map<(d0, d1) -> (0, 0)>
module attributes {stable_mosaic.version = 14 : i64} {
  func.func @gather_kernel(%arg0: i32, %arg1: i32, %arg2: memref<131072x32xf32, #tpu.memory_space<hbm>>, %arg3: memref<1x32768xi32, #tpu.memory_space<hbm>>, %arg4: memref<32768x32xf32, #tpu.memory_space<hbm>>) attributes {dimension_semantics = [#tpu.dimension_semantics<core_parallel>, #tpu.dimension_semantics<subcore_parallel>], iteration_bounds = array<i64: 2, 16>, scalar_prefetch = 0 : i64, scratch_operands = 0 : i64, tpu.core_type = #tpu.core_type<sc_vector_subcore>, window_params = [{transform_indices = #map}, {transform_indices = #map}, {transform_indices = #map}]} {
    %mul3A = arith.constant 1 : i32
    %mul3A_0 = arith.muli %arg1, %mul3A : i32
    %add3A = arith.constant 0 : i32
    %add3A_1 = arith.addi %add3A, %mul3A_0 : i32
    %mul3A_2 = arith.constant 16 : i32
    %mul3A_3 = arith.muli %arg0, %mul3A_2 : i32
    %add3A_4 = arith.addi %add3A_1, %mul3A_3 : i32
    %mul3A_5 = arith.constant 8 : i32
    %mul3A_6 = arith.muli %add3A_4, %mul3A_5 : i32
    "tpu.region"() ({
      %run_scoped3A = memref.alloca() : memref<2x1x128xi32, #tpu.memory_space<vmem>>
      %run_scoped3A_7 = tpu.sem_alloc : memref<2x!tpu.dma_semaphore, #tpu.memory_space<semaphore_mem>>
      %run_scoped3A_8 = memref.alloca() : memref<2x128x32xf32, #tpu.memory_space<vmem>>
      %run_scoped3A_9 = tpu.sem_alloc : memref<2x!tpu.dma_semaphore, #tpu.memory_space<semaphore_mem>>
      %add3A_10 = arith.constant 0 : i32
      %add3A_11 = arith.addi %add3A_10, %mul3A_6 : i32
      %select_n3A = arith.constant true
      %select_n3A_12 = arith.constant 0 : i32
      %select_n3A_13 = arith.constant -1 : i32
      %select_n3A_14 = arith.select %select_n3A, %select_n3A_13, %select_n3A_12 : i32
      %eq3A = arith.constant -1 : i32
      %eq3A_15 = arith.cmpi eq, %select_n3A_14, %eq3A : i32
      %select_n3A_16 = arith.constant 7 : i32
      %select_n3A_17 = arith.select %eq3A_15, %select_n3A_16, %select_n3A_14 : i32
      %add3A_18 = arith.addi %select_n3A_17, %mul3A_6 : i32
      %select_n3A_19 = arith.constant true
      %select_n3A_20 = arith.constant 0 : i32
      %select_n3A_21 = arith.constant 1 : i32
      %select_n3A_22 = arith.select %select_n3A_19, %select_n3A_21, %select_n3A_20 : i32
      %eq3A_23 = arith.constant 8 : i32
      %eq3A_24 = arith.cmpi eq, %select_n3A_22, %eq3A_23 : i32
      %select_n3A_25 = arith.constant 0 : i32
      %select_n3A_26 = arith.select %eq3A_24, %select_n3A_25, %select_n3A_22 : i32
      %add3A_27 = arith.addi %select_n3A_26, %mul3A_6 : i32
      %add3A_28 = arith.constant 1 : i32
      %add3A_29 = arith.addi %select_n3A_26, %add3A_28 : i32
      %select_n3A_30 = arith.constant true
      %select_n3A_31 = arith.select %select_n3A_30, %add3A_29, %select_n3A_26 : i32
      %eq3A_32 = arith.constant 8 : i32
      %eq3A_33 = arith.cmpi eq, %select_n3A_31, %eq3A_32 : i32
      %select_n3A_34 = arith.constant 0 : i32
      %select_n3A_35 = arith.select %eq3A_33, %select_n3A_34, %select_n3A_31 : i32
      %add3A_36 = arith.addi %select_n3A_35, %mul3A_6 : i32
      "tpu.trace_start"() <{level = 10 : i32, message = "ep_initialize_0"}> : () -> ()
      %rem3A = arith.constant 0 : i32
      %rem3A_37 = arith.constant 2 : i32
      %rem3A_38 = arith.remui %rem3A, %rem3A_37 : i32
      %mul3A_39 = arith.constant 128 : i32
      %mul3A_40 = arith.muli %mul3A_39, %add3A_11 : i32
      %dma_start3A = arith.constant 0 : i32
      %dma_start3A_41 = arith.constant 0 : i32
      %dma_start3A_42 = tpu.memref_slice %run_scoped3A[%rem3A_38, %dma_start3A, %dma_start3A_41] : memref<2x1x128xi32, #tpu.memory_space<vmem>> -> memref<1x1x128xi32, #tpu.memory_space<vmem>>
      %dma_start3A_43 = tpu.memref_squeeze %dma_start3A_42 : memref<1x1x128xi32, #tpu.memory_space<vmem>> -> memref<1x128xi32, #tpu.memory_space<vmem>>
      %dma_start3A_44 = arith.constant 0 : i32
      %dma_start3A_45 = tpu.memref_slice %arg3[%dma_start3A_44, %mul3A_40] : memref<1x32768xi32, #tpu.memory_space<hbm>> -> memref<1x128xi32, #tpu.memory_space<hbm>>
      %dma_start3A_46 = tpu.memref_slice %run_scoped3A_7[%rem3A_38] : memref<2x!tpu.dma_semaphore, #tpu.memory_space<semaphore_mem>> -> memref<1x!tpu.dma_semaphore, #tpu.memory_space<semaphore_mem>>
      %dma_start3A_47 = tpu.memref_squeeze %dma_start3A_46 : memref<1x!tpu.dma_semaphore, #tpu.memory_space<semaphore_mem>> -> memref<!tpu.dma_semaphore, #tpu.memory_space<semaphore_mem>>
      %dma_start3A_48 = arith.constant 0 : i32
      %dma_start3A_49 = arith.constant 0 : i32
      %dma_start3A_50 = tpu.memref_slice %run_scoped3A[%rem3A_38, %dma_start3A_48, %dma_start3A_49] : memref<2x1x128xi32, #tpu.memory_space<vmem>> -> memref<1x1x128xi32, #tpu.memory_space<vmem>>
      %dma_start3A_51 = tpu.memref_squeeze %dma_start3A_50 : memref<1x1x128xi32, #tpu.memory_space<vmem>> -> memref<1x128xi32, #tpu.memory_space<vmem>>
      %dma_start3A_52 = arith.constant 0 : i32
      %dma_start3A_53 = tpu.memref_slice %arg3[%dma_start3A_52, %mul3A_40] : memref<1x32768xi32, #tpu.memory_space<hbm>> -> memref<1x128xi32, #tpu.memory_space<hbm>>
      tpu.enqueue_dma source(%dma_start3A_53 : memref<1x128xi32, #tpu.memory_space<hbm>>) target(%dma_start3A_51 : memref<1x128xi32, #tpu.memory_space<vmem>>) target_semaphore(%dma_start3A_47 : memref<!tpu.dma_semaphore, #tpu.memory_space<semaphore_mem>>)
      %add3A_54 = arith.constant 0 : i32
      %add3A_55 = arith.constant 1 : i32
      %add3A_56 = arith.addi %add3A_54, %add3A_55 : i32
      %select_n3A_57 = arith.constant true
      %select_n3A_58 = arith.constant 0 : i32
      %select_n3A_59 = arith.select %select_n3A_57, %add3A_56, %select_n3A_58 : i32
      "tpu.trace_stop"() : () -> ()
      %scan3A = arith.constant 0 : i32
      %scan3A_60 = arith.constant 0 : i32
      %scan3A_61 = arith.constant 0 : i32
      %scan3A_62 = arith.constant 0 : i32
      %scan3A_63 = arith.constant 0 : i32
      %scan3A_64 = arith.constant 8 : i32
      %scan3A_65 = arith.addi %scan3A_63, %scan3A_64 : i32
      %scan3A_66 = arith.constant 1 : i32
      %scan3A_67:5 = scf.for %scan3A_121 = %scan3A_63 to %scan3A_65 step %scan3A_66 iter_args(%scan3A_122 = %select_n3A_59, %scan3A_123 = %scan3A, %scan3A_124 = %scan3A_60, %scan3A_125 = %scan3A_61, %scan3A_126 = %scan3A_62) -> (i32, i32, i32, i32, i32)  : i32 {
        %eq3A_127 = arith.constant 0 : i32
        %eq3A_128 = arith.cmpi eq, %scan3A_121, %eq3A_127 : i32
        %eq3A_129 = arith.constant 7 : i32
        %eq3A_130 = arith.cmpi eq, %scan3A_121, %eq3A_129 : i32
        %add3A_131 = arith.addi %scan3A_126, %mul3A_6 : i32
        %sub3A_132 = arith.constant 1 : i32
        %sub3A_133 = arith.subi %scan3A_126, %sub3A_132 : i32
        %select_n3A_134 = arith.constant true
        %select_n3A_135 = arith.select %select_n3A_134, %sub3A_133, %scan3A_126 : i32
        %eq3A_136 = arith.constant -1 : i32
        %eq3A_137 = arith.cmpi eq, %select_n3A_135, %eq3A_136 : i32
        %select_n3A_138 = arith.constant 7 : i32
        %select_n3A_139 = arith.select %eq3A_137, %select_n3A_138, %select_n3A_135 : i32
        %add3A_140 = arith.addi %select_n3A_139, %mul3A_6 : i32
        %add3A_141 = arith.constant 1 : i32
        %add3A_142 = arith.addi %scan3A_126, %add3A_141 : i32
        %select_n3A_143 = arith.constant true
        %select_n3A_144 = arith.select %select_n3A_143, %add3A_142, %scan3A_126 : i32
        %eq3A_145 = arith.constant 8 : i32
        %eq3A_146 = arith.cmpi eq, %select_n3A_144, %eq3A_145 : i32
        %select_n3A_147 = arith.constant 0 : i32
        %select_n3A_148 = arith.select %eq3A_146, %select_n3A_147, %select_n3A_144 : i32
        %add3A_149 = arith.addi %select_n3A_148, %mul3A_6 : i32
        %add3A_150 = arith.constant 1 : i32
        %add3A_151 = arith.addi %select_n3A_148, %add3A_150 : i32
        %select_n3A_152 = arith.constant true
        %select_n3A_153 = arith.select %select_n3A_152, %add3A_151, %select_n3A_148 : i32
        %eq3A_154 = arith.constant 8 : i32
        %eq3A_155 = arith.cmpi eq, %select_n3A_153, %eq3A_154 : i32
        %select_n3A_156 = arith.constant 0 : i32
        %select_n3A_157 = arith.select %eq3A_155, %select_n3A_156, %select_n3A_153 : i32
        %add3A_158 = arith.addi %select_n3A_157, %mul3A_6 : i32
        %ne3A = arith.cmpi ne, %add3A_131, %add3A_149 : i32
        %or3A = arith.constant false
        %or3A_159 = arith.ori %or3A, %ne3A : i1
        %ge3A = arith.constant 7 : i32
        %ge3A_160 = arith.cmpi sge, %scan3A_121, %ge3A : i32
        %not3A = arith.constant true
        %not3A_161 = arith.xori %ge3A_160, %not3A : i1
        %and3A = arith.andi %or3A_159, %not3A_161 : i1
        %convert_element_type3A = arith.extui %and3A : i1 to i32
        %cond3A = arith.constant 0 : i32
        %cond3A_162 = arith.cmpi ne, %convert_element_type3A, %cond3A : i32
        scf.if %cond3A_162 {
          "tpu.trace_start"() <{level = 10 : i32, message = "ep_copy_in"}> : () -> ()
          %rem3A_264 = arith.constant 2 : i32
          %rem3A_265 = arith.remui %scan3A_122, %rem3A_264 : i32
          %mul3A_266 = arith.constant 128 : i32
          %mul3A_267 = arith.muli %mul3A_266, %add3A_149 : i32
          %dma_start3A_268 = arith.constant 0 : i32
          %dma_start3A_269 = arith.constant 0 : i32
          %dma_start3A_270 = tpu.memref_slice %run_scoped3A[%rem3A_265, %dma_start3A_268, %dma_start3A_269] : memref<2x1x128xi32, #tpu.memory_space<vmem>> -> memref<1x1x128xi32, #tpu.memory_space<vmem>>
          %dma_start3A_271 = tpu.memref_squeeze %dma_start3A_270 : memref<1x1x128xi32, #tpu.memory_space<vmem>> -> memref<1x128xi32, #tpu.memory_space<vmem>>
          %dma_start3A_272 = arith.constant 0 : i32
          %dma_start3A_273 = tpu.memref_slice %arg3[%dma_start3A_272, %mul3A_267] : memref<1x32768xi32, #tpu.memory_space<hbm>> -> memref<1x128xi32, #tpu.memory_space<hbm>>
          %dma_start3A_274 = tpu.memref_slice %run_scoped3A_7[%rem3A_265] : memref<2x!tpu.dma_semaphore, #tpu.memory_space<semaphore_mem>> -> memref<1x!tpu.dma_semaphore, #tpu.memory_space<semaphore_mem>>
          %dma_start3A_275 = tpu.memref_squeeze %dma_start3A_274 : memref<1x!tpu.dma_semaphore, #tpu.memory_space<semaphore_mem>> -> memref<!tpu.dma_semaphore, #tpu.memory_space<semaphore_mem>>
          %dma_start3A_276 = arith.constant 0 : i32
          %dma_start3A_277 = arith.constant 0 : i32
          %dma_start3A_278 = tpu.memref_slice %run_scoped3A[%rem3A_265, %dma_start3A_276, %dma_start3A_277] : memref<2x1x128xi32, #tpu.memory_space<vmem>> -> memref<1x1x128xi32, #tpu.memory_space<vmem>>
          %dma_start3A_279 = tpu.memref_squeeze %dma_start3A_278 : memref<1x1x128xi32, #tpu.memory_space<vmem>> -> memref<1x128xi32, #tpu.memory_space<vmem>>
          %dma_start3A_280 = arith.constant 0 : i32
          %dma_start3A_281 = tpu.memref_slice %arg3[%dma_start3A_280, %mul3A_267] : memref<1x32768xi32, #tpu.memory_space<hbm>> -> memref<1x128xi32, #tpu.memory_space<hbm>>
          tpu.enqueue_dma source(%dma_start3A_281 : memref<1x128xi32, #tpu.memory_space<hbm>>) target(%dma_start3A_279 : memref<1x128xi32, #tpu.memory_space<vmem>>) target_semaphore(%dma_start3A_275 : memref<!tpu.dma_semaphore, #tpu.memory_space<semaphore_mem>>)
          "tpu.trace_stop"() : () -> ()
        } else {
        }
        %and3A_163 = arith.constant true
        %and3A_164 = arith.andi %and3A, %and3A_163 : i1
        %add3A_165 = arith.constant 1 : i32
        %add3A_166 = arith.addi %scan3A_122, %add3A_165 : i32
        %select_n3A_167 = arith.select %and3A_164, %add3A_166, %scan3A_122 : i32
        %ne3A_168 = arith.cmpi ne, %add3A_131, %add3A_149 : i32
        %or3A_169 = arith.constant false
        %or3A_170 = arith.ori %or3A_169, %ne3A_168 : i1
        %or3A_171 = arith.constant false
        %or3A_172 = arith.ori %or3A_170, %or3A_171 : i1
        %ge3A_173 = arith.constant 7 : i32
        %ge3A_174 = arith.cmpi sge, %scan3A_121, %ge3A_173 : i32
        %not3A_175 = arith.constant true
        %not3A_176 = arith.xori %ge3A_174, %not3A_175 : i1
        %and3A_177 = arith.andi %or3A_172, %not3A_176 : i1
        %ne3A_178 = arith.cmpi ne, %add3A_131, %add3A_140 : i32
        %or3A_179 = arith.constant false
        %or3A_180 = arith.ori %or3A_179, %ne3A_178 : i1
        %or3A_181 = arith.ori %or3A_180, %eq3A_128 : i1
        %convert_element_type3A_182 = arith.extui %or3A_181 : i1 to i32
        %cond3A_183 = arith.constant 0 : i32
        %cond3A_184 = arith.cmpi ne, %convert_element_type3A_182, %cond3A_183 : i32
        scf.if %cond3A_184 {
          "tpu.trace_start"() <{level = 10 : i32, message = "ep_wait_in"}> : () -> ()
          %mul3A_264 = arith.constant 128 : i32
          %mul3A_265 = arith.muli %mul3A_264, %add3A_131 : i32
          %rem3A_266 = arith.constant 2 : i32
          %rem3A_267 = arith.remui %scan3A_123, %rem3A_266 : i32
          %dma_wait3A_268 = arith.constant 0 : i32
          %dma_wait3A_269 = arith.constant 0 : i32
          %dma_wait3A_270 = tpu.memref_slice %run_scoped3A[%rem3A_267, %dma_wait3A_268, %dma_wait3A_269] : memref<2x1x128xi32, #tpu.memory_space<vmem>> -> memref<1x1x128xi32, #tpu.memory_space<vmem>>
          %dma_wait3A_271 = tpu.memref_squeeze %dma_wait3A_270 : memref<1x1x128xi32, #tpu.memory_space<vmem>> -> memref<1x128xi32, #tpu.memory_space<vmem>>
          %dma_wait3A_272 = arith.constant 0 : i32
          %dma_wait3A_273 = tpu.memref_slice %arg3[%dma_wait3A_272, %mul3A_265] : memref<1x32768xi32, #tpu.memory_space<hbm>> -> memref<1x128xi32, #tpu.memory_space<hbm>>
          %dma_wait3A_274 = tpu.memref_slice %run_scoped3A_7[%rem3A_267] : memref<2x!tpu.dma_semaphore, #tpu.memory_space<semaphore_mem>> -> memref<1x!tpu.dma_semaphore, #tpu.memory_space<semaphore_mem>>
          %dma_wait3A_275 = tpu.memref_squeeze %dma_wait3A_274 : memref<1x!tpu.dma_semaphore, #tpu.memory_space<semaphore_mem>> -> memref<!tpu.dma_semaphore, #tpu.memory_space<semaphore_mem>>
          %dma_wait3A_276 = arith.constant 0 : i32
          %dma_wait3A_277 = arith.constant 0 : i32
          %dma_wait3A_278 = tpu.memref_slice %run_scoped3A[%rem3A_267, %dma_wait3A_276, %dma_wait3A_277] : memref<2x1x128xi32, #tpu.memory_space<vmem>> -> memref<1x1x128xi32, #tpu.memory_space<vmem>>
          %dma_wait3A_279 = tpu.memref_squeeze %dma_wait3A_278 : memref<1x1x128xi32, #tpu.memory_space<vmem>> -> memref<1x128xi32, #tpu.memory_space<vmem>>
          %dma_wait3A_280 = arith.constant 0 : i32
          %dma_wait3A_281 = tpu.memref_slice %arg3[%dma_wait3A_280, %mul3A_265] : memref<1x32768xi32, #tpu.memory_space<hbm>> -> memref<1x128xi32, #tpu.memory_space<hbm>>
          tpu.wait_dma2 semaphore(%dma_wait3A_275 : memref<!tpu.dma_semaphore, #tpu.memory_space<semaphore_mem>>) src(%dma_wait3A_281 : memref<1x128xi32, #tpu.memory_space<hbm>>) dst(%dma_wait3A_279 : memref<1x128xi32, #tpu.memory_space<vmem>>)
          "tpu.trace_stop"() : () -> ()
        } else {
        }
        %ne3A_185 = arith.cmpi ne, %add3A_131, %add3A_140 : i32
        %or3A_186 = arith.constant false
        %or3A_187 = arith.ori %or3A_186, %ne3A_185 : i1
        %or3A_188 = arith.constant false
        %or3A_189 = arith.ori %or3A_187, %or3A_188 : i1
        %or3A_190 = arith.ori %or3A_189, %eq3A_128 : i1
        %convert_element_type3A_191 = arith.extui %or3A_190 : i1 to i32
        %cond3A_192 = arith.constant 0 : i32
        %cond3A_193 = arith.cmpi ne, %convert_element_type3A_191, %cond3A_192 : i32
        scf.if %cond3A_193 {
        } else {
        }
        %rem3A_194 = arith.constant 2 : i32
        %rem3A_195 = arith.remui %scan3A_123, %rem3A_194 : i32
        %rem3A_196 = arith.constant 2 : i32
        %rem3A_197 = arith.remui %scan3A_124, %rem3A_196 : i32
        %run_scoped3A_198 = arith.constant 0 : i32
        "tpu.trace_start"() <{level = 10 : i32, message = "ep_run_kernel"}> : () -> ()
        "tpu.region"() ({
          %run_scoped3A_264 = tpu.sem_alloc : memref<!tpu.dma_semaphore, #tpu.memory_space<semaphore_mem>>
          %dma_start3A_265 = arith.constant 0 : i32
          %dma_start3A_266 = arith.constant 0 : i32
          %dma_start3A_267 = tpu.memref_slice %run_scoped3A_8[%rem3A_197, %dma_start3A_265, %dma_start3A_266] : memref<2x128x32xf32, #tpu.memory_space<vmem>> -> memref<1x128x32xf32, #tpu.memory_space<vmem>>
          %dma_start3A_268 = tpu.memref_squeeze %dma_start3A_267 : memref<1x128x32xf32, #tpu.memory_space<vmem>> -> memref<128x32xf32, #tpu.memory_space<vmem>>
          %dma_start3A_269 = arith.constant 0 : i32
          %dma_start3A_270 = arith.constant 0 : i32
          %dma_start3A_271 = tpu.memref_slice %run_scoped3A[%rem3A_195, %dma_start3A_269, %dma_start3A_270] : memref<2x1x128xi32, #tpu.memory_space<vmem>> -> memref<1x1x128xi32, #tpu.memory_space<vmem>>
          %dma_start3A_272 = tpu.memref_squeeze %dma_start3A_271 : memref<1x1x128xi32, #tpu.memory_space<vmem>> -> memref<1x128xi32, #tpu.memory_space<vmem>>
          %dma_start3A_273 = arith.constant 0 : i32
          %dma_start3A_274 = tpu.memref_slice %dma_start3A_272[%run_scoped3A_198, %dma_start3A_273] : memref<1x128xi32, #tpu.memory_space<vmem>> -> memref<1x128xi32, #tpu.memory_space<vmem>>
          %dma_start3A_275 = tpu.memref_squeeze %dma_start3A_274 : memref<1x128xi32, #tpu.memory_space<vmem>> -> memref<128xi32, #tpu.memory_space<vmem>>
          %dma_start3A_276 = arith.constant 0 : i32
          %dma_start3A_277 = arith.constant 0 : i32
          %dma_start3A_278 = tpu.memref_slice %arg2[%dma_start3A_276, %dma_start3A_277] : memref<131072x32xf32, #tpu.memory_space<hbm>> -> memref<131072x32xf32, #tpu.memory_space<hbm>>
          tpu.enqueue_indirect_dma source(%dma_start3A_278 : memref<131072x32xf32, #tpu.memory_space<hbm>>) target(%dma_start3A_268 : memref<128x32xf32, #tpu.memory_space<vmem>>) offsets(%dma_start3A_275 : memref<128xi32, #tpu.memory_space<vmem>>) semaphore(%run_scoped3A_264 : memref<!tpu.dma_semaphore, #tpu.memory_space<semaphore_mem>>)
          %dma_wait3A_279 = arith.constant 0 : i32
          %dma_wait3A_280 = arith.constant 0 : i32
          %dma_wait3A_281 = tpu.memref_slice %run_scoped3A_8[%rem3A_197, %dma_wait3A_279, %dma_wait3A_280] : memref<2x128x32xf32, #tpu.memory_space<vmem>> -> memref<1x128x32xf32, #tpu.memory_space<vmem>>
          %dma_wait3A_282 = tpu.memref_squeeze %dma_wait3A_281 : memref<1x128x32xf32, #tpu.memory_space<vmem>> -> memref<128x32xf32, #tpu.memory_space<vmem>>
          %dma_wait3A_283 = arith.constant 0 : i32
          %dma_wait3A_284 = arith.constant 0 : i32
          %dma_wait3A_285 = tpu.memref_slice %run_scoped3A[%rem3A_195, %dma_wait3A_283, %dma_wait3A_284] : memref<2x1x128xi32, #tpu.memory_space<vmem>> -> memref<1x1x128xi32, #tpu.memory_space<vmem>>
          %dma_wait3A_286 = tpu.memref_squeeze %dma_wait3A_285 : memref<1x1x128xi32, #tpu.memory_space<vmem>> -> memref<1x128xi32, #tpu.memory_space<vmem>>
          %dma_wait3A_287 = arith.constant 0 : i32
          %dma_wait3A_288 = tpu.memref_slice %dma_wait3A_286[%run_scoped3A_198, %dma_wait3A_287] : memref<1x128xi32, #tpu.memory_space<vmem>> -> memref<1x128xi32, #tpu.memory_space<vmem>>
          %dma_wait3A_289 = tpu.memref_squeeze %dma_wait3A_288 : memref<1x128xi32, #tpu.memory_space<vmem>> -> memref<128xi32, #tpu.memory_space<vmem>>
          %dma_wait3A_290 = arith.constant 0 : i32
          %dma_wait3A_291 = arith.constant 0 : i32
          %dma_wait3A_292 = tpu.memref_slice %arg2[%dma_wait3A_290, %dma_wait3A_291] : memref<131072x32xf32, #tpu.memory_space<hbm>> -> memref<131072x32xf32, #tpu.memory_space<hbm>>
          tpu.wait_indirect_dma semaphore(%run_scoped3A_264 : memref<!tpu.dma_semaphore, #tpu.memory_space<semaphore_mem>>) src(%dma_wait3A_292 : memref<131072x32xf32, #tpu.memory_space<hbm>>) dst(%dma_wait3A_282 : memref<128x32xf32, #tpu.memory_space<vmem>>)
          tpu.yield
        }) : () -> ()
        "tpu.trace_stop"() : () -> ()
        %ne3A_199 = arith.cmpi ne, %add3A_131, %add3A_149 : i32
        %or3A_200 = arith.constant false
        %or3A_201 = arith.ori %or3A_200, %ne3A_199 : i1
        %or3A_202 = arith.ori %or3A_201, %eq3A_130 : i1
        %convert_element_type3A_203 = arith.extui %or3A_202 : i1 to i32
        %cond3A_204 = arith.constant 0 : i32
        %cond3A_205 = arith.cmpi ne, %convert_element_type3A_203, %cond3A_204 : i32
        scf.if %cond3A_205 {
        } else {
        }
        %and3A_206 = arith.constant false
        %and3A_207 = arith.andi %or3A_202, %and3A_206 : i1
        %ne3A_208 = arith.cmpi ne, %add3A_131, %add3A_149 : i32
        %or3A_209 = arith.constant false
        %or3A_210 = arith.ori %or3A_209, %ne3A_208 : i1
        %or3A_211 = arith.constant false
        %or3A_212 = arith.ori %or3A_210, %or3A_211 : i1
        %or3A_213 = arith.ori %or3A_212, %eq3A_130 : i1
        %convert_element_type3A_214 = arith.extui %or3A_213 : i1 to i32
        %cond3A_215 = arith.constant 0 : i32
        %cond3A_216 = arith.cmpi ne, %convert_element_type3A_214, %cond3A_215 : i32
        scf.if %cond3A_216 {
          "tpu.trace_start"() <{level = 10 : i32, message = "ep_copy_out"}> : () -> ()
          %rem3A_264 = arith.constant 2 : i32
          %rem3A_265 = arith.remui %scan3A_124, %rem3A_264 : i32
          %mul3A_266 = arith.constant 128 : i32
          %mul3A_267 = arith.muli %mul3A_266, %add3A_131 : i32
          %dma_start3A_268 = arith.constant 0 : i32
          %dma_start3A_269 = arith.constant 0 : i32
          %dma_start3A_270 = tpu.memref_slice %run_scoped3A_8[%rem3A_265, %dma_start3A_268, %dma_start3A_269] : memref<2x128x32xf32, #tpu.memory_space<vmem>> -> memref<1x128x32xf32, #tpu.memory_space<vmem>>
          %dma_start3A_271 = tpu.memref_squeeze %dma_start3A_270 : memref<1x128x32xf32, #tpu.memory_space<vmem>> -> memref<128x32xf32, #tpu.memory_space<vmem>>
          %dma_start3A_272 = arith.constant 0 : i32
          %dma_start3A_273 = tpu.memref_slice %arg4[%mul3A_267, %dma_start3A_272] : memref<32768x32xf32, #tpu.memory_space<hbm>> -> memref<128x32xf32, #tpu.memory_space<hbm>>
          %dma_start3A_274 = tpu.memref_slice %run_scoped3A_9[%rem3A_265] : memref<2x!tpu.dma_semaphore, #tpu.memory_space<semaphore_mem>> -> memref<1x!tpu.dma_semaphore, #tpu.memory_space<semaphore_mem>>
          %dma_start3A_275 = tpu.memref_squeeze %dma_start3A_274 : memref<1x!tpu.dma_semaphore, #tpu.memory_space<semaphore_mem>> -> memref<!tpu.dma_semaphore, #tpu.memory_space<semaphore_mem>>
          %dma_start3A_276 = arith.constant 0 : i32
          %dma_start3A_277 = tpu.memref_slice %arg4[%mul3A_267, %dma_start3A_276] : memref<32768x32xf32, #tpu.memory_space<hbm>> -> memref<128x32xf32, #tpu.memory_space<hbm>>
          %dma_start3A_278 = arith.constant 0 : i32
          %dma_start3A_279 = arith.constant 0 : i32
          %dma_start3A_280 = tpu.memref_slice %run_scoped3A_8[%rem3A_265, %dma_start3A_278, %dma_start3A_279] : memref<2x128x32xf32, #tpu.memory_space<vmem>> -> memref<1x128x32xf32, #tpu.memory_space<vmem>>
          %dma_start3A_281 = tpu.memref_squeeze %dma_start3A_280 : memref<1x128x32xf32, #tpu.memory_space<vmem>> -> memref<128x32xf32, #tpu.memory_space<vmem>>
          tpu.enqueue_dma source(%dma_start3A_281 : memref<128x32xf32, #tpu.memory_space<vmem>>) target(%dma_start3A_277 : memref<128x32xf32, #tpu.memory_space<hbm>>) target_semaphore(%dma_start3A_275 : memref<!tpu.dma_semaphore, #tpu.memory_space<semaphore_mem>>)
          "tpu.trace_stop"() : () -> ()
        } else {
        }
        %and3A_217 = arith.constant true
        %and3A_218 = arith.andi %or3A_213, %and3A_217 : i1
        %add3A_219 = arith.constant 1 : i32
        %add3A_220 = arith.addi %scan3A_124, %add3A_219 : i32
        %select_n3A_221 = arith.select %and3A_218, %add3A_220, %scan3A_124 : i32
        %ne3A_222 = arith.cmpi ne, %add3A_131, %add3A_140 : i32
        %or3A_223 = arith.constant false
        %or3A_224 = arith.ori %or3A_223, %ne3A_222 : i1
        %not3A_225 = arith.constant true
        %not3A_226 = arith.xori %eq3A_128, %not3A_225 : i1
        %and3A_227 = arith.andi %or3A_224, %not3A_226 : i1
        %convert_element_type3A_228 = arith.extui %and3A_227 : i1 to i32
        %cond3A_229 = arith.constant 0 : i32
        %cond3A_230 = arith.cmpi ne, %convert_element_type3A_228, %cond3A_229 : i32
        scf.if %cond3A_230 {
        } else {
        }
        %and3A_231 = arith.constant false
        %and3A_232 = arith.andi %and3A_227, %and3A_231 : i1
        %ne3A_233 = arith.cmpi ne, %add3A_131, %add3A_140 : i32
        %or3A_234 = arith.constant false
        %or3A_235 = arith.ori %or3A_234, %ne3A_233 : i1
        %or3A_236 = arith.constant false
        %or3A_237 = arith.ori %or3A_235, %or3A_236 : i1
        %not3A_238 = arith.constant true
        %not3A_239 = arith.xori %eq3A_128, %not3A_238 : i1
        %and3A_240 = arith.andi %or3A_237, %not3A_239 : i1
        %convert_element_type3A_241 = arith.extui %and3A_240 : i1 to i32
        %cond3A_242 = arith.constant 0 : i32
        %cond3A_243 = arith.cmpi ne, %convert_element_type3A_241, %cond3A_242 : i32
        scf.if %cond3A_243 {
          "tpu.trace_start"() <{level = 10 : i32, message = "ep_wait_out"}> : () -> ()
          %rem3A_264 = arith.constant 2 : i32
          %rem3A_265 = arith.remui %scan3A_125, %rem3A_264 : i32
          %mul3A_266 = arith.constant 128 : i32
          %mul3A_267 = arith.muli %mul3A_266, %add3A_140 : i32
          %dma_wait3A_268 = arith.constant 0 : i32
          %dma_wait3A_269 = arith.constant 0 : i32
          %dma_wait3A_270 = tpu.memref_slice %run_scoped3A_8[%rem3A_265, %dma_wait3A_268, %dma_wait3A_269] : memref<2x128x32xf32, #tpu.memory_space<vmem>> -> memref<1x128x32xf32, #tpu.memory_space<vmem>>
          %dma_wait3A_271 = tpu.memref_squeeze %dma_wait3A_270 : memref<1x128x32xf32, #tpu.memory_space<vmem>> -> memref<128x32xf32, #tpu.memory_space<vmem>>
          %dma_wait3A_272 = arith.constant 0 : i32
          %dma_wait3A_273 = tpu.memref_slice %arg4[%mul3A_267, %dma_wait3A_272] : memref<32768x32xf32, #tpu.memory_space<hbm>> -> memref<128x32xf32, #tpu.memory_space<hbm>>
          %dma_wait3A_274 = tpu.memref_slice %run_scoped3A_9[%rem3A_265] : memref<2x!tpu.dma_semaphore, #tpu.memory_space<semaphore_mem>> -> memref<1x!tpu.dma_semaphore, #tpu.memory_space<semaphore_mem>>
          %dma_wait3A_275 = tpu.memref_squeeze %dma_wait3A_274 : memref<1x!tpu.dma_semaphore, #tpu.memory_space<semaphore_mem>> -> memref<!tpu.dma_semaphore, #tpu.memory_space<semaphore_mem>>
          %dma_wait3A_276 = arith.constant 0 : i32
          %dma_wait3A_277 = tpu.memref_slice %arg4[%mul3A_267, %dma_wait3A_276] : memref<32768x32xf32, #tpu.memory_space<hbm>> -> memref<128x32xf32, #tpu.memory_space<hbm>>
          %dma_wait3A_278 = arith.constant 0 : i32
          %dma_wait3A_279 = arith.constant 0 : i32
          %dma_wait3A_280 = tpu.memref_slice %run_scoped3A_8[%rem3A_265, %dma_wait3A_278, %dma_wait3A_279] : memref<2x128x32xf32, #tpu.memory_space<vmem>> -> memref<1x128x32xf32, #tpu.memory_space<vmem>>
          %dma_wait3A_281 = tpu.memref_squeeze %dma_wait3A_280 : memref<1x128x32xf32, #tpu.memory_space<vmem>> -> memref<128x32xf32, #tpu.memory_space<vmem>>
          tpu.wait_dma2 semaphore(%dma_wait3A_275 : memref<!tpu.dma_semaphore, #tpu.memory_space<semaphore_mem>>) src(%dma_wait3A_281 : memref<128x32xf32, #tpu.memory_space<vmem>>) dst(%dma_wait3A_277 : memref<128x32xf32, #tpu.memory_space<hbm>>)
          "tpu.trace_stop"() : () -> ()
        } else {
        }
        %and3A_244 = arith.constant true
        %and3A_245 = arith.andi %and3A_240, %and3A_244 : i1
        %add3A_246 = arith.constant 1 : i32
        %add3A_247 = arith.addi %scan3A_125, %add3A_246 : i32
        %select_n3A_248 = arith.select %and3A_245, %add3A_247, %scan3A_125 : i32
        %ne3A_249 = arith.cmpi ne, %add3A_131, %add3A_149 : i32
        %or3A_250 = arith.constant false
        %or3A_251 = arith.ori %or3A_250, %ne3A_249 : i1
        %or3A_252 = arith.ori %or3A_251, %eq3A_130 : i1
        %add3A_253 = arith.constant 1 : i32
        %add3A_254 = arith.addi %scan3A_123, %add3A_253 : i32
        %select_n3A_255 = arith.select %or3A_252, %add3A_254, %scan3A_123 : i32
        %add3A_256 = arith.constant 1 : i32
        %add3A_257 = arith.addi %scan3A_126, %add3A_256 : i32
        %select_n3A_258 = arith.constant true
        %select_n3A_259 = arith.select %select_n3A_258, %add3A_257, %scan3A_126 : i32
        %eq3A_260 = arith.constant 8 : i32
        %eq3A_261 = arith.cmpi eq, %select_n3A_259, %eq3A_260 : i32
        %select_n3A_262 = arith.constant 0 : i32
        %select_n3A_263 = arith.select %eq3A_261, %select_n3A_262, %select_n3A_259 : i32
        scf.yield %select_n3A_167, %select_n3A_255, %select_n3A_221, %select_n3A_248, %select_n3A_263 : i32, i32, i32, i32, i32
      }
      %scan3A_68 = arith.constant 8 : i32
      %sub3A = arith.constant 1 : i32
      %sub3A_69 = arith.subi %scan3A_67#4, %sub3A : i32
      %select_n3A_70 = arith.constant true
      %select_n3A_71 = arith.select %select_n3A_70, %sub3A_69, %scan3A_67#4 : i32
      %eq3A_72 = arith.constant -1 : i32
      %eq3A_73 = arith.cmpi eq, %select_n3A_71, %eq3A_72 : i32
      %select_n3A_74 = arith.constant 7 : i32
      %select_n3A_75 = arith.select %eq3A_73, %select_n3A_74, %select_n3A_71 : i32
      %add3A_76 = arith.addi %select_n3A_75, %mul3A_6 : i32
      %sub3A_77 = arith.constant 1 : i32
      %sub3A_78 = arith.subi %select_n3A_75, %sub3A_77 : i32
      %select_n3A_79 = arith.constant true
      %select_n3A_80 = arith.select %select_n3A_79, %sub3A_78, %select_n3A_75 : i32
      %eq3A_81 = arith.constant -1 : i32
      %eq3A_82 = arith.cmpi eq, %select_n3A_80, %eq3A_81 : i32
      %select_n3A_83 = arith.constant 7 : i32
      %select_n3A_84 = arith.select %eq3A_82, %select_n3A_83, %select_n3A_80 : i32
      %add3A_85 = arith.addi %select_n3A_84, %mul3A_6 : i32
      %add3A_86 = arith.constant 1 : i32
      %add3A_87 = arith.addi %select_n3A_75, %add3A_86 : i32
      %select_n3A_88 = arith.constant true
      %select_n3A_89 = arith.select %select_n3A_88, %add3A_87, %select_n3A_75 : i32
      %eq3A_90 = arith.constant 8 : i32
      %eq3A_91 = arith.cmpi eq, %select_n3A_89, %eq3A_90 : i32
      %select_n3A_92 = arith.constant 0 : i32
      %select_n3A_93 = arith.select %eq3A_91, %select_n3A_92, %select_n3A_89 : i32
      %add3A_94 = arith.addi %select_n3A_93, %mul3A_6 : i32
      %add3A_95 = arith.constant 1 : i32
      %add3A_96 = arith.addi %select_n3A_93, %add3A_95 : i32
      %select_n3A_97 = arith.constant true
      %select_n3A_98 = arith.select %select_n3A_97, %add3A_96, %select_n3A_93 : i32
      %eq3A_99 = arith.constant 8 : i32
      %eq3A_100 = arith.cmpi eq, %select_n3A_98, %eq3A_99 : i32
      %select_n3A_101 = arith.constant 0 : i32
      %select_n3A_102 = arith.select %eq3A_100, %select_n3A_101, %select_n3A_98 : i32
      %add3A_103 = arith.addi %select_n3A_102, %mul3A_6 : i32
      "tpu.trace_start"() <{level = 10 : i32, message = "ep_finalize"}> : () -> ()
      %rem3A_104 = arith.constant 2 : i32
      %rem3A_105 = arith.remui %scan3A_67#3, %rem3A_104 : i32
      %mul3A_106 = arith.constant 128 : i32
      %mul3A_107 = arith.muli %mul3A_106, %add3A_76 : i32
      %dma_wait3A = arith.constant 0 : i32
      %dma_wait3A_108 = arith.constant 0 : i32
      %dma_wait3A_109 = tpu.memref_slice %run_scoped3A_8[%rem3A_105, %dma_wait3A, %dma_wait3A_108] : memref<2x128x32xf32, #tpu.memory_space<vmem>> -> memref<1x128x32xf32, #tpu.memory_space<vmem>>
      %dma_wait3A_110 = tpu.memref_squeeze %dma_wait3A_109 : memref<1x128x32xf32, #tpu.memory_space<vmem>> -> memref<128x32xf32, #tpu.memory_space<vmem>>
      %dma_wait3A_111 = arith.constant 0 : i32
      %dma_wait3A_112 = tpu.memref_slice %arg4[%mul3A_107, %dma_wait3A_111] : memref<32768x32xf32, #tpu.memory_space<hbm>> -> memref<128x32xf32, #tpu.memory_space<hbm>>
      %dma_wait3A_113 = tpu.memref_slice %run_scoped3A_9[%rem3A_105] : memref<2x!tpu.dma_semaphore, #tpu.memory_space<semaphore_mem>> -> memref<1x!tpu.dma_semaphore, #tpu.memory_space<semaphore_mem>>
      %dma_wait3A_114 = tpu.memref_squeeze %dma_wait3A_113 : memref<1x!tpu.dma_semaphore, #tpu.memory_space<semaphore_mem>> -> memref<!tpu.dma_semaphore, #tpu.memory_space<semaphore_mem>>
      %dma_wait3A_115 = arith.constant 0 : i32
      %dma_wait3A_116 = tpu.memref_slice %arg4[%mul3A_107, %dma_wait3A_115] : memref<32768x32xf32, #tpu.memory_space<hbm>> -> memref<128x32xf32, #tpu.memory_space<hbm>>
      %dma_wait3A_117 = arith.constant 0 : i32
      %dma_wait3A_118 = arith.constant 0 : i32
      %dma_wait3A_119 = tpu.memref_slice %run_scoped3A_8[%rem3A_105, %dma_wait3A_117, %dma_wait3A_118] : memref<2x128x32xf32, #tpu.memory_space<vmem>> -> memref<1x128x32xf32, #tpu.memory_space<vmem>>
      %dma_wait3A_120 = tpu.memref_squeeze %dma_wait3A_119 : memref<1x128x32xf32, #tpu.memory_space<vmem>> -> memref<128x32xf32, #tpu.memory_space<vmem>>
      tpu.wait_dma2 semaphore(%dma_wait3A_114 : memref<!tpu.dma_semaphore, #tpu.memory_space<semaphore_mem>>) src(%dma_wait3A_120 : memref<128x32xf32, #tpu.memory_space<vmem>>) dst(%dma_wait3A_116 : memref<128x32xf32, #tpu.memory_space<hbm>>)
      "tpu.trace_stop"() : () -> ()
      tpu.yield
    }) : () -> ()
    return
  }
}

#map = affine_map<(d0, d1) -> (0, 0)>
module attributes {stable_mosaic.version = 14 : i64} {
  func.func @gather_kernel(%arg0: i32, %arg1: i32, %arg2: memref<802816x128xf32, #tpu.memory_space<hbm>>, %arg3: memref<1x32768xi32, #tpu.memory_space<hbm>>, %arg4: memref<32768x128xf32, #tpu.memory_space<hbm>>) attributes {dimension_semantics = [#tpu.dimension_semantics<core_parallel>, #tpu.dimension_semantics<subcore_parallel>], iteration_bounds = array<i64: 2, 16>, scalar_prefetch = 0 : i64, scratch_operands = 0 : i64, tpu.core_type = #tpu.core_type<sc_vector_subcore>, window_params = [{transform_indices = #map}, {transform_indices = #map}, {transform_indices = #map}]} {
    %mul3A = arith.constant 1 : i32
    %mul3A_0 = arith.muli %arg1, %mul3A : i32
    %add3A = arith.constant 0 : i32
    %add3A_1 = arith.addi %add3A, %mul3A_0 : i32
    %mul3A_2 = arith.constant 16 : i32
    %mul3A_3 = arith.muli %arg0, %mul3A_2 : i32
    %add3A_4 = arith.addi %add3A_1, %mul3A_3 : i32
    %mul3A_5 = arith.constant 8 : i32
    %mul3A_6 = arith.muli %add3A_4, %mul3A_5 : i32
    "tpu.region"() ({
      %run_scoped3A = memref.alloca() : memref<2x1x128xi32, #tpu.memory_space<vmem>>
      %run_scoped3A_7 = tpu.sem_alloc : memref<2x!tpu.dma_semaphore, #tpu.memory_space<semaphore_mem>>
      %run_scoped3A_8 = memref.alloca() : memref<2x128x128xf32, #tpu.memory_space<vmem>>
      %run_scoped3A_9 = tpu.sem_alloc : memref<2x!tpu.dma_semaphore, #tpu.memory_space<semaphore_mem>>
      %add3A_10 = arith.constant 0 : i32
      %add3A_11 = arith.addi %add3A_10, %mul3A_6 : i32
      %select_n3A = arith.constant true
      %select_n3A_12 = arith.constant 0 : i32
      %select_n3A_13 = arith.constant -1 : i32
      %select_n3A_14 = arith.select %select_n3A, %select_n3A_13, %select_n3A_12 : i32
      %eq3A = arith.constant -1 : i32
      %eq3A_15 = arith.cmpi eq, %select_n3A_14, %eq3A : i32
      %select_n3A_16 = arith.constant 7 : i32
      %select_n3A_17 = arith.select %eq3A_15, %select_n3A_16, %select_n3A_14 : i32
      %add3A_18 = arith.addi %select_n3A_17, %mul3A_6 : i32
      %select_n3A_19 = arith.constant true
      %select_n3A_20 = arith.constant 0 : i32
      %select_n3A_21 = arith.constant 1 : i32
      %select_n3A_22 = arith.select %select_n3A_19, %select_n3A_21, %select_n3A_20 : i32
      %eq3A_23 = arith.constant 8 : i32
      %eq3A_24 = arith.cmpi eq, %select_n3A_22, %eq3A_23 : i32
      %select_n3A_25 = arith.constant 0 : i32
      %select_n3A_26 = arith.select %eq3A_24, %select_n3A_25, %select_n3A_22 : i32
      %add3A_27 = arith.addi %select_n3A_26, %mul3A_6 : i32
      %add3A_28 = arith.constant 1 : i32
      %add3A_29 = arith.addi %select_n3A_26, %add3A_28 : i32
      %select_n3A_30 = arith.constant true
      %select_n3A_31 = arith.select %select_n3A_30, %add3A_29, %select_n3A_26 : i32
      %eq3A_32 = arith.constant 8 : i32
      %eq3A_33 = arith.cmpi eq, %select_n3A_31, %eq3A_32 : i32
      %select_n3A_34 = arith.constant 0 : i32
      %select_n3A_35 = arith.select %eq3A_33, %select_n3A_34, %select_n3A_31 : i32
      %add3A_36 = arith.addi %select_n3A_35, %mul3A_6 : i32
      "tpu.trace_start"() <{level = 10 : i32, message = "ep_initialize_0"}> : () -> ()
      %rem3A = arith.constant 0 : i32
      %rem3A_37 = arith.constant 2 : i32
      %rem3A_38 = arith.remui %rem3A, %rem3A_37 : i32
      %mul3A_39 = arith.constant 128 : i32
      %mul3A_40 = arith.muli %mul3A_39, %add3A_11 : i32
      %dma_start3A = arith.constant 0 : i32
      %dma_start3A_41 = arith.constant 0 : i32
      %dma_start3A_42 = tpu.memref_slice %run_scoped3A[%rem3A_38, %dma_start3A, %dma_start3A_41] : memref<2x1x128xi32, #tpu.memory_space<vmem>> -> memref<1x1x128xi32, #tpu.memory_space<vmem>>
      %dma_start3A_43 = tpu.memref_squeeze %dma_start3A_42 : memref<1x1x128xi32, #tpu.memory_space<vmem>> -> memref<1x128xi32, #tpu.memory_space<vmem>>
      %dma_start3A_44 = arith.constant 0 : i32
      %dma_start3A_45 = tpu.memref_slice %arg3[%dma_start3A_44, %mul3A_40] : memref<1x32768xi32, #tpu.memory_space<hbm>> -> memref<1x128xi32, #tpu.memory_space<hbm>>
      %dma_start3A_46 = tpu.memref_slice %run_scoped3A_7[%rem3A_38] : memref<2x!tpu.dma_semaphore, #tpu.memory_space<semaphore_mem>> -> memref<1x!tpu.dma_semaphore, #tpu.memory_space<semaphore_mem>>
      %dma_start3A_47 = tpu.memref_squeeze %dma_start3A_46 : memref<1x!tpu.dma_semaphore, #tpu.memory_space<semaphore_mem>> -> memref<!tpu.dma_semaphore, #tpu.memory_space<semaphore_mem>>
      %dma_start3A_48 = arith.constant 0 : i32
      %dma_start3A_49 = arith.constant 0 : i32
      %dma_start3A_50 = tpu.memref_slice %run_scoped3A[%rem3A_38, %dma_start3A_48, %dma_start3A_49] : memref<2x1x128xi32, #tpu.memory_space<vmem>> -> memref<1x1x128xi32, #tpu.memory_space<vmem>>
      %dma_start3A_51 = tpu.memref_squeeze %dma_start3A_50 : memref<1x1x128xi32, #tpu.memory_space<vmem>> -> memref<1x128xi32, #tpu.memory_space<vmem>>
      %dma_start3A_52 = arith.constant 0 : i32
      %dma_start3A_53 = tpu.memref_slice %arg3[%dma_start3A_52, %mul3A_40] : memref<1x32768xi32, #tpu.memory_space<hbm>> -> memref<1x128xi32, #tpu.memory_space<hbm>>
      tpu.enqueue_dma source(%dma_start3A_53 : memref<1x128xi32, #tpu.memory_space<hbm>>) target(%dma_start3A_51 : memref<1x128xi32, #tpu.memory_space<vmem>>) target_semaphore(%dma_start3A_47 : memref<!tpu.dma_semaphore, #tpu.memory_space<semaphore_mem>>)
      %add3A_54 = arith.constant 0 : i32
      %add3A_55 = arith.constant 1 : i32
      %add3A_56 = arith.addi %add3A_54, %add3A_55 : i32
      %select_n3A_57 = arith.constant true
      %select_n3A_58 = arith.constant 0 : i32
      %select_n3A_59 = arith.select %select_n3A_57, %add3A_56, %select_n3A_58 : i32
      "tpu.trace_stop"() : () -> ()
      %scan3A = arith.constant 0 : i32
      %scan3A_60 = arith.constant 0 : i32
      %scan3A_61 = arith.constant 0 : i32
      %scan3A_62 = arith.constant 0 : i32
      %scan3A_63 = arith.constant 0 : i32
      %scan3A_64 = arith.constant 8 : i32
      %scan3A_65 = arith.addi %scan3A_63, %scan3A_64 : i32
      %scan3A_66 = arith.constant 1 : i32
      %scan3A_67:5 = scf.for %scan3A_121 = %scan3A_63 to %scan3A_65 step %scan3A_66 iter_args(%scan3A_122 = %select_n3A_59, %scan3A_123 = %scan3A, %scan3A_124 = %scan3A_60, %scan3A_125 = %scan3A_61, %scan3A_126 = %scan3A_62) -> (i32, i32, i32, i32, i32)  : i32 {
        %eq3A_127 = arith.constant 0 : i32
        %eq3A_128 = arith.cmpi eq, %scan3A_121, %eq3A_127 : i32
        %eq3A_129 = arith.constant 7 : i32
        %eq3A_130 = arith.cmpi eq, %scan3A_121, %eq3A_129 : i32
        %add3A_131 = arith.addi %scan3A_126, %mul3A_6 : i32
        %sub3A_132 = arith.constant 1 : i32
        %sub3A_133 = arith.subi %scan3A_126, %sub3A_132 : i32
        %select_n3A_134 = arith.constant true
        %select_n3A_135 = arith.select %select_n3A_134, %sub3A_133, %scan3A_126 : i32
        %eq3A_136 = arith.constant -1 : i32
        %eq3A_137 = arith.cmpi eq, %select_n3A_135, %eq3A_136 : i32
        %select_n3A_138 = arith.constant 7 : i32
        %select_n3A_139 = arith.select %eq3A_137, %select_n3A_138, %select_n3A_135 : i32
        %add3A_140 = arith.addi %select_n3A_139, %mul3A_6 : i32
        %add3A_141 = arith.constant 1 : i32
        %add3A_142 = arith.addi %scan3A_126, %add3A_141 : i32
        %select_n3A_143 = arith.constant true
        %select_n3A_144 = arith.select %select_n3A_143, %add3A_142, %scan3A_126 : i32
        %eq3A_145 = arith.constant 8 : i32
        %eq3A_146 = arith.cmpi eq, %select_n3A_144, %eq3A_145 : i32
        %select_n3A_147 = arith.constant 0 : i32
        %select_n3A_148 = arith.select %eq3A_146, %select_n3A_147, %select_n3A_144 : i32
        %add3A_149 = arith.addi %select_n3A_148, %mul3A_6 : i32
        %add3A_150 = arith.constant 1 : i32
        %add3A_151 = arith.addi %select_n3A_148, %add3A_150 : i32
        %select_n3A_152 = arith.constant true
        %select_n3A_153 = arith.select %select_n3A_152, %add3A_151, %select_n3A_148 : i32
        %eq3A_154 = arith.constant 8 : i32
        %eq3A_155 = arith.cmpi eq, %select_n3A_153, %eq3A_154 : i32
        %select_n3A_156 = arith.constant 0 : i32
        %select_n3A_157 = arith.select %eq3A_155, %select_n3A_156, %select_n3A_153 : i32
        %add3A_158 = arith.addi %select_n3A_157, %mul3A_6 : i32
        %ne3A = arith.cmpi ne, %add3A_131, %add3A_149 : i32
        %or3A = arith.constant false
        %or3A_159 = arith.ori %or3A, %ne3A : i1
        %ge3A = arith.constant 7 : i32
        %ge3A_160 = arith.cmpi sge, %scan3A_121, %ge3A : i32
        %not3A = arith.constant true
        %not3A_161 = arith.xori %ge3A_160, %not3A : i1
        %and3A = arith.andi %or3A_159, %not3A_161 : i1
        %convert_element_type3A = arith.extui %and3A : i1 to i32
        %cond3A = arith.constant 0 : i32
        %cond3A_162 = arith.cmpi ne, %convert_element_type3A, %cond3A : i32
        scf.if %cond3A_162 {
          "tpu.trace_start"() <{level = 10 : i32, message = "ep_copy_in"}> : () -> ()
          %rem3A_264 = arith.constant 2 : i32
          %rem3A_265 = arith.remui %scan3A_122, %rem3A_264 : i32
          %mul3A_266 = arith.constant 128 : i32
          %mul3A_267 = arith.muli %mul3A_266, %add3A_149 : i32
          %dma_start3A_268 = arith.constant 0 : i32
          %dma_start3A_269 = arith.constant 0 : i32
          %dma_start3A_270 = tpu.memref_slice %run_scoped3A[%rem3A_265, %dma_start3A_268, %dma_start3A_269] : memref<2x1x128xi32, #tpu.memory_space<vmem>> -> memref<1x1x128xi32, #tpu.memory_space<vmem>>
          %dma_start3A_271 = tpu.memref_squeeze %dma_start3A_270 : memref<1x1x128xi32, #tpu.memory_space<vmem>> -> memref<1x128xi32, #tpu.memory_space<vmem>>
          %dma_start3A_272 = arith.constant 0 : i32
          %dma_start3A_273 = tpu.memref_slice %arg3[%dma_start3A_272, %mul3A_267] : memref<1x32768xi32, #tpu.memory_space<hbm>> -> memref<1x128xi32, #tpu.memory_space<hbm>>
          %dma_start3A_274 = tpu.memref_slice %run_scoped3A_7[%rem3A_265] : memref<2x!tpu.dma_semaphore, #tpu.memory_space<semaphore_mem>> -> memref<1x!tpu.dma_semaphore, #tpu.memory_space<semaphore_mem>>
          %dma_start3A_275 = tpu.memref_squeeze %dma_start3A_274 : memref<1x!tpu.dma_semaphore, #tpu.memory_space<semaphore_mem>> -> memref<!tpu.dma_semaphore, #tpu.memory_space<semaphore_mem>>
          %dma_start3A_276 = arith.constant 0 : i32
          %dma_start3A_277 = arith.constant 0 : i32
          %dma_start3A_278 = tpu.memref_slice %run_scoped3A[%rem3A_265, %dma_start3A_276, %dma_start3A_277] : memref<2x1x128xi32, #tpu.memory_space<vmem>> -> memref<1x1x128xi32, #tpu.memory_space<vmem>>
          %dma_start3A_279 = tpu.memref_squeeze %dma_start3A_278 : memref<1x1x128xi32, #tpu.memory_space<vmem>> -> memref<1x128xi32, #tpu.memory_space<vmem>>
          %dma_start3A_280 = arith.constant 0 : i32
          %dma_start3A_281 = tpu.memref_slice %arg3[%dma_start3A_280, %mul3A_267] : memref<1x32768xi32, #tpu.memory_space<hbm>> -> memref<1x128xi32, #tpu.memory_space<hbm>>
          tpu.enqueue_dma source(%dma_start3A_281 : memref<1x128xi32, #tpu.memory_space<hbm>>) target(%dma_start3A_279 : memref<1x128xi32, #tpu.memory_space<vmem>>) target_semaphore(%dma_start3A_275 : memref<!tpu.dma_semaphore, #tpu.memory_space<semaphore_mem>>)
          "tpu.trace_stop"() : () -> ()
        } else {
        }
        %and3A_163 = arith.constant true
        %and3A_164 = arith.andi %and3A, %and3A_163 : i1
        %add3A_165 = arith.constant 1 : i32
        %add3A_166 = arith.addi %scan3A_122, %add3A_165 : i32
        %select_n3A_167 = arith.select %and3A_164, %add3A_166, %scan3A_122 : i32
        %ne3A_168 = arith.cmpi ne, %add3A_131, %add3A_149 : i32
        %or3A_169 = arith.constant false
        %or3A_170 = arith.ori %or3A_169, %ne3A_168 : i1
        %or3A_171 = arith.constant false
        %or3A_172 = arith.ori %or3A_170, %or3A_171 : i1
        %ge3A_173 = arith.constant 7 : i32
        %ge3A_174 = arith.cmpi sge, %scan3A_121, %ge3A_173 : i32
        %not3A_175 = arith.constant true
        %not3A_176 = arith.xori %ge3A_174, %not3A_175 : i1
        %and3A_177 = arith.andi %or3A_172, %not3A_176 : i1
        %ne3A_178 = arith.cmpi ne, %add3A_131, %add3A_140 : i32
        %or3A_179 = arith.constant false
        %or3A_180 = arith.ori %or3A_179, %ne3A_178 : i1
        %or3A_181 = arith.ori %or3A_180, %eq3A_128 : i1
        %convert_element_type3A_182 = arith.extui %or3A_181 : i1 to i32
        %cond3A_183 = arith.constant 0 : i32
        %cond3A_184 = arith.cmpi ne, %convert_element_type3A_182, %cond3A_183 : i32
        scf.if %cond3A_184 {
          "tpu.trace_start"() <{level = 10 : i32, message = "ep_wait_in"}> : () -> ()
          %mul3A_264 = arith.constant 128 : i32
          %mul3A_265 = arith.muli %mul3A_264, %add3A_131 : i32
          %rem3A_266 = arith.constant 2 : i32
          %rem3A_267 = arith.remui %scan3A_123, %rem3A_266 : i32
          %dma_wait3A_268 = arith.constant 0 : i32
          %dma_wait3A_269 = arith.constant 0 : i32
          %dma_wait3A_270 = tpu.memref_slice %run_scoped3A[%rem3A_267, %dma_wait3A_268, %dma_wait3A_269] : memref<2x1x128xi32, #tpu.memory_space<vmem>> -> memref<1x1x128xi32, #tpu.memory_space<vmem>>
          %dma_wait3A_271 = tpu.memref_squeeze %dma_wait3A_270 : memref<1x1x128xi32, #tpu.memory_space<vmem>> -> memref<1x128xi32, #tpu.memory_space<vmem>>
          %dma_wait3A_272 = arith.constant 0 : i32
          %dma_wait3A_273 = tpu.memref_slice %arg3[%dma_wait3A_272, %mul3A_265] : memref<1x32768xi32, #tpu.memory_space<hbm>> -> memref<1x128xi32, #tpu.memory_space<hbm>>
          %dma_wait3A_274 = tpu.memref_slice %run_scoped3A_7[%rem3A_267] : memref<2x!tpu.dma_semaphore, #tpu.memory_space<semaphore_mem>> -> memref<1x!tpu.dma_semaphore, #tpu.memory_space<semaphore_mem>>
          %dma_wait3A_275 = tpu.memref_squeeze %dma_wait3A_274 : memref<1x!tpu.dma_semaphore, #tpu.memory_space<semaphore_mem>> -> memref<!tpu.dma_semaphore, #tpu.memory_space<semaphore_mem>>
          %dma_wait3A_276 = arith.constant 0 : i32
          %dma_wait3A_277 = arith.constant 0 : i32
          %dma_wait3A_278 = tpu.memref_slice %run_scoped3A[%rem3A_267, %dma_wait3A_276, %dma_wait3A_277] : memref<2x1x128xi32, #tpu.memory_space<vmem>> -> memref<1x1x128xi32, #tpu.memory_space<vmem>>
          %dma_wait3A_279 = tpu.memref_squeeze %dma_wait3A_278 : memref<1x1x128xi32, #tpu.memory_space<vmem>> -> memref<1x128xi32, #tpu.memory_space<vmem>>
          %dma_wait3A_280 = arith.constant 0 : i32
          %dma_wait3A_281 = tpu.memref_slice %arg3[%dma_wait3A_280, %mul3A_265] : memref<1x32768xi32, #tpu.memory_space<hbm>> -> memref<1x128xi32, #tpu.memory_space<hbm>>
          tpu.wait_dma2 semaphore(%dma_wait3A_275 : memref<!tpu.dma_semaphore, #tpu.memory_space<semaphore_mem>>) src(%dma_wait3A_281 : memref<1x128xi32, #tpu.memory_space<hbm>>) dst(%dma_wait3A_279 : memref<1x128xi32, #tpu.memory_space<vmem>>)
          "tpu.trace_stop"() : () -> ()
        } else {
        }
        %ne3A_185 = arith.cmpi ne, %add3A_131, %add3A_140 : i32
        %or3A_186 = arith.constant false
        %or3A_187 = arith.ori %or3A_186, %ne3A_185 : i1
        %or3A_188 = arith.constant false
        %or3A_189 = arith.ori %or3A_187, %or3A_188 : i1
        %or3A_190 = arith.ori %or3A_189, %eq3A_128 : i1
        %convert_element_type3A_191 = arith.extui %or3A_190 : i1 to i32
        %cond3A_192 = arith.constant 0 : i32
        %cond3A_193 = arith.cmpi ne, %convert_element_type3A_191, %cond3A_192 : i32
        scf.if %cond3A_193 {
        } else {
        }
        %rem3A_194 = arith.constant 2 : i32
        %rem3A_195 = arith.remui %scan3A_123, %rem3A_194 : i32
        %rem3A_196 = arith.constant 2 : i32
        %rem3A_197 = arith.remui %scan3A_124, %rem3A_196 : i32
        %run_scoped3A_198 = arith.constant 0 : i32
        "tpu.trace_start"() <{level = 10 : i32, message = "ep_run_kernel"}> : () -> ()
        "tpu.region"() ({
          %run_scoped3A_264 = tpu.sem_alloc : memref<!tpu.dma_semaphore, #tpu.memory_space<semaphore_mem>>
          %dma_start3A_265 = arith.constant 0 : i32
          %dma_start3A_266 = arith.constant 0 : i32
          %dma_start3A_267 = tpu.memref_slice %run_scoped3A_8[%rem3A_197, %dma_start3A_265, %dma_start3A_266] : memref<2x128x128xf32, #tpu.memory_space<vmem>> -> memref<1x128x128xf32, #tpu.memory_space<vmem>>
          %dma_start3A_268 = tpu.memref_squeeze %dma_start3A_267 : memref<1x128x128xf32, #tpu.memory_space<vmem>> -> memref<128x128xf32, #tpu.memory_space<vmem>>
          %dma_start3A_269 = arith.constant 0 : i32
          %dma_start3A_270 = arith.constant 0 : i32
          %dma_start3A_271 = tpu.memref_slice %run_scoped3A[%rem3A_195, %dma_start3A_269, %dma_start3A_270] : memref<2x1x128xi32, #tpu.memory_space<vmem>> -> memref<1x1x128xi32, #tpu.memory_space<vmem>>
          %dma_start3A_272 = tpu.memref_squeeze %dma_start3A_271 : memref<1x1x128xi32, #tpu.memory_space<vmem>> -> memref<1x128xi32, #tpu.memory_space<vmem>>
          %dma_start3A_273 = arith.constant 0 : i32
          %dma_start3A_274 = tpu.memref_slice %dma_start3A_272[%run_scoped3A_198, %dma_start3A_273] : memref<1x128xi32, #tpu.memory_space<vmem>> -> memref<1x128xi32, #tpu.memory_space<vmem>>
          %dma_start3A_275 = tpu.memref_squeeze %dma_start3A_274 : memref<1x128xi32, #tpu.memory_space<vmem>> -> memref<128xi32, #tpu.memory_space<vmem>>
          %dma_start3A_276 = arith.constant 0 : i32
          %dma_start3A_277 = arith.constant 0 : i32
          %dma_start3A_278 = tpu.memref_slice %arg2[%dma_start3A_276, %dma_start3A_277] : memref<802816x128xf32, #tpu.memory_space<hbm>> -> memref<802816x128xf32, #tpu.memory_space<hbm>>
          tpu.enqueue_indirect_dma source(%dma_start3A_278 : memref<802816x128xf32, #tpu.memory_space<hbm>>) target(%dma_start3A_268 : memref<128x128xf32, #tpu.memory_space<vmem>>) offsets(%dma_start3A_275 : memref<128xi32, #tpu.memory_space<vmem>>) semaphore(%run_scoped3A_264 : memref<!tpu.dma_semaphore, #tpu.memory_space<semaphore_mem>>)
          %dma_wait3A_279 = arith.constant 0 : i32
          %dma_wait3A_280 = arith.constant 0 : i32
          %dma_wait3A_281 = tpu.memref_slice %run_scoped3A_8[%rem3A_197, %dma_wait3A_279, %dma_wait3A_280] : memref<2x128x128xf32, #tpu.memory_space<vmem>> -> memref<1x128x128xf32, #tpu.memory_space<vmem>>
          %dma_wait3A_282 = tpu.memref_squeeze %dma_wait3A_281 : memref<1x128x128xf32, #tpu.memory_space<vmem>> -> memref<128x128xf32, #tpu.memory_space<vmem>>
          %dma_wait3A_283 = arith.constant 0 : i32
          %dma_wait3A_284 = arith.constant 0 : i32
          %dma_wait3A_285 = tpu.memref_slice %run_scoped3A[%rem3A_195, %dma_wait3A_283, %dma_wait3A_284] : memref<2x1x128xi32, #tpu.memory_space<vmem>> -> memref<1x1x128xi32, #tpu.memory_space<vmem>>
          %dma_wait3A_286 = tpu.memref_squeeze %dma_wait3A_285 : memref<1x1x128xi32, #tpu.memory_space<vmem>> -> memref<1x128xi32, #tpu.memory_space<vmem>>
          %dma_wait3A_287 = arith.constant 0 : i32
          %dma_wait3A_288 = tpu.memref_slice %dma_wait3A_286[%run_scoped3A_198, %dma_wait3A_287] : memref<1x128xi32, #tpu.memory_space<vmem>> -> memref<1x128xi32, #tpu.memory_space<vmem>>
          %dma_wait3A_289 = tpu.memref_squeeze %dma_wait3A_288 : memref<1x128xi32, #tpu.memory_space<vmem>> -> memref<128xi32, #tpu.memory_space<vmem>>
          %dma_wait3A_290 = arith.constant 0 : i32
          %dma_wait3A_291 = arith.constant 0 : i32
          %dma_wait3A_292 = tpu.memref_slice %arg2[%dma_wait3A_290, %dma_wait3A_291] : memref<802816x128xf32, #tpu.memory_space<hbm>> -> memref<802816x128xf32, #tpu.memory_space<hbm>>
          tpu.wait_indirect_dma semaphore(%run_scoped3A_264 : memref<!tpu.dma_semaphore, #tpu.memory_space<semaphore_mem>>) src(%dma_wait3A_292 : memref<802816x128xf32, #tpu.memory_space<hbm>>) dst(%dma_wait3A_282 : memref<128x128xf32, #tpu.memory_space<vmem>>)
          tpu.yield
        }) : () -> ()
        "tpu.trace_stop"() : () -> ()
        %ne3A_199 = arith.cmpi ne, %add3A_131, %add3A_149 : i32
        %or3A_200 = arith.constant false
        %or3A_201 = arith.ori %or3A_200, %ne3A_199 : i1
        %or3A_202 = arith.ori %or3A_201, %eq3A_130 : i1
        %convert_element_type3A_203 = arith.extui %or3A_202 : i1 to i32
        %cond3A_204 = arith.constant 0 : i32
        %cond3A_205 = arith.cmpi ne, %convert_element_type3A_203, %cond3A_204 : i32
        scf.if %cond3A_205 {
        } else {
        }
        %and3A_206 = arith.constant false
        %and3A_207 = arith.andi %or3A_202, %and3A_206 : i1
        %ne3A_208 = arith.cmpi ne, %add3A_131, %add3A_149 : i32
        %or3A_209 = arith.constant false
        %or3A_210 = arith.ori %or3A_209, %ne3A_208 : i1
        %or3A_211 = arith.constant false
        %or3A_212 = arith.ori %or3A_210, %or3A_211 : i1
        %or3A_213 = arith.ori %or3A_212, %eq3A_130 : i1
        %convert_element_type3A_214 = arith.extui %or3A_213 : i1 to i32
        %cond3A_215 = arith.constant 0 : i32
        %cond3A_216 = arith.cmpi ne, %convert_element_type3A_214, %cond3A_215 : i32
        scf.if %cond3A_216 {
          "tpu.trace_start"() <{level = 10 : i32, message = "ep_copy_out"}> : () -> ()
          %rem3A_264 = arith.constant 2 : i32
          %rem3A_265 = arith.remui %scan3A_124, %rem3A_264 : i32
          %mul3A_266 = arith.constant 128 : i32
          %mul3A_267 = arith.muli %mul3A_266, %add3A_131 : i32
          %dma_start3A_268 = arith.constant 0 : i32
          %dma_start3A_269 = arith.constant 0 : i32
          %dma_start3A_270 = tpu.memref_slice %run_scoped3A_8[%rem3A_265, %dma_start3A_268, %dma_start3A_269] : memref<2x128x128xf32, #tpu.memory_space<vmem>> -> memref<1x128x128xf32, #tpu.memory_space<vmem>>
          %dma_start3A_271 = tpu.memref_squeeze %dma_start3A_270 : memref<1x128x128xf32, #tpu.memory_space<vmem>> -> memref<128x128xf32, #tpu.memory_space<vmem>>
          %dma_start3A_272 = arith.constant 0 : i32
          %dma_start3A_273 = tpu.memref_slice %arg4[%mul3A_267, %dma_start3A_272] : memref<32768x128xf32, #tpu.memory_space<hbm>> -> memref<128x128xf32, #tpu.memory_space<hbm>>
          %dma_start3A_274 = tpu.memref_slice %run_scoped3A_9[%rem3A_265] : memref<2x!tpu.dma_semaphore, #tpu.memory_space<semaphore_mem>> -> memref<1x!tpu.dma_semaphore, #tpu.memory_space<semaphore_mem>>
          %dma_start3A_275 = tpu.memref_squeeze %dma_start3A_274 : memref<1x!tpu.dma_semaphore, #tpu.memory_space<semaphore_mem>> -> memref<!tpu.dma_semaphore, #tpu.memory_space<semaphore_mem>>
          %dma_start3A_276 = arith.constant 0 : i32
          %dma_start3A_277 = tpu.memref_slice %arg4[%mul3A_267, %dma_start3A_276] : memref<32768x128xf32, #tpu.memory_space<hbm>> -> memref<128x128xf32, #tpu.memory_space<hbm>>
          %dma_start3A_278 = arith.constant 0 : i32
          %dma_start3A_279 = arith.constant 0 : i32
          %dma_start3A_280 = tpu.memref_slice %run_scoped3A_8[%rem3A_265, %dma_start3A_278, %dma_start3A_279] : memref<2x128x128xf32, #tpu.memory_space<vmem>> -> memref<1x128x128xf32, #tpu.memory_space<vmem>>
          %dma_start3A_281 = tpu.memref_squeeze %dma_start3A_280 : memref<1x128x128xf32, #tpu.memory_space<vmem>> -> memref<128x128xf32, #tpu.memory_space<vmem>>
          tpu.enqueue_dma source(%dma_start3A_281 : memref<128x128xf32, #tpu.memory_space<vmem>>) target(%dma_start3A_277 : memref<128x128xf32, #tpu.memory_space<hbm>>) target_semaphore(%dma_start3A_275 : memref<!tpu.dma_semaphore, #tpu.memory_space<semaphore_mem>>)
          "tpu.trace_stop"() : () -> ()
        } else {
        }
        %and3A_217 = arith.constant true
        %and3A_218 = arith.andi %or3A_213, %and3A_217 : i1
        %add3A_219 = arith.constant 1 : i32
        %add3A_220 = arith.addi %scan3A_124, %add3A_219 : i32
        %select_n3A_221 = arith.select %and3A_218, %add3A_220, %scan3A_124 : i32
        %ne3A_222 = arith.cmpi ne, %add3A_131, %add3A_140 : i32
        %or3A_223 = arith.constant false
        %or3A_224 = arith.ori %or3A_223, %ne3A_222 : i1
        %not3A_225 = arith.constant true
        %not3A_226 = arith.xori %eq3A_128, %not3A_225 : i1
        %and3A_227 = arith.andi %or3A_224, %not3A_226 : i1
        %convert_element_type3A_228 = arith.extui %and3A_227 : i1 to i32
        %cond3A_229 = arith.constant 0 : i32
        %cond3A_230 = arith.cmpi ne, %convert_element_type3A_228, %cond3A_229 : i32
        scf.if %cond3A_230 {
        } else {
        }
        %and3A_231 = arith.constant false
        %and3A_232 = arith.andi %and3A_227, %and3A_231 : i1
        %ne3A_233 = arith.cmpi ne, %add3A_131, %add3A_140 : i32
        %or3A_234 = arith.constant false
        %or3A_235 = arith.ori %or3A_234, %ne3A_233 : i1
        %or3A_236 = arith.constant false
        %or3A_237 = arith.ori %or3A_235, %or3A_236 : i1
        %not3A_238 = arith.constant true
        %not3A_239 = arith.xori %eq3A_128, %not3A_238 : i1
        %and3A_240 = arith.andi %or3A_237, %not3A_239 : i1
        %convert_element_type3A_241 = arith.extui %and3A_240 : i1 to i32
        %cond3A_242 = arith.constant 0 : i32
        %cond3A_243 = arith.cmpi ne, %convert_element_type3A_241, %cond3A_242 : i32
        scf.if %cond3A_243 {
          "tpu.trace_start"() <{level = 10 : i32, message = "ep_wait_out"}> : () -> ()
          %rem3A_264 = arith.constant 2 : i32
          %rem3A_265 = arith.remui %scan3A_125, %rem3A_264 : i32
          %mul3A_266 = arith.constant 128 : i32
          %mul3A_267 = arith.muli %mul3A_266, %add3A_140 : i32
          %dma_wait3A_268 = arith.constant 0 : i32
          %dma_wait3A_269 = arith.constant 0 : i32
          %dma_wait3A_270 = tpu.memref_slice %run_scoped3A_8[%rem3A_265, %dma_wait3A_268, %dma_wait3A_269] : memref<2x128x128xf32, #tpu.memory_space<vmem>> -> memref<1x128x128xf32, #tpu.memory_space<vmem>>
          %dma_wait3A_271 = tpu.memref_squeeze %dma_wait3A_270 : memref<1x128x128xf32, #tpu.memory_space<vmem>> -> memref<128x128xf32, #tpu.memory_space<vmem>>
          %dma_wait3A_272 = arith.constant 0 : i32
          %dma_wait3A_273 = tpu.memref_slice %arg4[%mul3A_267, %dma_wait3A_272] : memref<32768x128xf32, #tpu.memory_space<hbm>> -> memref<128x128xf32, #tpu.memory_space<hbm>>
          %dma_wait3A_274 = tpu.memref_slice %run_scoped3A_9[%rem3A_265] : memref<2x!tpu.dma_semaphore, #tpu.memory_space<semaphore_mem>> -> memref<1x!tpu.dma_semaphore, #tpu.memory_space<semaphore_mem>>
          %dma_wait3A_275 = tpu.memref_squeeze %dma_wait3A_274 : memref<1x!tpu.dma_semaphore, #tpu.memory_space<semaphore_mem>> -> memref<!tpu.dma_semaphore, #tpu.memory_space<semaphore_mem>>
          %dma_wait3A_276 = arith.constant 0 : i32
          %dma_wait3A_277 = tpu.memref_slice %arg4[%mul3A_267, %dma_wait3A_276] : memref<32768x128xf32, #tpu.memory_space<hbm>> -> memref<128x128xf32, #tpu.memory_space<hbm>>
          %dma_wait3A_278 = arith.constant 0 : i32
          %dma_wait3A_279 = arith.constant 0 : i32
          %dma_wait3A_280 = tpu.memref_slice %run_scoped3A_8[%rem3A_265, %dma_wait3A_278, %dma_wait3A_279] : memref<2x128x128xf32, #tpu.memory_space<vmem>> -> memref<1x128x128xf32, #tpu.memory_space<vmem>>
          %dma_wait3A_281 = tpu.memref_squeeze %dma_wait3A_280 : memref<1x128x128xf32, #tpu.memory_space<vmem>> -> memref<128x128xf32, #tpu.memory_space<vmem>>
          tpu.wait_dma2 semaphore(%dma_wait3A_275 : memref<!tpu.dma_semaphore, #tpu.memory_space<semaphore_mem>>) src(%dma_wait3A_281 : memref<128x128xf32, #tpu.memory_space<vmem>>) dst(%dma_wait3A_277 : memref<128x128xf32, #tpu.memory_space<hbm>>)
          "tpu.trace_stop"() : () -> ()
        } else {
        }
        %and3A_244 = arith.constant true
        %and3A_245 = arith.andi %and3A_240, %and3A_244 : i1
        %add3A_246 = arith.constant 1 : i32
        %add3A_247 = arith.addi %scan3A_125, %add3A_246 : i32
        %select_n3A_248 = arith.select %and3A_245, %add3A_247, %scan3A_125 : i32
        %ne3A_249 = arith.cmpi ne, %add3A_131, %add3A_149 : i32
        %or3A_250 = arith.constant false
        %or3A_251 = arith.ori %or3A_250, %ne3A_249 : i1
        %or3A_252 = arith.ori %or3A_251, %eq3A_130 : i1
        %add3A_253 = arith.constant 1 : i32
        %add3A_254 = arith.addi %scan3A_123, %add3A_253 : i32
        %select_n3A_255 = arith.select %or3A_252, %add3A_254, %scan3A_123 : i32
        %add3A_256 = arith.constant 1 : i32
        %add3A_257 = arith.addi %scan3A_126, %add3A_256 : i32
        %select_n3A_258 = arith.constant true
        %select_n3A_259 = arith.select %select_n3A_258, %add3A_257, %scan3A_126 : i32
        %eq3A_260 = arith.constant 8 : i32
        %eq3A_261 = arith.cmpi eq, %select_n3A_259, %eq3A_260 : i32
        %select_n3A_262 = arith.constant 0 : i32
        %select_n3A_263 = arith.select %eq3A_261, %select_n3A_262, %select_n3A_259 : i32
        scf.yield %select_n3A_167, %select_n3A_255, %select_n3A_221, %select_n3A_248, %select_n3A_263 : i32, i32, i32, i32, i32
      }
      %scan3A_68 = arith.constant 8 : i32
      %sub3A = arith.constant 1 : i32
      %sub3A_69 = arith.subi %scan3A_67#4, %sub3A : i32
      %select_n3A_70 = arith.constant true
      %select_n3A_71 = arith.select %select_n3A_70, %sub3A_69, %scan3A_67#4 : i32
      %eq3A_72 = arith.constant -1 : i32
      %eq3A_73 = arith.cmpi eq, %select_n3A_71, %eq3A_72 : i32
      %select_n3A_74 = arith.constant 7 : i32
      %select_n3A_75 = arith.select %eq3A_73, %select_n3A_74, %select_n3A_71 : i32
      %add3A_76 = arith.addi %select_n3A_75, %mul3A_6 : i32
      %sub3A_77 = arith.constant 1 : i32
      %sub3A_78 = arith.subi %select_n3A_75, %sub3A_77 : i32
      %select_n3A_79 = arith.constant true
      %select_n3A_80 = arith.select %select_n3A_79, %sub3A_78, %select_n3A_75 : i32
      %eq3A_81 = arith.constant -1 : i32
      %eq3A_82 = arith.cmpi eq, %select_n3A_80, %eq3A_81 : i32
      %select_n3A_83 = arith.constant 7 : i32
      %select_n3A_84 = arith.select %eq3A_82, %select_n3A_83, %select_n3A_80 : i32
      %add3A_85 = arith.addi %select_n3A_84, %mul3A_6 : i32
      %add3A_86 = arith.constant 1 : i32
      %add3A_87 = arith.addi %select_n3A_75, %add3A_86 : i32
      %select_n3A_88 = arith.constant true
      %select_n3A_89 = arith.select %select_n3A_88, %add3A_87, %select_n3A_75 : i32
      %eq3A_90 = arith.constant 8 : i32
      %eq3A_91 = arith.cmpi eq, %select_n3A_89, %eq3A_90 : i32
      %select_n3A_92 = arith.constant 0 : i32
      %select_n3A_93 = arith.select %eq3A_91, %select_n3A_92, %select_n3A_89 : i32
      %add3A_94 = arith.addi %select_n3A_93, %mul3A_6 : i32
      %add3A_95 = arith.constant 1 : i32
      %add3A_96 = arith.addi %select_n3A_93, %add3A_95 : i32
      %select_n3A_97 = arith.constant true
      %select_n3A_98 = arith.select %select_n3A_97, %add3A_96, %select_n3A_93 : i32
      %eq3A_99 = arith.constant 8 : i32
      %eq3A_100 = arith.cmpi eq, %select_n3A_98, %eq3A_99 : i32
      %select_n3A_101 = arith.constant 0 : i32
      %select_n3A_102 = arith.select %eq3A_100, %select_n3A_101, %select_n3A_98 : i32
      %add3A_103 = arith.addi %select_n3A_102, %mul3A_6 : i32
      "tpu.trace_start"() <{level = 10 : i32, message = "ep_finalize"}> : () -> ()
      %rem3A_104 = arith.constant 2 : i32
      %rem3A_105 = arith.remui %scan3A_67#3, %rem3A_104 : i32
      %mul3A_106 = arith.constant 128 : i32
      %mul3A_107 = arith.muli %mul3A_106, %add3A_76 : i32
      %dma_wait3A = arith.constant 0 : i32
      %dma_wait3A_108 = arith.constant 0 : i32
      %dma_wait3A_109 = tpu.memref_slice %run_scoped3A_8[%rem3A_105, %dma_wait3A, %dma_wait3A_108] : memref<2x128x128xf32, #tpu.memory_space<vmem>> -> memref<1x128x128xf32, #tpu.memory_space<vmem>>
      %dma_wait3A_110 = tpu.memref_squeeze %dma_wait3A_109 : memref<1x128x128xf32, #tpu.memory_space<vmem>> -> memref<128x128xf32, #tpu.memory_space<vmem>>
      %dma_wait3A_111 = arith.constant 0 : i32
      %dma_wait3A_112 = tpu.memref_slice %arg4[%mul3A_107, %dma_wait3A_111] : memref<32768x128xf32, #tpu.memory_space<hbm>> -> memref<128x128xf32, #tpu.memory_space<hbm>>
      %dma_wait3A_113 = tpu.memref_slice %run_scoped3A_9[%rem3A_105] : memref<2x!tpu.dma_semaphore, #tpu.memory_space<semaphore_mem>> -> memref<1x!tpu.dma_semaphore, #tpu.memory_space<semaphore_mem>>
      %dma_wait3A_114 = tpu.memref_squeeze %dma_wait3A_113 : memref<1x!tpu.dma_semaphore, #tpu.memory_space<semaphore_mem>> -> memref<!tpu.dma_semaphore, #tpu.memory_space<semaphore_mem>>
      %dma_wait3A_115 = arith.constant 0 : i32
      %dma_wait3A_116 = tpu.memref_slice %arg4[%mul3A_107, %dma_wait3A_115] : memref<32768x128xf32, #tpu.memory_space<hbm>> -> memref<128x128xf32, #tpu.memory_space<hbm>>
      %dma_wait3A_117 = arith.constant 0 : i32
      %dma_wait3A_118 = arith.constant 0 : i32
      %dma_wait3A_119 = tpu.memref_slice %run_scoped3A_8[%rem3A_105, %dma_wait3A_117, %dma_wait3A_118] : memref<2x128x128xf32, #tpu.memory_space<vmem>> -> memref<1x128x128xf32, #tpu.memory_space<vmem>>
      %dma_wait3A_120 = tpu.memref_squeeze %dma_wait3A_119 : memref<1x128x128xf32, #tpu.memory_space<vmem>> -> memref<128x128xf32, #tpu.memory_space<vmem>>
      tpu.wait_dma2 semaphore(%dma_wait3A_114 : memref<!tpu.dma_semaphore, #tpu.memory_space<semaphore_mem>>) src(%dma_wait3A_120 : memref<128x128xf32, #tpu.memory_space<vmem>>) dst(%dma_wait3A_116 : memref<128x128xf32, #tpu.memory_space<hbm>>)
      "tpu.trace_stop"() : () -> ()
      tpu.yield
    }) : () -> ()
    return
  }
}

#map = affine_map<(d0, d1) -> (0, 0)>
module attributes {stable_mosaic.version = 14 : i64} {
  func.func @gather_kernel(%arg0: i32, %arg1: i32, %arg2: memref<100000x128xf32, #tpu.memory_space<hbm>>, %arg3: memref<100000x128xf32, #tpu.memory_space<hbm>>, %arg4: memref<1x32768xi32, #tpu.memory_space<hbm>>, %arg5: memref<32768x128xf32, #tpu.memory_space<hbm>>, %arg6: memref<32768x128xf32, #tpu.memory_space<hbm>>) attributes {dimension_semantics = [#tpu.dimension_semantics<core_parallel>, #tpu.dimension_semantics<subcore_parallel>], iteration_bounds = array<i64: 2, 16>, scalar_prefetch = 0 : i64, scratch_operands = 0 : i64, tpu.core_type = #tpu.core_type<sc_vector_subcore>, window_params = [{transform_indices = #map}, {transform_indices = #map}, {transform_indices = #map}, {transform_indices = #map}, {transform_indices = #map}]} {
    %mul3A = arith.constant 1 : i32
    %mul3A_0 = arith.muli %arg1, %mul3A : i32
    %add3A = arith.constant 0 : i32
    %add3A_1 = arith.addi %add3A, %mul3A_0 : i32
    %mul3A_2 = arith.constant 16 : i32
    %mul3A_3 = arith.muli %arg0, %mul3A_2 : i32
    %add3A_4 = arith.addi %add3A_1, %mul3A_3 : i32
    %mul3A_5 = arith.constant 8 : i32
    %mul3A_6 = arith.muli %add3A_4, %mul3A_5 : i32
    "tpu.region"() ({
      %run_scoped3A = memref.alloca() : memref<2x1x128xi32, #tpu.memory_space<vmem>>
      %run_scoped3A_7 = tpu.sem_alloc : memref<2x!tpu.dma_semaphore, #tpu.memory_space<semaphore_mem>>
      %run_scoped3A_8 = memref.alloca() : memref<2x128x128xf32, #tpu.memory_space<vmem>>
      %run_scoped3A_9 = tpu.sem_alloc : memref<2x!tpu.dma_semaphore, #tpu.memory_space<semaphore_mem>>
      %run_scoped3A_10 = memref.alloca() : memref<2x128x128xf32, #tpu.memory_space<vmem>>
      %run_scoped3A_11 = tpu.sem_alloc : memref<2x!tpu.dma_semaphore, #tpu.memory_space<semaphore_mem>>
      %add3A_12 = arith.constant 0 : i32
      %add3A_13 = arith.addi %add3A_12, %mul3A_6 : i32
      %select_n3A = arith.constant true
      %select_n3A_14 = arith.constant 0 : i32
      %select_n3A_15 = arith.constant -1 : i32
      %select_n3A_16 = arith.select %select_n3A, %select_n3A_15, %select_n3A_14 : i32
      %eq3A = arith.constant -1 : i32
      %eq3A_17 = arith.cmpi eq, %select_n3A_16, %eq3A : i32
      %select_n3A_18 = arith.constant 7 : i32
      %select_n3A_19 = arith.select %eq3A_17, %select_n3A_18, %select_n3A_16 : i32
      %add3A_20 = arith.addi %select_n3A_19, %mul3A_6 : i32
      %select_n3A_21 = arith.constant true
      %select_n3A_22 = arith.constant 0 : i32
      %select_n3A_23 = arith.constant 1 : i32
      %select_n3A_24 = arith.select %select_n3A_21, %select_n3A_23, %select_n3A_22 : i32
      %eq3A_25 = arith.constant 8 : i32
      %eq3A_26 = arith.cmpi eq, %select_n3A_24, %eq3A_25 : i32
      %select_n3A_27 = arith.constant 0 : i32
      %select_n3A_28 = arith.select %eq3A_26, %select_n3A_27, %select_n3A_24 : i32
      %add3A_29 = arith.addi %select_n3A_28, %mul3A_6 : i32
      %add3A_30 = arith.constant 1 : i32
      %add3A_31 = arith.addi %select_n3A_28, %add3A_30 : i32
      %select_n3A_32 = arith.constant true
      %select_n3A_33 = arith.select %select_n3A_32, %add3A_31, %select_n3A_28 : i32
      %eq3A_34 = arith.constant 8 : i32
      %eq3A_35 = arith.cmpi eq, %select_n3A_33, %eq3A_34 : i32
      %select_n3A_36 = arith.constant 0 : i32
      %select_n3A_37 = arith.select %eq3A_35, %select_n3A_36, %select_n3A_33 : i32
      %add3A_38 = arith.addi %select_n3A_37, %mul3A_6 : i32
      "tpu.trace_start"() <{level = 10 : i32, message = "ep_initialize_0"}> : () -> ()
      %rem3A = arith.constant 0 : i32
      %rem3A_39 = arith.constant 2 : i32
      %rem3A_40 = arith.remui %rem3A, %rem3A_39 : i32
      %mul3A_41 = arith.constant 128 : i32
      %mul3A_42 = arith.muli %mul3A_41, %add3A_13 : i32
      %dma_start3A = arith.constant 0 : i32
      %dma_start3A_43 = arith.constant 0 : i32
      %dma_start3A_44 = tpu.memref_slice %run_scoped3A[%rem3A_40, %dma_start3A, %dma_start3A_43] : memref<2x1x128xi32, #tpu.memory_space<vmem>> -> memref<1x1x128xi32, #tpu.memory_space<vmem>>
      %dma_start3A_45 = tpu.memref_squeeze %dma_start3A_44 : memref<1x1x128xi32, #tpu.memory_space<vmem>> -> memref<1x128xi32, #tpu.memory_space<vmem>>
      %dma_start3A_46 = arith.constant 0 : i32
      %dma_start3A_47 = tpu.memref_slice %arg4[%dma_start3A_46, %mul3A_42] : memref<1x32768xi32, #tpu.memory_space<hbm>> -> memref<1x128xi32, #tpu.memory_space<hbm>>
      %dma_start3A_48 = tpu.memref_slice %run_scoped3A_7[%rem3A_40] : memref<2x!tpu.dma_semaphore, #tpu.memory_space<semaphore_mem>> -> memref<1x!tpu.dma_semaphore, #tpu.memory_space<semaphore_mem>>
      %dma_start3A_49 = tpu.memref_squeeze %dma_start3A_48 : memref<1x!tpu.dma_semaphore, #tpu.memory_space<semaphore_mem>> -> memref<!tpu.dma_semaphore, #tpu.memory_space<semaphore_mem>>
      %dma_start3A_50 = arith.constant 0 : i32
      %dma_start3A_51 = arith.constant 0 : i32
      %dma_start3A_52 = tpu.memref_slice %run_scoped3A[%rem3A_40, %dma_start3A_50, %dma_start3A_51] : memref<2x1x128xi32, #tpu.memory_space<vmem>> -> memref<1x1x128xi32, #tpu.memory_space<vmem>>
      %dma_start3A_53 = tpu.memref_squeeze %dma_start3A_52 : memref<1x1x128xi32, #tpu.memory_space<vmem>> -> memref<1x128xi32, #tpu.memory_space<vmem>>
      %dma_start3A_54 = arith.constant 0 : i32
      %dma_start3A_55 = tpu.memref_slice %arg4[%dma_start3A_54, %mul3A_42] : memref<1x32768xi32, #tpu.memory_space<hbm>> -> memref<1x128xi32, #tpu.memory_space<hbm>>
      tpu.enqueue_dma source(%dma_start3A_55 : memref<1x128xi32, #tpu.memory_space<hbm>>) target(%dma_start3A_53 : memref<1x128xi32, #tpu.memory_space<vmem>>) target_semaphore(%dma_start3A_49 : memref<!tpu.dma_semaphore, #tpu.memory_space<semaphore_mem>>)
      %add3A_56 = arith.constant 0 : i32
      %add3A_57 = arith.constant 1 : i32
      %add3A_58 = arith.addi %add3A_56, %add3A_57 : i32
      %select_n3A_59 = arith.constant true
      %select_n3A_60 = arith.constant 0 : i32
      %select_n3A_61 = arith.select %select_n3A_59, %add3A_58, %select_n3A_60 : i32
      "tpu.trace_stop"() : () -> ()
      %scan3A = arith.constant 0 : i32
      %scan3A_62 = arith.constant 0 : i32
      %scan3A_63 = arith.constant 0 : i32
      %scan3A_64 = arith.constant 0 : i32
      %scan3A_65 = arith.constant 0 : i32
      %scan3A_66 = arith.constant 0 : i32
      %scan3A_67 = arith.constant 0 : i32
      %scan3A_68 = arith.constant 8 : i32
      %scan3A_69 = arith.addi %scan3A_67, %scan3A_68 : i32
      %scan3A_70 = arith.constant 1 : i32
      %scan3A_71:7 = scf.for %scan3A_143 = %scan3A_67 to %scan3A_69 step %scan3A_70 iter_args(%scan3A_144 = %select_n3A_61, %scan3A_145 = %scan3A, %scan3A_146 = %scan3A_62, %scan3A_147 = %scan3A_63, %scan3A_148 = %scan3A_64, %scan3A_149 = %scan3A_65, %scan3A_150 = %scan3A_66) -> (i32, i32, i32, i32, i32, i32, i32)  : i32 {
        %eq3A_151 = arith.constant 0 : i32
        %eq3A_152 = arith.cmpi eq, %scan3A_143, %eq3A_151 : i32
        %eq3A_153 = arith.constant 7 : i32
        %eq3A_154 = arith.cmpi eq, %scan3A_143, %eq3A_153 : i32
        %add3A_155 = arith.addi %scan3A_150, %mul3A_6 : i32
        %sub3A_156 = arith.constant 1 : i32
        %sub3A_157 = arith.subi %scan3A_150, %sub3A_156 : i32
        %select_n3A_158 = arith.constant true
        %select_n3A_159 = arith.select %select_n3A_158, %sub3A_157, %scan3A_150 : i32
        %eq3A_160 = arith.constant -1 : i32
        %eq3A_161 = arith.cmpi eq, %select_n3A_159, %eq3A_160 : i32
        %select_n3A_162 = arith.constant 7 : i32
        %select_n3A_163 = arith.select %eq3A_161, %select_n3A_162, %select_n3A_159 : i32
        %add3A_164 = arith.addi %select_n3A_163, %mul3A_6 : i32
        %add3A_165 = arith.constant 1 : i32
        %add3A_166 = arith.addi %scan3A_150, %add3A_165 : i32
        %select_n3A_167 = arith.constant true
        %select_n3A_168 = arith.select %select_n3A_167, %add3A_166, %scan3A_150 : i32
        %eq3A_169 = arith.constant 8 : i32
        %eq3A_170 = arith.cmpi eq, %select_n3A_168, %eq3A_169 : i32
        %select_n3A_171 = arith.constant 0 : i32
        %select_n3A_172 = arith.select %eq3A_170, %select_n3A_171, %select_n3A_168 : i32
        %add3A_173 = arith.addi %select_n3A_172, %mul3A_6 : i32
        %add3A_174 = arith.constant 1 : i32
        %add3A_175 = arith.addi %select_n3A_172, %add3A_174 : i32
        %select_n3A_176 = arith.constant true
        %select_n3A_177 = arith.select %select_n3A_176, %add3A_175, %select_n3A_172 : i32
        %eq3A_178 = arith.constant 8 : i32
        %eq3A_179 = arith.cmpi eq, %select_n3A_177, %eq3A_178 : i32
        %select_n3A_180 = arith.constant 0 : i32
        %select_n3A_181 = arith.select %eq3A_179, %select_n3A_180, %select_n3A_177 : i32
        %add3A_182 = arith.addi %select_n3A_181, %mul3A_6 : i32
        %ne3A = arith.cmpi ne, %add3A_155, %add3A_173 : i32
        %or3A = arith.constant false
        %or3A_183 = arith.ori %or3A, %ne3A : i1
        %ge3A = arith.constant 7 : i32
        %ge3A_184 = arith.cmpi sge, %scan3A_143, %ge3A : i32
        %not3A = arith.constant true
        %not3A_185 = arith.xori %ge3A_184, %not3A : i1
        %and3A = arith.andi %or3A_183, %not3A_185 : i1
        %convert_element_type3A = arith.extui %and3A : i1 to i32
        %cond3A = arith.constant 0 : i32
        %cond3A_186 = arith.cmpi ne, %convert_element_type3A, %cond3A : i32
        scf.if %cond3A_186 {
          "tpu.trace_start"() <{level = 10 : i32, message = "ep_copy_in"}> : () -> ()
          %rem3A_340 = arith.constant 2 : i32
          %rem3A_341 = arith.remui %scan3A_144, %rem3A_340 : i32
          %mul3A_342 = arith.constant 128 : i32
          %mul3A_343 = arith.muli %mul3A_342, %add3A_173 : i32
          %dma_start3A_344 = arith.constant 0 : i32
          %dma_start3A_345 = arith.constant 0 : i32
          %dma_start3A_346 = tpu.memref_slice %run_scoped3A[%rem3A_341, %dma_start3A_344, %dma_start3A_345] : memref<2x1x128xi32, #tpu.memory_space<vmem>> -> memref<1x1x128xi32, #tpu.memory_space<vmem>>
          %dma_start3A_347 = tpu.memref_squeeze %dma_start3A_346 : memref<1x1x128xi32, #tpu.memory_space<vmem>> -> memref<1x128xi32, #tpu.memory_space<vmem>>
          %dma_start3A_348 = arith.constant 0 : i32
          %dma_start3A_349 = tpu.memref_slice %arg4[%dma_start3A_348, %mul3A_343] : memref<1x32768xi32, #tpu.memory_space<hbm>> -> memref<1x128xi32, #tpu.memory_space<hbm>>
          %dma_start3A_350 = tpu.memref_slice %run_scoped3A_7[%rem3A_341] : memref<2x!tpu.dma_semaphore, #tpu.memory_space<semaphore_mem>> -> memref<1x!tpu.dma_semaphore, #tpu.memory_space<semaphore_mem>>
          %dma_start3A_351 = tpu.memref_squeeze %dma_start3A_350 : memref<1x!tpu.dma_semaphore, #tpu.memory_space<semaphore_mem>> -> memref<!tpu.dma_semaphore, #tpu.memory_space<semaphore_mem>>
          %dma_start3A_352 = arith.constant 0 : i32
          %dma_start3A_353 = arith.constant 0 : i32
          %dma_start3A_354 = tpu.memref_slice %run_scoped3A[%rem3A_341, %dma_start3A_352, %dma_start3A_353] : memref<2x1x128xi32, #tpu.memory_space<vmem>> -> memref<1x1x128xi32, #tpu.memory_space<vmem>>
          %dma_start3A_355 = tpu.memref_squeeze %dma_start3A_354 : memref<1x1x128xi32, #tpu.memory_space<vmem>> -> memref<1x128xi32, #tpu.memory_space<vmem>>
          %dma_start3A_356 = arith.constant 0 : i32
          %dma_start3A_357 = tpu.memref_slice %arg4[%dma_start3A_356, %mul3A_343] : memref<1x32768xi32, #tpu.memory_space<hbm>> -> memref<1x128xi32, #tpu.memory_space<hbm>>
          tpu.enqueue_dma source(%dma_start3A_357 : memref<1x128xi32, #tpu.memory_space<hbm>>) target(%dma_start3A_355 : memref<1x128xi32, #tpu.memory_space<vmem>>) target_semaphore(%dma_start3A_351 : memref<!tpu.dma_semaphore, #tpu.memory_space<semaphore_mem>>)
          "tpu.trace_stop"() : () -> ()
        } else {
        }
        %and3A_187 = arith.constant true
        %and3A_188 = arith.andi %and3A, %and3A_187 : i1
        %add3A_189 = arith.constant 1 : i32
        %add3A_190 = arith.addi %scan3A_144, %add3A_189 : i32
        %select_n3A_191 = arith.select %and3A_188, %add3A_190, %scan3A_144 : i32
        %ne3A_192 = arith.cmpi ne, %add3A_155, %add3A_173 : i32
        %or3A_193 = arith.constant false
        %or3A_194 = arith.ori %or3A_193, %ne3A_192 : i1
        %or3A_195 = arith.constant false
        %or3A_196 = arith.ori %or3A_194, %or3A_195 : i1
        %ge3A_197 = arith.constant 7 : i32
        %ge3A_198 = arith.cmpi sge, %scan3A_143, %ge3A_197 : i32
        %not3A_199 = arith.constant true
        %not3A_200 = arith.xori %ge3A_198, %not3A_199 : i1
        %and3A_201 = arith.andi %or3A_196, %not3A_200 : i1
        %ne3A_202 = arith.cmpi ne, %add3A_155, %add3A_173 : i32
        %or3A_203 = arith.constant false
        %or3A_204 = arith.ori %or3A_203, %ne3A_202 : i1
        %or3A_205 = arith.constant false
        %or3A_206 = arith.ori %or3A_204, %or3A_205 : i1
        %ge3A_207 = arith.constant 7 : i32
        %ge3A_208 = arith.cmpi sge, %scan3A_143, %ge3A_207 : i32
        %not3A_209 = arith.constant true
        %not3A_210 = arith.xori %ge3A_208, %not3A_209 : i1
        %and3A_211 = arith.andi %or3A_206, %not3A_210 : i1
        %ne3A_212 = arith.cmpi ne, %add3A_155, %add3A_164 : i32
        %or3A_213 = arith.constant false
        %or3A_214 = arith.ori %or3A_213, %ne3A_212 : i1
        %or3A_215 = arith.ori %or3A_214, %eq3A_152 : i1
        %convert_element_type3A_216 = arith.extui %or3A_215 : i1 to i32
        %cond3A_217 = arith.constant 0 : i32
        %cond3A_218 = arith.cmpi ne, %convert_element_type3A_216, %cond3A_217 : i32
        scf.if %cond3A_218 {
          "tpu.trace_start"() <{level = 10 : i32, message = "ep_wait_in"}> : () -> ()
          %mul3A_340 = arith.constant 128 : i32
          %mul3A_341 = arith.muli %mul3A_340, %add3A_155 : i32
          %rem3A_342 = arith.constant 2 : i32
          %rem3A_343 = arith.remui %scan3A_145, %rem3A_342 : i32
          %dma_wait3A_344 = arith.constant 0 : i32
          %dma_wait3A_345 = arith.constant 0 : i32
          %dma_wait3A_346 = tpu.memref_slice %run_scoped3A[%rem3A_343, %dma_wait3A_344, %dma_wait3A_345] : memref<2x1x128xi32, #tpu.memory_space<vmem>> -> memref<1x1x128xi32, #tpu.memory_space<vmem>>
          %dma_wait3A_347 = tpu.memref_squeeze %dma_wait3A_346 : memref<1x1x128xi32, #tpu.memory_space<vmem>> -> memref<1x128xi32, #tpu.memory_space<vmem>>
          %dma_wait3A_348 = arith.constant 0 : i32
          %dma_wait3A_349 = tpu.memref_slice %arg4[%dma_wait3A_348, %mul3A_341] : memref<1x32768xi32, #tpu.memory_space<hbm>> -> memref<1x128xi32, #tpu.memory_space<hbm>>
          %dma_wait3A_350 = tpu.memref_slice %run_scoped3A_7[%rem3A_343] : memref<2x!tpu.dma_semaphore, #tpu.memory_space<semaphore_mem>> -> memref<1x!tpu.dma_semaphore, #tpu.memory_space<semaphore_mem>>
          %dma_wait3A_351 = tpu.memref_squeeze %dma_wait3A_350 : memref<1x!tpu.dma_semaphore, #tpu.memory_space<semaphore_mem>> -> memref<!tpu.dma_semaphore, #tpu.memory_space<semaphore_mem>>
          %dma_wait3A_352 = arith.constant 0 : i32
          %dma_wait3A_353 = arith.constant 0 : i32
          %dma_wait3A_354 = tpu.memref_slice %run_scoped3A[%rem3A_343, %dma_wait3A_352, %dma_wait3A_353] : memref<2x1x128xi32, #tpu.memory_space<vmem>> -> memref<1x1x128xi32, #tpu.memory_space<vmem>>
          %dma_wait3A_355 = tpu.memref_squeeze %dma_wait3A_354 : memref<1x1x128xi32, #tpu.memory_space<vmem>> -> memref<1x128xi32, #tpu.memory_space<vmem>>
          %dma_wait3A_356 = arith.constant 0 : i32
          %dma_wait3A_357 = tpu.memref_slice %arg4[%dma_wait3A_356, %mul3A_341] : memref<1x32768xi32, #tpu.memory_space<hbm>> -> memref<1x128xi32, #tpu.memory_space<hbm>>
          tpu.wait_dma2 semaphore(%dma_wait3A_351 : memref<!tpu.dma_semaphore, #tpu.memory_space<semaphore_mem>>) src(%dma_wait3A_357 : memref<1x128xi32, #tpu.memory_space<hbm>>) dst(%dma_wait3A_355 : memref<1x128xi32, #tpu.memory_space<vmem>>)
          "tpu.trace_stop"() : () -> ()
        } else {
        }
        %ne3A_219 = arith.cmpi ne, %add3A_155, %add3A_164 : i32
        %or3A_220 = arith.constant false
        %or3A_221 = arith.ori %or3A_220, %ne3A_219 : i1
        %or3A_222 = arith.constant false
        %or3A_223 = arith.ori %or3A_221, %or3A_222 : i1
        %or3A_224 = arith.ori %or3A_223, %eq3A_152 : i1
        %convert_element_type3A_225 = arith.extui %or3A_224 : i1 to i32
        %cond3A_226 = arith.constant 0 : i32
        %cond3A_227 = arith.cmpi ne, %convert_element_type3A_225, %cond3A_226 : i32
        scf.if %cond3A_227 {
        } else {
        }
        %ne3A_228 = arith.cmpi ne, %add3A_155, %add3A_164 : i32
        %or3A_229 = arith.constant false
        %or3A_230 = arith.ori %or3A_229, %ne3A_228 : i1
        %or3A_231 = arith.constant false
        %or3A_232 = arith.ori %or3A_230, %or3A_231 : i1
        %or3A_233 = arith.ori %or3A_232, %eq3A_152 : i1
        %convert_element_type3A_234 = arith.extui %or3A_233 : i1 to i32
        %cond3A_235 = arith.constant 0 : i32
        %cond3A_236 = arith.cmpi ne, %convert_element_type3A_234, %cond3A_235 : i32
        scf.if %cond3A_236 {
        } else {
        }
        %rem3A_237 = arith.constant 2 : i32
        %rem3A_238 = arith.remui %scan3A_145, %rem3A_237 : i32
        %rem3A_239 = arith.constant 2 : i32
        %rem3A_240 = arith.remui %scan3A_146, %rem3A_239 : i32
        %rem3A_241 = arith.constant 2 : i32
        %rem3A_242 = arith.remui %scan3A_148, %rem3A_241 : i32
        %run_scoped3A_243 = arith.constant 0 : i32
        "tpu.trace_start"() <{level = 10 : i32, message = "ep_run_kernel"}> : () -> ()
        "tpu.region"() ({
          %run_scoped3A_340 = tpu.sem_alloc : memref<!tpu.dma_semaphore, #tpu.memory_space<semaphore_mem>>
          %dma_start3A_341 = arith.constant 0 : i32
          %dma_start3A_342 = arith.constant 0 : i32
          %dma_start3A_343 = tpu.memref_slice %run_scoped3A_8[%rem3A_240, %dma_start3A_341, %dma_start3A_342] : memref<2x128x128xf32, #tpu.memory_space<vmem>> -> memref<1x128x128xf32, #tpu.memory_space<vmem>>
          %dma_start3A_344 = tpu.memref_squeeze %dma_start3A_343 : memref<1x128x128xf32, #tpu.memory_space<vmem>> -> memref<128x128xf32, #tpu.memory_space<vmem>>
          %dma_start3A_345 = arith.constant 0 : i32
          %dma_start3A_346 = arith.constant 0 : i32
          %dma_start3A_347 = tpu.memref_slice %run_scoped3A[%rem3A_238, %dma_start3A_345, %dma_start3A_346] : memref<2x1x128xi32, #tpu.memory_space<vmem>> -> memref<1x1x128xi32, #tpu.memory_space<vmem>>
          %dma_start3A_348 = tpu.memref_squeeze %dma_start3A_347 : memref<1x1x128xi32, #tpu.memory_space<vmem>> -> memref<1x128xi32, #tpu.memory_space<vmem>>
          %dma_start3A_349 = arith.constant 0 : i32
          %dma_start3A_350 = tpu.memref_slice %dma_start3A_348[%run_scoped3A_243, %dma_start3A_349] : memref<1x128xi32, #tpu.memory_space<vmem>> -> memref<1x128xi32, #tpu.memory_space<vmem>>
          %dma_start3A_351 = tpu.memref_squeeze %dma_start3A_350 : memref<1x128xi32, #tpu.memory_space<vmem>> -> memref<128xi32, #tpu.memory_space<vmem>>
          %dma_start3A_352 = arith.constant 0 : i32
          %dma_start3A_353 = arith.constant 0 : i32
          %dma_start3A_354 = tpu.memref_slice %arg2[%dma_start3A_352, %dma_start3A_353] : memref<100000x128xf32, #tpu.memory_space<hbm>> -> memref<100000x128xf32, #tpu.memory_space<hbm>>
          tpu.enqueue_indirect_dma source(%dma_start3A_354 : memref<100000x128xf32, #tpu.memory_space<hbm>>) target(%dma_start3A_344 : memref<128x128xf32, #tpu.memory_space<vmem>>) offsets(%dma_start3A_351 : memref<128xi32, #tpu.memory_space<vmem>>) semaphore(%run_scoped3A_340 : memref<!tpu.dma_semaphore, #tpu.memory_space<semaphore_mem>>)
          %dma_wait3A_355 = arith.constant 0 : i32
          %dma_wait3A_356 = arith.constant 0 : i32
          %dma_wait3A_357 = tpu.memref_slice %run_scoped3A_8[%rem3A_240, %dma_wait3A_355, %dma_wait3A_356] : memref<2x128x128xf32, #tpu.memory_space<vmem>> -> memref<1x128x128xf32, #tpu.memory_space<vmem>>
          %dma_wait3A_358 = tpu.memref_squeeze %dma_wait3A_357 : memref<1x128x128xf32, #tpu.memory_space<vmem>> -> memref<128x128xf32, #tpu.memory_space<vmem>>
          %dma_wait3A_359 = arith.constant 0 : i32
          %dma_wait3A_360 = arith.constant 0 : i32
          %dma_wait3A_361 = tpu.memref_slice %run_scoped3A[%rem3A_238, %dma_wait3A_359, %dma_wait3A_360] : memref<2x1x128xi32, #tpu.memory_space<vmem>> -> memref<1x1x128xi32, #tpu.memory_space<vmem>>
          %dma_wait3A_362 = tpu.memref_squeeze %dma_wait3A_361 : memref<1x1x128xi32, #tpu.memory_space<vmem>> -> memref<1x128xi32, #tpu.memory_space<vmem>>
          %dma_wait3A_363 = arith.constant 0 : i32
          %dma_wait3A_364 = tpu.memref_slice %dma_wait3A_362[%run_scoped3A_243, %dma_wait3A_363] : memref<1x128xi32, #tpu.memory_space<vmem>> -> memref<1x128xi32, #tpu.memory_space<vmem>>
          %dma_wait3A_365 = tpu.memref_squeeze %dma_wait3A_364 : memref<1x128xi32, #tpu.memory_space<vmem>> -> memref<128xi32, #tpu.memory_space<vmem>>
          %dma_wait3A_366 = arith.constant 0 : i32
          %dma_wait3A_367 = arith.constant 0 : i32
          %dma_wait3A_368 = tpu.memref_slice %arg2[%dma_wait3A_366, %dma_wait3A_367] : memref<100000x128xf32, #tpu.memory_space<hbm>> -> memref<100000x128xf32, #tpu.memory_space<hbm>>
          tpu.wait_indirect_dma semaphore(%run_scoped3A_340 : memref<!tpu.dma_semaphore, #tpu.memory_space<semaphore_mem>>) src(%dma_wait3A_368 : memref<100000x128xf32, #tpu.memory_space<hbm>>) dst(%dma_wait3A_358 : memref<128x128xf32, #tpu.memory_space<vmem>>)
          tpu.yield
        }) : () -> ()
        %run_scoped3A_244 = arith.constant 0 : i32
        "tpu.region"() ({
          %run_scoped3A_340 = tpu.sem_alloc : memref<!tpu.dma_semaphore, #tpu.memory_space<semaphore_mem>>
          %dma_start3A_341 = arith.constant 0 : i32
          %dma_start3A_342 = arith.constant 0 : i32
          %dma_start3A_343 = tpu.memref_slice %run_scoped3A_10[%rem3A_242, %dma_start3A_341, %dma_start3A_342] : memref<2x128x128xf32, #tpu.memory_space<vmem>> -> memref<1x128x128xf32, #tpu.memory_space<vmem>>
          %dma_start3A_344 = tpu.memref_squeeze %dma_start3A_343 : memref<1x128x128xf32, #tpu.memory_space<vmem>> -> memref<128x128xf32, #tpu.memory_space<vmem>>
          %dma_start3A_345 = arith.constant 0 : i32
          %dma_start3A_346 = arith.constant 0 : i32
          %dma_start3A_347 = tpu.memref_slice %run_scoped3A[%rem3A_238, %dma_start3A_345, %dma_start3A_346] : memref<2x1x128xi32, #tpu.memory_space<vmem>> -> memref<1x1x128xi32, #tpu.memory_space<vmem>>
          %dma_start3A_348 = tpu.memref_squeeze %dma_start3A_347 : memref<1x1x128xi32, #tpu.memory_space<vmem>> -> memref<1x128xi32, #tpu.memory_space<vmem>>
          %dma_start3A_349 = arith.constant 0 : i32
          %dma_start3A_350 = tpu.memref_slice %dma_start3A_348[%run_scoped3A_244, %dma_start3A_349] : memref<1x128xi32, #tpu.memory_space<vmem>> -> memref<1x128xi32, #tpu.memory_space<vmem>>
          %dma_start3A_351 = tpu.memref_squeeze %dma_start3A_350 : memref<1x128xi32, #tpu.memory_space<vmem>> -> memref<128xi32, #tpu.memory_space<vmem>>
          %dma_start3A_352 = arith.constant 0 : i32
          %dma_start3A_353 = arith.constant 0 : i32
          %dma_start3A_354 = tpu.memref_slice %arg3[%dma_start3A_352, %dma_start3A_353] : memref<100000x128xf32, #tpu.memory_space<hbm>> -> memref<100000x128xf32, #tpu.memory_space<hbm>>
          tpu.enqueue_indirect_dma source(%dma_start3A_354 : memref<100000x128xf32, #tpu.memory_space<hbm>>) target(%dma_start3A_344 : memref<128x128xf32, #tpu.memory_space<vmem>>) offsets(%dma_start3A_351 : memref<128xi32, #tpu.memory_space<vmem>>) semaphore(%run_scoped3A_340 : memref<!tpu.dma_semaphore, #tpu.memory_space<semaphore_mem>>)
          %dma_wait3A_355 = arith.constant 0 : i32
          %dma_wait3A_356 = arith.constant 0 : i32
          %dma_wait3A_357 = tpu.memref_slice %run_scoped3A_10[%rem3A_242, %dma_wait3A_355, %dma_wait3A_356] : memref<2x128x128xf32, #tpu.memory_space<vmem>> -> memref<1x128x128xf32, #tpu.memory_space<vmem>>
          %dma_wait3A_358 = tpu.memref_squeeze %dma_wait3A_357 : memref<1x128x128xf32, #tpu.memory_space<vmem>> -> memref<128x128xf32, #tpu.memory_space<vmem>>
          %dma_wait3A_359 = arith.constant 0 : i32
          %dma_wait3A_360 = arith.constant 0 : i32
          %dma_wait3A_361 = tpu.memref_slice %run_scoped3A[%rem3A_238, %dma_wait3A_359, %dma_wait3A_360] : memref<2x1x128xi32, #tpu.memory_space<vmem>> -> memref<1x1x128xi32, #tpu.memory_space<vmem>>
          %dma_wait3A_362 = tpu.memref_squeeze %dma_wait3A_361 : memref<1x1x128xi32, #tpu.memory_space<vmem>> -> memref<1x128xi32, #tpu.memory_space<vmem>>
          %dma_wait3A_363 = arith.constant 0 : i32
          %dma_wait3A_364 = tpu.memref_slice %dma_wait3A_362[%run_scoped3A_244, %dma_wait3A_363] : memref<1x128xi32, #tpu.memory_space<vmem>> -> memref<1x128xi32, #tpu.memory_space<vmem>>
          %dma_wait3A_365 = tpu.memref_squeeze %dma_wait3A_364 : memref<1x128xi32, #tpu.memory_space<vmem>> -> memref<128xi32, #tpu.memory_space<vmem>>
          %dma_wait3A_366 = arith.constant 0 : i32
          %dma_wait3A_367 = arith.constant 0 : i32
          %dma_wait3A_368 = tpu.memref_slice %arg3[%dma_wait3A_366, %dma_wait3A_367] : memref<100000x128xf32, #tpu.memory_space<hbm>> -> memref<100000x128xf32, #tpu.memory_space<hbm>>
          tpu.wait_indirect_dma semaphore(%run_scoped3A_340 : memref<!tpu.dma_semaphore, #tpu.memory_space<semaphore_mem>>) src(%dma_wait3A_368 : memref<100000x128xf32, #tpu.memory_space<hbm>>) dst(%dma_wait3A_358 : memref<128x128xf32, #tpu.memory_space<vmem>>)
          tpu.yield
        }) : () -> ()
        "tpu.trace_stop"() : () -> ()
        %ne3A_245 = arith.cmpi ne, %add3A_155, %add3A_173 : i32
        %or3A_246 = arith.constant false
        %or3A_247 = arith.ori %or3A_246, %ne3A_245 : i1
        %or3A_248 = arith.ori %or3A_247, %eq3A_154 : i1
        %convert_element_type3A_249 = arith.extui %or3A_248 : i1 to i32
        %cond3A_250 = arith.constant 0 : i32
        %cond3A_251 = arith.cmpi ne, %convert_element_type3A_249, %cond3A_250 : i32
        scf.if %cond3A_251 {
        } else {
        }
        %and3A_252 = arith.constant false
        %and3A_253 = arith.andi %or3A_248, %and3A_252 : i1
        %ne3A_254 = arith.cmpi ne, %add3A_155, %add3A_173 : i32
        %or3A_255 = arith.constant false
        %or3A_256 = arith.ori %or3A_255, %ne3A_254 : i1
        %or3A_257 = arith.constant false
        %or3A_258 = arith.ori %or3A_256, %or3A_257 : i1
        %or3A_259 = arith.ori %or3A_258, %eq3A_154 : i1
        %convert_element_type3A_260 = arith.extui %or3A_259 : i1 to i32
        %cond3A_261 = arith.constant 0 : i32
        %cond3A_262 = arith.cmpi ne, %convert_element_type3A_260, %cond3A_261 : i32
        scf.if %cond3A_262 {
          "tpu.trace_start"() <{level = 10 : i32, message = "ep_copy_out"}> : () -> ()
          %rem3A_340 = arith.constant 2 : i32
          %rem3A_341 = arith.remui %scan3A_146, %rem3A_340 : i32
          %mul3A_342 = arith.constant 128 : i32
          %mul3A_343 = arith.muli %mul3A_342, %add3A_155 : i32
          %dma_start3A_344 = arith.constant 0 : i32
          %dma_start3A_345 = arith.constant 0 : i32
          %dma_start3A_346 = tpu.memref_slice %run_scoped3A_8[%rem3A_341, %dma_start3A_344, %dma_start3A_345] : memref<2x128x128xf32, #tpu.memory_space<vmem>> -> memref<1x128x128xf32, #tpu.memory_space<vmem>>
          %dma_start3A_347 = tpu.memref_squeeze %dma_start3A_346 : memref<1x128x128xf32, #tpu.memory_space<vmem>> -> memref<128x128xf32, #tpu.memory_space<vmem>>
          %dma_start3A_348 = arith.constant 0 : i32
          %dma_start3A_349 = tpu.memref_slice %arg5[%mul3A_343, %dma_start3A_348] : memref<32768x128xf32, #tpu.memory_space<hbm>> -> memref<128x128xf32, #tpu.memory_space<hbm>>
          %dma_start3A_350 = tpu.memref_slice %run_scoped3A_9[%rem3A_341] : memref<2x!tpu.dma_semaphore, #tpu.memory_space<semaphore_mem>> -> memref<1x!tpu.dma_semaphore, #tpu.memory_space<semaphore_mem>>
          %dma_start3A_351 = tpu.memref_squeeze %dma_start3A_350 : memref<1x!tpu.dma_semaphore, #tpu.memory_space<semaphore_mem>> -> memref<!tpu.dma_semaphore, #tpu.memory_space<semaphore_mem>>
          %dma_start3A_352 = arith.constant 0 : i32
          %dma_start3A_353 = tpu.memref_slice %arg5[%mul3A_343, %dma_start3A_352] : memref<32768x128xf32, #tpu.memory_space<hbm>> -> memref<128x128xf32, #tpu.memory_space<hbm>>
          %dma_start3A_354 = arith.constant 0 : i32
          %dma_start3A_355 = arith.constant 0 : i32
          %dma_start3A_356 = tpu.memref_slice %run_scoped3A_8[%rem3A_341, %dma_start3A_354, %dma_start3A_355] : memref<2x128x128xf32, #tpu.memory_space<vmem>> -> memref<1x128x128xf32, #tpu.memory_space<vmem>>
          %dma_start3A_357 = tpu.memref_squeeze %dma_start3A_356 : memref<1x128x128xf32, #tpu.memory_space<vmem>> -> memref<128x128xf32, #tpu.memory_space<vmem>>
          tpu.enqueue_dma source(%dma_start3A_357 : memref<128x128xf32, #tpu.memory_space<vmem>>) target(%dma_start3A_353 : memref<128x128xf32, #tpu.memory_space<hbm>>) target_semaphore(%dma_start3A_351 : memref<!tpu.dma_semaphore, #tpu.memory_space<semaphore_mem>>)
          "tpu.trace_stop"() : () -> ()
        } else {
        }
        %and3A_263 = arith.constant true
        %and3A_264 = arith.andi %or3A_259, %and3A_263 : i1
        %add3A_265 = arith.constant 1 : i32
        %add3A_266 = arith.addi %scan3A_146, %add3A_265 : i32
        %select_n3A_267 = arith.select %and3A_264, %add3A_266, %scan3A_146 : i32
        %ne3A_268 = arith.cmpi ne, %add3A_155, %add3A_173 : i32
        %or3A_269 = arith.constant false
        %or3A_270 = arith.ori %or3A_269, %ne3A_268 : i1
        %or3A_271 = arith.constant false
        %or3A_272 = arith.ori %or3A_270, %or3A_271 : i1
        %or3A_273 = arith.ori %or3A_272, %eq3A_154 : i1
        %convert_element_type3A_274 = arith.extui %or3A_273 : i1 to i32
        %cond3A_275 = arith.constant 0 : i32
        %cond3A_276 = arith.cmpi ne, %convert_element_type3A_274, %cond3A_275 : i32
        scf.if %cond3A_276 {
          "tpu.trace_start"() <{level = 10 : i32, message = "ep_copy_out"}> : () -> ()
          %rem3A_340 = arith.constant 2 : i32
          %rem3A_341 = arith.remui %scan3A_148, %rem3A_340 : i32
          %mul3A_342 = arith.constant 128 : i32
          %mul3A_343 = arith.muli %mul3A_342, %add3A_155 : i32
          %dma_start3A_344 = arith.constant 0 : i32
          %dma_start3A_345 = arith.constant 0 : i32
          %dma_start3A_346 = tpu.memref_slice %run_scoped3A_10[%rem3A_341, %dma_start3A_344, %dma_start3A_345] : memref<2x128x128xf32, #tpu.memory_space<vmem>> -> memref<1x128x128xf32, #tpu.memory_space<vmem>>
          %dma_start3A_347 = tpu.memref_squeeze %dma_start3A_346 : memref<1x128x128xf32, #tpu.memory_space<vmem>> -> memref<128x128xf32, #tpu.memory_space<vmem>>
          %dma_start3A_348 = arith.constant 0 : i32
          %dma_start3A_349 = tpu.memref_slice %arg6[%mul3A_343, %dma_start3A_348] : memref<32768x128xf32, #tpu.memory_space<hbm>> -> memref<128x128xf32, #tpu.memory_space<hbm>>
          %dma_start3A_350 = tpu.memref_slice %run_scoped3A_11[%rem3A_341] : memref<2x!tpu.dma_semaphore, #tpu.memory_space<semaphore_mem>> -> memref<1x!tpu.dma_semaphore, #tpu.memory_space<semaphore_mem>>
          %dma_start3A_351 = tpu.memref_squeeze %dma_start3A_350 : memref<1x!tpu.dma_semaphore, #tpu.memory_space<semaphore_mem>> -> memref<!tpu.dma_semaphore, #tpu.memory_space<semaphore_mem>>
          %dma_start3A_352 = arith.constant 0 : i32
          %dma_start3A_353 = tpu.memref_slice %arg6[%mul3A_343, %dma_start3A_352] : memref<32768x128xf32, #tpu.memory_space<hbm>> -> memref<128x128xf32, #tpu.memory_space<hbm>>
          %dma_start3A_354 = arith.constant 0 : i32
          %dma_start3A_355 = arith.constant 0 : i32
          %dma_start3A_356 = tpu.memref_slice %run_scoped3A_10[%rem3A_341, %dma_start3A_354, %dma_start3A_355] : memref<2x128x128xf32, #tpu.memory_space<vmem>> -> memref<1x128x128xf32, #tpu.memory_space<vmem>>
          %dma_start3A_357 = tpu.memref_squeeze %dma_start3A_356 : memref<1x128x128xf32, #tpu.memory_space<vmem>> -> memref<128x128xf32, #tpu.memory_space<vmem>>
          tpu.enqueue_dma source(%dma_start3A_357 : memref<128x128xf32, #tpu.memory_space<vmem>>) target(%dma_start3A_353 : memref<128x128xf32, #tpu.memory_space<hbm>>) target_semaphore(%dma_start3A_351 : memref<!tpu.dma_semaphore, #tpu.memory_space<semaphore_mem>>)
          "tpu.trace_stop"() : () -> ()
        } else {
        }
        %and3A_277 = arith.constant true
        %and3A_278 = arith.andi %or3A_273, %and3A_277 : i1
        %add3A_279 = arith.constant 1 : i32
        %add3A_280 = arith.addi %scan3A_148, %add3A_279 : i32
        %select_n3A_281 = arith.select %and3A_278, %add3A_280, %scan3A_148 : i32
        %ne3A_282 = arith.cmpi ne, %add3A_155, %add3A_164 : i32
        %or3A_283 = arith.constant false
        %or3A_284 = arith.ori %or3A_283, %ne3A_282 : i1
        %not3A_285 = arith.constant true
        %not3A_286 = arith.xori %eq3A_152, %not3A_285 : i1
        %and3A_287 = arith.andi %or3A_284, %not3A_286 : i1
        %convert_element_type3A_288 = arith.extui %and3A_287 : i1 to i32
        %cond3A_289 = arith.constant 0 : i32
        %cond3A_290 = arith.cmpi ne, %convert_element_type3A_288, %cond3A_289 : i32
        scf.if %cond3A_290 {
        } else {
        }
        %and3A_291 = arith.constant false
        %and3A_292 = arith.andi %and3A_287, %and3A_291 : i1
        %ne3A_293 = arith.cmpi ne, %add3A_155, %add3A_164 : i32
        %or3A_294 = arith.constant false
        %or3A_295 = arith.ori %or3A_294, %ne3A_293 : i1
        %or3A_296 = arith.constant false
        %or3A_297 = arith.ori %or3A_295, %or3A_296 : i1
        %not3A_298 = arith.constant true
        %not3A_299 = arith.xori %eq3A_152, %not3A_298 : i1
        %and3A_300 = arith.andi %or3A_297, %not3A_299 : i1
        %convert_element_type3A_301 = arith.extui %and3A_300 : i1 to i32
        %cond3A_302 = arith.constant 0 : i32
        %cond3A_303 = arith.cmpi ne, %convert_element_type3A_301, %cond3A_302 : i32
        scf.if %cond3A_303 {
          "tpu.trace_start"() <{level = 10 : i32, message = "ep_wait_out"}> : () -> ()
          %rem3A_340 = arith.constant 2 : i32
          %rem3A_341 = arith.remui %scan3A_147, %rem3A_340 : i32
          %mul3A_342 = arith.constant 128 : i32
          %mul3A_343 = arith.muli %mul3A_342, %add3A_164 : i32
          %dma_wait3A_344 = arith.constant 0 : i32
          %dma_wait3A_345 = arith.constant 0 : i32
          %dma_wait3A_346 = tpu.memref_slice %run_scoped3A_8[%rem3A_341, %dma_wait3A_344, %dma_wait3A_345] : memref<2x128x128xf32, #tpu.memory_space<vmem>> -> memref<1x128x128xf32, #tpu.memory_space<vmem>>
          %dma_wait3A_347 = tpu.memref_squeeze %dma_wait3A_346 : memref<1x128x128xf32, #tpu.memory_space<vmem>> -> memref<128x128xf32, #tpu.memory_space<vmem>>
          %dma_wait3A_348 = arith.constant 0 : i32
          %dma_wait3A_349 = tpu.memref_slice %arg5[%mul3A_343, %dma_wait3A_348] : memref<32768x128xf32, #tpu.memory_space<hbm>> -> memref<128x128xf32, #tpu.memory_space<hbm>>
          %dma_wait3A_350 = tpu.memref_slice %run_scoped3A_9[%rem3A_341] : memref<2x!tpu.dma_semaphore, #tpu.memory_space<semaphore_mem>> -> memref<1x!tpu.dma_semaphore, #tpu.memory_space<semaphore_mem>>
          %dma_wait3A_351 = tpu.memref_squeeze %dma_wait3A_350 : memref<1x!tpu.dma_semaphore, #tpu.memory_space<semaphore_mem>> -> memref<!tpu.dma_semaphore, #tpu.memory_space<semaphore_mem>>
          %dma_wait3A_352 = arith.constant 0 : i32
          %dma_wait3A_353 = tpu.memref_slice %arg5[%mul3A_343, %dma_wait3A_352] : memref<32768x128xf32, #tpu.memory_space<hbm>> -> memref<128x128xf32, #tpu.memory_space<hbm>>
          %dma_wait3A_354 = arith.constant 0 : i32
          %dma_wait3A_355 = arith.constant 0 : i32
          %dma_wait3A_356 = tpu.memref_slice %run_scoped3A_8[%rem3A_341, %dma_wait3A_354, %dma_wait3A_355] : memref<2x128x128xf32, #tpu.memory_space<vmem>> -> memref<1x128x128xf32, #tpu.memory_space<vmem>>
          %dma_wait3A_357 = tpu.memref_squeeze %dma_wait3A_356 : memref<1x128x128xf32, #tpu.memory_space<vmem>> -> memref<128x128xf32, #tpu.memory_space<vmem>>
          tpu.wait_dma2 semaphore(%dma_wait3A_351 : memref<!tpu.dma_semaphore, #tpu.memory_space<semaphore_mem>>) src(%dma_wait3A_357 : memref<128x128xf32, #tpu.memory_space<vmem>>) dst(%dma_wait3A_353 : memref<128x128xf32, #tpu.memory_space<hbm>>)
          "tpu.trace_stop"() : () -> ()
        } else {
        }
        %and3A_304 = arith.constant true
        %and3A_305 = arith.andi %and3A_300, %and3A_304 : i1
        %add3A_306 = arith.constant 1 : i32
        %add3A_307 = arith.addi %scan3A_147, %add3A_306 : i32
        %select_n3A_308 = arith.select %and3A_305, %add3A_307, %scan3A_147 : i32
        %ne3A_309 = arith.cmpi ne, %add3A_155, %add3A_164 : i32
        %or3A_310 = arith.constant false
        %or3A_311 = arith.ori %or3A_310, %ne3A_309 : i1
        %or3A_312 = arith.constant false
        %or3A_313 = arith.ori %or3A_311, %or3A_312 : i1
        %not3A_314 = arith.constant true
        %not3A_315 = arith.xori %eq3A_152, %not3A_314 : i1
        %and3A_316 = arith.andi %or3A_313, %not3A_315 : i1
        %convert_element_type3A_317 = arith.extui %and3A_316 : i1 to i32
        %cond3A_318 = arith.constant 0 : i32
        %cond3A_319 = arith.cmpi ne, %convert_element_type3A_317, %cond3A_318 : i32
        scf.if %cond3A_319 {
          "tpu.trace_start"() <{level = 10 : i32, message = "ep_wait_out"}> : () -> ()
          %rem3A_340 = arith.constant 2 : i32
          %rem3A_341 = arith.remui %scan3A_149, %rem3A_340 : i32
          %mul3A_342 = arith.constant 128 : i32
          %mul3A_343 = arith.muli %mul3A_342, %add3A_164 : i32
          %dma_wait3A_344 = arith.constant 0 : i32
          %dma_wait3A_345 = arith.constant 0 : i32
          %dma_wait3A_346 = tpu.memref_slice %run_scoped3A_10[%rem3A_341, %dma_wait3A_344, %dma_wait3A_345] : memref<2x128x128xf32, #tpu.memory_space<vmem>> -> memref<1x128x128xf32, #tpu.memory_space<vmem>>
          %dma_wait3A_347 = tpu.memref_squeeze %dma_wait3A_346 : memref<1x128x128xf32, #tpu.memory_space<vmem>> -> memref<128x128xf32, #tpu.memory_space<vmem>>
          %dma_wait3A_348 = arith.constant 0 : i32
          %dma_wait3A_349 = tpu.memref_slice %arg6[%mul3A_343, %dma_wait3A_348] : memref<32768x128xf32, #tpu.memory_space<hbm>> -> memref<128x128xf32, #tpu.memory_space<hbm>>
          %dma_wait3A_350 = tpu.memref_slice %run_scoped3A_11[%rem3A_341] : memref<2x!tpu.dma_semaphore, #tpu.memory_space<semaphore_mem>> -> memref<1x!tpu.dma_semaphore, #tpu.memory_space<semaphore_mem>>
          %dma_wait3A_351 = tpu.memref_squeeze %dma_wait3A_350 : memref<1x!tpu.dma_semaphore, #tpu.memory_space<semaphore_mem>> -> memref<!tpu.dma_semaphore, #tpu.memory_space<semaphore_mem>>
          %dma_wait3A_352 = arith.constant 0 : i32
          %dma_wait3A_353 = tpu.memref_slice %arg6[%mul3A_343, %dma_wait3A_352] : memref<32768x128xf32, #tpu.memory_space<hbm>> -> memref<128x128xf32, #tpu.memory_space<hbm>>
          %dma_wait3A_354 = arith.constant 0 : i32
          %dma_wait3A_355 = arith.constant 0 : i32
          %dma_wait3A_356 = tpu.memref_slice %run_scoped3A_10[%rem3A_341, %dma_wait3A_354, %dma_wait3A_355] : memref<2x128x128xf32, #tpu.memory_space<vmem>> -> memref<1x128x128xf32, #tpu.memory_space<vmem>>
          %dma_wait3A_357 = tpu.memref_squeeze %dma_wait3A_356 : memref<1x128x128xf32, #tpu.memory_space<vmem>> -> memref<128x128xf32, #tpu.memory_space<vmem>>
          tpu.wait_dma2 semaphore(%dma_wait3A_351 : memref<!tpu.dma_semaphore, #tpu.memory_space<semaphore_mem>>) src(%dma_wait3A_357 : memref<128x128xf32, #tpu.memory_space<vmem>>) dst(%dma_wait3A_353 : memref<128x128xf32, #tpu.memory_space<hbm>>)
          "tpu.trace_stop"() : () -> ()
        } else {
        }
        %and3A_320 = arith.constant true
        %and3A_321 = arith.andi %and3A_316, %and3A_320 : i1
        %add3A_322 = arith.constant 1 : i32
        %add3A_323 = arith.addi %scan3A_149, %add3A_322 : i32
        %select_n3A_324 = arith.select %and3A_321, %add3A_323, %scan3A_149 : i32
        %ne3A_325 = arith.cmpi ne, %add3A_155, %add3A_173 : i32
        %or3A_326 = arith.constant false
        %or3A_327 = arith.ori %or3A_326, %ne3A_325 : i1
        %or3A_328 = arith.ori %or3A_327, %eq3A_154 : i1
        %add3A_329 = arith.constant 1 : i32
        %add3A_330 = arith.addi %scan3A_145, %add3A_329 : i32
        %select_n3A_331 = arith.select %or3A_328, %add3A_330, %scan3A_145 : i32
        %add3A_332 = arith.constant 1 : i32
        %add3A_333 = arith.addi %scan3A_150, %add3A_332 : i32
        %select_n3A_334 = arith.constant true
        %select_n3A_335 = arith.select %select_n3A_334, %add3A_333, %scan3A_150 : i32
        %eq3A_336 = arith.constant 8 : i32
        %eq3A_337 = arith.cmpi eq, %select_n3A_335, %eq3A_336 : i32
        %select_n3A_338 = arith.constant 0 : i32
        %select_n3A_339 = arith.select %eq3A_337, %select_n3A_338, %select_n3A_335 : i32
        scf.yield %select_n3A_191, %select_n3A_331, %select_n3A_267, %select_n3A_308, %select_n3A_281, %select_n3A_324, %select_n3A_339 : i32, i32, i32, i32, i32, i32, i32
      }
      %scan3A_72 = arith.constant 8 : i32
      %sub3A = arith.constant 1 : i32
      %sub3A_73 = arith.subi %scan3A_71#6, %sub3A : i32
      %select_n3A_74 = arith.constant true
      %select_n3A_75 = arith.select %select_n3A_74, %sub3A_73, %scan3A_71#6 : i32
      %eq3A_76 = arith.constant -1 : i32
      %eq3A_77 = arith.cmpi eq, %select_n3A_75, %eq3A_76 : i32
      %select_n3A_78 = arith.constant 7 : i32
      %select_n3A_79 = arith.select %eq3A_77, %select_n3A_78, %select_n3A_75 : i32
      %add3A_80 = arith.addi %select_n3A_79, %mul3A_6 : i32
      %sub3A_81 = arith.constant 1 : i32
      %sub3A_82 = arith.subi %select_n3A_79, %sub3A_81 : i32
      %select_n3A_83 = arith.constant true
      %select_n3A_84 = arith.select %select_n3A_83, %sub3A_82, %select_n3A_79 : i32
      %eq3A_85 = arith.constant -1 : i32
      %eq3A_86 = arith.cmpi eq, %select_n3A_84, %eq3A_85 : i32
      %select_n3A_87 = arith.constant 7 : i32
      %select_n3A_88 = arith.select %eq3A_86, %select_n3A_87, %select_n3A_84 : i32
      %add3A_89 = arith.addi %select_n3A_88, %mul3A_6 : i32
      %add3A_90 = arith.constant 1 : i32
      %add3A_91 = arith.addi %select_n3A_79, %add3A_90 : i32
      %select_n3A_92 = arith.constant true
      %select_n3A_93 = arith.select %select_n3A_92, %add3A_91, %select_n3A_79 : i32
      %eq3A_94 = arith.constant 8 : i32
      %eq3A_95 = arith.cmpi eq, %select_n3A_93, %eq3A_94 : i32
      %select_n3A_96 = arith.constant 0 : i32
      %select_n3A_97 = arith.select %eq3A_95, %select_n3A_96, %select_n3A_93 : i32
      %add3A_98 = arith.addi %select_n3A_97, %mul3A_6 : i32
      %add3A_99 = arith.constant 1 : i32
      %add3A_100 = arith.addi %select_n3A_97, %add3A_99 : i32
      %select_n3A_101 = arith.constant true
      %select_n3A_102 = arith.select %select_n3A_101, %add3A_100, %select_n3A_97 : i32
      %eq3A_103 = arith.constant 8 : i32
      %eq3A_104 = arith.cmpi eq, %select_n3A_102, %eq3A_103 : i32
      %select_n3A_105 = arith.constant 0 : i32
      %select_n3A_106 = arith.select %eq3A_104, %select_n3A_105, %select_n3A_102 : i32
      %add3A_107 = arith.addi %select_n3A_106, %mul3A_6 : i32
      "tpu.trace_start"() <{level = 10 : i32, message = "ep_finalize"}> : () -> ()
      %rem3A_108 = arith.constant 2 : i32
      %rem3A_109 = arith.remui %scan3A_71#3, %rem3A_108 : i32
      %mul3A_110 = arith.constant 128 : i32
      %mul3A_111 = arith.muli %mul3A_110, %add3A_80 : i32
      %dma_wait3A = arith.constant 0 : i32
      %dma_wait3A_112 = arith.constant 0 : i32
      %dma_wait3A_113 = tpu.memref_slice %run_scoped3A_8[%rem3A_109, %dma_wait3A, %dma_wait3A_112] : memref<2x128x128xf32, #tpu.memory_space<vmem>> -> memref<1x128x128xf32, #tpu.memory_space<vmem>>
      %dma_wait3A_114 = tpu.memref_squeeze %dma_wait3A_113 : memref<1x128x128xf32, #tpu.memory_space<vmem>> -> memref<128x128xf32, #tpu.memory_space<vmem>>
      %dma_wait3A_115 = arith.constant 0 : i32
      %dma_wait3A_116 = tpu.memref_slice %arg5[%mul3A_111, %dma_wait3A_115] : memref<32768x128xf32, #tpu.memory_space<hbm>> -> memref<128x128xf32, #tpu.memory_space<hbm>>
      %dma_wait3A_117 = tpu.memref_slice %run_scoped3A_9[%rem3A_109] : memref<2x!tpu.dma_semaphore, #tpu.memory_space<semaphore_mem>> -> memref<1x!tpu.dma_semaphore, #tpu.memory_space<semaphore_mem>>
      %dma_wait3A_118 = tpu.memref_squeeze %dma_wait3A_117 : memref<1x!tpu.dma_semaphore, #tpu.memory_space<semaphore_mem>> -> memref<!tpu.dma_semaphore, #tpu.memory_space<semaphore_mem>>
      %dma_wait3A_119 = arith.constant 0 : i32
      %dma_wait3A_120 = tpu.memref_slice %arg5[%mul3A_111, %dma_wait3A_119] : memref<32768x128xf32, #tpu.memory_space<hbm>> -> memref<128x128xf32, #tpu.memory_space<hbm>>
      %dma_wait3A_121 = arith.constant 0 : i32
      %dma_wait3A_122 = arith.constant 0 : i32
      %dma_wait3A_123 = tpu.memref_slice %run_scoped3A_8[%rem3A_109, %dma_wait3A_121, %dma_wait3A_122] : memref<2x128x128xf32, #tpu.memory_space<vmem>> -> memref<1x128x128xf32, #tpu.memory_space<vmem>>
      %dma_wait3A_124 = tpu.memref_squeeze %dma_wait3A_123 : memref<1x128x128xf32, #tpu.memory_space<vmem>> -> memref<128x128xf32, #tpu.memory_space<vmem>>
      tpu.wait_dma2 semaphore(%dma_wait3A_118 : memref<!tpu.dma_semaphore, #tpu.memory_space<semaphore_mem>>) src(%dma_wait3A_124 : memref<128x128xf32, #tpu.memory_space<vmem>>) dst(%dma_wait3A_120 : memref<128x128xf32, #tpu.memory_space<hbm>>)
      %rem3A_125 = arith.constant 2 : i32
      %rem3A_126 = arith.remui %scan3A_71#5, %rem3A_125 : i32
      %mul3A_127 = arith.constant 128 : i32
      %mul3A_128 = arith.muli %mul3A_127, %add3A_80 : i32
      %dma_wait3A_129 = arith.constant 0 : i32
      %dma_wait3A_130 = arith.constant 0 : i32
      %dma_wait3A_131 = tpu.memref_slice %run_scoped3A_10[%rem3A_126, %dma_wait3A_129, %dma_wait3A_130] : memref<2x128x128xf32, #tpu.memory_space<vmem>> -> memref<1x128x128xf32, #tpu.memory_space<vmem>>
      %dma_wait3A_132 = tpu.memref_squeeze %dma_wait3A_131 : memref<1x128x128xf32, #tpu.memory_space<vmem>> -> memref<128x128xf32, #tpu.memory_space<vmem>>
      %dma_wait3A_133 = arith.constant 0 : i32
      %dma_wait3A_134 = tpu.memref_slice %arg6[%mul3A_128, %dma_wait3A_133] : memref<32768x128xf32, #tpu.memory_space<hbm>> -> memref<128x128xf32, #tpu.memory_space<hbm>>
      %dma_wait3A_135 = tpu.memref_slice %run_scoped3A_11[%rem3A_126] : memref<2x!tpu.dma_semaphore, #tpu.memory_space<semaphore_mem>> -> memref<1x!tpu.dma_semaphore, #tpu.memory_space<semaphore_mem>>
      %dma_wait3A_136 = tpu.memref_squeeze %dma_wait3A_135 : memref<1x!tpu.dma_semaphore, #tpu.memory_space<semaphore_mem>> -> memref<!tpu.dma_semaphore, #tpu.memory_space<semaphore_mem>>
      %dma_wait3A_137 = arith.constant 0 : i32
      %dma_wait3A_138 = tpu.memref_slice %arg6[%mul3A_128, %dma_wait3A_137] : memref<32768x128xf32, #tpu.memory_space<hbm>> -> memref<128x128xf32, #tpu.memory_space<hbm>>
      %dma_wait3A_139 = arith.constant 0 : i32
      %dma_wait3A_140 = arith.constant 0 : i32
      %dma_wait3A_141 = tpu.memref_slice %run_scoped3A_10[%rem3A_126, %dma_wait3A_139, %dma_wait3A_140] : memref<2x128x128xf32, #tpu.memory_space<vmem>> -> memref<1x128x128xf32, #tpu.memory_space<vmem>>
      %dma_wait3A_142 = tpu.memref_squeeze %dma_wait3A_141 : memref<1x128x128xf32, #tpu.memory_space<vmem>> -> memref<128x128xf32, #tpu.memory_space<vmem>>
      tpu.wait_dma2 semaphore(%dma_wait3A_136 : memref<!tpu.dma_semaphore, #tpu.memory_space<semaphore_mem>>) src(%dma_wait3A_142 : memref<128x128xf32, #tpu.memory_space<vmem>>) dst(%dma_wait3A_138 : memref<128x128xf32, #tpu.memory_space<hbm>>)
      "tpu.trace_stop"() : () -> ()
      tpu.yield
    }) : () -> ()
    return
  }
}

module attributes {stable_mosaic.version = 14 : i64} {
  func.func @_chunk_select_body(%arg0: memref<784x1024xf32, #tpu.memory_space<vmem>>, %arg1: memref<32x1024xi32, #tpu.memory_space<vmem>>, %arg2: memref<32x1024xi32, #tpu.memory_space<vmem>>) attributes {dimension_semantics = [], scalar_prefetch = 0 : i64, scratch_operands = 0 : i64, tpu.core_type = #tpu.core_type<tc>} {
    %get3A = arith.constant 0 : index
    %get3A_0 = arith.constant 0 : index
    %get3A_1 = vector.load %arg0[%get3A, %get3A_0] : memref<784x1024xf32, #tpu.memory_space<vmem>>, vector<784x1024xf32>
    %iota3A = tpu.iota {dimensions = array<i32: 0>} : vector<784x1024xi32>
    %reduce_max3A = arith.constant dense<0xFF800000> : vector<1024xf32>
    %reduce_max3A_2 = vector.multi_reduction <maximumf>, %get3A_1, %reduce_max3A [0] : vector<784x1024xf32> to vector<1024xf32>
    %broadcast_in_dim3A = vector.shape_cast %reduce_max3A_2 : vector<1024xf32> to vector<1x1024xf32>
    %eq3A = vector.broadcast %broadcast_in_dim3A : vector<1x1024xf32> to vector<784x1024xf32>
    %eq3A_3 = arith.cmpf oeq, %get3A_1, %eq3A : vector<784x1024xf32>
    %jit3A = arith.constant 2147483647 : i32
    %broadcast_in_dim3A_4 = vector.broadcast %jit3A : i32 to vector<784x1024xi32>
    %select_n3A = arith.select %eq3A_3, %iota3A, %broadcast_in_dim3A_4 : vector<784x1024xi1>, vector<784x1024xi32>
    %reduce_min3A = arith.constant dense<2147483647> : vector<1024xi32>
    %reduce_min3A_5 = vector.multi_reduction <minsi>, %select_n3A, %reduce_min3A [0] : vector<784x1024xi32> to vector<1024xi32>
    %broadcast_in_dim3A_6 = vector.shape_cast %reduce_min3A_5 : vector<1024xi32> to vector<1x1024xi32>
    %eq3A_7 = vector.broadcast %broadcast_in_dim3A_6 : vector<1x1024xi32> to vector<784x1024xi32>
    %eq3A_8 = arith.cmpi eq, %iota3A, %eq3A_7 : vector<784x1024xi32>
    %jit3A_9 = arith.constant 0xFF800000 : f32
    %broadcast_in_dim3A_10 = vector.broadcast %jit3A_9 : f32 to vector<784x1024xf32>
    %select_n3A_11 = arith.select %eq3A_8, %broadcast_in_dim3A_10, %get3A_1 : vector<784x1024xi1>, vector<784x1024xf32>
    %reduce_max3A_12 = arith.constant dense<0xFF800000> : vector<1024xf32>
    %reduce_max3A_13 = vector.multi_reduction <maximumf>, %select_n3A_11, %reduce_max3A_12 [0] : vector<784x1024xf32> to vector<1024xf32>
    %broadcast_in_dim3A_14 = vector.shape_cast %reduce_max3A_13 : vector<1024xf32> to vector<1x1024xf32>
    %eq3A_15 = vector.broadcast %broadcast_in_dim3A_14 : vector<1x1024xf32> to vector<784x1024xf32>
    %eq3A_16 = arith.cmpf oeq, %select_n3A_11, %eq3A_15 : vector<784x1024xf32>
    %jit3A_17 = arith.constant 2147483647 : i32
    %broadcast_in_dim3A_18 = vector.broadcast %jit3A_17 : i32 to vector<784x1024xi32>
    %select_n3A_19 = arith.select %eq3A_16, %iota3A, %broadcast_in_dim3A_18 : vector<784x1024xi1>, vector<784x1024xi32>
    %reduce_min3A_20 = arith.constant dense<2147483647> : vector<1024xi32>
    %reduce_min3A_21 = vector.multi_reduction <minsi>, %select_n3A_19, %reduce_min3A_20 [0] : vector<784x1024xi32> to vector<1024xi32>
    %broadcast_in_dim3A_22 = vector.shape_cast %reduce_min3A_21 : vector<1024xi32> to vector<1x1024xi32>
    %eq3A_23 = vector.broadcast %broadcast_in_dim3A_22 : vector<1x1024xi32> to vector<784x1024xi32>
    %eq3A_24 = arith.cmpi eq, %iota3A, %eq3A_23 : vector<784x1024xi32>
    %jit3A_25 = arith.constant 0xFF800000 : f32
    %broadcast_in_dim3A_26 = vector.broadcast %jit3A_25 : f32 to vector<784x1024xf32>
    %select_n3A_27 = arith.select %eq3A_24, %broadcast_in_dim3A_26, %select_n3A_11 : vector<784x1024xi1>, vector<784x1024xf32>
    %reduce_max3A_28 = arith.constant dense<0xFF800000> : vector<1024xf32>
    %reduce_max3A_29 = vector.multi_reduction <maximumf>, %select_n3A_27, %reduce_max3A_28 [0] : vector<784x1024xf32> to vector<1024xf32>
    %broadcast_in_dim3A_30 = vector.shape_cast %reduce_max3A_29 : vector<1024xf32> to vector<1x1024xf32>
    %eq3A_31 = vector.broadcast %broadcast_in_dim3A_30 : vector<1x1024xf32> to vector<784x1024xf32>
    %eq3A_32 = arith.cmpf oeq, %select_n3A_27, %eq3A_31 : vector<784x1024xf32>
    %jit3A_33 = arith.constant 2147483647 : i32
    %broadcast_in_dim3A_34 = vector.broadcast %jit3A_33 : i32 to vector<784x1024xi32>
    %select_n3A_35 = arith.select %eq3A_32, %iota3A, %broadcast_in_dim3A_34 : vector<784x1024xi1>, vector<784x1024xi32>
    %reduce_min3A_36 = arith.constant dense<2147483647> : vector<1024xi32>
    %reduce_min3A_37 = vector.multi_reduction <minsi>, %select_n3A_35, %reduce_min3A_36 [0] : vector<784x1024xi32> to vector<1024xi32>
    %broadcast_in_dim3A_38 = vector.shape_cast %reduce_min3A_37 : vector<1024xi32> to vector<1x1024xi32>
    %eq3A_39 = vector.broadcast %broadcast_in_dim3A_38 : vector<1x1024xi32> to vector<784x1024xi32>
    %eq3A_40 = arith.cmpi eq, %iota3A, %eq3A_39 : vector<784x1024xi32>
    %jit3A_41 = arith.constant 0xFF800000 : f32
    %broadcast_in_dim3A_42 = vector.broadcast %jit3A_41 : f32 to vector<784x1024xf32>
    %select_n3A_43 = arith.select %eq3A_40, %broadcast_in_dim3A_42, %select_n3A_27 : vector<784x1024xi1>, vector<784x1024xf32>
    %reduce_max3A_44 = arith.constant dense<0xFF800000> : vector<1024xf32>
    %reduce_max3A_45 = vector.multi_reduction <maximumf>, %select_n3A_43, %reduce_max3A_44 [0] : vector<784x1024xf32> to vector<1024xf32>
    %broadcast_in_dim3A_46 = vector.shape_cast %reduce_max3A_45 : vector<1024xf32> to vector<1x1024xf32>
    %eq3A_47 = vector.broadcast %broadcast_in_dim3A_46 : vector<1x1024xf32> to vector<784x1024xf32>
    %eq3A_48 = arith.cmpf oeq, %select_n3A_43, %eq3A_47 : vector<784x1024xf32>
    %jit3A_49 = arith.constant 2147483647 : i32
    %broadcast_in_dim3A_50 = vector.broadcast %jit3A_49 : i32 to vector<784x1024xi32>
    %select_n3A_51 = arith.select %eq3A_48, %iota3A, %broadcast_in_dim3A_50 : vector<784x1024xi1>, vector<784x1024xi32>
    %reduce_min3A_52 = arith.constant dense<2147483647> : vector<1024xi32>
    %reduce_min3A_53 = vector.multi_reduction <minsi>, %select_n3A_51, %reduce_min3A_52 [0] : vector<784x1024xi32> to vector<1024xi32>
    %broadcast_in_dim3A_54 = vector.shape_cast %reduce_min3A_53 : vector<1024xi32> to vector<1x1024xi32>
    %eq3A_55 = vector.broadcast %broadcast_in_dim3A_54 : vector<1x1024xi32> to vector<784x1024xi32>
    %eq3A_56 = arith.cmpi eq, %iota3A, %eq3A_55 : vector<784x1024xi32>
    %jit3A_57 = arith.constant 0xFF800000 : f32
    %broadcast_in_dim3A_58 = vector.broadcast %jit3A_57 : f32 to vector<784x1024xf32>
    %select_n3A_59 = arith.select %eq3A_56, %broadcast_in_dim3A_58, %select_n3A_43 : vector<784x1024xi1>, vector<784x1024xf32>
    %reduce_max3A_60 = arith.constant dense<0xFF800000> : vector<1024xf32>
    %reduce_max3A_61 = vector.multi_reduction <maximumf>, %select_n3A_59, %reduce_max3A_60 [0] : vector<784x1024xf32> to vector<1024xf32>
    %broadcast_in_dim3A_62 = vector.shape_cast %reduce_max3A_61 : vector<1024xf32> to vector<1x1024xf32>
    %eq3A_63 = vector.broadcast %broadcast_in_dim3A_62 : vector<1x1024xf32> to vector<784x1024xf32>
    %eq3A_64 = arith.cmpf oeq, %select_n3A_59, %eq3A_63 : vector<784x1024xf32>
    %jit3A_65 = arith.constant 2147483647 : i32
    %broadcast_in_dim3A_66 = vector.broadcast %jit3A_65 : i32 to vector<784x1024xi32>
    %select_n3A_67 = arith.select %eq3A_64, %iota3A, %broadcast_in_dim3A_66 : vector<784x1024xi1>, vector<784x1024xi32>
    %reduce_min3A_68 = arith.constant dense<2147483647> : vector<1024xi32>
    %reduce_min3A_69 = vector.multi_reduction <minsi>, %select_n3A_67, %reduce_min3A_68 [0] : vector<784x1024xi32> to vector<1024xi32>
    %broadcast_in_dim3A_70 = vector.shape_cast %reduce_min3A_69 : vector<1024xi32> to vector<1x1024xi32>
    %eq3A_71 = vector.broadcast %broadcast_in_dim3A_70 : vector<1x1024xi32> to vector<784x1024xi32>
    %eq3A_72 = arith.cmpi eq, %iota3A, %eq3A_71 : vector<784x1024xi32>
    %jit3A_73 = arith.constant 0xFF800000 : f32
    %broadcast_in_dim3A_74 = vector.broadcast %jit3A_73 : f32 to vector<784x1024xf32>
    %select_n3A_75 = arith.select %eq3A_72, %broadcast_in_dim3A_74, %select_n3A_59 : vector<784x1024xi1>, vector<784x1024xf32>
    %reduce_max3A_76 = arith.constant dense<0xFF800000> : vector<1024xf32>
    %reduce_max3A_77 = vector.multi_reduction <maximumf>, %select_n3A_75, %reduce_max3A_76 [0] : vector<784x1024xf32> to vector<1024xf32>
    %broadcast_in_dim3A_78 = vector.shape_cast %reduce_max3A_77 : vector<1024xf32> to vector<1x1024xf32>
    %eq3A_79 = vector.broadcast %broadcast_in_dim3A_78 : vector<1x1024xf32> to vector<784x1024xf32>
    %eq3A_80 = arith.cmpf oeq, %select_n3A_75, %eq3A_79 : vector<784x1024xf32>
    %jit3A_81 = arith.constant 2147483647 : i32
    %broadcast_in_dim3A_82 = vector.broadcast %jit3A_81 : i32 to vector<784x1024xi32>
    %select_n3A_83 = arith.select %eq3A_80, %iota3A, %broadcast_in_dim3A_82 : vector<784x1024xi1>, vector<784x1024xi32>
    %reduce_min3A_84 = arith.constant dense<2147483647> : vector<1024xi32>
    %reduce_min3A_85 = vector.multi_reduction <minsi>, %select_n3A_83, %reduce_min3A_84 [0] : vector<784x1024xi32> to vector<1024xi32>
    %broadcast_in_dim3A_86 = vector.shape_cast %reduce_min3A_85 : vector<1024xi32> to vector<1x1024xi32>
    %eq3A_87 = vector.broadcast %broadcast_in_dim3A_86 : vector<1x1024xi32> to vector<784x1024xi32>
    %eq3A_88 = arith.cmpi eq, %iota3A, %eq3A_87 : vector<784x1024xi32>
    %jit3A_89 = arith.constant 0xFF800000 : f32
    %broadcast_in_dim3A_90 = vector.broadcast %jit3A_89 : f32 to vector<784x1024xf32>
    %select_n3A_91 = arith.select %eq3A_88, %broadcast_in_dim3A_90, %select_n3A_75 : vector<784x1024xi1>, vector<784x1024xf32>
    %reduce_max3A_92 = arith.constant dense<0xFF800000> : vector<1024xf32>
    %reduce_max3A_93 = vector.multi_reduction <maximumf>, %select_n3A_91, %reduce_max3A_92 [0] : vector<784x1024xf32> to vector<1024xf32>
    %broadcast_in_dim3A_94 = vector.shape_cast %reduce_max3A_93 : vector<1024xf32> to vector<1x1024xf32>
    %eq3A_95 = vector.broadcast %broadcast_in_dim3A_94 : vector<1x1024xf32> to vector<784x1024xf32>
    %eq3A_96 = arith.cmpf oeq, %select_n3A_91, %eq3A_95 : vector<784x1024xf32>
    %jit3A_97 = arith.constant 2147483647 : i32
    %broadcast_in_dim3A_98 = vector.broadcast %jit3A_97 : i32 to vector<784x1024xi32>
    %select_n3A_99 = arith.select %eq3A_96, %iota3A, %broadcast_in_dim3A_98 : vector<784x1024xi1>, vector<784x1024xi32>
    %reduce_min3A_100 = arith.constant dense<2147483647> : vector<1024xi32>
    %reduce_min3A_101 = vector.multi_reduction <minsi>, %select_n3A_99, %reduce_min3A_100 [0] : vector<784x1024xi32> to vector<1024xi32>
    %broadcast_in_dim3A_102 = vector.shape_cast %reduce_min3A_101 : vector<1024xi32> to vector<1x1024xi32>
    %eq3A_103 = vector.broadcast %broadcast_in_dim3A_102 : vector<1x1024xi32> to vector<784x1024xi32>
    %eq3A_104 = arith.cmpi eq, %iota3A, %eq3A_103 : vector<784x1024xi32>
    %jit3A_105 = arith.constant 0xFF800000 : f32
    %broadcast_in_dim3A_106 = vector.broadcast %jit3A_105 : f32 to vector<784x1024xf32>
    %select_n3A_107 = arith.select %eq3A_104, %broadcast_in_dim3A_106, %select_n3A_91 : vector<784x1024xi1>, vector<784x1024xf32>
    %reduce_max3A_108 = arith.constant dense<0xFF800000> : vector<1024xf32>
    %reduce_max3A_109 = vector.multi_reduction <maximumf>, %select_n3A_107, %reduce_max3A_108 [0] : vector<784x1024xf32> to vector<1024xf32>
    %broadcast_in_dim3A_110 = vector.shape_cast %reduce_max3A_109 : vector<1024xf32> to vector<1x1024xf32>
    %eq3A_111 = vector.broadcast %broadcast_in_dim3A_110 : vector<1x1024xf32> to vector<784x1024xf32>
    %eq3A_112 = arith.cmpf oeq, %select_n3A_107, %eq3A_111 : vector<784x1024xf32>
    %jit3A_113 = arith.constant 2147483647 : i32
    %broadcast_in_dim3A_114 = vector.broadcast %jit3A_113 : i32 to vector<784x1024xi32>
    %select_n3A_115 = arith.select %eq3A_112, %iota3A, %broadcast_in_dim3A_114 : vector<784x1024xi1>, vector<784x1024xi32>
    %reduce_min3A_116 = arith.constant dense<2147483647> : vector<1024xi32>
    %reduce_min3A_117 = vector.multi_reduction <minsi>, %select_n3A_115, %reduce_min3A_116 [0] : vector<784x1024xi32> to vector<1024xi32>
    %broadcast_in_dim3A_118 = vector.shape_cast %reduce_min3A_117 : vector<1024xi32> to vector<1x1024xi32>
    %eq3A_119 = vector.broadcast %broadcast_in_dim3A_118 : vector<1x1024xi32> to vector<784x1024xi32>
    %eq3A_120 = arith.cmpi eq, %iota3A, %eq3A_119 : vector<784x1024xi32>
    %jit3A_121 = arith.constant 0xFF800000 : f32
    %broadcast_in_dim3A_122 = vector.broadcast %jit3A_121 : f32 to vector<784x1024xf32>
    %select_n3A_123 = arith.select %eq3A_120, %broadcast_in_dim3A_122, %select_n3A_107 : vector<784x1024xi1>, vector<784x1024xf32>
    %reduce_max3A_124 = arith.constant dense<0xFF800000> : vector<1024xf32>
    %reduce_max3A_125 = vector.multi_reduction <maximumf>, %select_n3A_123, %reduce_max3A_124 [0] : vector<784x1024xf32> to vector<1024xf32>
    %broadcast_in_dim3A_126 = vector.shape_cast %reduce_max3A_125 : vector<1024xf32> to vector<1x1024xf32>
    %eq3A_127 = vector.broadcast %broadcast_in_dim3A_126 : vector<1x1024xf32> to vector<784x1024xf32>
    %eq3A_128 = arith.cmpf oeq, %select_n3A_123, %eq3A_127 : vector<784x1024xf32>
    %jit3A_129 = arith.constant 2147483647 : i32
    %broadcast_in_dim3A_130 = vector.broadcast %jit3A_129 : i32 to vector<784x1024xi32>
    %select_n3A_131 = arith.select %eq3A_128, %iota3A, %broadcast_in_dim3A_130 : vector<784x1024xi1>, vector<784x1024xi32>
    %reduce_min3A_132 = arith.constant dense<2147483647> : vector<1024xi32>
    %reduce_min3A_133 = vector.multi_reduction <minsi>, %select_n3A_131, %reduce_min3A_132 [0] : vector<784x1024xi32> to vector<1024xi32>
    %broadcast_in_dim3A_134 = vector.shape_cast %reduce_min3A_133 : vector<1024xi32> to vector<1x1024xi32>
    %eq3A_135 = vector.broadcast %broadcast_in_dim3A_134 : vector<1x1024xi32> to vector<784x1024xi32>
    %eq3A_136 = arith.cmpi eq, %iota3A, %eq3A_135 : vector<784x1024xi32>
    %jit3A_137 = arith.constant 0xFF800000 : f32
    %broadcast_in_dim3A_138 = vector.broadcast %jit3A_137 : f32 to vector<784x1024xf32>
    %select_n3A_139 = arith.select %eq3A_136, %broadcast_in_dim3A_138, %select_n3A_123 : vector<784x1024xi1>, vector<784x1024xf32>
    %reduce_max3A_140 = arith.constant dense<0xFF800000> : vector<1024xf32>
    %reduce_max3A_141 = vector.multi_reduction <maximumf>, %select_n3A_139, %reduce_max3A_140 [0] : vector<784x1024xf32> to vector<1024xf32>
    %broadcast_in_dim3A_142 = vector.shape_cast %reduce_max3A_141 : vector<1024xf32> to vector<1x1024xf32>
    %eq3A_143 = vector.broadcast %broadcast_in_dim3A_142 : vector<1x1024xf32> to vector<784x1024xf32>
    %eq3A_144 = arith.cmpf oeq, %select_n3A_139, %eq3A_143 : vector<784x1024xf32>
    %jit3A_145 = arith.constant 2147483647 : i32
    %broadcast_in_dim3A_146 = vector.broadcast %jit3A_145 : i32 to vector<784x1024xi32>
    %select_n3A_147 = arith.select %eq3A_144, %iota3A, %broadcast_in_dim3A_146 : vector<784x1024xi1>, vector<784x1024xi32>
    %reduce_min3A_148 = arith.constant dense<2147483647> : vector<1024xi32>
    %reduce_min3A_149 = vector.multi_reduction <minsi>, %select_n3A_147, %reduce_min3A_148 [0] : vector<784x1024xi32> to vector<1024xi32>
    %broadcast_in_dim3A_150 = vector.shape_cast %reduce_min3A_149 : vector<1024xi32> to vector<1x1024xi32>
    %eq3A_151 = vector.broadcast %broadcast_in_dim3A_150 : vector<1x1024xi32> to vector<784x1024xi32>
    %eq3A_152 = arith.cmpi eq, %iota3A, %eq3A_151 : vector<784x1024xi32>
    %jit3A_153 = arith.constant 0xFF800000 : f32
    %broadcast_in_dim3A_154 = vector.broadcast %jit3A_153 : f32 to vector<784x1024xf32>
    %select_n3A_155 = arith.select %eq3A_152, %broadcast_in_dim3A_154, %select_n3A_139 : vector<784x1024xi1>, vector<784x1024xf32>
    %reduce_max3A_156 = arith.constant dense<0xFF800000> : vector<1024xf32>
    %reduce_max3A_157 = vector.multi_reduction <maximumf>, %select_n3A_155, %reduce_max3A_156 [0] : vector<784x1024xf32> to vector<1024xf32>
    %broadcast_in_dim3A_158 = vector.shape_cast %reduce_max3A_157 : vector<1024xf32> to vector<1x1024xf32>
    %eq3A_159 = vector.broadcast %broadcast_in_dim3A_158 : vector<1x1024xf32> to vector<784x1024xf32>
    %eq3A_160 = arith.cmpf oeq, %select_n3A_155, %eq3A_159 : vector<784x1024xf32>
    %jit3A_161 = arith.constant 2147483647 : i32
    %broadcast_in_dim3A_162 = vector.broadcast %jit3A_161 : i32 to vector<784x1024xi32>
    %select_n3A_163 = arith.select %eq3A_160, %iota3A, %broadcast_in_dim3A_162 : vector<784x1024xi1>, vector<784x1024xi32>
    %reduce_min3A_164 = arith.constant dense<2147483647> : vector<1024xi32>
    %reduce_min3A_165 = vector.multi_reduction <minsi>, %select_n3A_163, %reduce_min3A_164 [0] : vector<784x1024xi32> to vector<1024xi32>
    %broadcast_in_dim3A_166 = vector.shape_cast %reduce_min3A_165 : vector<1024xi32> to vector<1x1024xi32>
    %eq3A_167 = vector.broadcast %broadcast_in_dim3A_166 : vector<1x1024xi32> to vector<784x1024xi32>
    %eq3A_168 = arith.cmpi eq, %iota3A, %eq3A_167 : vector<784x1024xi32>
    %jit3A_169 = arith.constant 0xFF800000 : f32
    %broadcast_in_dim3A_170 = vector.broadcast %jit3A_169 : f32 to vector<784x1024xf32>
    %select_n3A_171 = arith.select %eq3A_168, %broadcast_in_dim3A_170, %select_n3A_155 : vector<784x1024xi1>, vector<784x1024xf32>
    %reduce_max3A_172 = arith.constant dense<0xFF800000> : vector<1024xf32>
    %reduce_max3A_173 = vector.multi_reduction <maximumf>, %select_n3A_171, %reduce_max3A_172 [0] : vector<784x1024xf32> to vector<1024xf32>
    %broadcast_in_dim3A_174 = vector.shape_cast %reduce_max3A_173 : vector<1024xf32> to vector<1x1024xf32>
    %eq3A_175 = vector.broadcast %broadcast_in_dim3A_174 : vector<1x1024xf32> to vector<784x1024xf32>
    %eq3A_176 = arith.cmpf oeq, %select_n3A_171, %eq3A_175 : vector<784x1024xf32>
    %jit3A_177 = arith.constant 2147483647 : i32
    %broadcast_in_dim3A_178 = vector.broadcast %jit3A_177 : i32 to vector<784x1024xi32>
    %select_n3A_179 = arith.select %eq3A_176, %iota3A, %broadcast_in_dim3A_178 : vector<784x1024xi1>, vector<784x1024xi32>
    %reduce_min3A_180 = arith.constant dense<2147483647> : vector<1024xi32>
    %reduce_min3A_181 = vector.multi_reduction <minsi>, %select_n3A_179, %reduce_min3A_180 [0] : vector<784x1024xi32> to vector<1024xi32>
    %broadcast_in_dim3A_182 = vector.shape_cast %reduce_min3A_181 : vector<1024xi32> to vector<1x1024xi32>
    %eq3A_183 = vector.broadcast %broadcast_in_dim3A_182 : vector<1x1024xi32> to vector<784x1024xi32>
    %eq3A_184 = arith.cmpi eq, %iota3A, %eq3A_183 : vector<784x1024xi32>
    %jit3A_185 = arith.constant 0xFF800000 : f32
    %broadcast_in_dim3A_186 = vector.broadcast %jit3A_185 : f32 to vector<784x1024xf32>
    %select_n3A_187 = arith.select %eq3A_184, %broadcast_in_dim3A_186, %select_n3A_171 : vector<784x1024xi1>, vector<784x1024xf32>
    %reduce_max3A_188 = arith.constant dense<0xFF800000> : vector<1024xf32>
    %reduce_max3A_189 = vector.multi_reduction <maximumf>, %select_n3A_187, %reduce_max3A_188 [0] : vector<784x1024xf32> to vector<1024xf32>
    %broadcast_in_dim3A_190 = vector.shape_cast %reduce_max3A_189 : vector<1024xf32> to vector<1x1024xf32>
    %eq3A_191 = vector.broadcast %broadcast_in_dim3A_190 : vector<1x1024xf32> to vector<784x1024xf32>
    %eq3A_192 = arith.cmpf oeq, %select_n3A_187, %eq3A_191 : vector<784x1024xf32>
    %jit3A_193 = arith.constant 2147483647 : i32
    %broadcast_in_dim3A_194 = vector.broadcast %jit3A_193 : i32 to vector<784x1024xi32>
    %select_n3A_195 = arith.select %eq3A_192, %iota3A, %broadcast_in_dim3A_194 : vector<784x1024xi1>, vector<784x1024xi32>
    %reduce_min3A_196 = arith.constant dense<2147483647> : vector<1024xi32>
    %reduce_min3A_197 = vector.multi_reduction <minsi>, %select_n3A_195, %reduce_min3A_196 [0] : vector<784x1024xi32> to vector<1024xi32>
    %broadcast_in_dim3A_198 = vector.shape_cast %reduce_min3A_197 : vector<1024xi32> to vector<1x1024xi32>
    %eq3A_199 = vector.broadcast %broadcast_in_dim3A_198 : vector<1x1024xi32> to vector<784x1024xi32>
    %eq3A_200 = arith.cmpi eq, %iota3A, %eq3A_199 : vector<784x1024xi32>
    %jit3A_201 = arith.constant 0xFF800000 : f32
    %broadcast_in_dim3A_202 = vector.broadcast %jit3A_201 : f32 to vector<784x1024xf32>
    %select_n3A_203 = arith.select %eq3A_200, %broadcast_in_dim3A_202, %select_n3A_187 : vector<784x1024xi1>, vector<784x1024xf32>
    %reduce_max3A_204 = arith.constant dense<0xFF800000> : vector<1024xf32>
    %reduce_max3A_205 = vector.multi_reduction <maximumf>, %select_n3A_203, %reduce_max3A_204 [0] : vector<784x1024xf32> to vector<1024xf32>
    %broadcast_in_dim3A_206 = vector.shape_cast %reduce_max3A_205 : vector<1024xf32> to vector<1x1024xf32>
    %eq3A_207 = vector.broadcast %broadcast_in_dim3A_206 : vector<1x1024xf32> to vector<784x1024xf32>
    %eq3A_208 = arith.cmpf oeq, %select_n3A_203, %eq3A_207 : vector<784x1024xf32>
    %jit3A_209 = arith.constant 2147483647 : i32
    %broadcast_in_dim3A_210 = vector.broadcast %jit3A_209 : i32 to vector<784x1024xi32>
    %select_n3A_211 = arith.select %eq3A_208, %iota3A, %broadcast_in_dim3A_210 : vector<784x1024xi1>, vector<784x1024xi32>
    %reduce_min3A_212 = arith.constant dense<2147483647> : vector<1024xi32>
    %reduce_min3A_213 = vector.multi_reduction <minsi>, %select_n3A_211, %reduce_min3A_212 [0] : vector<784x1024xi32> to vector<1024xi32>
    %broadcast_in_dim3A_214 = vector.shape_cast %reduce_min3A_213 : vector<1024xi32> to vector<1x1024xi32>
    %eq3A_215 = vector.broadcast %broadcast_in_dim3A_214 : vector<1x1024xi32> to vector<784x1024xi32>
    %eq3A_216 = arith.cmpi eq, %iota3A, %eq3A_215 : vector<784x1024xi32>
    %jit3A_217 = arith.constant 0xFF800000 : f32
    %broadcast_in_dim3A_218 = vector.broadcast %jit3A_217 : f32 to vector<784x1024xf32>
    %select_n3A_219 = arith.select %eq3A_216, %broadcast_in_dim3A_218, %select_n3A_203 : vector<784x1024xi1>, vector<784x1024xf32>
    %reduce_max3A_220 = arith.constant dense<0xFF800000> : vector<1024xf32>
    %reduce_max3A_221 = vector.multi_reduction <maximumf>, %select_n3A_219, %reduce_max3A_220 [0] : vector<784x1024xf32> to vector<1024xf32>
    %broadcast_in_dim3A_222 = vector.shape_cast %reduce_max3A_221 : vector<1024xf32> to vector<1x1024xf32>
    %eq3A_223 = vector.broadcast %broadcast_in_dim3A_222 : vector<1x1024xf32> to vector<784x1024xf32>
    %eq3A_224 = arith.cmpf oeq, %select_n3A_219, %eq3A_223 : vector<784x1024xf32>
    %jit3A_225 = arith.constant 2147483647 : i32
    %broadcast_in_dim3A_226 = vector.broadcast %jit3A_225 : i32 to vector<784x1024xi32>
    %select_n3A_227 = arith.select %eq3A_224, %iota3A, %broadcast_in_dim3A_226 : vector<784x1024xi1>, vector<784x1024xi32>
    %reduce_min3A_228 = arith.constant dense<2147483647> : vector<1024xi32>
    %reduce_min3A_229 = vector.multi_reduction <minsi>, %select_n3A_227, %reduce_min3A_228 [0] : vector<784x1024xi32> to vector<1024xi32>
    %broadcast_in_dim3A_230 = vector.shape_cast %reduce_min3A_229 : vector<1024xi32> to vector<1x1024xi32>
    %eq3A_231 = vector.broadcast %broadcast_in_dim3A_230 : vector<1x1024xi32> to vector<784x1024xi32>
    %eq3A_232 = arith.cmpi eq, %iota3A, %eq3A_231 : vector<784x1024xi32>
    %jit3A_233 = arith.constant 0xFF800000 : f32
    %broadcast_in_dim3A_234 = vector.broadcast %jit3A_233 : f32 to vector<784x1024xf32>
    %select_n3A_235 = arith.select %eq3A_232, %broadcast_in_dim3A_234, %select_n3A_219 : vector<784x1024xi1>, vector<784x1024xf32>
    %reduce_max3A_236 = arith.constant dense<0xFF800000> : vector<1024xf32>
    %reduce_max3A_237 = vector.multi_reduction <maximumf>, %select_n3A_235, %reduce_max3A_236 [0] : vector<784x1024xf32> to vector<1024xf32>
    %broadcast_in_dim3A_238 = vector.shape_cast %reduce_max3A_237 : vector<1024xf32> to vector<1x1024xf32>
    %eq3A_239 = vector.broadcast %broadcast_in_dim3A_238 : vector<1x1024xf32> to vector<784x1024xf32>
    %eq3A_240 = arith.cmpf oeq, %select_n3A_235, %eq3A_239 : vector<784x1024xf32>
    %jit3A_241 = arith.constant 2147483647 : i32
    %broadcast_in_dim3A_242 = vector.broadcast %jit3A_241 : i32 to vector<784x1024xi32>
    %select_n3A_243 = arith.select %eq3A_240, %iota3A, %broadcast_in_dim3A_242 : vector<784x1024xi1>, vector<784x1024xi32>
    %reduce_min3A_244 = arith.constant dense<2147483647> : vector<1024xi32>
    %reduce_min3A_245 = vector.multi_reduction <minsi>, %select_n3A_243, %reduce_min3A_244 [0] : vector<784x1024xi32> to vector<1024xi32>
    %broadcast_in_dim3A_246 = vector.shape_cast %reduce_min3A_245 : vector<1024xi32> to vector<1x1024xi32>
    %eq3A_247 = vector.broadcast %broadcast_in_dim3A_246 : vector<1x1024xi32> to vector<784x1024xi32>
    %eq3A_248 = arith.cmpi eq, %iota3A, %eq3A_247 : vector<784x1024xi32>
    %jit3A_249 = arith.constant 0xFF800000 : f32
    %broadcast_in_dim3A_250 = vector.broadcast %jit3A_249 : f32 to vector<784x1024xf32>
    %select_n3A_251 = arith.select %eq3A_248, %broadcast_in_dim3A_250, %select_n3A_235 : vector<784x1024xi1>, vector<784x1024xf32>
    %reduce_max3A_252 = arith.constant dense<0xFF800000> : vector<1024xf32>
    %reduce_max3A_253 = vector.multi_reduction <maximumf>, %select_n3A_251, %reduce_max3A_252 [0] : vector<784x1024xf32> to vector<1024xf32>
    %broadcast_in_dim3A_254 = vector.shape_cast %reduce_max3A_253 : vector<1024xf32> to vector<1x1024xf32>
    %eq3A_255 = vector.broadcast %broadcast_in_dim3A_254 : vector<1x1024xf32> to vector<784x1024xf32>
    %eq3A_256 = arith.cmpf oeq, %select_n3A_251, %eq3A_255 : vector<784x1024xf32>
    %jit3A_257 = arith.constant 2147483647 : i32
    %broadcast_in_dim3A_258 = vector.broadcast %jit3A_257 : i32 to vector<784x1024xi32>
    %select_n3A_259 = arith.select %eq3A_256, %iota3A, %broadcast_in_dim3A_258 : vector<784x1024xi1>, vector<784x1024xi32>
    %reduce_min3A_260 = arith.constant dense<2147483647> : vector<1024xi32>
    %reduce_min3A_261 = vector.multi_reduction <minsi>, %select_n3A_259, %reduce_min3A_260 [0] : vector<784x1024xi32> to vector<1024xi32>
    %broadcast_in_dim3A_262 = vector.shape_cast %reduce_min3A_261 : vector<1024xi32> to vector<1x1024xi32>
    %eq3A_263 = vector.broadcast %broadcast_in_dim3A_262 : vector<1x1024xi32> to vector<784x1024xi32>
    %eq3A_264 = arith.cmpi eq, %iota3A, %eq3A_263 : vector<784x1024xi32>
    %jit3A_265 = arith.constant 0xFF800000 : f32
    %broadcast_in_dim3A_266 = vector.broadcast %jit3A_265 : f32 to vector<784x1024xf32>
    %select_n3A_267 = arith.select %eq3A_264, %broadcast_in_dim3A_266, %select_n3A_251 : vector<784x1024xi1>, vector<784x1024xf32>
    %reduce_max3A_268 = arith.constant dense<0xFF800000> : vector<1024xf32>
    %reduce_max3A_269 = vector.multi_reduction <maximumf>, %select_n3A_267, %reduce_max3A_268 [0] : vector<784x1024xf32> to vector<1024xf32>
    %broadcast_in_dim3A_270 = vector.shape_cast %reduce_max3A_269 : vector<1024xf32> to vector<1x1024xf32>
    %eq3A_271 = vector.broadcast %broadcast_in_dim3A_270 : vector<1x1024xf32> to vector<784x1024xf32>
    %eq3A_272 = arith.cmpf oeq, %select_n3A_267, %eq3A_271 : vector<784x1024xf32>
    %jit3A_273 = arith.constant 2147483647 : i32
    %broadcast_in_dim3A_274 = vector.broadcast %jit3A_273 : i32 to vector<784x1024xi32>
    %select_n3A_275 = arith.select %eq3A_272, %iota3A, %broadcast_in_dim3A_274 : vector<784x1024xi1>, vector<784x1024xi32>
    %reduce_min3A_276 = arith.constant dense<2147483647> : vector<1024xi32>
    %reduce_min3A_277 = vector.multi_reduction <minsi>, %select_n3A_275, %reduce_min3A_276 [0] : vector<784x1024xi32> to vector<1024xi32>
    %broadcast_in_dim3A_278 = vector.shape_cast %reduce_min3A_277 : vector<1024xi32> to vector<1x1024xi32>
    %eq3A_279 = vector.broadcast %broadcast_in_dim3A_278 : vector<1x1024xi32> to vector<784x1024xi32>
    %eq3A_280 = arith.cmpi eq, %iota3A, %eq3A_279 : vector<784x1024xi32>
    %jit3A_281 = arith.constant 0xFF800000 : f32
    %broadcast_in_dim3A_282 = vector.broadcast %jit3A_281 : f32 to vector<784x1024xf32>
    %select_n3A_283 = arith.select %eq3A_280, %broadcast_in_dim3A_282, %select_n3A_267 : vector<784x1024xi1>, vector<784x1024xf32>
    %reduce_max3A_284 = arith.constant dense<0xFF800000> : vector<1024xf32>
    %reduce_max3A_285 = vector.multi_reduction <maximumf>, %select_n3A_283, %reduce_max3A_284 [0] : vector<784x1024xf32> to vector<1024xf32>
    %broadcast_in_dim3A_286 = vector.shape_cast %reduce_max3A_285 : vector<1024xf32> to vector<1x1024xf32>
    %eq3A_287 = vector.broadcast %broadcast_in_dim3A_286 : vector<1x1024xf32> to vector<784x1024xf32>
    %eq3A_288 = arith.cmpf oeq, %select_n3A_283, %eq3A_287 : vector<784x1024xf32>
    %jit3A_289 = arith.constant 2147483647 : i32
    %broadcast_in_dim3A_290 = vector.broadcast %jit3A_289 : i32 to vector<784x1024xi32>
    %select_n3A_291 = arith.select %eq3A_288, %iota3A, %broadcast_in_dim3A_290 : vector<784x1024xi1>, vector<784x1024xi32>
    %reduce_min3A_292 = arith.constant dense<2147483647> : vector<1024xi32>
    %reduce_min3A_293 = vector.multi_reduction <minsi>, %select_n3A_291, %reduce_min3A_292 [0] : vector<784x1024xi32> to vector<1024xi32>
    %broadcast_in_dim3A_294 = vector.shape_cast %reduce_min3A_293 : vector<1024xi32> to vector<1x1024xi32>
    %eq3A_295 = vector.broadcast %broadcast_in_dim3A_294 : vector<1x1024xi32> to vector<784x1024xi32>
    %eq3A_296 = arith.cmpi eq, %iota3A, %eq3A_295 : vector<784x1024xi32>
    %jit3A_297 = arith.constant 0xFF800000 : f32
    %broadcast_in_dim3A_298 = vector.broadcast %jit3A_297 : f32 to vector<784x1024xf32>
    %select_n3A_299 = arith.select %eq3A_296, %broadcast_in_dim3A_298, %select_n3A_283 : vector<784x1024xi1>, vector<784x1024xf32>
    %reduce_max3A_300 = arith.constant dense<0xFF800000> : vector<1024xf32>
    %reduce_max3A_301 = vector.multi_reduction <maximumf>, %select_n3A_299, %reduce_max3A_300 [0] : vector<784x1024xf32> to vector<1024xf32>
    %broadcast_in_dim3A_302 = vector.shape_cast %reduce_max3A_301 : vector<1024xf32> to vector<1x1024xf32>
    %eq3A_303 = vector.broadcast %broadcast_in_dim3A_302 : vector<1x1024xf32> to vector<784x1024xf32>
    %eq3A_304 = arith.cmpf oeq, %select_n3A_299, %eq3A_303 : vector<784x1024xf32>
    %jit3A_305 = arith.constant 2147483647 : i32
    %broadcast_in_dim3A_306 = vector.broadcast %jit3A_305 : i32 to vector<784x1024xi32>
    %select_n3A_307 = arith.select %eq3A_304, %iota3A, %broadcast_in_dim3A_306 : vector<784x1024xi1>, vector<784x1024xi32>
    %reduce_min3A_308 = arith.constant dense<2147483647> : vector<1024xi32>
    %reduce_min3A_309 = vector.multi_reduction <minsi>, %select_n3A_307, %reduce_min3A_308 [0] : vector<784x1024xi32> to vector<1024xi32>
    %broadcast_in_dim3A_310 = vector.shape_cast %reduce_min3A_309 : vector<1024xi32> to vector<1x1024xi32>
    %eq3A_311 = vector.broadcast %broadcast_in_dim3A_310 : vector<1x1024xi32> to vector<784x1024xi32>
    %eq3A_312 = arith.cmpi eq, %iota3A, %eq3A_311 : vector<784x1024xi32>
    %jit3A_313 = arith.constant 0xFF800000 : f32
    %broadcast_in_dim3A_314 = vector.broadcast %jit3A_313 : f32 to vector<784x1024xf32>
    %select_n3A_315 = arith.select %eq3A_312, %broadcast_in_dim3A_314, %select_n3A_299 : vector<784x1024xi1>, vector<784x1024xf32>
    %reduce_max3A_316 = arith.constant dense<0xFF800000> : vector<1024xf32>
    %reduce_max3A_317 = vector.multi_reduction <maximumf>, %select_n3A_315, %reduce_max3A_316 [0] : vector<784x1024xf32> to vector<1024xf32>
    %broadcast_in_dim3A_318 = vector.shape_cast %reduce_max3A_317 : vector<1024xf32> to vector<1x1024xf32>
    %eq3A_319 = vector.broadcast %broadcast_in_dim3A_318 : vector<1x1024xf32> to vector<784x1024xf32>
    %eq3A_320 = arith.cmpf oeq, %select_n3A_315, %eq3A_319 : vector<784x1024xf32>
    %jit3A_321 = arith.constant 2147483647 : i32
    %broadcast_in_dim3A_322 = vector.broadcast %jit3A_321 : i32 to vector<784x1024xi32>
    %select_n3A_323 = arith.select %eq3A_320, %iota3A, %broadcast_in_dim3A_322 : vector<784x1024xi1>, vector<784x1024xi32>
    %reduce_min3A_324 = arith.constant dense<2147483647> : vector<1024xi32>
    %reduce_min3A_325 = vector.multi_reduction <minsi>, %select_n3A_323, %reduce_min3A_324 [0] : vector<784x1024xi32> to vector<1024xi32>
    %broadcast_in_dim3A_326 = vector.shape_cast %reduce_min3A_325 : vector<1024xi32> to vector<1x1024xi32>
    %eq3A_327 = vector.broadcast %broadcast_in_dim3A_326 : vector<1x1024xi32> to vector<784x1024xi32>
    %eq3A_328 = arith.cmpi eq, %iota3A, %eq3A_327 : vector<784x1024xi32>
    %jit3A_329 = arith.constant 0xFF800000 : f32
    %broadcast_in_dim3A_330 = vector.broadcast %jit3A_329 : f32 to vector<784x1024xf32>
    %select_n3A_331 = arith.select %eq3A_328, %broadcast_in_dim3A_330, %select_n3A_315 : vector<784x1024xi1>, vector<784x1024xf32>
    %reduce_max3A_332 = arith.constant dense<0xFF800000> : vector<1024xf32>
    %reduce_max3A_333 = vector.multi_reduction <maximumf>, %select_n3A_331, %reduce_max3A_332 [0] : vector<784x1024xf32> to vector<1024xf32>
    %broadcast_in_dim3A_334 = vector.shape_cast %reduce_max3A_333 : vector<1024xf32> to vector<1x1024xf32>
    %eq3A_335 = vector.broadcast %broadcast_in_dim3A_334 : vector<1x1024xf32> to vector<784x1024xf32>
    %eq3A_336 = arith.cmpf oeq, %select_n3A_331, %eq3A_335 : vector<784x1024xf32>
    %jit3A_337 = arith.constant 2147483647 : i32
    %broadcast_in_dim3A_338 = vector.broadcast %jit3A_337 : i32 to vector<784x1024xi32>
    %select_n3A_339 = arith.select %eq3A_336, %iota3A, %broadcast_in_dim3A_338 : vector<784x1024xi1>, vector<784x1024xi32>
    %reduce_min3A_340 = arith.constant dense<2147483647> : vector<1024xi32>
    %reduce_min3A_341 = vector.multi_reduction <minsi>, %select_n3A_339, %reduce_min3A_340 [0] : vector<784x1024xi32> to vector<1024xi32>
    %broadcast_in_dim3A_342 = vector.shape_cast %reduce_min3A_341 : vector<1024xi32> to vector<1x1024xi32>
    %eq3A_343 = vector.broadcast %broadcast_in_dim3A_342 : vector<1x1024xi32> to vector<784x1024xi32>
    %eq3A_344 = arith.cmpi eq, %iota3A, %eq3A_343 : vector<784x1024xi32>
    %jit3A_345 = arith.constant 0xFF800000 : f32
    %broadcast_in_dim3A_346 = vector.broadcast %jit3A_345 : f32 to vector<784x1024xf32>
    %select_n3A_347 = arith.select %eq3A_344, %broadcast_in_dim3A_346, %select_n3A_331 : vector<784x1024xi1>, vector<784x1024xf32>
    %reduce_max3A_348 = arith.constant dense<0xFF800000> : vector<1024xf32>
    %reduce_max3A_349 = vector.multi_reduction <maximumf>, %select_n3A_347, %reduce_max3A_348 [0] : vector<784x1024xf32> to vector<1024xf32>
    %broadcast_in_dim3A_350 = vector.shape_cast %reduce_max3A_349 : vector<1024xf32> to vector<1x1024xf32>
    %eq3A_351 = vector.broadcast %broadcast_in_dim3A_350 : vector<1x1024xf32> to vector<784x1024xf32>
    %eq3A_352 = arith.cmpf oeq, %select_n3A_347, %eq3A_351 : vector<784x1024xf32>
    %jit3A_353 = arith.constant 2147483647 : i32
    %broadcast_in_dim3A_354 = vector.broadcast %jit3A_353 : i32 to vector<784x1024xi32>
    %select_n3A_355 = arith.select %eq3A_352, %iota3A, %broadcast_in_dim3A_354 : vector<784x1024xi1>, vector<784x1024xi32>
    %reduce_min3A_356 = arith.constant dense<2147483647> : vector<1024xi32>
    %reduce_min3A_357 = vector.multi_reduction <minsi>, %select_n3A_355, %reduce_min3A_356 [0] : vector<784x1024xi32> to vector<1024xi32>
    %broadcast_in_dim3A_358 = vector.shape_cast %reduce_min3A_357 : vector<1024xi32> to vector<1x1024xi32>
    %eq3A_359 = vector.broadcast %broadcast_in_dim3A_358 : vector<1x1024xi32> to vector<784x1024xi32>
    %eq3A_360 = arith.cmpi eq, %iota3A, %eq3A_359 : vector<784x1024xi32>
    %jit3A_361 = arith.constant 0xFF800000 : f32
    %broadcast_in_dim3A_362 = vector.broadcast %jit3A_361 : f32 to vector<784x1024xf32>
    %select_n3A_363 = arith.select %eq3A_360, %broadcast_in_dim3A_362, %select_n3A_347 : vector<784x1024xi1>, vector<784x1024xf32>
    %reduce_max3A_364 = arith.constant dense<0xFF800000> : vector<1024xf32>
    %reduce_max3A_365 = vector.multi_reduction <maximumf>, %select_n3A_363, %reduce_max3A_364 [0] : vector<784x1024xf32> to vector<1024xf32>
    %broadcast_in_dim3A_366 = vector.shape_cast %reduce_max3A_365 : vector<1024xf32> to vector<1x1024xf32>
    %eq3A_367 = vector.broadcast %broadcast_in_dim3A_366 : vector<1x1024xf32> to vector<784x1024xf32>
    %eq3A_368 = arith.cmpf oeq, %select_n3A_363, %eq3A_367 : vector<784x1024xf32>
    %jit3A_369 = arith.constant 2147483647 : i32
    %broadcast_in_dim3A_370 = vector.broadcast %jit3A_369 : i32 to vector<784x1024xi32>
    %select_n3A_371 = arith.select %eq3A_368, %iota3A, %broadcast_in_dim3A_370 : vector<784x1024xi1>, vector<784x1024xi32>
    %reduce_min3A_372 = arith.constant dense<2147483647> : vector<1024xi32>
    %reduce_min3A_373 = vector.multi_reduction <minsi>, %select_n3A_371, %reduce_min3A_372 [0] : vector<784x1024xi32> to vector<1024xi32>
    %broadcast_in_dim3A_374 = vector.shape_cast %reduce_min3A_373 : vector<1024xi32> to vector<1x1024xi32>
    %eq3A_375 = vector.broadcast %broadcast_in_dim3A_374 : vector<1x1024xi32> to vector<784x1024xi32>
    %eq3A_376 = arith.cmpi eq, %iota3A, %eq3A_375 : vector<784x1024xi32>
    %jit3A_377 = arith.constant 0xFF800000 : f32
    %broadcast_in_dim3A_378 = vector.broadcast %jit3A_377 : f32 to vector<784x1024xf32>
    %select_n3A_379 = arith.select %eq3A_376, %broadcast_in_dim3A_378, %select_n3A_363 : vector<784x1024xi1>, vector<784x1024xf32>
    %reduce_max3A_380 = arith.constant dense<0xFF800000> : vector<1024xf32>
    %reduce_max3A_381 = vector.multi_reduction <maximumf>, %select_n3A_379, %reduce_max3A_380 [0] : vector<784x1024xf32> to vector<1024xf32>
    %broadcast_in_dim3A_382 = vector.shape_cast %reduce_max3A_381 : vector<1024xf32> to vector<1x1024xf32>
    %eq3A_383 = vector.broadcast %broadcast_in_dim3A_382 : vector<1x1024xf32> to vector<784x1024xf32>
    %eq3A_384 = arith.cmpf oeq, %select_n3A_379, %eq3A_383 : vector<784x1024xf32>
    %jit3A_385 = arith.constant 2147483647 : i32
    %broadcast_in_dim3A_386 = vector.broadcast %jit3A_385 : i32 to vector<784x1024xi32>
    %select_n3A_387 = arith.select %eq3A_384, %iota3A, %broadcast_in_dim3A_386 : vector<784x1024xi1>, vector<784x1024xi32>
    %reduce_min3A_388 = arith.constant dense<2147483647> : vector<1024xi32>
    %reduce_min3A_389 = vector.multi_reduction <minsi>, %select_n3A_387, %reduce_min3A_388 [0] : vector<784x1024xi32> to vector<1024xi32>
    %broadcast_in_dim3A_390 = vector.shape_cast %reduce_min3A_389 : vector<1024xi32> to vector<1x1024xi32>
    %eq3A_391 = vector.broadcast %broadcast_in_dim3A_390 : vector<1x1024xi32> to vector<784x1024xi32>
    %eq3A_392 = arith.cmpi eq, %iota3A, %eq3A_391 : vector<784x1024xi32>
    %jit3A_393 = arith.constant 0xFF800000 : f32
    %broadcast_in_dim3A_394 = vector.broadcast %jit3A_393 : f32 to vector<784x1024xf32>
    %select_n3A_395 = arith.select %eq3A_392, %broadcast_in_dim3A_394, %select_n3A_379 : vector<784x1024xi1>, vector<784x1024xf32>
    %reduce_max3A_396 = arith.constant dense<0xFF800000> : vector<1024xf32>
    %reduce_max3A_397 = vector.multi_reduction <maximumf>, %select_n3A_395, %reduce_max3A_396 [0] : vector<784x1024xf32> to vector<1024xf32>
    %broadcast_in_dim3A_398 = vector.shape_cast %reduce_max3A_397 : vector<1024xf32> to vector<1x1024xf32>
    %eq3A_399 = vector.broadcast %broadcast_in_dim3A_398 : vector<1x1024xf32> to vector<784x1024xf32>
    %eq3A_400 = arith.cmpf oeq, %select_n3A_395, %eq3A_399 : vector<784x1024xf32>
    %jit3A_401 = arith.constant 2147483647 : i32
    %broadcast_in_dim3A_402 = vector.broadcast %jit3A_401 : i32 to vector<784x1024xi32>
    %select_n3A_403 = arith.select %eq3A_400, %iota3A, %broadcast_in_dim3A_402 : vector<784x1024xi1>, vector<784x1024xi32>
    %reduce_min3A_404 = arith.constant dense<2147483647> : vector<1024xi32>
    %reduce_min3A_405 = vector.multi_reduction <minsi>, %select_n3A_403, %reduce_min3A_404 [0] : vector<784x1024xi32> to vector<1024xi32>
    %broadcast_in_dim3A_406 = vector.shape_cast %reduce_min3A_405 : vector<1024xi32> to vector<1x1024xi32>
    %eq3A_407 = vector.broadcast %broadcast_in_dim3A_406 : vector<1x1024xi32> to vector<784x1024xi32>
    %eq3A_408 = arith.cmpi eq, %iota3A, %eq3A_407 : vector<784x1024xi32>
    %jit3A_409 = arith.constant 0xFF800000 : f32
    %broadcast_in_dim3A_410 = vector.broadcast %jit3A_409 : f32 to vector<784x1024xf32>
    %select_n3A_411 = arith.select %eq3A_408, %broadcast_in_dim3A_410, %select_n3A_395 : vector<784x1024xi1>, vector<784x1024xf32>
    %reduce_max3A_412 = arith.constant dense<0xFF800000> : vector<1024xf32>
    %reduce_max3A_413 = vector.multi_reduction <maximumf>, %select_n3A_411, %reduce_max3A_412 [0] : vector<784x1024xf32> to vector<1024xf32>
    %broadcast_in_dim3A_414 = vector.shape_cast %reduce_max3A_413 : vector<1024xf32> to vector<1x1024xf32>
    %eq3A_415 = vector.broadcast %broadcast_in_dim3A_414 : vector<1x1024xf32> to vector<784x1024xf32>
    %eq3A_416 = arith.cmpf oeq, %select_n3A_411, %eq3A_415 : vector<784x1024xf32>
    %jit3A_417 = arith.constant 2147483647 : i32
    %broadcast_in_dim3A_418 = vector.broadcast %jit3A_417 : i32 to vector<784x1024xi32>
    %select_n3A_419 = arith.select %eq3A_416, %iota3A, %broadcast_in_dim3A_418 : vector<784x1024xi1>, vector<784x1024xi32>
    %reduce_min3A_420 = arith.constant dense<2147483647> : vector<1024xi32>
    %reduce_min3A_421 = vector.multi_reduction <minsi>, %select_n3A_419, %reduce_min3A_420 [0] : vector<784x1024xi32> to vector<1024xi32>
    %broadcast_in_dim3A_422 = vector.shape_cast %reduce_min3A_421 : vector<1024xi32> to vector<1x1024xi32>
    %eq3A_423 = vector.broadcast %broadcast_in_dim3A_422 : vector<1x1024xi32> to vector<784x1024xi32>
    %eq3A_424 = arith.cmpi eq, %iota3A, %eq3A_423 : vector<784x1024xi32>
    %jit3A_425 = arith.constant 0xFF800000 : f32
    %broadcast_in_dim3A_426 = vector.broadcast %jit3A_425 : f32 to vector<784x1024xf32>
    %select_n3A_427 = arith.select %eq3A_424, %broadcast_in_dim3A_426, %select_n3A_411 : vector<784x1024xi1>, vector<784x1024xf32>
    %reduce_max3A_428 = arith.constant dense<0xFF800000> : vector<1024xf32>
    %reduce_max3A_429 = vector.multi_reduction <maximumf>, %select_n3A_427, %reduce_max3A_428 [0] : vector<784x1024xf32> to vector<1024xf32>
    %broadcast_in_dim3A_430 = vector.shape_cast %reduce_max3A_429 : vector<1024xf32> to vector<1x1024xf32>
    %eq3A_431 = vector.broadcast %broadcast_in_dim3A_430 : vector<1x1024xf32> to vector<784x1024xf32>
    %eq3A_432 = arith.cmpf oeq, %select_n3A_427, %eq3A_431 : vector<784x1024xf32>
    %jit3A_433 = arith.constant 2147483647 : i32
    %broadcast_in_dim3A_434 = vector.broadcast %jit3A_433 : i32 to vector<784x1024xi32>
    %select_n3A_435 = arith.select %eq3A_432, %iota3A, %broadcast_in_dim3A_434 : vector<784x1024xi1>, vector<784x1024xi32>
    %reduce_min3A_436 = arith.constant dense<2147483647> : vector<1024xi32>
    %reduce_min3A_437 = vector.multi_reduction <minsi>, %select_n3A_435, %reduce_min3A_436 [0] : vector<784x1024xi32> to vector<1024xi32>
    %broadcast_in_dim3A_438 = vector.shape_cast %reduce_min3A_437 : vector<1024xi32> to vector<1x1024xi32>
    %eq3A_439 = vector.broadcast %broadcast_in_dim3A_438 : vector<1x1024xi32> to vector<784x1024xi32>
    %eq3A_440 = arith.cmpi eq, %iota3A, %eq3A_439 : vector<784x1024xi32>
    %jit3A_441 = arith.constant 0xFF800000 : f32
    %broadcast_in_dim3A_442 = vector.broadcast %jit3A_441 : f32 to vector<784x1024xf32>
    %select_n3A_443 = arith.select %eq3A_440, %broadcast_in_dim3A_442, %select_n3A_427 : vector<784x1024xi1>, vector<784x1024xf32>
    %reduce_max3A_444 = arith.constant dense<0xFF800000> : vector<1024xf32>
    %reduce_max3A_445 = vector.multi_reduction <maximumf>, %select_n3A_443, %reduce_max3A_444 [0] : vector<784x1024xf32> to vector<1024xf32>
    %broadcast_in_dim3A_446 = vector.shape_cast %reduce_max3A_445 : vector<1024xf32> to vector<1x1024xf32>
    %eq3A_447 = vector.broadcast %broadcast_in_dim3A_446 : vector<1x1024xf32> to vector<784x1024xf32>
    %eq3A_448 = arith.cmpf oeq, %select_n3A_443, %eq3A_447 : vector<784x1024xf32>
    %jit3A_449 = arith.constant 2147483647 : i32
    %broadcast_in_dim3A_450 = vector.broadcast %jit3A_449 : i32 to vector<784x1024xi32>
    %select_n3A_451 = arith.select %eq3A_448, %iota3A, %broadcast_in_dim3A_450 : vector<784x1024xi1>, vector<784x1024xi32>
    %reduce_min3A_452 = arith.constant dense<2147483647> : vector<1024xi32>
    %reduce_min3A_453 = vector.multi_reduction <minsi>, %select_n3A_451, %reduce_min3A_452 [0] : vector<784x1024xi32> to vector<1024xi32>
    %broadcast_in_dim3A_454 = vector.shape_cast %reduce_min3A_453 : vector<1024xi32> to vector<1x1024xi32>
    %eq3A_455 = vector.broadcast %broadcast_in_dim3A_454 : vector<1x1024xi32> to vector<784x1024xi32>
    %eq3A_456 = arith.cmpi eq, %iota3A, %eq3A_455 : vector<784x1024xi32>
    %jit3A_457 = arith.constant 0xFF800000 : f32
    %broadcast_in_dim3A_458 = vector.broadcast %jit3A_457 : f32 to vector<784x1024xf32>
    %select_n3A_459 = arith.select %eq3A_456, %broadcast_in_dim3A_458, %select_n3A_443 : vector<784x1024xi1>, vector<784x1024xf32>
    %reduce_max3A_460 = arith.constant dense<0xFF800000> : vector<1024xf32>
    %reduce_max3A_461 = vector.multi_reduction <maximumf>, %select_n3A_459, %reduce_max3A_460 [0] : vector<784x1024xf32> to vector<1024xf32>
    %broadcast_in_dim3A_462 = vector.shape_cast %reduce_max3A_461 : vector<1024xf32> to vector<1x1024xf32>
    %eq3A_463 = vector.broadcast %broadcast_in_dim3A_462 : vector<1x1024xf32> to vector<784x1024xf32>
    %eq3A_464 = arith.cmpf oeq, %select_n3A_459, %eq3A_463 : vector<784x1024xf32>
    %jit3A_465 = arith.constant 2147483647 : i32
    %broadcast_in_dim3A_466 = vector.broadcast %jit3A_465 : i32 to vector<784x1024xi32>
    %select_n3A_467 = arith.select %eq3A_464, %iota3A, %broadcast_in_dim3A_466 : vector<784x1024xi1>, vector<784x1024xi32>
    %reduce_min3A_468 = arith.constant dense<2147483647> : vector<1024xi32>
    %reduce_min3A_469 = vector.multi_reduction <minsi>, %select_n3A_467, %reduce_min3A_468 [0] : vector<784x1024xi32> to vector<1024xi32>
    %broadcast_in_dim3A_470 = vector.shape_cast %reduce_min3A_469 : vector<1024xi32> to vector<1x1024xi32>
    %eq3A_471 = vector.broadcast %broadcast_in_dim3A_470 : vector<1x1024xi32> to vector<784x1024xi32>
    %eq3A_472 = arith.cmpi eq, %iota3A, %eq3A_471 : vector<784x1024xi32>
    %jit3A_473 = arith.constant 0xFF800000 : f32
    %broadcast_in_dim3A_474 = vector.broadcast %jit3A_473 : f32 to vector<784x1024xf32>
    %select_n3A_475 = arith.select %eq3A_472, %broadcast_in_dim3A_474, %select_n3A_459 : vector<784x1024xi1>, vector<784x1024xf32>
    %reduce_max3A_476 = arith.constant dense<0xFF800000> : vector<1024xf32>
    %reduce_max3A_477 = vector.multi_reduction <maximumf>, %select_n3A_475, %reduce_max3A_476 [0] : vector<784x1024xf32> to vector<1024xf32>
    %broadcast_in_dim3A_478 = vector.shape_cast %reduce_max3A_477 : vector<1024xf32> to vector<1x1024xf32>
    %eq3A_479 = vector.broadcast %broadcast_in_dim3A_478 : vector<1x1024xf32> to vector<784x1024xf32>
    %eq3A_480 = arith.cmpf oeq, %select_n3A_475, %eq3A_479 : vector<784x1024xf32>
    %jit3A_481 = arith.constant 2147483647 : i32
    %broadcast_in_dim3A_482 = vector.broadcast %jit3A_481 : i32 to vector<784x1024xi32>
    %select_n3A_483 = arith.select %eq3A_480, %iota3A, %broadcast_in_dim3A_482 : vector<784x1024xi1>, vector<784x1024xi32>
    %reduce_min3A_484 = arith.constant dense<2147483647> : vector<1024xi32>
    %reduce_min3A_485 = vector.multi_reduction <minsi>, %select_n3A_483, %reduce_min3A_484 [0] : vector<784x1024xi32> to vector<1024xi32>
    %broadcast_in_dim3A_486 = vector.shape_cast %reduce_min3A_485 : vector<1024xi32> to vector<1x1024xi32>
    %eq3A_487 = vector.broadcast %broadcast_in_dim3A_486 : vector<1x1024xi32> to vector<784x1024xi32>
    %eq3A_488 = arith.cmpi eq, %iota3A, %eq3A_487 : vector<784x1024xi32>
    %jit3A_489 = arith.constant 0xFF800000 : f32
    %broadcast_in_dim3A_490 = vector.broadcast %jit3A_489 : f32 to vector<784x1024xf32>
    %select_n3A_491 = arith.select %eq3A_488, %broadcast_in_dim3A_490, %select_n3A_475 : vector<784x1024xi1>, vector<784x1024xf32>
    %reduce_max3A_492 = arith.constant dense<0xFF800000> : vector<1024xf32>
    %reduce_max3A_493 = vector.multi_reduction <maximumf>, %select_n3A_491, %reduce_max3A_492 [0] : vector<784x1024xf32> to vector<1024xf32>
    %broadcast_in_dim3A_494 = vector.shape_cast %reduce_max3A_493 : vector<1024xf32> to vector<1x1024xf32>
    %eq3A_495 = vector.broadcast %broadcast_in_dim3A_494 : vector<1x1024xf32> to vector<784x1024xf32>
    %eq3A_496 = arith.cmpf oeq, %select_n3A_491, %eq3A_495 : vector<784x1024xf32>
    %jit3A_497 = arith.constant 2147483647 : i32
    %broadcast_in_dim3A_498 = vector.broadcast %jit3A_497 : i32 to vector<784x1024xi32>
    %select_n3A_499 = arith.select %eq3A_496, %iota3A, %broadcast_in_dim3A_498 : vector<784x1024xi1>, vector<784x1024xi32>
    %reduce_min3A_500 = arith.constant dense<2147483647> : vector<1024xi32>
    %reduce_min3A_501 = vector.multi_reduction <minsi>, %select_n3A_499, %reduce_min3A_500 [0] : vector<784x1024xi32> to vector<1024xi32>
    %broadcast_in_dim3A_502 = vector.shape_cast %reduce_min3A_501 : vector<1024xi32> to vector<1x1024xi32>
    %concatenate3A = tpu.concatenate %broadcast_in_dim3A_6, %broadcast_in_dim3A_22, %broadcast_in_dim3A_38, %broadcast_in_dim3A_54, %broadcast_in_dim3A_70, %broadcast_in_dim3A_86, %broadcast_in_dim3A_102, %broadcast_in_dim3A_118, %broadcast_in_dim3A_134, %broadcast_in_dim3A_150, %broadcast_in_dim3A_166, %broadcast_in_dim3A_182, %broadcast_in_dim3A_198, %broadcast_in_dim3A_214, %broadcast_in_dim3A_230, %broadcast_in_dim3A_246, %broadcast_in_dim3A_262, %broadcast_in_dim3A_278, %broadcast_in_dim3A_294, %broadcast_in_dim3A_310, %broadcast_in_dim3A_326, %broadcast_in_dim3A_342, %broadcast_in_dim3A_358, %broadcast_in_dim3A_374, %broadcast_in_dim3A_390, %broadcast_in_dim3A_406, %broadcast_in_dim3A_422, %broadcast_in_dim3A_438, %broadcast_in_dim3A_454, %broadcast_in_dim3A_470, %broadcast_in_dim3A_486, %broadcast_in_dim3A_502 in 0 : vector<1x1024xi32>, vector<1x1024xi32>, vector<1x1024xi32>, vector<1x1024xi32>, vector<1x1024xi32>, vector<1x1024xi32>, vector<1x1024xi32>, vector<1x1024xi32>, vector<1x1024xi32>, vector<1x1024xi32>, vector<1x1024xi32>, vector<1x1024xi32>, vector<1x1024xi32>, vector<1x1024xi32>, vector<1x1024xi32>, vector<1x1024xi32>, vector<1x1024xi32>, vector<1x1024xi32>, vector<1x1024xi32>, vector<1x1024xi32>, vector<1x1024xi32>, vector<1x1024xi32>, vector<1x1024xi32>, vector<1x1024xi32>, vector<1x1024xi32>, vector<1x1024xi32>, vector<1x1024xi32>, vector<1x1024xi32>, vector<1x1024xi32>, vector<1x1024xi32>, vector<1x1024xi32>, vector<1x1024xi32> -> vector<32x1024xi32>
    %iota3A_503 = tpu.iota {dimensions = array<i32: 1>} : vector<32x1024xi32>
    %jit3A_504 = arith.constant 8 : i32
    %div3A = vector.broadcast %jit3A_504 : i32 to vector<32x1024xi32>
    %div3A_505 = arith.divsi %iota3A_503, %div3A : vector<32x1024xi32>
    %sign3A = arith.constant 0 : i32
    %sign3A_506 = vector.broadcast %sign3A : i32 to vector<32x1024xi32>
    %sign3A_507 = arith.cmpi sgt, %iota3A_503, %sign3A_506 : vector<32x1024xi32>
    %sign3A_508 = arith.extui %sign3A_507 : vector<32x1024xi1> to vector<32x1024xi32>
    %sign3A_509 = arith.constant 0 : i32
    %sign3A_510 = vector.broadcast %sign3A_509 : i32 to vector<32x1024xi32>
    %sign3A_511 = arith.cmpi slt, %iota3A_503, %sign3A_510 : vector<32x1024xi32>
    %sign3A_512 = arith.extui %sign3A_511 : vector<32x1024xi1> to vector<32x1024xi32>
    %sign3A_513 = arith.subi %sign3A_508, %sign3A_512 : vector<32x1024xi32>
    %sign3A_514 = arith.constant 0 : i32
    %sign3A_515 = arith.cmpi sgt, %jit3A_504, %sign3A_514 : i32
    %sign3A_516 = arith.extui %sign3A_515 : i1 to i32
    %sign3A_517 = arith.constant 0 : i32
    %sign3A_518 = arith.cmpi slt, %jit3A_504, %sign3A_517 : i32
    %sign3A_519 = arith.extui %sign3A_518 : i1 to i32
    %sign3A_520 = arith.subi %sign3A_516, %sign3A_519 : i32
    %ne3A = vector.broadcast %sign3A_520 : i32 to vector<32x1024xi32>
    %ne3A_521 = arith.cmpi ne, %sign3A_513, %ne3A : vector<32x1024xi32>
    %rem3A = vector.broadcast %jit3A_504 : i32 to vector<32x1024xi32>
    %rem3A_522 = arith.remsi %iota3A_503, %rem3A : vector<32x1024xi32>
    %ne3A_523 = arith.constant 0 : i32
    %ne3A_524 = vector.broadcast %ne3A_523 : i32 to vector<32x1024xi32>
    %ne3A_525 = arith.cmpi ne, %rem3A_522, %ne3A_524 : vector<32x1024xi32>
    %and3A = arith.andi %ne3A_521, %ne3A_525 : vector<32x1024xi1>
    %sub3A = arith.constant 1 : i32
    %sub3A_526 = vector.broadcast %sub3A : i32 to vector<32x1024xi32>
    %sub3A_527 = arith.subi %div3A_505, %sub3A_526 : vector<32x1024xi32>
    %select_n3A_528 = arith.select %and3A, %sub3A_527, %div3A_505 : vector<32x1024xi1>, vector<32x1024xi32>
    %mul3A = arith.constant 6272 : i32
    %mul3A_529 = vector.broadcast %mul3A : i32 to vector<32x1024xi32>
    %mul3A_530 = arith.muli %select_n3A_528, %mul3A_529 : vector<32x1024xi32>
    %mul3A_531 = arith.constant 8 : i32
    %mul3A_532 = vector.broadcast %mul3A_531 : i32 to vector<32x1024xi32>
    %mul3A_533 = arith.muli %concatenate3A, %mul3A_532 : vector<32x1024xi32>
    %add3A = arith.addi %mul3A_530, %mul3A_533 : vector<32x1024xi32>
    %jit3A_534 = arith.constant 8 : i32
    %eq3A_535 = arith.constant 0 : i32
    %eq3A_536 = arith.cmpi eq, %jit3A_534, %eq3A_535 : i32
    %jit3A_537 = arith.constant 1 : i32
    %select_n3A_538 = arith.select %eq3A_536, %jit3A_537, %jit3A_534 : i32
    %rem3A_539 = vector.broadcast %select_n3A_538 : i32 to vector<32x1024xi32>
    %rem3A_540 = arith.remsi %iota3A_503, %rem3A_539 : vector<32x1024xi32>
    %ne3A_541 = arith.constant 0 : i32
    %ne3A_542 = vector.broadcast %ne3A_541 : i32 to vector<32x1024xi32>
    %ne3A_543 = arith.cmpi ne, %rem3A_540, %ne3A_542 : vector<32x1024xi32>
    %lt3A = arith.constant 0 : i32
    %lt3A_544 = vector.broadcast %lt3A : i32 to vector<32x1024xi32>
    %lt3A_545 = arith.cmpi slt, %rem3A_540, %lt3A_544 : vector<32x1024xi32>
    %lt3A_546 = arith.constant 0 : i32
    %lt3A_547 = arith.cmpi slt, %select_n3A_538, %lt3A_546 : i32
    %ne3A_548 = vector.broadcast %lt3A_547 : i1 to vector<32x1024xi1>
    %ne3A_549 = vector.broadcast %ne3A_548 : vector<32x1024xi1> to vector<32x1024xi1>
    %ne3A_550 = arith.xori %lt3A_545, %ne3A_549 : vector<32x1024xi1>
    %and3A_551 = arith.andi %ne3A_550, %ne3A_543 : vector<32x1024xi1>
    %add3A_552 = vector.broadcast %select_n3A_538 : i32 to vector<32x1024xi32>
    %add3A_553 = arith.addi %rem3A_540, %add3A_552 : vector<32x1024xi32>
    %select_n3A_554 = arith.select %and3A_551, %add3A_553, %rem3A_540 : vector<32x1024xi1>, vector<32x1024xi32>
    %add3A_555 = arith.addi %add3A, %select_n3A_554 : vector<32x1024xi32>
    %swap3A = arith.constant 0 : index
    %swap3A_556 = arith.constant 0 : index
    %swap3A_557 = vector.load %arg1[%swap3A, %swap3A_556] : memref<32x1024xi32, #tpu.memory_space<vmem>>, vector<32x1024xi32>
    tpu.vector_store %arg1[%swap3A, %swap3A_556], %add3A_555 {strides = array<i32>} : memref<32x1024xi32, #tpu.memory_space<vmem>>, vector<32x1024xi32>,
    %swap3A_558 = arith.constant 0 : index
    %swap3A_559 = arith.constant 0 : index
    %swap3A_560 = vector.load %arg2[%swap3A_558, %swap3A_559] : memref<32x1024xi32, #tpu.memory_space<vmem>>, vector<32x1024xi32>
    tpu.vector_store %arg2[%swap3A_558, %swap3A_559], %concatenate3A {strides = array<i32>} : memref<32x1024xi32, #tpu.memory_space<vmem>>, vector<32x1024xi32>,
    return
  }
}

module attributes {stable_mosaic.version = 14 : i64} {
  func.func @_sims_chunkmax_body(%arg0: i32, %arg1: memref<1024x128xf32, #tpu.memory_space<vmem>>, %arg2: memref<2048x128xf32, #tpu.memory_space<vmem>>, %arg3: memref<128x16x8x128xf32, #tpu.memory_space<vmem>>, %arg4: memref<1x1024x16xf32, #tpu.memory_space<vmem>>) attributes {dimension_semantics = [#tpu.dimension_semantics<arbitrary>], iteration_bounds = array<i64: 49>, scalar_prefetch = 0 : i64, scratch_operands = 0 : i64, tpu.core_type = #tpu.core_type<tc>, window_params = [{pipeline_mode = #tpu.pipeline_mode<synchronous>, transform_indices = @transform_0, window_bounds = array<i64: 1024, 128>}, {transform_indices = @transform_1, window_bounds = array<i64: 2048, 128>}, {transform_indices = @transform_2, window_bounds = array<i64: 128, 16, 8, 128>}, {transform_indices = @transform_3, window_bounds = array<i64: 1, 1024, 16>}]} {
    %get3A = arith.constant 0 : index
    %get3A_0 = arith.constant 0 : index
    %get3A_1 = vector.load %arg1[%get3A, %get3A_0] : memref<1024x128xf32, #tpu.memory_space<vmem>>, vector<1024x128xf32>
    %get3A_2 = arith.constant 0 : index
    %get3A_3 = arith.constant 0 : index
    %get3A_4 = vector.load %arg2[%get3A_2, %get3A_3] : memref<2048x128xf32, #tpu.memory_space<vmem>>, vector<2048x128xf32>
    %dot_general3A = arith.constant dense<0.000000e+00> : vector<1024x2048xf32>
    %dot_general3A_5 = tpu.matmul %get3A_1, %get3A_4, %dot_general3A {dimension_numbers = #tpu.dot_dimension_numbers<[1], [1], [0], [0], [0, 0, 1, 0], [], []>, transpose_lhs_hint = false} : vector<1024x128xf32>, vector<2048x128xf32>, vector<1024x2048xf32> -> vector<1024x2048xf32>
    %reshape3A = vector.shape_cast %dot_general3A_5 : vector<1024x2048xf32> to vector<128x8x2048xf32>
    %slice3A = vector.extract_strided_slice %reshape3A {offsets = [0, 0, 0], sizes = [128, 8, 128], strides = [1, 1, 1]} : vector<128x8x2048xf32> to vector<128x8x128xf32>
    %swap3A = arith.constant 0 : index
    %swap3A_6 = arith.constant 0 : index
    %swap3A_7 = arith.constant 0 : index
    %swap3A_8 = arith.constant 0 : index
    %swap3A_9 = vector.load %arg3[%swap3A, %swap3A_6, %swap3A_7, %swap3A_8] : memref<128x16x8x128xf32, #tpu.memory_space<vmem>>, vector<128x1x8x128xf32>
    %swap3A_10 = vector.shape_cast %swap3A_9 : vector<128x1x8x128xf32> to vector<128x8x128xf32>
    %swap3A_11 = vector.shape_cast %slice3A : vector<128x8x128xf32> to vector<128x1x8x128xf32>
    tpu.vector_store %arg3[%swap3A, %swap3A_6, %swap3A_7, %swap3A_8], %swap3A_11 {strides = array<i32>} : memref<128x16x8x128xf32, #tpu.memory_space<vmem>>, vector<128x1x8x128xf32>,
    %slice3A_12 = vector.extract_strided_slice %reshape3A {offsets = [0, 0, 128], sizes = [128, 8, 128], strides = [1, 1, 1]} : vector<128x8x2048xf32> to vector<128x8x128xf32>
    %swap3A_13 = arith.constant 0 : index
    %swap3A_14 = arith.constant 1 : index
    %swap3A_15 = arith.constant 0 : index
    %swap3A_16 = arith.constant 0 : index
    %swap3A_17 = vector.load %arg3[%swap3A_13, %swap3A_14, %swap3A_15, %swap3A_16] : memref<128x16x8x128xf32, #tpu.memory_space<vmem>>, vector<128x1x8x128xf32>
    %swap3A_18 = vector.shape_cast %swap3A_17 : vector<128x1x8x128xf32> to vector<128x8x128xf32>
    %swap3A_19 = vector.shape_cast %slice3A_12 : vector<128x8x128xf32> to vector<128x1x8x128xf32>
    tpu.vector_store %arg3[%swap3A_13, %swap3A_14, %swap3A_15, %swap3A_16], %swap3A_19 {strides = array<i32>} : memref<128x16x8x128xf32, #tpu.memory_space<vmem>>, vector<128x1x8x128xf32>,
    %slice3A_20 = vector.extract_strided_slice %reshape3A {offsets = [0, 0, 256], sizes = [128, 8, 128], strides = [1, 1, 1]} : vector<128x8x2048xf32> to vector<128x8x128xf32>
    %swap3A_21 = arith.constant 0 : index
    %swap3A_22 = arith.constant 2 : index
    %swap3A_23 = arith.constant 0 : index
    %swap3A_24 = arith.constant 0 : index
    %swap3A_25 = vector.load %arg3[%swap3A_21, %swap3A_22, %swap3A_23, %swap3A_24] : memref<128x16x8x128xf32, #tpu.memory_space<vmem>>, vector<128x1x8x128xf32>
    %swap3A_26 = vector.shape_cast %swap3A_25 : vector<128x1x8x128xf32> to vector<128x8x128xf32>
    %swap3A_27 = vector.shape_cast %slice3A_20 : vector<128x8x128xf32> to vector<128x1x8x128xf32>
    tpu.vector_store %arg3[%swap3A_21, %swap3A_22, %swap3A_23, %swap3A_24], %swap3A_27 {strides = array<i32>} : memref<128x16x8x128xf32, #tpu.memory_space<vmem>>, vector<128x1x8x128xf32>,
    %slice3A_28 = vector.extract_strided_slice %reshape3A {offsets = [0, 0, 384], sizes = [128, 8, 128], strides = [1, 1, 1]} : vector<128x8x2048xf32> to vector<128x8x128xf32>
    %swap3A_29 = arith.constant 0 : index
    %swap3A_30 = arith.constant 3 : index
    %swap3A_31 = arith.constant 0 : index
    %swap3A_32 = arith.constant 0 : index
    %swap3A_33 = vector.load %arg3[%swap3A_29, %swap3A_30, %swap3A_31, %swap3A_32] : memref<128x16x8x128xf32, #tpu.memory_space<vmem>>, vector<128x1x8x128xf32>
    %swap3A_34 = vector.shape_cast %swap3A_33 : vector<128x1x8x128xf32> to vector<128x8x128xf32>
    %swap3A_35 = vector.shape_cast %slice3A_28 : vector<128x8x128xf32> to vector<128x1x8x128xf32>
    tpu.vector_store %arg3[%swap3A_29, %swap3A_30, %swap3A_31, %swap3A_32], %swap3A_35 {strides = array<i32>} : memref<128x16x8x128xf32, #tpu.memory_space<vmem>>, vector<128x1x8x128xf32>,
    %slice3A_36 = vector.extract_strided_slice %reshape3A {offsets = [0, 0, 512], sizes = [128, 8, 128], strides = [1, 1, 1]} : vector<128x8x2048xf32> to vector<128x8x128xf32>
    %swap3A_37 = arith.constant 0 : index
    %swap3A_38 = arith.constant 4 : index
    %swap3A_39 = arith.constant 0 : index
    %swap3A_40 = arith.constant 0 : index
    %swap3A_41 = vector.load %arg3[%swap3A_37, %swap3A_38, %swap3A_39, %swap3A_40] : memref<128x16x8x128xf32, #tpu.memory_space<vmem>>, vector<128x1x8x128xf32>
    %swap3A_42 = vector.shape_cast %swap3A_41 : vector<128x1x8x128xf32> to vector<128x8x128xf32>
    %swap3A_43 = vector.shape_cast %slice3A_36 : vector<128x8x128xf32> to vector<128x1x8x128xf32>
    tpu.vector_store %arg3[%swap3A_37, %swap3A_38, %swap3A_39, %swap3A_40], %swap3A_43 {strides = array<i32>} : memref<128x16x8x128xf32, #tpu.memory_space<vmem>>, vector<128x1x8x128xf32>,
    %slice3A_44 = vector.extract_strided_slice %reshape3A {offsets = [0, 0, 640], sizes = [128, 8, 128], strides = [1, 1, 1]} : vector<128x8x2048xf32> to vector<128x8x128xf32>
    %swap3A_45 = arith.constant 0 : index
    %swap3A_46 = arith.constant 5 : index
    %swap3A_47 = arith.constant 0 : index
    %swap3A_48 = arith.constant 0 : index
    %swap3A_49 = vector.load %arg3[%swap3A_45, %swap3A_46, %swap3A_47, %swap3A_48] : memref<128x16x8x128xf32, #tpu.memory_space<vmem>>, vector<128x1x8x128xf32>
    %swap3A_50 = vector.shape_cast %swap3A_49 : vector<128x1x8x128xf32> to vector<128x8x128xf32>
    %swap3A_51 = vector.shape_cast %slice3A_44 : vector<128x8x128xf32> to vector<128x1x8x128xf32>
    tpu.vector_store %arg3[%swap3A_45, %swap3A_46, %swap3A_47, %swap3A_48], %swap3A_51 {strides = array<i32>} : memref<128x16x8x128xf32, #tpu.memory_space<vmem>>, vector<128x1x8x128xf32>,
    %slice3A_52 = vector.extract_strided_slice %reshape3A {offsets = [0, 0, 768], sizes = [128, 8, 128], strides = [1, 1, 1]} : vector<128x8x2048xf32> to vector<128x8x128xf32>
    %swap3A_53 = arith.constant 0 : index
    %swap3A_54 = arith.constant 6 : index
    %swap3A_55 = arith.constant 0 : index
    %swap3A_56 = arith.constant 0 : index
    %swap3A_57 = vector.load %arg3[%swap3A_53, %swap3A_54, %swap3A_55, %swap3A_56] : memref<128x16x8x128xf32, #tpu.memory_space<vmem>>, vector<128x1x8x128xf32>
    %swap3A_58 = vector.shape_cast %swap3A_57 : vector<128x1x8x128xf32> to vector<128x8x128xf32>
    %swap3A_59 = vector.shape_cast %slice3A_52 : vector<128x8x128xf32> to vector<128x1x8x128xf32>
    tpu.vector_store %arg3[%swap3A_53, %swap3A_54, %swap3A_55, %swap3A_56], %swap3A_59 {strides = array<i32>} : memref<128x16x8x128xf32, #tpu.memory_space<vmem>>, vector<128x1x8x128xf32>,
    %slice3A_60 = vector.extract_strided_slice %reshape3A {offsets = [0, 0, 896], sizes = [128, 8, 128], strides = [1, 1, 1]} : vector<128x8x2048xf32> to vector<128x8x128xf32>
    %swap3A_61 = arith.constant 0 : index
    %swap3A_62 = arith.constant 7 : index
    %swap3A_63 = arith.constant 0 : index
    %swap3A_64 = arith.constant 0 : index
    %swap3A_65 = vector.load %arg3[%swap3A_61, %swap3A_62, %swap3A_63, %swap3A_64] : memref<128x16x8x128xf32, #tpu.memory_space<vmem>>, vector<128x1x8x128xf32>
    %swap3A_66 = vector.shape_cast %swap3A_65 : vector<128x1x8x128xf32> to vector<128x8x128xf32>
    %swap3A_67 = vector.shape_cast %slice3A_60 : vector<128x8x128xf32> to vector<128x1x8x128xf32>
    tpu.vector_store %arg3[%swap3A_61, %swap3A_62, %swap3A_63, %swap3A_64], %swap3A_67 {strides = array<i32>} : memref<128x16x8x128xf32, #tpu.memory_space<vmem>>, vector<128x1x8x128xf32>,
    %slice3A_68 = vector.extract_strided_slice %reshape3A {offsets = [0, 0, 1024], sizes = [128, 8, 128], strides = [1, 1, 1]} : vector<128x8x2048xf32> to vector<128x8x128xf32>
    %swap3A_69 = arith.constant 0 : index
    %swap3A_70 = arith.constant 8 : index
    %swap3A_71 = arith.constant 0 : index
    %swap3A_72 = arith.constant 0 : index
    %swap3A_73 = vector.load %arg3[%swap3A_69, %swap3A_70, %swap3A_71, %swap3A_72] : memref<128x16x8x128xf32, #tpu.memory_space<vmem>>, vector<128x1x8x128xf32>
    %swap3A_74 = vector.shape_cast %swap3A_73 : vector<128x1x8x128xf32> to vector<128x8x128xf32>
    %swap3A_75 = vector.shape_cast %slice3A_68 : vector<128x8x128xf32> to vector<128x1x8x128xf32>
    tpu.vector_store %arg3[%swap3A_69, %swap3A_70, %swap3A_71, %swap3A_72], %swap3A_75 {strides = array<i32>} : memref<128x16x8x128xf32, #tpu.memory_space<vmem>>, vector<128x1x8x128xf32>,
    %slice3A_76 = vector.extract_strided_slice %reshape3A {offsets = [0, 0, 1152], sizes = [128, 8, 128], strides = [1, 1, 1]} : vector<128x8x2048xf32> to vector<128x8x128xf32>
    %swap3A_77 = arith.constant 0 : index
    %swap3A_78 = arith.constant 9 : index
    %swap3A_79 = arith.constant 0 : index
    %swap3A_80 = arith.constant 0 : index
    %swap3A_81 = vector.load %arg3[%swap3A_77, %swap3A_78, %swap3A_79, %swap3A_80] : memref<128x16x8x128xf32, #tpu.memory_space<vmem>>, vector<128x1x8x128xf32>
    %swap3A_82 = vector.shape_cast %swap3A_81 : vector<128x1x8x128xf32> to vector<128x8x128xf32>
    %swap3A_83 = vector.shape_cast %slice3A_76 : vector<128x8x128xf32> to vector<128x1x8x128xf32>
    tpu.vector_store %arg3[%swap3A_77, %swap3A_78, %swap3A_79, %swap3A_80], %swap3A_83 {strides = array<i32>} : memref<128x16x8x128xf32, #tpu.memory_space<vmem>>, vector<128x1x8x128xf32>,
    %slice3A_84 = vector.extract_strided_slice %reshape3A {offsets = [0, 0, 1280], sizes = [128, 8, 128], strides = [1, 1, 1]} : vector<128x8x2048xf32> to vector<128x8x128xf32>
    %swap3A_85 = arith.constant 0 : index
    %swap3A_86 = arith.constant 10 : index
    %swap3A_87 = arith.constant 0 : index
    %swap3A_88 = arith.constant 0 : index
    %swap3A_89 = vector.load %arg3[%swap3A_85, %swap3A_86, %swap3A_87, %swap3A_88] : memref<128x16x8x128xf32, #tpu.memory_space<vmem>>, vector<128x1x8x128xf32>
    %swap3A_90 = vector.shape_cast %swap3A_89 : vector<128x1x8x128xf32> to vector<128x8x128xf32>
    %swap3A_91 = vector.shape_cast %slice3A_84 : vector<128x8x128xf32> to vector<128x1x8x128xf32>
    tpu.vector_store %arg3[%swap3A_85, %swap3A_86, %swap3A_87, %swap3A_88], %swap3A_91 {strides = array<i32>} : memref<128x16x8x128xf32, #tpu.memory_space<vmem>>, vector<128x1x8x128xf32>,
    %slice3A_92 = vector.extract_strided_slice %reshape3A {offsets = [0, 0, 1408], sizes = [128, 8, 128], strides = [1, 1, 1]} : vector<128x8x2048xf32> to vector<128x8x128xf32>
    %swap3A_93 = arith.constant 0 : index
    %swap3A_94 = arith.constant 11 : index
    %swap3A_95 = arith.constant 0 : index
    %swap3A_96 = arith.constant 0 : index
    %swap3A_97 = vector.load %arg3[%swap3A_93, %swap3A_94, %swap3A_95, %swap3A_96] : memref<128x16x8x128xf32, #tpu.memory_space<vmem>>, vector<128x1x8x128xf32>
    %swap3A_98 = vector.shape_cast %swap3A_97 : vector<128x1x8x128xf32> to vector<128x8x128xf32>
    %swap3A_99 = vector.shape_cast %slice3A_92 : vector<128x8x128xf32> to vector<128x1x8x128xf32>
    tpu.vector_store %arg3[%swap3A_93, %swap3A_94, %swap3A_95, %swap3A_96], %swap3A_99 {strides = array<i32>} : memref<128x16x8x128xf32, #tpu.memory_space<vmem>>, vector<128x1x8x128xf32>,
    %slice3A_100 = vector.extract_strided_slice %reshape3A {offsets = [0, 0, 1536], sizes = [128, 8, 128], strides = [1, 1, 1]} : vector<128x8x2048xf32> to vector<128x8x128xf32>
    %swap3A_101 = arith.constant 0 : index
    %swap3A_102 = arith.constant 12 : index
    %swap3A_103 = arith.constant 0 : index
    %swap3A_104 = arith.constant 0 : index
    %swap3A_105 = vector.load %arg3[%swap3A_101, %swap3A_102, %swap3A_103, %swap3A_104] : memref<128x16x8x128xf32, #tpu.memory_space<vmem>>, vector<128x1x8x128xf32>
    %swap3A_106 = vector.shape_cast %swap3A_105 : vector<128x1x8x128xf32> to vector<128x8x128xf32>
    %swap3A_107 = vector.shape_cast %slice3A_100 : vector<128x8x128xf32> to vector<128x1x8x128xf32>
    tpu.vector_store %arg3[%swap3A_101, %swap3A_102, %swap3A_103, %swap3A_104], %swap3A_107 {strides = array<i32>} : memref<128x16x8x128xf32, #tpu.memory_space<vmem>>, vector<128x1x8x128xf32>,
    %slice3A_108 = vector.extract_strided_slice %reshape3A {offsets = [0, 0, 1664], sizes = [128, 8, 128], strides = [1, 1, 1]} : vector<128x8x2048xf32> to vector<128x8x128xf32>
    %swap3A_109 = arith.constant 0 : index
    %swap3A_110 = arith.constant 13 : index
    %swap3A_111 = arith.constant 0 : index
    %swap3A_112 = arith.constant 0 : index
    %swap3A_113 = vector.load %arg3[%swap3A_109, %swap3A_110, %swap3A_111, %swap3A_112] : memref<128x16x8x128xf32, #tpu.memory_space<vmem>>, vector<128x1x8x128xf32>
    %swap3A_114 = vector.shape_cast %swap3A_113 : vector<128x1x8x128xf32> to vector<128x8x128xf32>
    %swap3A_115 = vector.shape_cast %slice3A_108 : vector<128x8x128xf32> to vector<128x1x8x128xf32>
    tpu.vector_store %arg3[%swap3A_109, %swap3A_110, %swap3A_111, %swap3A_112], %swap3A_115 {strides = array<i32>} : memref<128x16x8x128xf32, #tpu.memory_space<vmem>>, vector<128x1x8x128xf32>,
    %slice3A_116 = vector.extract_strided_slice %reshape3A {offsets = [0, 0, 1792], sizes = [128, 8, 128], strides = [1, 1, 1]} : vector<128x8x2048xf32> to vector<128x8x128xf32>
    %swap3A_117 = arith.constant 0 : index
    %swap3A_118 = arith.constant 14 : index
    %swap3A_119 = arith.constant 0 : index
    %swap3A_120 = arith.constant 0 : index
    %swap3A_121 = vector.load %arg3[%swap3A_117, %swap3A_118, %swap3A_119, %swap3A_120] : memref<128x16x8x128xf32, #tpu.memory_space<vmem>>, vector<128x1x8x128xf32>
    %swap3A_122 = vector.shape_cast %swap3A_121 : vector<128x1x8x128xf32> to vector<128x8x128xf32>
    %swap3A_123 = vector.shape_cast %slice3A_116 : vector<128x8x128xf32> to vector<128x1x8x128xf32>
    tpu.vector_store %arg3[%swap3A_117, %swap3A_118, %swap3A_119, %swap3A_120], %swap3A_123 {strides = array<i32>} : memref<128x16x8x128xf32, #tpu.memory_space<vmem>>, vector<128x1x8x128xf32>,
    %slice3A_124 = vector.extract_strided_slice %reshape3A {offsets = [0, 0, 1920], sizes = [128, 8, 128], strides = [1, 1, 1]} : vector<128x8x2048xf32> to vector<128x8x128xf32>
    %swap3A_125 = arith.constant 0 : index
    %swap3A_126 = arith.constant 15 : index
    %swap3A_127 = arith.constant 0 : index
    %swap3A_128 = arith.constant 0 : index
    %swap3A_129 = vector.load %arg3[%swap3A_125, %swap3A_126, %swap3A_127, %swap3A_128] : memref<128x16x8x128xf32, #tpu.memory_space<vmem>>, vector<128x1x8x128xf32>
    %swap3A_130 = vector.shape_cast %swap3A_129 : vector<128x1x8x128xf32> to vector<128x8x128xf32>
    %swap3A_131 = vector.shape_cast %slice3A_124 : vector<128x8x128xf32> to vector<128x1x8x128xf32>
    tpu.vector_store %arg3[%swap3A_125, %swap3A_126, %swap3A_127, %swap3A_128], %swap3A_131 {strides = array<i32>} : memref<128x16x8x128xf32, #tpu.memory_space<vmem>>, vector<128x1x8x128xf32>,
    %iota3A = tpu.iota {dimensions = array<i32: 1>} : vector<1024x2048xi32>
    %mul3A = arith.constant 2048 : i32
    %mul3A_132 = arith.muli %arg0, %mul3A : i32
    %add3A = vector.broadcast %mul3A_132 : i32 to vector<1024x2048xi32>
    %add3A_133 = arith.addi %iota3A, %add3A : vector<1024x2048xi32>
    %lt3A = arith.constant 100000 : i32
    %lt3A_134 = vector.broadcast %lt3A : i32 to vector<1024x2048xi32>
    %lt3A_135 = arith.cmpi slt, %add3A_133, %lt3A_134 : vector<1024x2048xi32>
    %jit3A = arith.constant 0xFF800000 : f32
    %broadcast_in_dim3A = vector.broadcast %jit3A : f32 to vector<1024x2048xf32>
    %select_n3A = arith.select %lt3A_135, %dot_general3A_5, %broadcast_in_dim3A : vector<1024x2048xi1>, vector<1024x2048xf32>
    %slice3A_136 = vector.extract_strided_slice %select_n3A {offsets = [0, 0], sizes = [1024, 128], strides = [1, 1]} : vector<1024x2048xf32> to vector<1024x128xf32>
    %reduce_max3A = arith.constant dense<0xFF800000> : vector<1024xf32>
    %reduce_max3A_137 = vector.multi_reduction <maximumf>, %slice3A_136, %reduce_max3A [1] : vector<1024x128xf32> to vector<1024xf32>
    %broadcast_in_dim3A_138 = vector.shape_cast %reduce_max3A_137 : vector<1024xf32> to vector<1024x1xf32>
    %slice3A_139 = vector.extract_strided_slice %select_n3A {offsets = [0, 128], sizes = [1024, 128], strides = [1, 1]} : vector<1024x2048xf32> to vector<1024x128xf32>
    %reduce_max3A_140 = arith.constant dense<0xFF800000> : vector<1024xf32>
    %reduce_max3A_141 = vector.multi_reduction <maximumf>, %slice3A_139, %reduce_max3A_140 [1] : vector<1024x128xf32> to vector<1024xf32>
    %broadcast_in_dim3A_142 = vector.shape_cast %reduce_max3A_141 : vector<1024xf32> to vector<1024x1xf32>
    %slice3A_143 = vector.extract_strided_slice %select_n3A {offsets = [0, 256], sizes = [1024, 128], strides = [1, 1]} : vector<1024x2048xf32> to vector<1024x128xf32>
    %reduce_max3A_144 = arith.constant dense<0xFF800000> : vector<1024xf32>
    %reduce_max3A_145 = vector.multi_reduction <maximumf>, %slice3A_143, %reduce_max3A_144 [1] : vector<1024x128xf32> to vector<1024xf32>
    %broadcast_in_dim3A_146 = vector.shape_cast %reduce_max3A_145 : vector<1024xf32> to vector<1024x1xf32>
    %slice3A_147 = vector.extract_strided_slice %select_n3A {offsets = [0, 384], sizes = [1024, 128], strides = [1, 1]} : vector<1024x2048xf32> to vector<1024x128xf32>
    %reduce_max3A_148 = arith.constant dense<0xFF800000> : vector<1024xf32>
    %reduce_max3A_149 = vector.multi_reduction <maximumf>, %slice3A_147, %reduce_max3A_148 [1] : vector<1024x128xf32> to vector<1024xf32>
    %broadcast_in_dim3A_150 = vector.shape_cast %reduce_max3A_149 : vector<1024xf32> to vector<1024x1xf32>
    %slice3A_151 = vector.extract_strided_slice %select_n3A {offsets = [0, 512], sizes = [1024, 128], strides = [1, 1]} : vector<1024x2048xf32> to vector<1024x128xf32>
    %reduce_max3A_152 = arith.constant dense<0xFF800000> : vector<1024xf32>
    %reduce_max3A_153 = vector.multi_reduction <maximumf>, %slice3A_151, %reduce_max3A_152 [1] : vector<1024x128xf32> to vector<1024xf32>
    %broadcast_in_dim3A_154 = vector.shape_cast %reduce_max3A_153 : vector<1024xf32> to vector<1024x1xf32>
    %slice3A_155 = vector.extract_strided_slice %select_n3A {offsets = [0, 640], sizes = [1024, 128], strides = [1, 1]} : vector<1024x2048xf32> to vector<1024x128xf32>
    %reduce_max3A_156 = arith.constant dense<0xFF800000> : vector<1024xf32>
    %reduce_max3A_157 = vector.multi_reduction <maximumf>, %slice3A_155, %reduce_max3A_156 [1] : vector<1024x128xf32> to vector<1024xf32>
    %broadcast_in_dim3A_158 = vector.shape_cast %reduce_max3A_157 : vector<1024xf32> to vector<1024x1xf32>
    %slice3A_159 = vector.extract_strided_slice %select_n3A {offsets = [0, 768], sizes = [1024, 128], strides = [1, 1]} : vector<1024x2048xf32> to vector<1024x128xf32>
    %reduce_max3A_160 = arith.constant dense<0xFF800000> : vector<1024xf32>
    %reduce_max3A_161 = vector.multi_reduction <maximumf>, %slice3A_159, %reduce_max3A_160 [1] : vector<1024x128xf32> to vector<1024xf32>
    %broadcast_in_dim3A_162 = vector.shape_cast %reduce_max3A_161 : vector<1024xf32> to vector<1024x1xf32>
    %slice3A_163 = vector.extract_strided_slice %select_n3A {offsets = [0, 896], sizes = [1024, 128], strides = [1, 1]} : vector<1024x2048xf32> to vector<1024x128xf32>
    %reduce_max3A_164 = arith.constant dense<0xFF800000> : vector<1024xf32>
    %reduce_max3A_165 = vector.multi_reduction <maximumf>, %slice3A_163, %reduce_max3A_164 [1] : vector<1024x128xf32> to vector<1024xf32>
    %broadcast_in_dim3A_166 = vector.shape_cast %reduce_max3A_165 : vector<1024xf32> to vector<1024x1xf32>
    %slice3A_167 = vector.extract_strided_slice %select_n3A {offsets = [0, 1024], sizes = [1024, 128], strides = [1, 1]} : vector<1024x2048xf32> to vector<1024x128xf32>
    %reduce_max3A_168 = arith.constant dense<0xFF800000> : vector<1024xf32>
    %reduce_max3A_169 = vector.multi_reduction <maximumf>, %slice3A_167, %reduce_max3A_168 [1] : vector<1024x128xf32> to vector<1024xf32>
    %broadcast_in_dim3A_170 = vector.shape_cast %reduce_max3A_169 : vector<1024xf32> to vector<1024x1xf32>
    %slice3A_171 = vector.extract_strided_slice %select_n3A {offsets = [0, 1152], sizes = [1024, 128], strides = [1, 1]} : vector<1024x2048xf32> to vector<1024x128xf32>
    %reduce_max3A_172 = arith.constant dense<0xFF800000> : vector<1024xf32>
    %reduce_max3A_173 = vector.multi_reduction <maximumf>, %slice3A_171, %reduce_max3A_172 [1] : vector<1024x128xf32> to vector<1024xf32>
    %broadcast_in_dim3A_174 = vector.shape_cast %reduce_max3A_173 : vector<1024xf32> to vector<1024x1xf32>
    %slice3A_175 = vector.extract_strided_slice %select_n3A {offsets = [0, 1280], sizes = [1024, 128], strides = [1, 1]} : vector<1024x2048xf32> to vector<1024x128xf32>
    %reduce_max3A_176 = arith.constant dense<0xFF800000> : vector<1024xf32>
    %reduce_max3A_177 = vector.multi_reduction <maximumf>, %slice3A_175, %reduce_max3A_176 [1] : vector<1024x128xf32> to vector<1024xf32>
    %broadcast_in_dim3A_178 = vector.shape_cast %reduce_max3A_177 : vector<1024xf32> to vector<1024x1xf32>
    %slice3A_179 = vector.extract_strided_slice %select_n3A {offsets = [0, 1408], sizes = [1024, 128], strides = [1, 1]} : vector<1024x2048xf32> to vector<1024x128xf32>
    %reduce_max3A_180 = arith.constant dense<0xFF800000> : vector<1024xf32>
    %reduce_max3A_181 = vector.multi_reduction <maximumf>, %slice3A_179, %reduce_max3A_180 [1] : vector<1024x128xf32> to vector<1024xf32>
    %broadcast_in_dim3A_182 = vector.shape_cast %reduce_max3A_181 : vector<1024xf32> to vector<1024x1xf32>
    %slice3A_183 = vector.extract_strided_slice %select_n3A {offsets = [0, 1536], sizes = [1024, 128], strides = [1, 1]} : vector<1024x2048xf32> to vector<1024x128xf32>
    %reduce_max3A_184 = arith.constant dense<0xFF800000> : vector<1024xf32>
    %reduce_max3A_185 = vector.multi_reduction <maximumf>, %slice3A_183, %reduce_max3A_184 [1] : vector<1024x128xf32> to vector<1024xf32>
    %broadcast_in_dim3A_186 = vector.shape_cast %reduce_max3A_185 : vector<1024xf32> to vector<1024x1xf32>
    %slice3A_187 = vector.extract_strided_slice %select_n3A {offsets = [0, 1664], sizes = [1024, 128], strides = [1, 1]} : vector<1024x2048xf32> to vector<1024x128xf32>
    %reduce_max3A_188 = arith.constant dense<0xFF800000> : vector<1024xf32>
    %reduce_max3A_189 = vector.multi_reduction <maximumf>, %slice3A_187, %reduce_max3A_188 [1] : vector<1024x128xf32> to vector<1024xf32>
    %broadcast_in_dim3A_190 = vector.shape_cast %reduce_max3A_189 : vector<1024xf32> to vector<1024x1xf32>
    %slice3A_191 = vector.extract_strided_slice %select_n3A {offsets = [0, 1792], sizes = [1024, 128], strides = [1, 1]} : vector<1024x2048xf32> to vector<1024x128xf32>
    %reduce_max3A_192 = arith.constant dense<0xFF800000> : vector<1024xf32>
    %reduce_max3A_193 = vector.multi_reduction <maximumf>, %slice3A_191, %reduce_max3A_192 [1] : vector<1024x128xf32> to vector<1024xf32>
    %broadcast_in_dim3A_194 = vector.shape_cast %reduce_max3A_193 : vector<1024xf32> to vector<1024x1xf32>
    %slice3A_195 = vector.extract_strided_slice %select_n3A {offsets = [0, 1920], sizes = [1024, 128], strides = [1, 1]} : vector<1024x2048xf32> to vector<1024x128xf32>
    %reduce_max3A_196 = arith.constant dense<0xFF800000> : vector<1024xf32>
    %reduce_max3A_197 = vector.multi_reduction <maximumf>, %slice3A_195, %reduce_max3A_196 [1] : vector<1024x128xf32> to vector<1024xf32>
    %broadcast_in_dim3A_198 = vector.shape_cast %reduce_max3A_197 : vector<1024xf32> to vector<1024x1xf32>
    %concatenate3A = tpu.concatenate %broadcast_in_dim3A_138, %broadcast_in_dim3A_142, %broadcast_in_dim3A_146, %broadcast_in_dim3A_150, %broadcast_in_dim3A_154, %broadcast_in_dim3A_158, %broadcast_in_dim3A_162, %broadcast_in_dim3A_166, %broadcast_in_dim3A_170, %broadcast_in_dim3A_174, %broadcast_in_dim3A_178, %broadcast_in_dim3A_182, %broadcast_in_dim3A_186, %broadcast_in_dim3A_190, %broadcast_in_dim3A_194, %broadcast_in_dim3A_198 in 1 : vector<1024x1xf32>, vector<1024x1xf32>, vector<1024x1xf32>, vector<1024x1xf32>, vector<1024x1xf32>, vector<1024x1xf32>, vector<1024x1xf32>, vector<1024x1xf32>, vector<1024x1xf32>, vector<1024x1xf32>, vector<1024x1xf32>, vector<1024x1xf32>, vector<1024x1xf32>, vector<1024x1xf32>, vector<1024x1xf32>, vector<1024x1xf32> -> vector<1024x16xf32>
    %swap3A_199 = arith.constant 0 : index
    %swap3A_200 = arith.constant 0 : index
    %swap3A_201 = arith.constant 0 : index
    %swap3A_202 = vector.load %arg4[%swap3A_199, %swap3A_200, %swap3A_201] : memref<1x1024x16xf32, #tpu.memory_space<vmem>>, vector<1x1024x16xf32>
    %swap3A_203 = vector.shape_cast %swap3A_202 : vector<1x1024x16xf32> to vector<1024x16xf32>
    %swap3A_204 = vector.shape_cast %concatenate3A : vector<1024x16xf32> to vector<1x1024x16xf32>
    tpu.vector_store %arg4[%swap3A_199, %swap3A_200, %swap3A_201], %swap3A_204 {strides = array<i32>} : memref<1x1024x16xf32, #tpu.memory_space<vmem>>, vector<1x1024x16xf32>,
    return
  }
  func.func @transform_0(%arg0: i32) -> (i32, i32) {
    %c0_i32 = arith.constant 0 : i32
    %c0_i32_0 = arith.constant 0 : i32
    %c0_i32_1 = arith.constant 0 : i32
    return %c0_i32, %c0_i32_0 : i32, i32
  }
  func.func @transform_1(%arg0: i32) -> (i32, i32) {
    %c0_i32 = arith.constant 0 : i32
    %c0_i32_0 = arith.constant 0 : i32
    return %arg0, %c0_i32 : i32, i32
  }
  func.func @transform_2(%arg0: i32) -> (i32, i32, i32, i32) {
    %c0_i32 = arith.constant 0 : i32
    %c0_i32_0 = arith.constant 0 : i32
    %c0_i32_1 = arith.constant 0 : i32
    %c0_i32_2 = arith.constant 0 : i32
    return %c0_i32, %arg0, %c0_i32_0, %c0_i32_1 : i32, i32, i32, i32
  }
  func.func @transform_3(%arg0: i32) -> (i32, i32, i32) {
    %c0_i32 = arith.constant 0 : i32
    %c0_i32_0 = arith.constant 0 : i32
    %c0_i32_1 = arith.constant 0 : i32
    return %arg0, %c0_i32, %c0_i32_0 : i32, i32, i32
  }
}

module attributes {stable_mosaic.version = 14 : i64} {
  func.func @_submax_body(%arg0: i32, %arg1: memref<4096x128xf32, #tpu.memory_space<vmem>>, %arg2: memref<4096x1xi32, #tpu.memory_space<vmem>>, %arg3: memref<4096x4xf32, #tpu.memory_space<vmem>>) attributes {dimension_semantics = [#tpu.dimension_semantics<arbitrary>], iteration_bounds = array<i64: 8>, scalar_prefetch = 0 : i64, scratch_operands = 0 : i64, tpu.core_type = #tpu.core_type<tc>, window_params = [{transform_indices = @transform_0, window_bounds = array<i64: 4096, 128>}, {transform_indices = @transform_1, window_bounds = array<i64: 4096, 1>}, {transform_indices = @transform_2, window_bounds = array<i64: 4096, 4>}]} {
    %get3A = arith.constant 0 : index
    %get3A_0 = arith.constant 0 : index
    %get3A_1 = vector.load %arg2[%get3A, %get3A_0] : memref<4096x1xi32, #tpu.memory_space<vmem>>, vector<4096x1xi32>
    %iota3A = tpu.iota {dimensions = array<i32: 1>} : vector<4096x128xi32>
    %mul3A = arith.constant 128 : i32
    %mul3A_2 = vector.broadcast %mul3A : i32 to vector<4096x1xi32>
    %mul3A_3 = arith.muli %get3A_1, %mul3A_2 : vector<4096x1xi32>
    %add3A = vector.broadcast %mul3A_3 : vector<4096x1xi32> to vector<4096x128xi32>
    %add3A_4 = arith.addi %add3A, %iota3A : vector<4096x128xi32>
    %lt3A = arith.constant 100000 : i32
    %lt3A_5 = vector.broadcast %lt3A : i32 to vector<4096x128xi32>
    %lt3A_6 = arith.cmpi slt, %add3A_4, %lt3A_5 : vector<4096x128xi32>
    %get3A_7 = arith.constant 0 : index
    %get3A_8 = arith.constant 0 : index
    %get3A_9 = vector.load %arg1[%get3A_7, %get3A_8] : memref<4096x128xf32, #tpu.memory_space<vmem>>, vector<4096x128xf32>
    %jit3A = arith.constant 0xFF800000 : f32
    %broadcast_in_dim3A = vector.broadcast %jit3A : f32 to vector<4096x128xf32>
    %select_n3A = arith.select %lt3A_6, %get3A_9, %broadcast_in_dim3A : vector<4096x128xi1>, vector<4096x128xf32>
    %slice3A = vector.extract_strided_slice %select_n3A {offsets = [0, 0], sizes = [4096, 32], strides = [1, 1]} : vector<4096x128xf32> to vector<4096x32xf32>
    %reduce_max3A = arith.constant dense<0xFF800000> : vector<4096xf32>
    %reduce_max3A_10 = vector.multi_reduction <maximumf>, %slice3A, %reduce_max3A [1] : vector<4096x32xf32> to vector<4096xf32>
    %broadcast_in_dim3A_11 = vector.shape_cast %reduce_max3A_10 : vector<4096xf32> to vector<4096x1xf32>
    %slice3A_12 = vector.extract_strided_slice %select_n3A {offsets = [0, 32], sizes = [4096, 32], strides = [1, 1]} : vector<4096x128xf32> to vector<4096x32xf32>
    %reduce_max3A_13 = arith.constant dense<0xFF800000> : vector<4096xf32>
    %reduce_max3A_14 = vector.multi_reduction <maximumf>, %slice3A_12, %reduce_max3A_13 [1] : vector<4096x32xf32> to vector<4096xf32>
    %broadcast_in_dim3A_15 = vector.shape_cast %reduce_max3A_14 : vector<4096xf32> to vector<4096x1xf32>
    %slice3A_16 = vector.extract_strided_slice %select_n3A {offsets = [0, 64], sizes = [4096, 32], strides = [1, 1]} : vector<4096x128xf32> to vector<4096x32xf32>
    %reduce_max3A_17 = arith.constant dense<0xFF800000> : vector<4096xf32>
    %reduce_max3A_18 = vector.multi_reduction <maximumf>, %slice3A_16, %reduce_max3A_17 [1] : vector<4096x32xf32> to vector<4096xf32>
    %broadcast_in_dim3A_19 = vector.shape_cast %reduce_max3A_18 : vector<4096xf32> to vector<4096x1xf32>
    %slice3A_20 = vector.extract_strided_slice %select_n3A {offsets = [0, 96], sizes = [4096, 32], strides = [1, 1]} : vector<4096x128xf32> to vector<4096x32xf32>
    %reduce_max3A_21 = arith.constant dense<0xFF800000> : vector<4096xf32>
    %reduce_max3A_22 = vector.multi_reduction <maximumf>, %slice3A_20, %reduce_max3A_21 [1] : vector<4096x32xf32> to vector<4096xf32>
    %broadcast_in_dim3A_23 = vector.shape_cast %reduce_max3A_22 : vector<4096xf32> to vector<4096x1xf32>
    %concatenate3A = tpu.concatenate %broadcast_in_dim3A_11, %broadcast_in_dim3A_15, %broadcast_in_dim3A_19, %broadcast_in_dim3A_23 in 1 : vector<4096x1xf32>, vector<4096x1xf32>, vector<4096x1xf32>, vector<4096x1xf32> -> vector<4096x4xf32>
    %swap3A = arith.constant 0 : index
    %swap3A_24 = arith.constant 0 : index
    %swap3A_25 = vector.load %arg3[%swap3A, %swap3A_24] : memref<4096x4xf32, #tpu.memory_space<vmem>>, vector<4096x4xf32>
    tpu.vector_store %arg3[%swap3A, %swap3A_24], %concatenate3A {strides = array<i32>} : memref<4096x4xf32, #tpu.memory_space<vmem>>, vector<4096x4xf32>,
    return
  }
  func.func @transform_0(%arg0: i32) -> (i32, i32) {
    %c0_i32 = arith.constant 0 : i32
    %c0_i32_0 = arith.constant 0 : i32
    return %arg0, %c0_i32 : i32, i32
  }
  func.func @transform_1(%arg0: i32) -> (i32, i32) {
    %c0_i32 = arith.constant 0 : i32
    %c0_i32_0 = arith.constant 0 : i32
    return %arg0, %c0_i32 : i32, i32
  }
  func.func @transform_2(%arg0: i32) -> (i32, i32) {
    %c0_i32 = arith.constant 0 : i32
    %c0_i32_0 = arith.constant 0 : i32
    return %arg0, %c0_i32 : i32, i32
  }
}

module attributes {stable_mosaic.version = 14 : i64} {
  func.func @_sub_select_body(%arg0: memref<128x1024xf32, #tpu.memory_space<vmem>>, %arg1: memref<32x1024xi32, #tpu.memory_space<vmem>>, %arg2: memref<32x1024xi32, #tpu.memory_space<vmem>>, %arg3: memref<32x1024xi32, #tpu.memory_space<vmem>>) attributes {dimension_semantics = [], scalar_prefetch = 0 : i64, scratch_operands = 0 : i64, tpu.core_type = #tpu.core_type<tc>} {
    %get3A = arith.constant 0 : index
    %get3A_0 = arith.constant 0 : index
    %get3A_1 = vector.load %arg0[%get3A, %get3A_0] : memref<128x1024xf32, #tpu.memory_space<vmem>>, vector<128x1024xf32>
    %get3A_2 = arith.constant 0 : index
    %get3A_3 = arith.constant 0 : index
    %get3A_4 = vector.load %arg1[%get3A_2, %get3A_3] : memref<32x1024xi32, #tpu.memory_space<vmem>>, vector<32x1024xi32>
    %reshape3A = vector.shape_cast %get3A_4 : vector<32x1024xi32> to vector<32x1x1024xi32>
    %mul3A = arith.constant 4 : i32
    %mul3A_5 = vector.broadcast %mul3A : i32 to vector<32x1x1024xi32>
    %mul3A_6 = arith.muli %reshape3A, %mul3A_5 : vector<32x1x1024xi32>
    %iota3A = tpu.iota {dimensions = array<i32: 1>} : vector<32x4x1024xi32>
    %add3A = vector.broadcast %mul3A_6 : vector<32x1x1024xi32> to vector<32x4x1024xi32>
    %add3A_7 = arith.addi %add3A, %iota3A : vector<32x4x1024xi32>
    %reshape3A_8 = vector.shape_cast %add3A_7 : vector<32x4x1024xi32> to vector<128x1024xi32>
    %iota3A_9 = tpu.iota {dimensions = array<i32: 0>} : vector<128x1024xi32>
    %iota3A_10 = tpu.iota {dimensions = array<i32: 1>} : vector<32x1024xi32>
    %reduce_max3A = arith.constant dense<0xFF800000> : vector<1024xf32>
    %reduce_max3A_11 = vector.multi_reduction <maximumf>, %get3A_1, %reduce_max3A [0] : vector<128x1024xf32> to vector<1024xf32>
    %broadcast_in_dim3A = vector.shape_cast %reduce_max3A_11 : vector<1024xf32> to vector<1x1024xf32>
    %eq3A = vector.broadcast %broadcast_in_dim3A : vector<1x1024xf32> to vector<128x1024xf32>
    %eq3A_12 = arith.cmpf oeq, %get3A_1, %eq3A : vector<128x1024xf32>
    %jit3A = arith.constant 2147483647 : i32
    %broadcast_in_dim3A_13 = vector.broadcast %jit3A : i32 to vector<128x1024xi32>
    %select_n3A = arith.select %eq3A_12, %reshape3A_8, %broadcast_in_dim3A_13 : vector<128x1024xi1>, vector<128x1024xi32>
    %reduce_min3A = arith.constant dense<2147483647> : vector<1024xi32>
    %reduce_min3A_14 = vector.multi_reduction <minsi>, %select_n3A, %reduce_min3A [0] : vector<128x1024xi32> to vector<1024xi32>
    %broadcast_in_dim3A_15 = vector.shape_cast %reduce_min3A_14 : vector<1024xi32> to vector<1x1024xi32>
    %eq3A_16 = vector.broadcast %broadcast_in_dim3A_15 : vector<1x1024xi32> to vector<128x1024xi32>
    %eq3A_17 = arith.cmpi eq, %reshape3A_8, %eq3A_16 : vector<128x1024xi32>
    %and3A = arith.andi %eq3A_12, %eq3A_17 : vector<128x1024xi1>
    %jit3A_18 = arith.constant 2147483647 : i32
    %broadcast_in_dim3A_19 = vector.broadcast %jit3A_18 : i32 to vector<128x1024xi32>
    %select_n3A_20 = arith.select %and3A, %iota3A_9, %broadcast_in_dim3A_19 : vector<128x1024xi1>, vector<128x1024xi32>
    %reduce_min3A_21 = arith.constant dense<2147483647> : vector<1024xi32>
    %reduce_min3A_22 = vector.multi_reduction <minsi>, %select_n3A_20, %reduce_min3A_21 [0] : vector<128x1024xi32> to vector<1024xi32>
    %broadcast_in_dim3A_23 = vector.shape_cast %reduce_min3A_22 : vector<1024xi32> to vector<1x1024xi32>
    %eq3A_24 = vector.broadcast %broadcast_in_dim3A_15 : vector<1x1024xi32> to vector<128x1024xi32>
    %eq3A_25 = arith.cmpi eq, %reshape3A_8, %eq3A_24 : vector<128x1024xi32>
    %jit3A_26 = arith.constant 0xFF800000 : f32
    %broadcast_in_dim3A_27 = vector.broadcast %jit3A_26 : f32 to vector<128x1024xf32>
    %select_n3A_28 = arith.select %eq3A_25, %broadcast_in_dim3A_27, %get3A_1 : vector<128x1024xi1>, vector<128x1024xf32>
    %reduce_max3A_29 = arith.constant dense<0xFF800000> : vector<1024xf32>
    %reduce_max3A_30 = vector.multi_reduction <maximumf>, %select_n3A_28, %reduce_max3A_29 [0] : vector<128x1024xf32> to vector<1024xf32>
    %broadcast_in_dim3A_31 = vector.shape_cast %reduce_max3A_30 : vector<1024xf32> to vector<1x1024xf32>
    %eq3A_32 = vector.broadcast %broadcast_in_dim3A_31 : vector<1x1024xf32> to vector<128x1024xf32>
    %eq3A_33 = arith.cmpf oeq, %select_n3A_28, %eq3A_32 : vector<128x1024xf32>
    %jit3A_34 = arith.constant 2147483647 : i32
    %broadcast_in_dim3A_35 = vector.broadcast %jit3A_34 : i32 to vector<128x1024xi32>
    %select_n3A_36 = arith.select %eq3A_33, %reshape3A_8, %broadcast_in_dim3A_35 : vector<128x1024xi1>, vector<128x1024xi32>
    %reduce_min3A_37 = arith.constant dense<2147483647> : vector<1024xi32>
    %reduce_min3A_38 = vector.multi_reduction <minsi>, %select_n3A_36, %reduce_min3A_37 [0] : vector<128x1024xi32> to vector<1024xi32>
    %broadcast_in_dim3A_39 = vector.shape_cast %reduce_min3A_38 : vector<1024xi32> to vector<1x1024xi32>
    %eq3A_40 = vector.broadcast %broadcast_in_dim3A_39 : vector<1x1024xi32> to vector<128x1024xi32>
    %eq3A_41 = arith.cmpi eq, %reshape3A_8, %eq3A_40 : vector<128x1024xi32>
    %and3A_42 = arith.andi %eq3A_33, %eq3A_41 : vector<128x1024xi1>
    %jit3A_43 = arith.constant 2147483647 : i32
    %broadcast_in_dim3A_44 = vector.broadcast %jit3A_43 : i32 to vector<128x1024xi32>
    %select_n3A_45 = arith.select %and3A_42, %iota3A_9, %broadcast_in_dim3A_44 : vector<128x1024xi1>, vector<128x1024xi32>
    %reduce_min3A_46 = arith.constant dense<2147483647> : vector<1024xi32>
    %reduce_min3A_47 = vector.multi_reduction <minsi>, %select_n3A_45, %reduce_min3A_46 [0] : vector<128x1024xi32> to vector<1024xi32>
    %broadcast_in_dim3A_48 = vector.shape_cast %reduce_min3A_47 : vector<1024xi32> to vector<1x1024xi32>
    %eq3A_49 = vector.broadcast %broadcast_in_dim3A_39 : vector<1x1024xi32> to vector<128x1024xi32>
    %eq3A_50 = arith.cmpi eq, %reshape3A_8, %eq3A_49 : vector<128x1024xi32>
    %jit3A_51 = arith.constant 0xFF800000 : f32
    %broadcast_in_dim3A_52 = vector.broadcast %jit3A_51 : f32 to vector<128x1024xf32>
    %select_n3A_53 = arith.select %eq3A_50, %broadcast_in_dim3A_52, %select_n3A_28 : vector<128x1024xi1>, vector<128x1024xf32>
    %reduce_max3A_54 = arith.constant dense<0xFF800000> : vector<1024xf32>
    %reduce_max3A_55 = vector.multi_reduction <maximumf>, %select_n3A_53, %reduce_max3A_54 [0] : vector<128x1024xf32> to vector<1024xf32>
    %broadcast_in_dim3A_56 = vector.shape_cast %reduce_max3A_55 : vector<1024xf32> to vector<1x1024xf32>
    %eq3A_57 = vector.broadcast %broadcast_in_dim3A_56 : vector<1x1024xf32> to vector<128x1024xf32>
    %eq3A_58 = arith.cmpf oeq, %select_n3A_53, %eq3A_57 : vector<128x1024xf32>
    %jit3A_59 = arith.constant 2147483647 : i32
    %broadcast_in_dim3A_60 = vector.broadcast %jit3A_59 : i32 to vector<128x1024xi32>
    %select_n3A_61 = arith.select %eq3A_58, %reshape3A_8, %broadcast_in_dim3A_60 : vector<128x1024xi1>, vector<128x1024xi32>
    %reduce_min3A_62 = arith.constant dense<2147483647> : vector<1024xi32>
    %reduce_min3A_63 = vector.multi_reduction <minsi>, %select_n3A_61, %reduce_min3A_62 [0] : vector<128x1024xi32> to vector<1024xi32>
    %broadcast_in_dim3A_64 = vector.shape_cast %reduce_min3A_63 : vector<1024xi32> to vector<1x1024xi32>
    %eq3A_65 = vector.broadcast %broadcast_in_dim3A_64 : vector<1x1024xi32> to vector<128x1024xi32>
    %eq3A_66 = arith.cmpi eq, %reshape3A_8, %eq3A_65 : vector<128x1024xi32>
    %and3A_67 = arith.andi %eq3A_58, %eq3A_66 : vector<128x1024xi1>
    %jit3A_68 = arith.constant 2147483647 : i32
    %broadcast_in_dim3A_69 = vector.broadcast %jit3A_68 : i32 to vector<128x1024xi32>
    %select_n3A_70 = arith.select %and3A_67, %iota3A_9, %broadcast_in_dim3A_69 : vector<128x1024xi1>, vector<128x1024xi32>
    %reduce_min3A_71 = arith.constant dense<2147483647> : vector<1024xi32>
    %reduce_min3A_72 = vector.multi_reduction <minsi>, %select_n3A_70, %reduce_min3A_71 [0] : vector<128x1024xi32> to vector<1024xi32>
    %broadcast_in_dim3A_73 = vector.shape_cast %reduce_min3A_72 : vector<1024xi32> to vector<1x1024xi32>
    %eq3A_74 = vector.broadcast %broadcast_in_dim3A_64 : vector<1x1024xi32> to vector<128x1024xi32>
    %eq3A_75 = arith.cmpi eq, %reshape3A_8, %eq3A_74 : vector<128x1024xi32>
    %jit3A_76 = arith.constant 0xFF800000 : f32
    %broadcast_in_dim3A_77 = vector.broadcast %jit3A_76 : f32 to vector<128x1024xf32>
    %select_n3A_78 = arith.select %eq3A_75, %broadcast_in_dim3A_77, %select_n3A_53 : vector<128x1024xi1>, vector<128x1024xf32>
    %reduce_max3A_79 = arith.constant dense<0xFF800000> : vector<1024xf32>
    %reduce_max3A_80 = vector.multi_reduction <maximumf>, %select_n3A_78, %reduce_max3A_79 [0] : vector<128x1024xf32> to vector<1024xf32>
    %broadcast_in_dim3A_81 = vector.shape_cast %reduce_max3A_80 : vector<1024xf32> to vector<1x1024xf32>
    %eq3A_82 = vector.broadcast %broadcast_in_dim3A_81 : vector<1x1024xf32> to vector<128x1024xf32>
    %eq3A_83 = arith.cmpf oeq, %select_n3A_78, %eq3A_82 : vector<128x1024xf32>
    %jit3A_84 = arith.constant 2147483647 : i32
    %broadcast_in_dim3A_85 = vector.broadcast %jit3A_84 : i32 to vector<128x1024xi32>
    %select_n3A_86 = arith.select %eq3A_83, %reshape3A_8, %broadcast_in_dim3A_85 : vector<128x1024xi1>, vector<128x1024xi32>
    %reduce_min3A_87 = arith.constant dense<2147483647> : vector<1024xi32>
    %reduce_min3A_88 = vector.multi_reduction <minsi>, %select_n3A_86, %reduce_min3A_87 [0] : vector<128x1024xi32> to vector<1024xi32>
    %broadcast_in_dim3A_89 = vector.shape_cast %reduce_min3A_88 : vector<1024xi32> to vector<1x1024xi32>
    %eq3A_90 = vector.broadcast %broadcast_in_dim3A_89 : vector<1x1024xi32> to vector<128x1024xi32>
    %eq3A_91 = arith.cmpi eq, %reshape3A_8, %eq3A_90 : vector<128x1024xi32>
    %and3A_92 = arith.andi %eq3A_83, %eq3A_91 : vector<128x1024xi1>
    %jit3A_93 = arith.constant 2147483647 : i32
    %broadcast_in_dim3A_94 = vector.broadcast %jit3A_93 : i32 to vector<128x1024xi32>
    %select_n3A_95 = arith.select %and3A_92, %iota3A_9, %broadcast_in_dim3A_94 : vector<128x1024xi1>, vector<128x1024xi32>
    %reduce_min3A_96 = arith.constant dense<2147483647> : vector<1024xi32>
    %reduce_min3A_97 = vector.multi_reduction <minsi>, %select_n3A_95, %reduce_min3A_96 [0] : vector<128x1024xi32> to vector<1024xi32>
    %broadcast_in_dim3A_98 = vector.shape_cast %reduce_min3A_97 : vector<1024xi32> to vector<1x1024xi32>
    %eq3A_99 = vector.broadcast %broadcast_in_dim3A_89 : vector<1x1024xi32> to vector<128x1024xi32>
    %eq3A_100 = arith.cmpi eq, %reshape3A_8, %eq3A_99 : vector<128x1024xi32>
    %jit3A_101 = arith.constant 0xFF800000 : f32
    %broadcast_in_dim3A_102 = vector.broadcast %jit3A_101 : f32 to vector<128x1024xf32>
    %select_n3A_103 = arith.select %eq3A_100, %broadcast_in_dim3A_102, %select_n3A_78 : vector<128x1024xi1>, vector<128x1024xf32>
    %reduce_max3A_104 = arith.constant dense<0xFF800000> : vector<1024xf32>
    %reduce_max3A_105 = vector.multi_reduction <maximumf>, %select_n3A_103, %reduce_max3A_104 [0] : vector<128x1024xf32> to vector<1024xf32>
    %broadcast_in_dim3A_106 = vector.shape_cast %reduce_max3A_105 : vector<1024xf32> to vector<1x1024xf32>
    %eq3A_107 = vector.broadcast %broadcast_in_dim3A_106 : vector<1x1024xf32> to vector<128x1024xf32>
    %eq3A_108 = arith.cmpf oeq, %select_n3A_103, %eq3A_107 : vector<128x1024xf32>
    %jit3A_109 = arith.constant 2147483647 : i32
    %broadcast_in_dim3A_110 = vector.broadcast %jit3A_109 : i32 to vector<128x1024xi32>
    %select_n3A_111 = arith.select %eq3A_108, %reshape3A_8, %broadcast_in_dim3A_110 : vector<128x1024xi1>, vector<128x1024xi32>
    %reduce_min3A_112 = arith.constant dense<2147483647> : vector<1024xi32>
    %reduce_min3A_113 = vector.multi_reduction <minsi>, %select_n3A_111, %reduce_min3A_112 [0] : vector<128x1024xi32> to vector<1024xi32>
    %broadcast_in_dim3A_114 = vector.shape_cast %reduce_min3A_113 : vector<1024xi32> to vector<1x1024xi32>
    %eq3A_115 = vector.broadcast %broadcast_in_dim3A_114 : vector<1x1024xi32> to vector<128x1024xi32>
    %eq3A_116 = arith.cmpi eq, %reshape3A_8, %eq3A_115 : vector<128x1024xi32>
    %and3A_117 = arith.andi %eq3A_108, %eq3A_116 : vector<128x1024xi1>
    %jit3A_118 = arith.constant 2147483647 : i32
    %broadcast_in_dim3A_119 = vector.broadcast %jit3A_118 : i32 to vector<128x1024xi32>
    %select_n3A_120 = arith.select %and3A_117, %iota3A_9, %broadcast_in_dim3A_119 : vector<128x1024xi1>, vector<128x1024xi32>
    %reduce_min3A_121 = arith.constant dense<2147483647> : vector<1024xi32>
    %reduce_min3A_122 = vector.multi_reduction <minsi>, %select_n3A_120, %reduce_min3A_121 [0] : vector<128x1024xi32> to vector<1024xi32>
    %broadcast_in_dim3A_123 = vector.shape_cast %reduce_min3A_122 : vector<1024xi32> to vector<1x1024xi32>
    %eq3A_124 = vector.broadcast %broadcast_in_dim3A_114 : vector<1x1024xi32> to vector<128x1024xi32>
    %eq3A_125 = arith.cmpi eq, %reshape3A_8, %eq3A_124 : vector<128x1024xi32>
    %jit3A_126 = arith.constant 0xFF800000 : f32
    %broadcast_in_dim3A_127 = vector.broadcast %jit3A_126 : f32 to vector<128x1024xf32>
    %select_n3A_128 = arith.select %eq3A_125, %broadcast_in_dim3A_127, %select_n3A_103 : vector<128x1024xi1>, vector<128x1024xf32>
    %reduce_max3A_129 = arith.constant dense<0xFF800000> : vector<1024xf32>
    %reduce_max3A_130 = vector.multi_reduction <maximumf>, %select_n3A_128, %reduce_max3A_129 [0] : vector<128x1024xf32> to vector<1024xf32>
    %broadcast_in_dim3A_131 = vector.shape_cast %reduce_max3A_130 : vector<1024xf32> to vector<1x1024xf32>
    %eq3A_132 = vector.broadcast %broadcast_in_dim3A_131 : vector<1x1024xf32> to vector<128x1024xf32>
    %eq3A_133 = arith.cmpf oeq, %select_n3A_128, %eq3A_132 : vector<128x1024xf32>
    %jit3A_134 = arith.constant 2147483647 : i32
    %broadcast_in_dim3A_135 = vector.broadcast %jit3A_134 : i32 to vector<128x1024xi32>
    %select_n3A_136 = arith.select %eq3A_133, %reshape3A_8, %broadcast_in_dim3A_135 : vector<128x1024xi1>, vector<128x1024xi32>
    %reduce_min3A_137 = arith.constant dense<2147483647> : vector<1024xi32>
    %reduce_min3A_138 = vector.multi_reduction <minsi>, %select_n3A_136, %reduce_min3A_137 [0] : vector<128x1024xi32> to vector<1024xi32>
    %broadcast_in_dim3A_139 = vector.shape_cast %reduce_min3A_138 : vector<1024xi32> to vector<1x1024xi32>
    %eq3A_140 = vector.broadcast %broadcast_in_dim3A_139 : vector<1x1024xi32> to vector<128x1024xi32>
    %eq3A_141 = arith.cmpi eq, %reshape3A_8, %eq3A_140 : vector<128x1024xi32>
    %and3A_142 = arith.andi %eq3A_133, %eq3A_141 : vector<128x1024xi1>
    %jit3A_143 = arith.constant 2147483647 : i32
    %broadcast_in_dim3A_144 = vector.broadcast %jit3A_143 : i32 to vector<128x1024xi32>
    %select_n3A_145 = arith.select %and3A_142, %iota3A_9, %broadcast_in_dim3A_144 : vector<128x1024xi1>, vector<128x1024xi32>
    %reduce_min3A_146 = arith.constant dense<2147483647> : vector<1024xi32>
    %reduce_min3A_147 = vector.multi_reduction <minsi>, %select_n3A_145, %reduce_min3A_146 [0] : vector<128x1024xi32> to vector<1024xi32>
    %broadcast_in_dim3A_148 = vector.shape_cast %reduce_min3A_147 : vector<1024xi32> to vector<1x1024xi32>
    %eq3A_149 = vector.broadcast %broadcast_in_dim3A_139 : vector<1x1024xi32> to vector<128x1024xi32>
    %eq3A_150 = arith.cmpi eq, %reshape3A_8, %eq3A_149 : vector<128x1024xi32>
    %jit3A_151 = arith.constant 0xFF800000 : f32
    %broadcast_in_dim3A_152 = vector.broadcast %jit3A_151 : f32 to vector<128x1024xf32>
    %select_n3A_153 = arith.select %eq3A_150, %broadcast_in_dim3A_152, %select_n3A_128 : vector<128x1024xi1>, vector<128x1024xf32>
    %reduce_max3A_154 = arith.constant dense<0xFF800000> : vector<1024xf32>
    %reduce_max3A_155 = vector.multi_reduction <maximumf>, %select_n3A_153, %reduce_max3A_154 [0] : vector<128x1024xf32> to vector<1024xf32>
    %broadcast_in_dim3A_156 = vector.shape_cast %reduce_max3A_155 : vector<1024xf32> to vector<1x1024xf32>
    %eq3A_157 = vector.broadcast %broadcast_in_dim3A_156 : vector<1x1024xf32> to vector<128x1024xf32>
    %eq3A_158 = arith.cmpf oeq, %select_n3A_153, %eq3A_157 : vector<128x1024xf32>
    %jit3A_159 = arith.constant 2147483647 : i32
    %broadcast_in_dim3A_160 = vector.broadcast %jit3A_159 : i32 to vector<128x1024xi32>
    %select_n3A_161 = arith.select %eq3A_158, %reshape3A_8, %broadcast_in_dim3A_160 : vector<128x1024xi1>, vector<128x1024xi32>
    %reduce_min3A_162 = arith.constant dense<2147483647> : vector<1024xi32>
    %reduce_min3A_163 = vector.multi_reduction <minsi>, %select_n3A_161, %reduce_min3A_162 [0] : vector<128x1024xi32> to vector<1024xi32>
    %broadcast_in_dim3A_164 = vector.shape_cast %reduce_min3A_163 : vector<1024xi32> to vector<1x1024xi32>
    %eq3A_165 = vector.broadcast %broadcast_in_dim3A_164 : vector<1x1024xi32> to vector<128x1024xi32>
    %eq3A_166 = arith.cmpi eq, %reshape3A_8, %eq3A_165 : vector<128x1024xi32>
    %and3A_167 = arith.andi %eq3A_158, %eq3A_166 : vector<128x1024xi1>
    %jit3A_168 = arith.constant 2147483647 : i32
    %broadcast_in_dim3A_169 = vector.broadcast %jit3A_168 : i32 to vector<128x1024xi32>
    %select_n3A_170 = arith.select %and3A_167, %iota3A_9, %broadcast_in_dim3A_169 : vector<128x1024xi1>, vector<128x1024xi32>
    %reduce_min3A_171 = arith.constant dense<2147483647> : vector<1024xi32>
    %reduce_min3A_172 = vector.multi_reduction <minsi>, %select_n3A_170, %reduce_min3A_171 [0] : vector<128x1024xi32> to vector<1024xi32>
    %broadcast_in_dim3A_173 = vector.shape_cast %reduce_min3A_172 : vector<1024xi32> to vector<1x1024xi32>
    %eq3A_174 = vector.broadcast %broadcast_in_dim3A_164 : vector<1x1024xi32> to vector<128x1024xi32>
    %eq3A_175 = arith.cmpi eq, %reshape3A_8, %eq3A_174 : vector<128x1024xi32>
    %jit3A_176 = arith.constant 0xFF800000 : f32
    %broadcast_in_dim3A_177 = vector.broadcast %jit3A_176 : f32 to vector<128x1024xf32>
    %select_n3A_178 = arith.select %eq3A_175, %broadcast_in_dim3A_177, %select_n3A_153 : vector<128x1024xi1>, vector<128x1024xf32>
    %reduce_max3A_179 = arith.constant dense<0xFF800000> : vector<1024xf32>
    %reduce_max3A_180 = vector.multi_reduction <maximumf>, %select_n3A_178, %reduce_max3A_179 [0] : vector<128x1024xf32> to vector<1024xf32>
    %broadcast_in_dim3A_181 = vector.shape_cast %reduce_max3A_180 : vector<1024xf32> to vector<1x1024xf32>
    %eq3A_182 = vector.broadcast %broadcast_in_dim3A_181 : vector<1x1024xf32> to vector<128x1024xf32>
    %eq3A_183 = arith.cmpf oeq, %select_n3A_178, %eq3A_182 : vector<128x1024xf32>
    %jit3A_184 = arith.constant 2147483647 : i32
    %broadcast_in_dim3A_185 = vector.broadcast %jit3A_184 : i32 to vector<128x1024xi32>
    %select_n3A_186 = arith.select %eq3A_183, %reshape3A_8, %broadcast_in_dim3A_185 : vector<128x1024xi1>, vector<128x1024xi32>
    %reduce_min3A_187 = arith.constant dense<2147483647> : vector<1024xi32>
    %reduce_min3A_188 = vector.multi_reduction <minsi>, %select_n3A_186, %reduce_min3A_187 [0] : vector<128x1024xi32> to vector<1024xi32>
    %broadcast_in_dim3A_189 = vector.shape_cast %reduce_min3A_188 : vector<1024xi32> to vector<1x1024xi32>
    %eq3A_190 = vector.broadcast %broadcast_in_dim3A_189 : vector<1x1024xi32> to vector<128x1024xi32>
    %eq3A_191 = arith.cmpi eq, %reshape3A_8, %eq3A_190 : vector<128x1024xi32>
    %and3A_192 = arith.andi %eq3A_183, %eq3A_191 : vector<128x1024xi1>
    %jit3A_193 = arith.constant 2147483647 : i32
    %broadcast_in_dim3A_194 = vector.broadcast %jit3A_193 : i32 to vector<128x1024xi32>
    %select_n3A_195 = arith.select %and3A_192, %iota3A_9, %broadcast_in_dim3A_194 : vector<128x1024xi1>, vector<128x1024xi32>
    %reduce_min3A_196 = arith.constant dense<2147483647> : vector<1024xi32>
    %reduce_min3A_197 = vector.multi_reduction <minsi>, %select_n3A_195, %reduce_min3A_196 [0] : vector<128x1024xi32> to vector<1024xi32>
    %broadcast_in_dim3A_198 = vector.shape_cast %reduce_min3A_197 : vector<1024xi32> to vector<1x1024xi32>
    %eq3A_199 = vector.broadcast %broadcast_in_dim3A_189 : vector<1x1024xi32> to vector<128x1024xi32>
    %eq3A_200 = arith.cmpi eq, %reshape3A_8, %eq3A_199 : vector<128x1024xi32>
    %jit3A_201 = arith.constant 0xFF800000 : f32
    %broadcast_in_dim3A_202 = vector.broadcast %jit3A_201 : f32 to vector<128x1024xf32>
    %select_n3A_203 = arith.select %eq3A_200, %broadcast_in_dim3A_202, %select_n3A_178 : vector<128x1024xi1>, vector<128x1024xf32>
    %reduce_max3A_204 = arith.constant dense<0xFF800000> : vector<1024xf32>
    %reduce_max3A_205 = vector.multi_reduction <maximumf>, %select_n3A_203, %reduce_max3A_204 [0] : vector<128x1024xf32> to vector<1024xf32>
    %broadcast_in_dim3A_206 = vector.shape_cast %reduce_max3A_205 : vector<1024xf32> to vector<1x1024xf32>
    %eq3A_207 = vector.broadcast %broadcast_in_dim3A_206 : vector<1x1024xf32> to vector<128x1024xf32>
    %eq3A_208 = arith.cmpf oeq, %select_n3A_203, %eq3A_207 : vector<128x1024xf32>
    %jit3A_209 = arith.constant 2147483647 : i32
    %broadcast_in_dim3A_210 = vector.broadcast %jit3A_209 : i32 to vector<128x1024xi32>
    %select_n3A_211 = arith.select %eq3A_208, %reshape3A_8, %broadcast_in_dim3A_210 : vector<128x1024xi1>, vector<128x1024xi32>
    %reduce_min3A_212 = arith.constant dense<2147483647> : vector<1024xi32>
    %reduce_min3A_213 = vector.multi_reduction <minsi>, %select_n3A_211, %reduce_min3A_212 [0] : vector<128x1024xi32> to vector<1024xi32>
    %broadcast_in_dim3A_214 = vector.shape_cast %reduce_min3A_213 : vector<1024xi32> to vector<1x1024xi32>
    %eq3A_215 = vector.broadcast %broadcast_in_dim3A_214 : vector<1x1024xi32> to vector<128x1024xi32>
    %eq3A_216 = arith.cmpi eq, %reshape3A_8, %eq3A_215 : vector<128x1024xi32>
    %and3A_217 = arith.andi %eq3A_208, %eq3A_216 : vector<128x1024xi1>
    %jit3A_218 = arith.constant 2147483647 : i32
    %broadcast_in_dim3A_219 = vector.broadcast %jit3A_218 : i32 to vector<128x1024xi32>
    %select_n3A_220 = arith.select %and3A_217, %iota3A_9, %broadcast_in_dim3A_219 : vector<128x1024xi1>, vector<128x1024xi32>
    %reduce_min3A_221 = arith.constant dense<2147483647> : vector<1024xi32>
    %reduce_min3A_222 = vector.multi_reduction <minsi>, %select_n3A_220, %reduce_min3A_221 [0] : vector<128x1024xi32> to vector<1024xi32>
    %broadcast_in_dim3A_223 = vector.shape_cast %reduce_min3A_222 : vector<1024xi32> to vector<1x1024xi32>
    %eq3A_224 = vector.broadcast %broadcast_in_dim3A_214 : vector<1x1024xi32> to vector<128x1024xi32>
    %eq3A_225 = arith.cmpi eq, %reshape3A_8, %eq3A_224 : vector<128x1024xi32>
    %jit3A_226 = arith.constant 0xFF800000 : f32
    %broadcast_in_dim3A_227 = vector.broadcast %jit3A_226 : f32 to vector<128x1024xf32>
    %select_n3A_228 = arith.select %eq3A_225, %broadcast_in_dim3A_227, %select_n3A_203 : vector<128x1024xi1>, vector<128x1024xf32>
    %reduce_max3A_229 = arith.constant dense<0xFF800000> : vector<1024xf32>
    %reduce_max3A_230 = vector.multi_reduction <maximumf>, %select_n3A_228, %reduce_max3A_229 [0] : vector<128x1024xf32> to vector<1024xf32>
    %broadcast_in_dim3A_231 = vector.shape_cast %reduce_max3A_230 : vector<1024xf32> to vector<1x1024xf32>
    %eq3A_232 = vector.broadcast %broadcast_in_dim3A_231 : vector<1x1024xf32> to vector<128x1024xf32>
    %eq3A_233 = arith.cmpf oeq, %select_n3A_228, %eq3A_232 : vector<128x1024xf32>
    %jit3A_234 = arith.constant 2147483647 : i32
    %broadcast_in_dim3A_235 = vector.broadcast %jit3A_234 : i32 to vector<128x1024xi32>
    %select_n3A_236 = arith.select %eq3A_233, %reshape3A_8, %broadcast_in_dim3A_235 : vector<128x1024xi1>, vector<128x1024xi32>
    %reduce_min3A_237 = arith.constant dense<2147483647> : vector<1024xi32>
    %reduce_min3A_238 = vector.multi_reduction <minsi>, %select_n3A_236, %reduce_min3A_237 [0] : vector<128x1024xi32> to vector<1024xi32>
    %broadcast_in_dim3A_239 = vector.shape_cast %reduce_min3A_238 : vector<1024xi32> to vector<1x1024xi32>
    %eq3A_240 = vector.broadcast %broadcast_in_dim3A_239 : vector<1x1024xi32> to vector<128x1024xi32>
    %eq3A_241 = arith.cmpi eq, %reshape3A_8, %eq3A_240 : vector<128x1024xi32>
    %and3A_242 = arith.andi %eq3A_233, %eq3A_241 : vector<128x1024xi1>
    %jit3A_243 = arith.constant 2147483647 : i32
    %broadcast_in_dim3A_244 = vector.broadcast %jit3A_243 : i32 to vector<128x1024xi32>
    %select_n3A_245 = arith.select %and3A_242, %iota3A_9, %broadcast_in_dim3A_244 : vector<128x1024xi1>, vector<128x1024xi32>
    %reduce_min3A_246 = arith.constant dense<2147483647> : vector<1024xi32>
    %reduce_min3A_247 = vector.multi_reduction <minsi>, %select_n3A_245, %reduce_min3A_246 [0] : vector<128x1024xi32> to vector<1024xi32>
    %broadcast_in_dim3A_248 = vector.shape_cast %reduce_min3A_247 : vector<1024xi32> to vector<1x1024xi32>
    %eq3A_249 = vector.broadcast %broadcast_in_dim3A_239 : vector<1x1024xi32> to vector<128x1024xi32>
    %eq3A_250 = arith.cmpi eq, %reshape3A_8, %eq3A_249 : vector<128x1024xi32>
    %jit3A_251 = arith.constant 0xFF800000 : f32
    %broadcast_in_dim3A_252 = vector.broadcast %jit3A_251 : f32 to vector<128x1024xf32>
    %select_n3A_253 = arith.select %eq3A_250, %broadcast_in_dim3A_252, %select_n3A_228 : vector<128x1024xi1>, vector<128x1024xf32>
    %reduce_max3A_254 = arith.constant dense<0xFF800000> : vector<1024xf32>
    %reduce_max3A_255 = vector.multi_reduction <maximumf>, %select_n3A_253, %reduce_max3A_254 [0] : vector<128x1024xf32> to vector<1024xf32>
    %broadcast_in_dim3A_256 = vector.shape_cast %reduce_max3A_255 : vector<1024xf32> to vector<1x1024xf32>
    %eq3A_257 = vector.broadcast %broadcast_in_dim3A_256 : vector<1x1024xf32> to vector<128x1024xf32>
    %eq3A_258 = arith.cmpf oeq, %select_n3A_253, %eq3A_257 : vector<128x1024xf32>
    %jit3A_259 = arith.constant 2147483647 : i32
    %broadcast_in_dim3A_260 = vector.broadcast %jit3A_259 : i32 to vector<128x1024xi32>
    %select_n3A_261 = arith.select %eq3A_258, %reshape3A_8, %broadcast_in_dim3A_260 : vector<128x1024xi1>, vector<128x1024xi32>
    %reduce_min3A_262 = arith.constant dense<2147483647> : vector<1024xi32>
    %reduce_min3A_263 = vector.multi_reduction <minsi>, %select_n3A_261, %reduce_min3A_262 [0] : vector<128x1024xi32> to vector<1024xi32>
    %broadcast_in_dim3A_264 = vector.shape_cast %reduce_min3A_263 : vector<1024xi32> to vector<1x1024xi32>
    %eq3A_265 = vector.broadcast %broadcast_in_dim3A_264 : vector<1x1024xi32> to vector<128x1024xi32>
    %eq3A_266 = arith.cmpi eq, %reshape3A_8, %eq3A_265 : vector<128x1024xi32>
    %and3A_267 = arith.andi %eq3A_258, %eq3A_266 : vector<128x1024xi1>
    %jit3A_268 = arith.constant 2147483647 : i32
    %broadcast_in_dim3A_269 = vector.broadcast %jit3A_268 : i32 to vector<128x1024xi32>
    %select_n3A_270 = arith.select %and3A_267, %iota3A_9, %broadcast_in_dim3A_269 : vector<128x1024xi1>, vector<128x1024xi32>
    %reduce_min3A_271 = arith.constant dense<2147483647> : vector<1024xi32>
    %reduce_min3A_272 = vector.multi_reduction <minsi>, %select_n3A_270, %reduce_min3A_271 [0] : vector<128x1024xi32> to vector<1024xi32>
    %broadcast_in_dim3A_273 = vector.shape_cast %reduce_min3A_272 : vector<1024xi32> to vector<1x1024xi32>
    %eq3A_274 = vector.broadcast %broadcast_in_dim3A_264 : vector<1x1024xi32> to vector<128x1024xi32>
    %eq3A_275 = arith.cmpi eq, %reshape3A_8, %eq3A_274 : vector<128x1024xi32>
    %jit3A_276 = arith.constant 0xFF800000 : f32
    %broadcast_in_dim3A_277 = vector.broadcast %jit3A_276 : f32 to vector<128x1024xf32>
    %select_n3A_278 = arith.select %eq3A_275, %broadcast_in_dim3A_277, %select_n3A_253 : vector<128x1024xi1>, vector<128x1024xf32>
    %reduce_max3A_279 = arith.constant dense<0xFF800000> : vector<1024xf32>
    %reduce_max3A_280 = vector.multi_reduction <maximumf>, %select_n3A_278, %reduce_max3A_279 [0] : vector<128x1024xf32> to vector<1024xf32>
    %broadcast_in_dim3A_281 = vector.shape_cast %reduce_max3A_280 : vector<1024xf32> to vector<1x1024xf32>
    %eq3A_282 = vector.broadcast %broadcast_in_dim3A_281 : vector<1x1024xf32> to vector<128x1024xf32>
    %eq3A_283 = arith.cmpf oeq, %select_n3A_278, %eq3A_282 : vector<128x1024xf32>
    %jit3A_284 = arith.constant 2147483647 : i32
    %broadcast_in_dim3A_285 = vector.broadcast %jit3A_284 : i32 to vector<128x1024xi32>
    %select_n3A_286 = arith.select %eq3A_283, %reshape3A_8, %broadcast_in_dim3A_285 : vector<128x1024xi1>, vector<128x1024xi32>
    %reduce_min3A_287 = arith.constant dense<2147483647> : vector<1024xi32>
    %reduce_min3A_288 = vector.multi_reduction <minsi>, %select_n3A_286, %reduce_min3A_287 [0] : vector<128x1024xi32> to vector<1024xi32>
    %broadcast_in_dim3A_289 = vector.shape_cast %reduce_min3A_288 : vector<1024xi32> to vector<1x1024xi32>
    %eq3A_290 = vector.broadcast %broadcast_in_dim3A_289 : vector<1x1024xi32> to vector<128x1024xi32>
    %eq3A_291 = arith.cmpi eq, %reshape3A_8, %eq3A_290 : vector<128x1024xi32>
    %and3A_292 = arith.andi %eq3A_283, %eq3A_291 : vector<128x1024xi1>
    %jit3A_293 = arith.constant 2147483647 : i32
    %broadcast_in_dim3A_294 = vector.broadcast %jit3A_293 : i32 to vector<128x1024xi32>
    %select_n3A_295 = arith.select %and3A_292, %iota3A_9, %broadcast_in_dim3A_294 : vector<128x1024xi1>, vector<128x1024xi32>
    %reduce_min3A_296 = arith.constant dense<2147483647> : vector<1024xi32>
    %reduce_min3A_297 = vector.multi_reduction <minsi>, %select_n3A_295, %reduce_min3A_296 [0] : vector<128x1024xi32> to vector<1024xi32>
    %broadcast_in_dim3A_298 = vector.shape_cast %reduce_min3A_297 : vector<1024xi32> to vector<1x1024xi32>
    %eq3A_299 = vector.broadcast %broadcast_in_dim3A_289 : vector<1x1024xi32> to vector<128x1024xi32>
    %eq3A_300 = arith.cmpi eq, %reshape3A_8, %eq3A_299 : vector<128x1024xi32>
    %jit3A_301 = arith.constant 0xFF800000 : f32
    %broadcast_in_dim3A_302 = vector.broadcast %jit3A_301 : f32 to vector<128x1024xf32>
    %select_n3A_303 = arith.select %eq3A_300, %broadcast_in_dim3A_302, %select_n3A_278 : vector<128x1024xi1>, vector<128x1024xf32>
    %reduce_max3A_304 = arith.constant dense<0xFF800000> : vector<1024xf32>
    %reduce_max3A_305 = vector.multi_reduction <maximumf>, %select_n3A_303, %reduce_max3A_304 [0] : vector<128x1024xf32> to vector<1024xf32>
    %broadcast_in_dim3A_306 = vector.shape_cast %reduce_max3A_305 : vector<1024xf32> to vector<1x1024xf32>
    %eq3A_307 = vector.broadcast %broadcast_in_dim3A_306 : vector<1x1024xf32> to vector<128x1024xf32>
    %eq3A_308 = arith.cmpf oeq, %select_n3A_303, %eq3A_307 : vector<128x1024xf32>
    %jit3A_309 = arith.constant 2147483647 : i32
    %broadcast_in_dim3A_310 = vector.broadcast %jit3A_309 : i32 to vector<128x1024xi32>
    %select_n3A_311 = arith.select %eq3A_308, %reshape3A_8, %broadcast_in_dim3A_310 : vector<128x1024xi1>, vector<128x1024xi32>
    %reduce_min3A_312 = arith.constant dense<2147483647> : vector<1024xi32>
    %reduce_min3A_313 = vector.multi_reduction <minsi>, %select_n3A_311, %reduce_min3A_312 [0] : vector<128x1024xi32> to vector<1024xi32>
    %broadcast_in_dim3A_314 = vector.shape_cast %reduce_min3A_313 : vector<1024xi32> to vector<1x1024xi32>
    %eq3A_315 = vector.broadcast %broadcast_in_dim3A_314 : vector<1x1024xi32> to vector<128x1024xi32>
    %eq3A_316 = arith.cmpi eq, %reshape3A_8, %eq3A_315 : vector<128x1024xi32>
    %and3A_317 = arith.andi %eq3A_308, %eq3A_316 : vector<128x1024xi1>
    %jit3A_318 = arith.constant 2147483647 : i32
    %broadcast_in_dim3A_319 = vector.broadcast %jit3A_318 : i32 to vector<128x1024xi32>
    %select_n3A_320 = arith.select %and3A_317, %iota3A_9, %broadcast_in_dim3A_319 : vector<128x1024xi1>, vector<128x1024xi32>
    %reduce_min3A_321 = arith.constant dense<2147483647> : vector<1024xi32>
    %reduce_min3A_322 = vector.multi_reduction <minsi>, %select_n3A_320, %reduce_min3A_321 [0] : vector<128x1024xi32> to vector<1024xi32>
    %broadcast_in_dim3A_323 = vector.shape_cast %reduce_min3A_322 : vector<1024xi32> to vector<1x1024xi32>
    %eq3A_324 = vector.broadcast %broadcast_in_dim3A_314 : vector<1x1024xi32> to vector<128x1024xi32>
    %eq3A_325 = arith.cmpi eq, %reshape3A_8, %eq3A_324 : vector<128x1024xi32>
    %jit3A_326 = arith.constant 0xFF800000 : f32
    %broadcast_in_dim3A_327 = vector.broadcast %jit3A_326 : f32 to vector<128x1024xf32>
    %select_n3A_328 = arith.select %eq3A_325, %broadcast_in_dim3A_327, %select_n3A_303 : vector<128x1024xi1>, vector<128x1024xf32>
    %reduce_max3A_329 = arith.constant dense<0xFF800000> : vector<1024xf32>
    %reduce_max3A_330 = vector.multi_reduction <maximumf>, %select_n3A_328, %reduce_max3A_329 [0] : vector<128x1024xf32> to vector<1024xf32>
    %broadcast_in_dim3A_331 = vector.shape_cast %reduce_max3A_330 : vector<1024xf32> to vector<1x1024xf32>
    %eq3A_332 = vector.broadcast %broadcast_in_dim3A_331 : vector<1x1024xf32> to vector<128x1024xf32>
    %eq3A_333 = arith.cmpf oeq, %select_n3A_328, %eq3A_332 : vector<128x1024xf32>
    %jit3A_334 = arith.constant 2147483647 : i32
    %broadcast_in_dim3A_335 = vector.broadcast %jit3A_334 : i32 to vector<128x1024xi32>
    %select_n3A_336 = arith.select %eq3A_333, %reshape3A_8, %broadcast_in_dim3A_335 : vector<128x1024xi1>, vector<128x1024xi32>
    %reduce_min3A_337 = arith.constant dense<2147483647> : vector<1024xi32>
    %reduce_min3A_338 = vector.multi_reduction <minsi>, %select_n3A_336, %reduce_min3A_337 [0] : vector<128x1024xi32> to vector<1024xi32>
    %broadcast_in_dim3A_339 = vector.shape_cast %reduce_min3A_338 : vector<1024xi32> to vector<1x1024xi32>
    %eq3A_340 = vector.broadcast %broadcast_in_dim3A_339 : vector<1x1024xi32> to vector<128x1024xi32>
    %eq3A_341 = arith.cmpi eq, %reshape3A_8, %eq3A_340 : vector<128x1024xi32>
    %and3A_342 = arith.andi %eq3A_333, %eq3A_341 : vector<128x1024xi1>
    %jit3A_343 = arith.constant 2147483647 : i32
    %broadcast_in_dim3A_344 = vector.broadcast %jit3A_343 : i32 to vector<128x1024xi32>
    %select_n3A_345 = arith.select %and3A_342, %iota3A_9, %broadcast_in_dim3A_344 : vector<128x1024xi1>, vector<128x1024xi32>
    %reduce_min3A_346 = arith.constant dense<2147483647> : vector<1024xi32>
    %reduce_min3A_347 = vector.multi_reduction <minsi>, %select_n3A_345, %reduce_min3A_346 [0] : vector<128x1024xi32> to vector<1024xi32>
    %broadcast_in_dim3A_348 = vector.shape_cast %reduce_min3A_347 : vector<1024xi32> to vector<1x1024xi32>
    %eq3A_349 = vector.broadcast %broadcast_in_dim3A_339 : vector<1x1024xi32> to vector<128x1024xi32>
    %eq3A_350 = arith.cmpi eq, %reshape3A_8, %eq3A_349 : vector<128x1024xi32>
    %jit3A_351 = arith.constant 0xFF800000 : f32
    %broadcast_in_dim3A_352 = vector.broadcast %jit3A_351 : f32 to vector<128x1024xf32>
    %select_n3A_353 = arith.select %eq3A_350, %broadcast_in_dim3A_352, %select_n3A_328 : vector<128x1024xi1>, vector<128x1024xf32>
    %reduce_max3A_354 = arith.constant dense<0xFF800000> : vector<1024xf32>
    %reduce_max3A_355 = vector.multi_reduction <maximumf>, %select_n3A_353, %reduce_max3A_354 [0] : vector<128x1024xf32> to vector<1024xf32>
    %broadcast_in_dim3A_356 = vector.shape_cast %reduce_max3A_355 : vector<1024xf32> to vector<1x1024xf32>
    %eq3A_357 = vector.broadcast %broadcast_in_dim3A_356 : vector<1x1024xf32> to vector<128x1024xf32>
    %eq3A_358 = arith.cmpf oeq, %select_n3A_353, %eq3A_357 : vector<128x1024xf32>
    %jit3A_359 = arith.constant 2147483647 : i32
    %broadcast_in_dim3A_360 = vector.broadcast %jit3A_359 : i32 to vector<128x1024xi32>
    %select_n3A_361 = arith.select %eq3A_358, %reshape3A_8, %broadcast_in_dim3A_360 : vector<128x1024xi1>, vector<128x1024xi32>
    %reduce_min3A_362 = arith.constant dense<2147483647> : vector<1024xi32>
    %reduce_min3A_363 = vector.multi_reduction <minsi>, %select_n3A_361, %reduce_min3A_362 [0] : vector<128x1024xi32> to vector<1024xi32>
    %broadcast_in_dim3A_364 = vector.shape_cast %reduce_min3A_363 : vector<1024xi32> to vector<1x1024xi32>
    %eq3A_365 = vector.broadcast %broadcast_in_dim3A_364 : vector<1x1024xi32> to vector<128x1024xi32>
    %eq3A_366 = arith.cmpi eq, %reshape3A_8, %eq3A_365 : vector<128x1024xi32>
    %and3A_367 = arith.andi %eq3A_358, %eq3A_366 : vector<128x1024xi1>
    %jit3A_368 = arith.constant 2147483647 : i32
    %broadcast_in_dim3A_369 = vector.broadcast %jit3A_368 : i32 to vector<128x1024xi32>
    %select_n3A_370 = arith.select %and3A_367, %iota3A_9, %broadcast_in_dim3A_369 : vector<128x1024xi1>, vector<128x1024xi32>
    %reduce_min3A_371 = arith.constant dense<2147483647> : vector<1024xi32>
    %reduce_min3A_372 = vector.multi_reduction <minsi>, %select_n3A_370, %reduce_min3A_371 [0] : vector<128x1024xi32> to vector<1024xi32>
    %broadcast_in_dim3A_373 = vector.shape_cast %reduce_min3A_372 : vector<1024xi32> to vector<1x1024xi32>
    %eq3A_374 = vector.broadcast %broadcast_in_dim3A_364 : vector<1x1024xi32> to vector<128x1024xi32>
    %eq3A_375 = arith.cmpi eq, %reshape3A_8, %eq3A_374 : vector<128x1024xi32>
    %jit3A_376 = arith.constant 0xFF800000 : f32
    %broadcast_in_dim3A_377 = vector.broadcast %jit3A_376 : f32 to vector<128x1024xf32>
    %select_n3A_378 = arith.select %eq3A_375, %broadcast_in_dim3A_377, %select_n3A_353 : vector<128x1024xi1>, vector<128x1024xf32>
    %reduce_max3A_379 = arith.constant dense<0xFF800000> : vector<1024xf32>
    %reduce_max3A_380 = vector.multi_reduction <maximumf>, %select_n3A_378, %reduce_max3A_379 [0] : vector<128x1024xf32> to vector<1024xf32>
    %broadcast_in_dim3A_381 = vector.shape_cast %reduce_max3A_380 : vector<1024xf32> to vector<1x1024xf32>
    %eq3A_382 = vector.broadcast %broadcast_in_dim3A_381 : vector<1x1024xf32> to vector<128x1024xf32>
    %eq3A_383 = arith.cmpf oeq, %select_n3A_378, %eq3A_382 : vector<128x1024xf32>
    %jit3A_384 = arith.constant 2147483647 : i32
    %broadcast_in_dim3A_385 = vector.broadcast %jit3A_384 : i32 to vector<128x1024xi32>
    %select_n3A_386 = arith.select %eq3A_383, %reshape3A_8, %broadcast_in_dim3A_385 : vector<128x1024xi1>, vector<128x1024xi32>
    %reduce_min3A_387 = arith.constant dense<2147483647> : vector<1024xi32>
    %reduce_min3A_388 = vector.multi_reduction <minsi>, %select_n3A_386, %reduce_min3A_387 [0] : vector<128x1024xi32> to vector<1024xi32>
    %broadcast_in_dim3A_389 = vector.shape_cast %reduce_min3A_388 : vector<1024xi32> to vector<1x1024xi32>
    %eq3A_390 = vector.broadcast %broadcast_in_dim3A_389 : vector<1x1024xi32> to vector<128x1024xi32>
    %eq3A_391 = arith.cmpi eq, %reshape3A_8, %eq3A_390 : vector<128x1024xi32>
    %and3A_392 = arith.andi %eq3A_383, %eq3A_391 : vector<128x1024xi1>
    %jit3A_393 = arith.constant 2147483647 : i32
    %broadcast_in_dim3A_394 = vector.broadcast %jit3A_393 : i32 to vector<128x1024xi32>
    %select_n3A_395 = arith.select %and3A_392, %iota3A_9, %broadcast_in_dim3A_394 : vector<128x1024xi1>, vector<128x1024xi32>
    %reduce_min3A_396 = arith.constant dense<2147483647> : vector<1024xi32>
    %reduce_min3A_397 = vector.multi_reduction <minsi>, %select_n3A_395, %reduce_min3A_396 [0] : vector<128x1024xi32> to vector<1024xi32>
    %broadcast_in_dim3A_398 = vector.shape_cast %reduce_min3A_397 : vector<1024xi32> to vector<1x1024xi32>
    %eq3A_399 = vector.broadcast %broadcast_in_dim3A_389 : vector<1x1024xi32> to vector<128x1024xi32>
    %eq3A_400 = arith.cmpi eq, %reshape3A_8, %eq3A_399 : vector<128x1024xi32>
    %jit3A_401 = arith.constant 0xFF800000 : f32
    %broadcast_in_dim3A_402 = vector.broadcast %jit3A_401 : f32 to vector<128x1024xf32>
    %select_n3A_403 = arith.select %eq3A_400, %broadcast_in_dim3A_402, %select_n3A_378 : vector<128x1024xi1>, vector<128x1024xf32>
    %reduce_max3A_404 = arith.constant dense<0xFF800000> : vector<1024xf32>
    %reduce_max3A_405 = vector.multi_reduction <maximumf>, %select_n3A_403, %reduce_max3A_404 [0] : vector<128x1024xf32> to vector<1024xf32>
    %broadcast_in_dim3A_406 = vector.shape_cast %reduce_max3A_405 : vector<1024xf32> to vector<1x1024xf32>
    %eq3A_407 = vector.broadcast %broadcast_in_dim3A_406 : vector<1x1024xf32> to vector<128x1024xf32>
    %eq3A_408 = arith.cmpf oeq, %select_n3A_403, %eq3A_407 : vector<128x1024xf32>
    %jit3A_409 = arith.constant 2147483647 : i32
    %broadcast_in_dim3A_410 = vector.broadcast %jit3A_409 : i32 to vector<128x1024xi32>
    %select_n3A_411 = arith.select %eq3A_408, %reshape3A_8, %broadcast_in_dim3A_410 : vector<128x1024xi1>, vector<128x1024xi32>
    %reduce_min3A_412 = arith.constant dense<2147483647> : vector<1024xi32>
    %reduce_min3A_413 = vector.multi_reduction <minsi>, %select_n3A_411, %reduce_min3A_412 [0] : vector<128x1024xi32> to vector<1024xi32>
    %broadcast_in_dim3A_414 = vector.shape_cast %reduce_min3A_413 : vector<1024xi32> to vector<1x1024xi32>
    %eq3A_415 = vector.broadcast %broadcast_in_dim3A_414 : vector<1x1024xi32> to vector<128x1024xi32>
    %eq3A_416 = arith.cmpi eq, %reshape3A_8, %eq3A_415 : vector<128x1024xi32>
    %and3A_417 = arith.andi %eq3A_408, %eq3A_416 : vector<128x1024xi1>
    %jit3A_418 = arith.constant 2147483647 : i32
    %broadcast_in_dim3A_419 = vector.broadcast %jit3A_418 : i32 to vector<128x1024xi32>
    %select_n3A_420 = arith.select %and3A_417, %iota3A_9, %broadcast_in_dim3A_419 : vector<128x1024xi1>, vector<128x1024xi32>
    %reduce_min3A_421 = arith.constant dense<2147483647> : vector<1024xi32>
    %reduce_min3A_422 = vector.multi_reduction <minsi>, %select_n3A_420, %reduce_min3A_421 [0] : vector<128x1024xi32> to vector<1024xi32>
    %broadcast_in_dim3A_423 = vector.shape_cast %reduce_min3A_422 : vector<1024xi32> to vector<1x1024xi32>
    %eq3A_424 = vector.broadcast %broadcast_in_dim3A_414 : vector<1x1024xi32> to vector<128x1024xi32>
    %eq3A_425 = arith.cmpi eq, %reshape3A_8, %eq3A_424 : vector<128x1024xi32>
    %jit3A_426 = arith.constant 0xFF800000 : f32
    %broadcast_in_dim3A_427 = vector.broadcast %jit3A_426 : f32 to vector<128x1024xf32>
    %select_n3A_428 = arith.select %eq3A_425, %broadcast_in_dim3A_427, %select_n3A_403 : vector<128x1024xi1>, vector<128x1024xf32>
    %reduce_max3A_429 = arith.constant dense<0xFF800000> : vector<1024xf32>
    %reduce_max3A_430 = vector.multi_reduction <maximumf>, %select_n3A_428, %reduce_max3A_429 [0] : vector<128x1024xf32> to vector<1024xf32>
    %broadcast_in_dim3A_431 = vector.shape_cast %reduce_max3A_430 : vector<1024xf32> to vector<1x1024xf32>
    %eq3A_432 = vector.broadcast %broadcast_in_dim3A_431 : vector<1x1024xf32> to vector<128x1024xf32>
    %eq3A_433 = arith.cmpf oeq, %select_n3A_428, %eq3A_432 : vector<128x1024xf32>
    %jit3A_434 = arith.constant 2147483647 : i32
    %broadcast_in_dim3A_435 = vector.broadcast %jit3A_434 : i32 to vector<128x1024xi32>
    %select_n3A_436 = arith.select %eq3A_433, %reshape3A_8, %broadcast_in_dim3A_435 : vector<128x1024xi1>, vector<128x1024xi32>
    %reduce_min3A_437 = arith.constant dense<2147483647> : vector<1024xi32>
    %reduce_min3A_438 = vector.multi_reduction <minsi>, %select_n3A_436, %reduce_min3A_437 [0] : vector<128x1024xi32> to vector<1024xi32>
    %broadcast_in_dim3A_439 = vector.shape_cast %reduce_min3A_438 : vector<1024xi32> to vector<1x1024xi32>
    %eq3A_440 = vector.broadcast %broadcast_in_dim3A_439 : vector<1x1024xi32> to vector<128x1024xi32>
    %eq3A_441 = arith.cmpi eq, %reshape3A_8, %eq3A_440 : vector<128x1024xi32>
    %and3A_442 = arith.andi %eq3A_433, %eq3A_441 : vector<128x1024xi1>
    %jit3A_443 = arith.constant 2147483647 : i32
    %broadcast_in_dim3A_444 = vector.broadcast %jit3A_443 : i32 to vector<128x1024xi32>
    %select_n3A_445 = arith.select %and3A_442, %iota3A_9, %broadcast_in_dim3A_444 : vector<128x1024xi1>, vector<128x1024xi32>
    %reduce_min3A_446 = arith.constant dense<2147483647> : vector<1024xi32>
    %reduce_min3A_447 = vector.multi_reduction <minsi>, %select_n3A_445, %reduce_min3A_446 [0] : vector<128x1024xi32> to vector<1024xi32>
    %broadcast_in_dim3A_448 = vector.shape_cast %reduce_min3A_447 : vector<1024xi32> to vector<1x1024xi32>
    %eq3A_449 = vector.broadcast %broadcast_in_dim3A_439 : vector<1x1024xi32> to vector<128x1024xi32>
    %eq3A_450 = arith.cmpi eq, %reshape3A_8, %eq3A_449 : vector<128x1024xi32>
    %jit3A_451 = arith.constant 0xFF800000 : f32
    %broadcast_in_dim3A_452 = vector.broadcast %jit3A_451 : f32 to vector<128x1024xf32>
    %select_n3A_453 = arith.select %eq3A_450, %broadcast_in_dim3A_452, %select_n3A_428 : vector<128x1024xi1>, vector<128x1024xf32>
    %reduce_max3A_454 = arith.constant dense<0xFF800000> : vector<1024xf32>
    %reduce_max3A_455 = vector.multi_reduction <maximumf>, %select_n3A_453, %reduce_max3A_454 [0] : vector<128x1024xf32> to vector<1024xf32>
    %broadcast_in_dim3A_456 = vector.shape_cast %reduce_max3A_455 : vector<1024xf32> to vector<1x1024xf32>
    %eq3A_457 = vector.broadcast %broadcast_in_dim3A_456 : vector<1x1024xf32> to vector<128x1024xf32>
    %eq3A_458 = arith.cmpf oeq, %select_n3A_453, %eq3A_457 : vector<128x1024xf32>
    %jit3A_459 = arith.constant 2147483647 : i32
    %broadcast_in_dim3A_460 = vector.broadcast %jit3A_459 : i32 to vector<128x1024xi32>
    %select_n3A_461 = arith.select %eq3A_458, %reshape3A_8, %broadcast_in_dim3A_460 : vector<128x1024xi1>, vector<128x1024xi32>
    %reduce_min3A_462 = arith.constant dense<2147483647> : vector<1024xi32>
    %reduce_min3A_463 = vector.multi_reduction <minsi>, %select_n3A_461, %reduce_min3A_462 [0] : vector<128x1024xi32> to vector<1024xi32>
    %broadcast_in_dim3A_464 = vector.shape_cast %reduce_min3A_463 : vector<1024xi32> to vector<1x1024xi32>
    %eq3A_465 = vector.broadcast %broadcast_in_dim3A_464 : vector<1x1024xi32> to vector<128x1024xi32>
    %eq3A_466 = arith.cmpi eq, %reshape3A_8, %eq3A_465 : vector<128x1024xi32>
    %and3A_467 = arith.andi %eq3A_458, %eq3A_466 : vector<128x1024xi1>
    %jit3A_468 = arith.constant 2147483647 : i32
    %broadcast_in_dim3A_469 = vector.broadcast %jit3A_468 : i32 to vector<128x1024xi32>
    %select_n3A_470 = arith.select %and3A_467, %iota3A_9, %broadcast_in_dim3A_469 : vector<128x1024xi1>, vector<128x1024xi32>
    %reduce_min3A_471 = arith.constant dense<2147483647> : vector<1024xi32>
    %reduce_min3A_472 = vector.multi_reduction <minsi>, %select_n3A_470, %reduce_min3A_471 [0] : vector<128x1024xi32> to vector<1024xi32>
    %broadcast_in_dim3A_473 = vector.shape_cast %reduce_min3A_472 : vector<1024xi32> to vector<1x1024xi32>
    %eq3A_474 = vector.broadcast %broadcast_in_dim3A_464 : vector<1x1024xi32> to vector<128x1024xi32>
    %eq3A_475 = arith.cmpi eq, %reshape3A_8, %eq3A_474 : vector<128x1024xi32>
    %jit3A_476 = arith.constant 0xFF800000 : f32
    %broadcast_in_dim3A_477 = vector.broadcast %jit3A_476 : f32 to vector<128x1024xf32>
    %select_n3A_478 = arith.select %eq3A_475, %broadcast_in_dim3A_477, %select_n3A_453 : vector<128x1024xi1>, vector<128x1024xf32>
    %reduce_max3A_479 = arith.constant dense<0xFF800000> : vector<1024xf32>
    %reduce_max3A_480 = vector.multi_reduction <maximumf>, %select_n3A_478, %reduce_max3A_479 [0] : vector<128x1024xf32> to vector<1024xf32>
    %broadcast_in_dim3A_481 = vector.shape_cast %reduce_max3A_480 : vector<1024xf32> to vector<1x1024xf32>
    %eq3A_482 = vector.broadcast %broadcast_in_dim3A_481 : vector<1x1024xf32> to vector<128x1024xf32>
    %eq3A_483 = arith.cmpf oeq, %select_n3A_478, %eq3A_482 : vector<128x1024xf32>
    %jit3A_484 = arith.constant 2147483647 : i32
    %broadcast_in_dim3A_485 = vector.broadcast %jit3A_484 : i32 to vector<128x1024xi32>
    %select_n3A_486 = arith.select %eq3A_483, %reshape3A_8, %broadcast_in_dim3A_485 : vector<128x1024xi1>, vector<128x1024xi32>
    %reduce_min3A_487 = arith.constant dense<2147483647> : vector<1024xi32>
    %reduce_min3A_488 = vector.multi_reduction <minsi>, %select_n3A_486, %reduce_min3A_487 [0] : vector<128x1024xi32> to vector<1024xi32>
    %broadcast_in_dim3A_489 = vector.shape_cast %reduce_min3A_488 : vector<1024xi32> to vector<1x1024xi32>
    %eq3A_490 = vector.broadcast %broadcast_in_dim3A_489 : vector<1x1024xi32> to vector<128x1024xi32>
    %eq3A_491 = arith.cmpi eq, %reshape3A_8, %eq3A_490 : vector<128x1024xi32>
    %and3A_492 = arith.andi %eq3A_483, %eq3A_491 : vector<128x1024xi1>
    %jit3A_493 = arith.constant 2147483647 : i32
    %broadcast_in_dim3A_494 = vector.broadcast %jit3A_493 : i32 to vector<128x1024xi32>
    %select_n3A_495 = arith.select %and3A_492, %iota3A_9, %broadcast_in_dim3A_494 : vector<128x1024xi1>, vector<128x1024xi32>
    %reduce_min3A_496 = arith.constant dense<2147483647> : vector<1024xi32>
    %reduce_min3A_497 = vector.multi_reduction <minsi>, %select_n3A_495, %reduce_min3A_496 [0] : vector<128x1024xi32> to vector<1024xi32>
    %broadcast_in_dim3A_498 = vector.shape_cast %reduce_min3A_497 : vector<1024xi32> to vector<1x1024xi32>
    %eq3A_499 = vector.broadcast %broadcast_in_dim3A_489 : vector<1x1024xi32> to vector<128x1024xi32>
    %eq3A_500 = arith.cmpi eq, %reshape3A_8, %eq3A_499 : vector<128x1024xi32>
    %jit3A_501 = arith.constant 0xFF800000 : f32
    %broadcast_in_dim3A_502 = vector.broadcast %jit3A_501 : f32 to vector<128x1024xf32>
    %select_n3A_503 = arith.select %eq3A_500, %broadcast_in_dim3A_502, %select_n3A_478 : vector<128x1024xi1>, vector<128x1024xf32>
    %reduce_max3A_504 = arith.constant dense<0xFF800000> : vector<1024xf32>
    %reduce_max3A_505 = vector.multi_reduction <maximumf>, %select_n3A_503, %reduce_max3A_504 [0] : vector<128x1024xf32> to vector<1024xf32>
    %broadcast_in_dim3A_506 = vector.shape_cast %reduce_max3A_505 : vector<1024xf32> to vector<1x1024xf32>
    %eq3A_507 = vector.broadcast %broadcast_in_dim3A_506 : vector<1x1024xf32> to vector<128x1024xf32>
    %eq3A_508 = arith.cmpf oeq, %select_n3A_503, %eq3A_507 : vector<128x1024xf32>
    %jit3A_509 = arith.constant 2147483647 : i32
    %broadcast_in_dim3A_510 = vector.broadcast %jit3A_509 : i32 to vector<128x1024xi32>
    %select_n3A_511 = arith.select %eq3A_508, %reshape3A_8, %broadcast_in_dim3A_510 : vector<128x1024xi1>, vector<128x1024xi32>
    %reduce_min3A_512 = arith.constant dense<2147483647> : vector<1024xi32>
    %reduce_min3A_513 = vector.multi_reduction <minsi>, %select_n3A_511, %reduce_min3A_512 [0] : vector<128x1024xi32> to vector<1024xi32>
    %broadcast_in_dim3A_514 = vector.shape_cast %reduce_min3A_513 : vector<1024xi32> to vector<1x1024xi32>
    %eq3A_515 = vector.broadcast %broadcast_in_dim3A_514 : vector<1x1024xi32> to vector<128x1024xi32>
    %eq3A_516 = arith.cmpi eq, %reshape3A_8, %eq3A_515 : vector<128x1024xi32>
    %and3A_517 = arith.andi %eq3A_508, %eq3A_516 : vector<128x1024xi1>
    %jit3A_518 = arith.constant 2147483647 : i32
    %broadcast_in_dim3A_519 = vector.broadcast %jit3A_518 : i32 to vector<128x1024xi32>
    %select_n3A_520 = arith.select %and3A_517, %iota3A_9, %broadcast_in_dim3A_519 : vector<128x1024xi1>, vector<128x1024xi32>
    %reduce_min3A_521 = arith.constant dense<2147483647> : vector<1024xi32>
    %reduce_min3A_522 = vector.multi_reduction <minsi>, %select_n3A_520, %reduce_min3A_521 [0] : vector<128x1024xi32> to vector<1024xi32>
    %broadcast_in_dim3A_523 = vector.shape_cast %reduce_min3A_522 : vector<1024xi32> to vector<1x1024xi32>
    %eq3A_524 = vector.broadcast %broadcast_in_dim3A_514 : vector<1x1024xi32> to vector<128x1024xi32>
    %eq3A_525 = arith.cmpi eq, %reshape3A_8, %eq3A_524 : vector<128x1024xi32>
    %jit3A_526 = arith.constant 0xFF800000 : f32
    %broadcast_in_dim3A_527 = vector.broadcast %jit3A_526 : f32 to vector<128x1024xf32>
    %select_n3A_528 = arith.select %eq3A_525, %broadcast_in_dim3A_527, %select_n3A_503 : vector<128x1024xi1>, vector<128x1024xf32>
    %reduce_max3A_529 = arith.constant dense<0xFF800000> : vector<1024xf32>
    %reduce_max3A_530 = vector.multi_reduction <maximumf>, %select_n3A_528, %reduce_max3A_529 [0] : vector<128x1024xf32> to vector<1024xf32>
    %broadcast_in_dim3A_531 = vector.shape_cast %reduce_max3A_530 : vector<1024xf32> to vector<1x1024xf32>
    %eq3A_532 = vector.broadcast %broadcast_in_dim3A_531 : vector<1x1024xf32> to vector<128x1024xf32>
    %eq3A_533 = arith.cmpf oeq, %select_n3A_528, %eq3A_532 : vector<128x1024xf32>
    %jit3A_534 = arith.constant 2147483647 : i32
    %broadcast_in_dim3A_535 = vector.broadcast %jit3A_534 : i32 to vector<128x1024xi32>
    %select_n3A_536 = arith.select %eq3A_533, %reshape3A_8, %broadcast_in_dim3A_535 : vector<128x1024xi1>, vector<128x1024xi32>
    %reduce_min3A_537 = arith.constant dense<2147483647> : vector<1024xi32>
    %reduce_min3A_538 = vector.multi_reduction <minsi>, %select_n3A_536, %reduce_min3A_537 [0] : vector<128x1024xi32> to vector<1024xi32>
    %broadcast_in_dim3A_539 = vector.shape_cast %reduce_min3A_538 : vector<1024xi32> to vector<1x1024xi32>
    %eq3A_540 = vector.broadcast %broadcast_in_dim3A_539 : vector<1x1024xi32> to vector<128x1024xi32>
    %eq3A_541 = arith.cmpi eq, %reshape3A_8, %eq3A_540 : vector<128x1024xi32>
    %and3A_542 = arith.andi %eq3A_533, %eq3A_541 : vector<128x1024xi1>
    %jit3A_543 = arith.constant 2147483647 : i32
    %broadcast_in_dim3A_544 = vector.broadcast %jit3A_543 : i32 to vector<128x1024xi32>
    %select_n3A_545 = arith.select %and3A_542, %iota3A_9, %broadcast_in_dim3A_544 : vector<128x1024xi1>, vector<128x1024xi32>
    %reduce_min3A_546 = arith.constant dense<2147483647> : vector<1024xi32>
    %reduce_min3A_547 = vector.multi_reduction <minsi>, %select_n3A_545, %reduce_min3A_546 [0] : vector<128x1024xi32> to vector<1024xi32>
    %broadcast_in_dim3A_548 = vector.shape_cast %reduce_min3A_547 : vector<1024xi32> to vector<1x1024xi32>
    %eq3A_549 = vector.broadcast %broadcast_in_dim3A_539 : vector<1x1024xi32> to vector<128x1024xi32>
    %eq3A_550 = arith.cmpi eq, %reshape3A_8, %eq3A_549 : vector<128x1024xi32>
    %jit3A_551 = arith.constant 0xFF800000 : f32
    %broadcast_in_dim3A_552 = vector.broadcast %jit3A_551 : f32 to vector<128x1024xf32>
    %select_n3A_553 = arith.select %eq3A_550, %broadcast_in_dim3A_552, %select_n3A_528 : vector<128x1024xi1>, vector<128x1024xf32>
    %reduce_max3A_554 = arith.constant dense<0xFF800000> : vector<1024xf32>
    %reduce_max3A_555 = vector.multi_reduction <maximumf>, %select_n3A_553, %reduce_max3A_554 [0] : vector<128x1024xf32> to vector<1024xf32>
    %broadcast_in_dim3A_556 = vector.shape_cast %reduce_max3A_555 : vector<1024xf32> to vector<1x1024xf32>
    %eq3A_557 = vector.broadcast %broadcast_in_dim3A_556 : vector<1x1024xf32> to vector<128x1024xf32>
    %eq3A_558 = arith.cmpf oeq, %select_n3A_553, %eq3A_557 : vector<128x1024xf32>
    %jit3A_559 = arith.constant 2147483647 : i32
    %broadcast_in_dim3A_560 = vector.broadcast %jit3A_559 : i32 to vector<128x1024xi32>
    %select_n3A_561 = arith.select %eq3A_558, %reshape3A_8, %broadcast_in_dim3A_560 : vector<128x1024xi1>, vector<128x1024xi32>
    %reduce_min3A_562 = arith.constant dense<2147483647> : vector<1024xi32>
    %reduce_min3A_563 = vector.multi_reduction <minsi>, %select_n3A_561, %reduce_min3A_562 [0] : vector<128x1024xi32> to vector<1024xi32>
    %broadcast_in_dim3A_564 = vector.shape_cast %reduce_min3A_563 : vector<1024xi32> to vector<1x1024xi32>
    %eq3A_565 = vector.broadcast %broadcast_in_dim3A_564 : vector<1x1024xi32> to vector<128x1024xi32>
    %eq3A_566 = arith.cmpi eq, %reshape3A_8, %eq3A_565 : vector<128x1024xi32>
    %and3A_567 = arith.andi %eq3A_558, %eq3A_566 : vector<128x1024xi1>
    %jit3A_568 = arith.constant 2147483647 : i32
    %broadcast_in_dim3A_569 = vector.broadcast %jit3A_568 : i32 to vector<128x1024xi32>
    %select_n3A_570 = arith.select %and3A_567, %iota3A_9, %broadcast_in_dim3A_569 : vector<128x1024xi1>, vector<128x1024xi32>
    %reduce_min3A_571 = arith.constant dense<2147483647> : vector<1024xi32>
    %reduce_min3A_572 = vector.multi_reduction <minsi>, %select_n3A_570, %reduce_min3A_571 [0] : vector<128x1024xi32> to vector<1024xi32>
    %broadcast_in_dim3A_573 = vector.shape_cast %reduce_min3A_572 : vector<1024xi32> to vector<1x1024xi32>
    %eq3A_574 = vector.broadcast %broadcast_in_dim3A_564 : vector<1x1024xi32> to vector<128x1024xi32>
    %eq3A_575 = arith.cmpi eq, %reshape3A_8, %eq3A_574 : vector<128x1024xi32>
    %jit3A_576 = arith.constant 0xFF800000 : f32
    %broadcast_in_dim3A_577 = vector.broadcast %jit3A_576 : f32 to vector<128x1024xf32>
    %select_n3A_578 = arith.select %eq3A_575, %broadcast_in_dim3A_577, %select_n3A_553 : vector<128x1024xi1>, vector<128x1024xf32>
    %reduce_max3A_579 = arith.constant dense<0xFF800000> : vector<1024xf32>
    %reduce_max3A_580 = vector.multi_reduction <maximumf>, %select_n3A_578, %reduce_max3A_579 [0] : vector<128x1024xf32> to vector<1024xf32>
    %broadcast_in_dim3A_581 = vector.shape_cast %reduce_max3A_580 : vector<1024xf32> to vector<1x1024xf32>
    %eq3A_582 = vector.broadcast %broadcast_in_dim3A_581 : vector<1x1024xf32> to vector<128x1024xf32>
    %eq3A_583 = arith.cmpf oeq, %select_n3A_578, %eq3A_582 : vector<128x1024xf32>
    %jit3A_584 = arith.constant 2147483647 : i32
    %broadcast_in_dim3A_585 = vector.broadcast %jit3A_584 : i32 to vector<128x1024xi32>
    %select_n3A_586 = arith.select %eq3A_583, %reshape3A_8, %broadcast_in_dim3A_585 : vector<128x1024xi1>, vector<128x1024xi32>
    %reduce_min3A_587 = arith.constant dense<2147483647> : vector<1024xi32>
    %reduce_min3A_588 = vector.multi_reduction <minsi>, %select_n3A_586, %reduce_min3A_587 [0] : vector<128x1024xi32> to vector<1024xi32>
    %broadcast_in_dim3A_589 = vector.shape_cast %reduce_min3A_588 : vector<1024xi32> to vector<1x1024xi32>
    %eq3A_590 = vector.broadcast %broadcast_in_dim3A_589 : vector<1x1024xi32> to vector<128x1024xi32>
    %eq3A_591 = arith.cmpi eq, %reshape3A_8, %eq3A_590 : vector<128x1024xi32>
    %and3A_592 = arith.andi %eq3A_583, %eq3A_591 : vector<128x1024xi1>
    %jit3A_593 = arith.constant 2147483647 : i32
    %broadcast_in_dim3A_594 = vector.broadcast %jit3A_593 : i32 to vector<128x1024xi32>
    %select_n3A_595 = arith.select %and3A_592, %iota3A_9, %broadcast_in_dim3A_594 : vector<128x1024xi1>, vector<128x1024xi32>
    %reduce_min3A_596 = arith.constant dense<2147483647> : vector<1024xi32>
    %reduce_min3A_597 = vector.multi_reduction <minsi>, %select_n3A_595, %reduce_min3A_596 [0] : vector<128x1024xi32> to vector<1024xi32>
    %broadcast_in_dim3A_598 = vector.shape_cast %reduce_min3A_597 : vector<1024xi32> to vector<1x1024xi32>
    %eq3A_599 = vector.broadcast %broadcast_in_dim3A_589 : vector<1x1024xi32> to vector<128x1024xi32>
    %eq3A_600 = arith.cmpi eq, %reshape3A_8, %eq3A_599 : vector<128x1024xi32>
    %jit3A_601 = arith.constant 0xFF800000 : f32
    %broadcast_in_dim3A_602 = vector.broadcast %jit3A_601 : f32 to vector<128x1024xf32>
    %select_n3A_603 = arith.select %eq3A_600, %broadcast_in_dim3A_602, %select_n3A_578 : vector<128x1024xi1>, vector<128x1024xf32>
    %reduce_max3A_604 = arith.constant dense<0xFF800000> : vector<1024xf32>
    %reduce_max3A_605 = vector.multi_reduction <maximumf>, %select_n3A_603, %reduce_max3A_604 [0] : vector<128x1024xf32> to vector<1024xf32>
    %broadcast_in_dim3A_606 = vector.shape_cast %reduce_max3A_605 : vector<1024xf32> to vector<1x1024xf32>
    %eq3A_607 = vector.broadcast %broadcast_in_dim3A_606 : vector<1x1024xf32> to vector<128x1024xf32>
    %eq3A_608 = arith.cmpf oeq, %select_n3A_603, %eq3A_607 : vector<128x1024xf32>
    %jit3A_609 = arith.constant 2147483647 : i32
    %broadcast_in_dim3A_610 = vector.broadcast %jit3A_609 : i32 to vector<128x1024xi32>
    %select_n3A_611 = arith.select %eq3A_608, %reshape3A_8, %broadcast_in_dim3A_610 : vector<128x1024xi1>, vector<128x1024xi32>
    %reduce_min3A_612 = arith.constant dense<2147483647> : vector<1024xi32>
    %reduce_min3A_613 = vector.multi_reduction <minsi>, %select_n3A_611, %reduce_min3A_612 [0] : vector<128x1024xi32> to vector<1024xi32>
    %broadcast_in_dim3A_614 = vector.shape_cast %reduce_min3A_613 : vector<1024xi32> to vector<1x1024xi32>
    %eq3A_615 = vector.broadcast %broadcast_in_dim3A_614 : vector<1x1024xi32> to vector<128x1024xi32>
    %eq3A_616 = arith.cmpi eq, %reshape3A_8, %eq3A_615 : vector<128x1024xi32>
    %and3A_617 = arith.andi %eq3A_608, %eq3A_616 : vector<128x1024xi1>
    %jit3A_618 = arith.constant 2147483647 : i32
    %broadcast_in_dim3A_619 = vector.broadcast %jit3A_618 : i32 to vector<128x1024xi32>
    %select_n3A_620 = arith.select %and3A_617, %iota3A_9, %broadcast_in_dim3A_619 : vector<128x1024xi1>, vector<128x1024xi32>
    %reduce_min3A_621 = arith.constant dense<2147483647> : vector<1024xi32>
    %reduce_min3A_622 = vector.multi_reduction <minsi>, %select_n3A_620, %reduce_min3A_621 [0] : vector<128x1024xi32> to vector<1024xi32>
    %broadcast_in_dim3A_623 = vector.shape_cast %reduce_min3A_622 : vector<1024xi32> to vector<1x1024xi32>
    %eq3A_624 = vector.broadcast %broadcast_in_dim3A_614 : vector<1x1024xi32> to vector<128x1024xi32>
    %eq3A_625 = arith.cmpi eq, %reshape3A_8, %eq3A_624 : vector<128x1024xi32>
    %jit3A_626 = arith.constant 0xFF800000 : f32
    %broadcast_in_dim3A_627 = vector.broadcast %jit3A_626 : f32 to vector<128x1024xf32>
    %select_n3A_628 = arith.select %eq3A_625, %broadcast_in_dim3A_627, %select_n3A_603 : vector<128x1024xi1>, vector<128x1024xf32>
    %reduce_max3A_629 = arith.constant dense<0xFF800000> : vector<1024xf32>
    %reduce_max3A_630 = vector.multi_reduction <maximumf>, %select_n3A_628, %reduce_max3A_629 [0] : vector<128x1024xf32> to vector<1024xf32>
    %broadcast_in_dim3A_631 = vector.shape_cast %reduce_max3A_630 : vector<1024xf32> to vector<1x1024xf32>
    %eq3A_632 = vector.broadcast %broadcast_in_dim3A_631 : vector<1x1024xf32> to vector<128x1024xf32>
    %eq3A_633 = arith.cmpf oeq, %select_n3A_628, %eq3A_632 : vector<128x1024xf32>
    %jit3A_634 = arith.constant 2147483647 : i32
    %broadcast_in_dim3A_635 = vector.broadcast %jit3A_634 : i32 to vector<128x1024xi32>
    %select_n3A_636 = arith.select %eq3A_633, %reshape3A_8, %broadcast_in_dim3A_635 : vector<128x1024xi1>, vector<128x1024xi32>
    %reduce_min3A_637 = arith.constant dense<2147483647> : vector<1024xi32>
    %reduce_min3A_638 = vector.multi_reduction <minsi>, %select_n3A_636, %reduce_min3A_637 [0] : vector<128x1024xi32> to vector<1024xi32>
    %broadcast_in_dim3A_639 = vector.shape_cast %reduce_min3A_638 : vector<1024xi32> to vector<1x1024xi32>
    %eq3A_640 = vector.broadcast %broadcast_in_dim3A_639 : vector<1x1024xi32> to vector<128x1024xi32>
    %eq3A_641 = arith.cmpi eq, %reshape3A_8, %eq3A_640 : vector<128x1024xi32>
    %and3A_642 = arith.andi %eq3A_633, %eq3A_641 : vector<128x1024xi1>
    %jit3A_643 = arith.constant 2147483647 : i32
    %broadcast_in_dim3A_644 = vector.broadcast %jit3A_643 : i32 to vector<128x1024xi32>
    %select_n3A_645 = arith.select %and3A_642, %iota3A_9, %broadcast_in_dim3A_644 : vector<128x1024xi1>, vector<128x1024xi32>
    %reduce_min3A_646 = arith.constant dense<2147483647> : vector<1024xi32>
    %reduce_min3A_647 = vector.multi_reduction <minsi>, %select_n3A_645, %reduce_min3A_646 [0] : vector<128x1024xi32> to vector<1024xi32>
    %broadcast_in_dim3A_648 = vector.shape_cast %reduce_min3A_647 : vector<1024xi32> to vector<1x1024xi32>
    %eq3A_649 = vector.broadcast %broadcast_in_dim3A_639 : vector<1x1024xi32> to vector<128x1024xi32>
    %eq3A_650 = arith.cmpi eq, %reshape3A_8, %eq3A_649 : vector<128x1024xi32>
    %jit3A_651 = arith.constant 0xFF800000 : f32
    %broadcast_in_dim3A_652 = vector.broadcast %jit3A_651 : f32 to vector<128x1024xf32>
    %select_n3A_653 = arith.select %eq3A_650, %broadcast_in_dim3A_652, %select_n3A_628 : vector<128x1024xi1>, vector<128x1024xf32>
    %reduce_max3A_654 = arith.constant dense<0xFF800000> : vector<1024xf32>
    %reduce_max3A_655 = vector.multi_reduction <maximumf>, %select_n3A_653, %reduce_max3A_654 [0] : vector<128x1024xf32> to vector<1024xf32>
    %broadcast_in_dim3A_656 = vector.shape_cast %reduce_max3A_655 : vector<1024xf32> to vector<1x1024xf32>
    %eq3A_657 = vector.broadcast %broadcast_in_dim3A_656 : vector<1x1024xf32> to vector<128x1024xf32>
    %eq3A_658 = arith.cmpf oeq, %select_n3A_653, %eq3A_657 : vector<128x1024xf32>
    %jit3A_659 = arith.constant 2147483647 : i32
    %broadcast_in_dim3A_660 = vector.broadcast %jit3A_659 : i32 to vector<128x1024xi32>
    %select_n3A_661 = arith.select %eq3A_658, %reshape3A_8, %broadcast_in_dim3A_660 : vector<128x1024xi1>, vector<128x1024xi32>
    %reduce_min3A_662 = arith.constant dense<2147483647> : vector<1024xi32>
    %reduce_min3A_663 = vector.multi_reduction <minsi>, %select_n3A_661, %reduce_min3A_662 [0] : vector<128x1024xi32> to vector<1024xi32>
    %broadcast_in_dim3A_664 = vector.shape_cast %reduce_min3A_663 : vector<1024xi32> to vector<1x1024xi32>
    %eq3A_665 = vector.broadcast %broadcast_in_dim3A_664 : vector<1x1024xi32> to vector<128x1024xi32>
    %eq3A_666 = arith.cmpi eq, %reshape3A_8, %eq3A_665 : vector<128x1024xi32>
    %and3A_667 = arith.andi %eq3A_658, %eq3A_666 : vector<128x1024xi1>
    %jit3A_668 = arith.constant 2147483647 : i32
    %broadcast_in_dim3A_669 = vector.broadcast %jit3A_668 : i32 to vector<128x1024xi32>
    %select_n3A_670 = arith.select %and3A_667, %iota3A_9, %broadcast_in_dim3A_669 : vector<128x1024xi1>, vector<128x1024xi32>
    %reduce_min3A_671 = arith.constant dense<2147483647> : vector<1024xi32>
    %reduce_min3A_672 = vector.multi_reduction <minsi>, %select_n3A_670, %reduce_min3A_671 [0] : vector<128x1024xi32> to vector<1024xi32>
    %broadcast_in_dim3A_673 = vector.shape_cast %reduce_min3A_672 : vector<1024xi32> to vector<1x1024xi32>
    %eq3A_674 = vector.broadcast %broadcast_in_dim3A_664 : vector<1x1024xi32> to vector<128x1024xi32>
    %eq3A_675 = arith.cmpi eq, %reshape3A_8, %eq3A_674 : vector<128x1024xi32>
    %jit3A_676 = arith.constant 0xFF800000 : f32
    %broadcast_in_dim3A_677 = vector.broadcast %jit3A_676 : f32 to vector<128x1024xf32>
    %select_n3A_678 = arith.select %eq3A_675, %broadcast_in_dim3A_677, %select_n3A_653 : vector<128x1024xi1>, vector<128x1024xf32>
    %reduce_max3A_679 = arith.constant dense<0xFF800000> : vector<1024xf32>
    %reduce_max3A_680 = vector.multi_reduction <maximumf>, %select_n3A_678, %reduce_max3A_679 [0] : vector<128x1024xf32> to vector<1024xf32>
    %broadcast_in_dim3A_681 = vector.shape_cast %reduce_max3A_680 : vector<1024xf32> to vector<1x1024xf32>
    %eq3A_682 = vector.broadcast %broadcast_in_dim3A_681 : vector<1x1024xf32> to vector<128x1024xf32>
    %eq3A_683 = arith.cmpf oeq, %select_n3A_678, %eq3A_682 : vector<128x1024xf32>
    %jit3A_684 = arith.constant 2147483647 : i32
    %broadcast_in_dim3A_685 = vector.broadcast %jit3A_684 : i32 to vector<128x1024xi32>
    %select_n3A_686 = arith.select %eq3A_683, %reshape3A_8, %broadcast_in_dim3A_685 : vector<128x1024xi1>, vector<128x1024xi32>
    %reduce_min3A_687 = arith.constant dense<2147483647> : vector<1024xi32>
    %reduce_min3A_688 = vector.multi_reduction <minsi>, %select_n3A_686, %reduce_min3A_687 [0] : vector<128x1024xi32> to vector<1024xi32>
    %broadcast_in_dim3A_689 = vector.shape_cast %reduce_min3A_688 : vector<1024xi32> to vector<1x1024xi32>
    %eq3A_690 = vector.broadcast %broadcast_in_dim3A_689 : vector<1x1024xi32> to vector<128x1024xi32>
    %eq3A_691 = arith.cmpi eq, %reshape3A_8, %eq3A_690 : vector<128x1024xi32>
    %and3A_692 = arith.andi %eq3A_683, %eq3A_691 : vector<128x1024xi1>
    %jit3A_693 = arith.constant 2147483647 : i32
    %broadcast_in_dim3A_694 = vector.broadcast %jit3A_693 : i32 to vector<128x1024xi32>
    %select_n3A_695 = arith.select %and3A_692, %iota3A_9, %broadcast_in_dim3A_694 : vector<128x1024xi1>, vector<128x1024xi32>
    %reduce_min3A_696 = arith.constant dense<2147483647> : vector<1024xi32>
    %reduce_min3A_697 = vector.multi_reduction <minsi>, %select_n3A_695, %reduce_min3A_696 [0] : vector<128x1024xi32> to vector<1024xi32>
    %broadcast_in_dim3A_698 = vector.shape_cast %reduce_min3A_697 : vector<1024xi32> to vector<1x1024xi32>
    %eq3A_699 = vector.broadcast %broadcast_in_dim3A_689 : vector<1x1024xi32> to vector<128x1024xi32>
    %eq3A_700 = arith.cmpi eq, %reshape3A_8, %eq3A_699 : vector<128x1024xi32>
    %jit3A_701 = arith.constant 0xFF800000 : f32
    %broadcast_in_dim3A_702 = vector.broadcast %jit3A_701 : f32 to vector<128x1024xf32>
    %select_n3A_703 = arith.select %eq3A_700, %broadcast_in_dim3A_702, %select_n3A_678 : vector<128x1024xi1>, vector<128x1024xf32>
    %reduce_max3A_704 = arith.constant dense<0xFF800000> : vector<1024xf32>
    %reduce_max3A_705 = vector.multi_reduction <maximumf>, %select_n3A_703, %reduce_max3A_704 [0] : vector<128x1024xf32> to vector<1024xf32>
    %broadcast_in_dim3A_706 = vector.shape_cast %reduce_max3A_705 : vector<1024xf32> to vector<1x1024xf32>
    %eq3A_707 = vector.broadcast %broadcast_in_dim3A_706 : vector<1x1024xf32> to vector<128x1024xf32>
    %eq3A_708 = arith.cmpf oeq, %select_n3A_703, %eq3A_707 : vector<128x1024xf32>
    %jit3A_709 = arith.constant 2147483647 : i32
    %broadcast_in_dim3A_710 = vector.broadcast %jit3A_709 : i32 to vector<128x1024xi32>
    %select_n3A_711 = arith.select %eq3A_708, %reshape3A_8, %broadcast_in_dim3A_710 : vector<128x1024xi1>, vector<128x1024xi32>
    %reduce_min3A_712 = arith.constant dense<2147483647> : vector<1024xi32>
    %reduce_min3A_713 = vector.multi_reduction <minsi>, %select_n3A_711, %reduce_min3A_712 [0] : vector<128x1024xi32> to vector<1024xi32>
    %broadcast_in_dim3A_714 = vector.shape_cast %reduce_min3A_713 : vector<1024xi32> to vector<1x1024xi32>
    %eq3A_715 = vector.broadcast %broadcast_in_dim3A_714 : vector<1x1024xi32> to vector<128x1024xi32>
    %eq3A_716 = arith.cmpi eq, %reshape3A_8, %eq3A_715 : vector<128x1024xi32>
    %and3A_717 = arith.andi %eq3A_708, %eq3A_716 : vector<128x1024xi1>
    %jit3A_718 = arith.constant 2147483647 : i32
    %broadcast_in_dim3A_719 = vector.broadcast %jit3A_718 : i32 to vector<128x1024xi32>
    %select_n3A_720 = arith.select %and3A_717, %iota3A_9, %broadcast_in_dim3A_719 : vector<128x1024xi1>, vector<128x1024xi32>
    %reduce_min3A_721 = arith.constant dense<2147483647> : vector<1024xi32>
    %reduce_min3A_722 = vector.multi_reduction <minsi>, %select_n3A_720, %reduce_min3A_721 [0] : vector<128x1024xi32> to vector<1024xi32>
    %broadcast_in_dim3A_723 = vector.shape_cast %reduce_min3A_722 : vector<1024xi32> to vector<1x1024xi32>
    %eq3A_724 = vector.broadcast %broadcast_in_dim3A_714 : vector<1x1024xi32> to vector<128x1024xi32>
    %eq3A_725 = arith.cmpi eq, %reshape3A_8, %eq3A_724 : vector<128x1024xi32>
    %jit3A_726 = arith.constant 0xFF800000 : f32
    %broadcast_in_dim3A_727 = vector.broadcast %jit3A_726 : f32 to vector<128x1024xf32>
    %select_n3A_728 = arith.select %eq3A_725, %broadcast_in_dim3A_727, %select_n3A_703 : vector<128x1024xi1>, vector<128x1024xf32>
    %reduce_max3A_729 = arith.constant dense<0xFF800000> : vector<1024xf32>
    %reduce_max3A_730 = vector.multi_reduction <maximumf>, %select_n3A_728, %reduce_max3A_729 [0] : vector<128x1024xf32> to vector<1024xf32>
    %broadcast_in_dim3A_731 = vector.shape_cast %reduce_max3A_730 : vector<1024xf32> to vector<1x1024xf32>
    %eq3A_732 = vector.broadcast %broadcast_in_dim3A_731 : vector<1x1024xf32> to vector<128x1024xf32>
    %eq3A_733 = arith.cmpf oeq, %select_n3A_728, %eq3A_732 : vector<128x1024xf32>
    %jit3A_734 = arith.constant 2147483647 : i32
    %broadcast_in_dim3A_735 = vector.broadcast %jit3A_734 : i32 to vector<128x1024xi32>
    %select_n3A_736 = arith.select %eq3A_733, %reshape3A_8, %broadcast_in_dim3A_735 : vector<128x1024xi1>, vector<128x1024xi32>
    %reduce_min3A_737 = arith.constant dense<2147483647> : vector<1024xi32>
    %reduce_min3A_738 = vector.multi_reduction <minsi>, %select_n3A_736, %reduce_min3A_737 [0] : vector<128x1024xi32> to vector<1024xi32>
    %broadcast_in_dim3A_739 = vector.shape_cast %reduce_min3A_738 : vector<1024xi32> to vector<1x1024xi32>
    %eq3A_740 = vector.broadcast %broadcast_in_dim3A_739 : vector<1x1024xi32> to vector<128x1024xi32>
    %eq3A_741 = arith.cmpi eq, %reshape3A_8, %eq3A_740 : vector<128x1024xi32>
    %and3A_742 = arith.andi %eq3A_733, %eq3A_741 : vector<128x1024xi1>
    %jit3A_743 = arith.constant 2147483647 : i32
    %broadcast_in_dim3A_744 = vector.broadcast %jit3A_743 : i32 to vector<128x1024xi32>
    %select_n3A_745 = arith.select %and3A_742, %iota3A_9, %broadcast_in_dim3A_744 : vector<128x1024xi1>, vector<128x1024xi32>
    %reduce_min3A_746 = arith.constant dense<2147483647> : vector<1024xi32>
    %reduce_min3A_747 = vector.multi_reduction <minsi>, %select_n3A_745, %reduce_min3A_746 [0] : vector<128x1024xi32> to vector<1024xi32>
    %broadcast_in_dim3A_748 = vector.shape_cast %reduce_min3A_747 : vector<1024xi32> to vector<1x1024xi32>
    %eq3A_749 = vector.broadcast %broadcast_in_dim3A_739 : vector<1x1024xi32> to vector<128x1024xi32>
    %eq3A_750 = arith.cmpi eq, %reshape3A_8, %eq3A_749 : vector<128x1024xi32>
    %jit3A_751 = arith.constant 0xFF800000 : f32
    %broadcast_in_dim3A_752 = vector.broadcast %jit3A_751 : f32 to vector<128x1024xf32>
    %select_n3A_753 = arith.select %eq3A_750, %broadcast_in_dim3A_752, %select_n3A_728 : vector<128x1024xi1>, vector<128x1024xf32>
    %reduce_max3A_754 = arith.constant dense<0xFF800000> : vector<1024xf32>
    %reduce_max3A_755 = vector.multi_reduction <maximumf>, %select_n3A_753, %reduce_max3A_754 [0] : vector<128x1024xf32> to vector<1024xf32>
    %broadcast_in_dim3A_756 = vector.shape_cast %reduce_max3A_755 : vector<1024xf32> to vector<1x1024xf32>
    %eq3A_757 = vector.broadcast %broadcast_in_dim3A_756 : vector<1x1024xf32> to vector<128x1024xf32>
    %eq3A_758 = arith.cmpf oeq, %select_n3A_753, %eq3A_757 : vector<128x1024xf32>
    %jit3A_759 = arith.constant 2147483647 : i32
    %broadcast_in_dim3A_760 = vector.broadcast %jit3A_759 : i32 to vector<128x1024xi32>
    %select_n3A_761 = arith.select %eq3A_758, %reshape3A_8, %broadcast_in_dim3A_760 : vector<128x1024xi1>, vector<128x1024xi32>
    %reduce_min3A_762 = arith.constant dense<2147483647> : vector<1024xi32>
    %reduce_min3A_763 = vector.multi_reduction <minsi>, %select_n3A_761, %reduce_min3A_762 [0] : vector<128x1024xi32> to vector<1024xi32>
    %broadcast_in_dim3A_764 = vector.shape_cast %reduce_min3A_763 : vector<1024xi32> to vector<1x1024xi32>
    %eq3A_765 = vector.broadcast %broadcast_in_dim3A_764 : vector<1x1024xi32> to vector<128x1024xi32>
    %eq3A_766 = arith.cmpi eq, %reshape3A_8, %eq3A_765 : vector<128x1024xi32>
    %and3A_767 = arith.andi %eq3A_758, %eq3A_766 : vector<128x1024xi1>
    %jit3A_768 = arith.constant 2147483647 : i32
    %broadcast_in_dim3A_769 = vector.broadcast %jit3A_768 : i32 to vector<128x1024xi32>
    %select_n3A_770 = arith.select %and3A_767, %iota3A_9, %broadcast_in_dim3A_769 : vector<128x1024xi1>, vector<128x1024xi32>
    %reduce_min3A_771 = arith.constant dense<2147483647> : vector<1024xi32>
    %reduce_min3A_772 = vector.multi_reduction <minsi>, %select_n3A_770, %reduce_min3A_771 [0] : vector<128x1024xi32> to vector<1024xi32>
    %broadcast_in_dim3A_773 = vector.shape_cast %reduce_min3A_772 : vector<1024xi32> to vector<1x1024xi32>
    %eq3A_774 = vector.broadcast %broadcast_in_dim3A_764 : vector<1x1024xi32> to vector<128x1024xi32>
    %eq3A_775 = arith.cmpi eq, %reshape3A_8, %eq3A_774 : vector<128x1024xi32>
    %jit3A_776 = arith.constant 0xFF800000 : f32
    %broadcast_in_dim3A_777 = vector.broadcast %jit3A_776 : f32 to vector<128x1024xf32>
    %select_n3A_778 = arith.select %eq3A_775, %broadcast_in_dim3A_777, %select_n3A_753 : vector<128x1024xi1>, vector<128x1024xf32>
    %reduce_max3A_779 = arith.constant dense<0xFF800000> : vector<1024xf32>
    %reduce_max3A_780 = vector.multi_reduction <maximumf>, %select_n3A_778, %reduce_max3A_779 [0] : vector<128x1024xf32> to vector<1024xf32>
    %broadcast_in_dim3A_781 = vector.shape_cast %reduce_max3A_780 : vector<1024xf32> to vector<1x1024xf32>
    %eq3A_782 = vector.broadcast %broadcast_in_dim3A_781 : vector<1x1024xf32> to vector<128x1024xf32>
    %eq3A_783 = arith.cmpf oeq, %select_n3A_778, %eq3A_782 : vector<128x1024xf32>
    %jit3A_784 = arith.constant 2147483647 : i32
    %broadcast_in_dim3A_785 = vector.broadcast %jit3A_784 : i32 to vector<128x1024xi32>
    %select_n3A_786 = arith.select %eq3A_783, %reshape3A_8, %broadcast_in_dim3A_785 : vector<128x1024xi1>, vector<128x1024xi32>
    %reduce_min3A_787 = arith.constant dense<2147483647> : vector<1024xi32>
    %reduce_min3A_788 = vector.multi_reduction <minsi>, %select_n3A_786, %reduce_min3A_787 [0] : vector<128x1024xi32> to vector<1024xi32>
    %broadcast_in_dim3A_789 = vector.shape_cast %reduce_min3A_788 : vector<1024xi32> to vector<1x1024xi32>
    %eq3A_790 = vector.broadcast %broadcast_in_dim3A_789 : vector<1x1024xi32> to vector<128x1024xi32>
    %eq3A_791 = arith.cmpi eq, %reshape3A_8, %eq3A_790 : vector<128x1024xi32>
    %and3A_792 = arith.andi %eq3A_783, %eq3A_791 : vector<128x1024xi1>
    %jit3A_793 = arith.constant 2147483647 : i32
    %broadcast_in_dim3A_794 = vector.broadcast %jit3A_793 : i32 to vector<128x1024xi32>
    %select_n3A_795 = arith.select %and3A_792, %iota3A_9, %broadcast_in_dim3A_794 : vector<128x1024xi1>, vector<128x1024xi32>
    %reduce_min3A_796 = arith.constant dense<2147483647> : vector<1024xi32>
    %reduce_min3A_797 = vector.multi_reduction <minsi>, %select_n3A_795, %reduce_min3A_796 [0] : vector<128x1024xi32> to vector<1024xi32>
    %broadcast_in_dim3A_798 = vector.shape_cast %reduce_min3A_797 : vector<1024xi32> to vector<1x1024xi32>
    %concatenate3A = tpu.concatenate %broadcast_in_dim3A_23, %broadcast_in_dim3A_48, %broadcast_in_dim3A_73, %broadcast_in_dim3A_98, %broadcast_in_dim3A_123, %broadcast_in_dim3A_148, %broadcast_in_dim3A_173, %broadcast_in_dim3A_198, %broadcast_in_dim3A_223, %broadcast_in_dim3A_248, %broadcast_in_dim3A_273, %broadcast_in_dim3A_298, %broadcast_in_dim3A_323, %broadcast_in_dim3A_348, %broadcast_in_dim3A_373, %broadcast_in_dim3A_398, %broadcast_in_dim3A_423, %broadcast_in_dim3A_448, %broadcast_in_dim3A_473, %broadcast_in_dim3A_498, %broadcast_in_dim3A_523, %broadcast_in_dim3A_548, %broadcast_in_dim3A_573, %broadcast_in_dim3A_598, %broadcast_in_dim3A_623, %broadcast_in_dim3A_648, %broadcast_in_dim3A_673, %broadcast_in_dim3A_698, %broadcast_in_dim3A_723, %broadcast_in_dim3A_748, %broadcast_in_dim3A_773, %broadcast_in_dim3A_798 in 0 : vector<1x1024xi32>, vector<1x1024xi32>, vector<1x1024xi32>, vector<1x1024xi32>, vector<1x1024xi32>, vector<1x1024xi32>, vector<1x1024xi32>, vector<1x1024xi32>, vector<1x1024xi32>, vector<1x1024xi32>, vector<1x1024xi32>, vector<1x1024xi32>, vector<1x1024xi32>, vector<1x1024xi32>, vector<1x1024xi32>, vector<1x1024xi32>, vector<1x1024xi32>, vector<1x1024xi32>, vector<1x1024xi32>, vector<1x1024xi32>, vector<1x1024xi32>, vector<1x1024xi32>, vector<1x1024xi32>, vector<1x1024xi32>, vector<1x1024xi32>, vector<1x1024xi32>, vector<1x1024xi32>, vector<1x1024xi32>, vector<1x1024xi32>, vector<1x1024xi32>, vector<1x1024xi32>, vector<1x1024xi32> -> vector<32x1024xi32>
    %mul3A_799 = arith.constant 128 : i32
    %mul3A_800 = vector.broadcast %mul3A_799 : i32 to vector<32x1024xi32>
    %mul3A_801 = arith.muli %iota3A_10, %mul3A_800 : vector<32x1024xi32>
    %add3A_802 = arith.addi %mul3A_801, %concatenate3A : vector<32x1024xi32>
    %swap3A = arith.constant 0 : index
    %swap3A_803 = arith.constant 0 : index
    %swap3A_804 = vector.load %arg2[%swap3A, %swap3A_803] : memref<32x1024xi32, #tpu.memory_space<vmem>>, vector<32x1024xi32>
    tpu.vector_store %arg2[%swap3A, %swap3A_803], %add3A_802 {strides = array<i32>} : memref<32x1024xi32, #tpu.memory_space<vmem>>, vector<32x1024xi32>,
    %concatenate3A_805 = tpu.concatenate %broadcast_in_dim3A_15, %broadcast_in_dim3A_39, %broadcast_in_dim3A_64, %broadcast_in_dim3A_89, %broadcast_in_dim3A_114, %broadcast_in_dim3A_139, %broadcast_in_dim3A_164, %broadcast_in_dim3A_189, %broadcast_in_dim3A_214, %broadcast_in_dim3A_239, %broadcast_in_dim3A_264, %broadcast_in_dim3A_289, %broadcast_in_dim3A_314, %broadcast_in_dim3A_339, %broadcast_in_dim3A_364, %broadcast_in_dim3A_389, %broadcast_in_dim3A_414, %broadcast_in_dim3A_439, %broadcast_in_dim3A_464, %broadcast_in_dim3A_489, %broadcast_in_dim3A_514, %broadcast_in_dim3A_539, %broadcast_in_dim3A_564, %broadcast_in_dim3A_589, %broadcast_in_dim3A_614, %broadcast_in_dim3A_639, %broadcast_in_dim3A_664, %broadcast_in_dim3A_689, %broadcast_in_dim3A_714, %broadcast_in_dim3A_739, %broadcast_in_dim3A_764, %broadcast_in_dim3A_789 in 0 : vector<1x1024xi32>, vector<1x1024xi32>, vector<1x1024xi32>, vector<1x1024xi32>, vector<1x1024xi32>, vector<1x1024xi32>, vector<1x1024xi32>, vector<1x1024xi32>, vector<1x1024xi32>, vector<1x1024xi32>, vector<1x1024xi32>, vector<1x1024xi32>, vector<1x1024xi32>, vector<1x1024xi32>, vector<1x1024xi32>, vector<1x1024xi32>, vector<1x1024xi32>, vector<1x1024xi32>, vector<1x1024xi32>, vector<1x1024xi32>, vector<1x1024xi32>, vector<1x1024xi32>, vector<1x1024xi32>, vector<1x1024xi32>, vector<1x1024xi32>, vector<1x1024xi32>, vector<1x1024xi32>, vector<1x1024xi32>, vector<1x1024xi32>, vector<1x1024xi32>, vector<1x1024xi32>, vector<1x1024xi32> -> vector<32x1024xi32>
    %swap3A_806 = arith.constant 0 : index
    %swap3A_807 = arith.constant 0 : index
    %swap3A_808 = vector.load %arg3[%swap3A_806, %swap3A_807] : memref<32x1024xi32, #tpu.memory_space<vmem>>, vector<32x1024xi32>
    tpu.vector_store %arg3[%swap3A_806, %swap3A_807], %concatenate3A_805 {strides = array<i32>} : memref<32x1024xi32, #tpu.memory_space<vmem>>, vector<32x1024xi32>,
    return
  }
}

module attributes {stable_mosaic.version = 14 : i64} {
  func.func @_final_select_body(%arg0: memref<1024x1024xf32, #tpu.memory_space<vmem>>, %arg1: memref<32x1024xi32, #tpu.memory_space<vmem>>, %arg2: memref<32x1024xi32, #tpu.memory_space<vmem>>) attributes {dimension_semantics = [], scalar_prefetch = 0 : i64, scratch_operands = 0 : i64, tpu.core_type = #tpu.core_type<tc>} {
    %get3A = arith.constant 0 : index
    %get3A_0 = arith.constant 0 : index
    %get3A_1 = vector.load %arg1[%get3A, %get3A_0] : memref<32x1024xi32, #tpu.memory_space<vmem>>, vector<32x1024xi32>
    %reshape3A = vector.shape_cast %get3A_1 : vector<32x1024xi32> to vector<32x1x1024xi32>
    %mul3A = arith.constant 32 : i32
    %mul3A_2 = vector.broadcast %mul3A : i32 to vector<32x1x1024xi32>
    %mul3A_3 = arith.muli %reshape3A, %mul3A_2 : vector<32x1x1024xi32>
    %iota3A = tpu.iota {dimensions = array<i32: 1>} : vector<32x32x1024xi32>
    %add3A = vector.broadcast %mul3A_3 : vector<32x1x1024xi32> to vector<32x32x1024xi32>
    %add3A_4 = arith.addi %add3A, %iota3A : vector<32x32x1024xi32>
    %reshape3A_5 = vector.shape_cast %add3A_4 : vector<32x32x1024xi32> to vector<1024x1024xi32>
    %lt3A = arith.constant 100000 : i32
    %lt3A_6 = vector.broadcast %lt3A : i32 to vector<1024x1024xi32>
    %lt3A_7 = arith.cmpi slt, %reshape3A_5, %lt3A_6 : vector<1024x1024xi32>
    %get3A_8 = arith.constant 0 : index
    %get3A_9 = arith.constant 0 : index
    %get3A_10 = vector.load %arg0[%get3A_8, %get3A_9] : memref<1024x1024xf32, #tpu.memory_space<vmem>>, vector<1024x1024xf32>
    %jit3A = arith.constant 0xFF800000 : f32
    %broadcast_in_dim3A = vector.broadcast %jit3A : f32 to vector<1024x1024xf32>
    %select_n3A = arith.select %lt3A_7, %get3A_10, %broadcast_in_dim3A : vector<1024x1024xi1>, vector<1024x1024xf32>
    %reduce_max3A = arith.constant dense<0xFF800000> : vector<1024xf32>
    %reduce_max3A_11 = vector.multi_reduction <maximumf>, %select_n3A, %reduce_max3A [0] : vector<1024x1024xf32> to vector<1024xf32>
    %broadcast_in_dim3A_12 = vector.shape_cast %reduce_max3A_11 : vector<1024xf32> to vector<1x1024xf32>
    %eq3A = vector.broadcast %broadcast_in_dim3A_12 : vector<1x1024xf32> to vector<1024x1024xf32>
    %eq3A_13 = arith.cmpf oeq, %select_n3A, %eq3A : vector<1024x1024xf32>
    %jit3A_14 = arith.constant 2147483647 : i32
    %broadcast_in_dim3A_15 = vector.broadcast %jit3A_14 : i32 to vector<1024x1024xi32>
    %select_n3A_16 = arith.select %eq3A_13, %reshape3A_5, %broadcast_in_dim3A_15 : vector<1024x1024xi1>, vector<1024x1024xi32>
    %reduce_min3A = arith.constant dense<2147483647> : vector<1024xi32>
    %reduce_min3A_17 = vector.multi_reduction <minsi>, %select_n3A_16, %reduce_min3A [0] : vector<1024x1024xi32> to vector<1024xi32>
    %broadcast_in_dim3A_18 = vector.shape_cast %reduce_min3A_17 : vector<1024xi32> to vector<1x1024xi32>
    %eq3A_19 = vector.broadcast %broadcast_in_dim3A_18 : vector<1x1024xi32> to vector<1024x1024xi32>
    %eq3A_20 = arith.cmpi eq, %reshape3A_5, %eq3A_19 : vector<1024x1024xi32>
    %jit3A_21 = arith.constant 0xFF800000 : f32
    %broadcast_in_dim3A_22 = vector.broadcast %jit3A_21 : f32 to vector<1024x1024xf32>
    %select_n3A_23 = arith.select %eq3A_20, %broadcast_in_dim3A_22, %select_n3A : vector<1024x1024xi1>, vector<1024x1024xf32>
    %reduce_max3A_24 = arith.constant dense<0xFF800000> : vector<1024xf32>
    %reduce_max3A_25 = vector.multi_reduction <maximumf>, %select_n3A_23, %reduce_max3A_24 [0] : vector<1024x1024xf32> to vector<1024xf32>
    %broadcast_in_dim3A_26 = vector.shape_cast %reduce_max3A_25 : vector<1024xf32> to vector<1x1024xf32>
    %eq3A_27 = vector.broadcast %broadcast_in_dim3A_26 : vector<1x1024xf32> to vector<1024x1024xf32>
    %eq3A_28 = arith.cmpf oeq, %select_n3A_23, %eq3A_27 : vector<1024x1024xf32>
    %jit3A_29 = arith.constant 2147483647 : i32
    %broadcast_in_dim3A_30 = vector.broadcast %jit3A_29 : i32 to vector<1024x1024xi32>
    %select_n3A_31 = arith.select %eq3A_28, %reshape3A_5, %broadcast_in_dim3A_30 : vector<1024x1024xi1>, vector<1024x1024xi32>
    %reduce_min3A_32 = arith.constant dense<2147483647> : vector<1024xi32>
    %reduce_min3A_33 = vector.multi_reduction <minsi>, %select_n3A_31, %reduce_min3A_32 [0] : vector<1024x1024xi32> to vector<1024xi32>
    %broadcast_in_dim3A_34 = vector.shape_cast %reduce_min3A_33 : vector<1024xi32> to vector<1x1024xi32>
    %eq3A_35 = vector.broadcast %broadcast_in_dim3A_34 : vector<1x1024xi32> to vector<1024x1024xi32>
    %eq3A_36 = arith.cmpi eq, %reshape3A_5, %eq3A_35 : vector<1024x1024xi32>
    %jit3A_37 = arith.constant 0xFF800000 : f32
    %broadcast_in_dim3A_38 = vector.broadcast %jit3A_37 : f32 to vector<1024x1024xf32>
    %select_n3A_39 = arith.select %eq3A_36, %broadcast_in_dim3A_38, %select_n3A_23 : vector<1024x1024xi1>, vector<1024x1024xf32>
    %reduce_max3A_40 = arith.constant dense<0xFF800000> : vector<1024xf32>
    %reduce_max3A_41 = vector.multi_reduction <maximumf>, %select_n3A_39, %reduce_max3A_40 [0] : vector<1024x1024xf32> to vector<1024xf32>
    %broadcast_in_dim3A_42 = vector.shape_cast %reduce_max3A_41 : vector<1024xf32> to vector<1x1024xf32>
    %eq3A_43 = vector.broadcast %broadcast_in_dim3A_42 : vector<1x1024xf32> to vector<1024x1024xf32>
    %eq3A_44 = arith.cmpf oeq, %select_n3A_39, %eq3A_43 : vector<1024x1024xf32>
    %jit3A_45 = arith.constant 2147483647 : i32
    %broadcast_in_dim3A_46 = vector.broadcast %jit3A_45 : i32 to vector<1024x1024xi32>
    %select_n3A_47 = arith.select %eq3A_44, %reshape3A_5, %broadcast_in_dim3A_46 : vector<1024x1024xi1>, vector<1024x1024xi32>
    %reduce_min3A_48 = arith.constant dense<2147483647> : vector<1024xi32>
    %reduce_min3A_49 = vector.multi_reduction <minsi>, %select_n3A_47, %reduce_min3A_48 [0] : vector<1024x1024xi32> to vector<1024xi32>
    %broadcast_in_dim3A_50 = vector.shape_cast %reduce_min3A_49 : vector<1024xi32> to vector<1x1024xi32>
    %eq3A_51 = vector.broadcast %broadcast_in_dim3A_50 : vector<1x1024xi32> to vector<1024x1024xi32>
    %eq3A_52 = arith.cmpi eq, %reshape3A_5, %eq3A_51 : vector<1024x1024xi32>
    %jit3A_53 = arith.constant 0xFF800000 : f32
    %broadcast_in_dim3A_54 = vector.broadcast %jit3A_53 : f32 to vector<1024x1024xf32>
    %select_n3A_55 = arith.select %eq3A_52, %broadcast_in_dim3A_54, %select_n3A_39 : vector<1024x1024xi1>, vector<1024x1024xf32>
    %reduce_max3A_56 = arith.constant dense<0xFF800000> : vector<1024xf32>
    %reduce_max3A_57 = vector.multi_reduction <maximumf>, %select_n3A_55, %reduce_max3A_56 [0] : vector<1024x1024xf32> to vector<1024xf32>
    %broadcast_in_dim3A_58 = vector.shape_cast %reduce_max3A_57 : vector<1024xf32> to vector<1x1024xf32>
    %eq3A_59 = vector.broadcast %broadcast_in_dim3A_58 : vector<1x1024xf32> to vector<1024x1024xf32>
    %eq3A_60 = arith.cmpf oeq, %select_n3A_55, %eq3A_59 : vector<1024x1024xf32>
    %jit3A_61 = arith.constant 2147483647 : i32
    %broadcast_in_dim3A_62 = vector.broadcast %jit3A_61 : i32 to vector<1024x1024xi32>
    %select_n3A_63 = arith.select %eq3A_60, %reshape3A_5, %broadcast_in_dim3A_62 : vector<1024x1024xi1>, vector<1024x1024xi32>
    %reduce_min3A_64 = arith.constant dense<2147483647> : vector<1024xi32>
    %reduce_min3A_65 = vector.multi_reduction <minsi>, %select_n3A_63, %reduce_min3A_64 [0] : vector<1024x1024xi32> to vector<1024xi32>
    %broadcast_in_dim3A_66 = vector.shape_cast %reduce_min3A_65 : vector<1024xi32> to vector<1x1024xi32>
    %eq3A_67 = vector.broadcast %broadcast_in_dim3A_66 : vector<1x1024xi32> to vector<1024x1024xi32>
    %eq3A_68 = arith.cmpi eq, %reshape3A_5, %eq3A_67 : vector<1024x1024xi32>
    %jit3A_69 = arith.constant 0xFF800000 : f32
    %broadcast_in_dim3A_70 = vector.broadcast %jit3A_69 : f32 to vector<1024x1024xf32>
    %select_n3A_71 = arith.select %eq3A_68, %broadcast_in_dim3A_70, %select_n3A_55 : vector<1024x1024xi1>, vector<1024x1024xf32>
    %reduce_max3A_72 = arith.constant dense<0xFF800000> : vector<1024xf32>
    %reduce_max3A_73 = vector.multi_reduction <maximumf>, %select_n3A_71, %reduce_max3A_72 [0] : vector<1024x1024xf32> to vector<1024xf32>
    %broadcast_in_dim3A_74 = vector.shape_cast %reduce_max3A_73 : vector<1024xf32> to vector<1x1024xf32>
    %eq3A_75 = vector.broadcast %broadcast_in_dim3A_74 : vector<1x1024xf32> to vector<1024x1024xf32>
    %eq3A_76 = arith.cmpf oeq, %select_n3A_71, %eq3A_75 : vector<1024x1024xf32>
    %jit3A_77 = arith.constant 2147483647 : i32
    %broadcast_in_dim3A_78 = vector.broadcast %jit3A_77 : i32 to vector<1024x1024xi32>
    %select_n3A_79 = arith.select %eq3A_76, %reshape3A_5, %broadcast_in_dim3A_78 : vector<1024x1024xi1>, vector<1024x1024xi32>
    %reduce_min3A_80 = arith.constant dense<2147483647> : vector<1024xi32>
    %reduce_min3A_81 = vector.multi_reduction <minsi>, %select_n3A_79, %reduce_min3A_80 [0] : vector<1024x1024xi32> to vector<1024xi32>
    %broadcast_in_dim3A_82 = vector.shape_cast %reduce_min3A_81 : vector<1024xi32> to vector<1x1024xi32>
    %eq3A_83 = vector.broadcast %broadcast_in_dim3A_82 : vector<1x1024xi32> to vector<1024x1024xi32>
    %eq3A_84 = arith.cmpi eq, %reshape3A_5, %eq3A_83 : vector<1024x1024xi32>
    %jit3A_85 = arith.constant 0xFF800000 : f32
    %broadcast_in_dim3A_86 = vector.broadcast %jit3A_85 : f32 to vector<1024x1024xf32>
    %select_n3A_87 = arith.select %eq3A_84, %broadcast_in_dim3A_86, %select_n3A_71 : vector<1024x1024xi1>, vector<1024x1024xf32>
    %reduce_max3A_88 = arith.constant dense<0xFF800000> : vector<1024xf32>
    %reduce_max3A_89 = vector.multi_reduction <maximumf>, %select_n3A_87, %reduce_max3A_88 [0] : vector<1024x1024xf32> to vector<1024xf32>
    %broadcast_in_dim3A_90 = vector.shape_cast %reduce_max3A_89 : vector<1024xf32> to vector<1x1024xf32>
    %eq3A_91 = vector.broadcast %broadcast_in_dim3A_90 : vector<1x1024xf32> to vector<1024x1024xf32>
    %eq3A_92 = arith.cmpf oeq, %select_n3A_87, %eq3A_91 : vector<1024x1024xf32>
    %jit3A_93 = arith.constant 2147483647 : i32
    %broadcast_in_dim3A_94 = vector.broadcast %jit3A_93 : i32 to vector<1024x1024xi32>
    %select_n3A_95 = arith.select %eq3A_92, %reshape3A_5, %broadcast_in_dim3A_94 : vector<1024x1024xi1>, vector<1024x1024xi32>
    %reduce_min3A_96 = arith.constant dense<2147483647> : vector<1024xi32>
    %reduce_min3A_97 = vector.multi_reduction <minsi>, %select_n3A_95, %reduce_min3A_96 [0] : vector<1024x1024xi32> to vector<1024xi32>
    %broadcast_in_dim3A_98 = vector.shape_cast %reduce_min3A_97 : vector<1024xi32> to vector<1x1024xi32>
    %eq3A_99 = vector.broadcast %broadcast_in_dim3A_98 : vector<1x1024xi32> to vector<1024x1024xi32>
    %eq3A_100 = arith.cmpi eq, %reshape3A_5, %eq3A_99 : vector<1024x1024xi32>
    %jit3A_101 = arith.constant 0xFF800000 : f32
    %broadcast_in_dim3A_102 = vector.broadcast %jit3A_101 : f32 to vector<1024x1024xf32>
    %select_n3A_103 = arith.select %eq3A_100, %broadcast_in_dim3A_102, %select_n3A_87 : vector<1024x1024xi1>, vector<1024x1024xf32>
    %reduce_max3A_104 = arith.constant dense<0xFF800000> : vector<1024xf32>
    %reduce_max3A_105 = vector.multi_reduction <maximumf>, %select_n3A_103, %reduce_max3A_104 [0] : vector<1024x1024xf32> to vector<1024xf32>
    %broadcast_in_dim3A_106 = vector.shape_cast %reduce_max3A_105 : vector<1024xf32> to vector<1x1024xf32>
    %eq3A_107 = vector.broadcast %broadcast_in_dim3A_106 : vector<1x1024xf32> to vector<1024x1024xf32>
    %eq3A_108 = arith.cmpf oeq, %select_n3A_103, %eq3A_107 : vector<1024x1024xf32>
    %jit3A_109 = arith.constant 2147483647 : i32
    %broadcast_in_dim3A_110 = vector.broadcast %jit3A_109 : i32 to vector<1024x1024xi32>
    %select_n3A_111 = arith.select %eq3A_108, %reshape3A_5, %broadcast_in_dim3A_110 : vector<1024x1024xi1>, vector<1024x1024xi32>
    %reduce_min3A_112 = arith.constant dense<2147483647> : vector<1024xi32>
    %reduce_min3A_113 = vector.multi_reduction <minsi>, %select_n3A_111, %reduce_min3A_112 [0] : vector<1024x1024xi32> to vector<1024xi32>
    %broadcast_in_dim3A_114 = vector.shape_cast %reduce_min3A_113 : vector<1024xi32> to vector<1x1024xi32>
    %eq3A_115 = vector.broadcast %broadcast_in_dim3A_114 : vector<1x1024xi32> to vector<1024x1024xi32>
    %eq3A_116 = arith.cmpi eq, %reshape3A_5, %eq3A_115 : vector<1024x1024xi32>
    %jit3A_117 = arith.constant 0xFF800000 : f32
    %broadcast_in_dim3A_118 = vector.broadcast %jit3A_117 : f32 to vector<1024x1024xf32>
    %select_n3A_119 = arith.select %eq3A_116, %broadcast_in_dim3A_118, %select_n3A_103 : vector<1024x1024xi1>, vector<1024x1024xf32>
    %reduce_max3A_120 = arith.constant dense<0xFF800000> : vector<1024xf32>
    %reduce_max3A_121 = vector.multi_reduction <maximumf>, %select_n3A_119, %reduce_max3A_120 [0] : vector<1024x1024xf32> to vector<1024xf32>
    %broadcast_in_dim3A_122 = vector.shape_cast %reduce_max3A_121 : vector<1024xf32> to vector<1x1024xf32>
    %eq3A_123 = vector.broadcast %broadcast_in_dim3A_122 : vector<1x1024xf32> to vector<1024x1024xf32>
    %eq3A_124 = arith.cmpf oeq, %select_n3A_119, %eq3A_123 : vector<1024x1024xf32>
    %jit3A_125 = arith.constant 2147483647 : i32
    %broadcast_in_dim3A_126 = vector.broadcast %jit3A_125 : i32 to vector<1024x1024xi32>
    %select_n3A_127 = arith.select %eq3A_124, %reshape3A_5, %broadcast_in_dim3A_126 : vector<1024x1024xi1>, vector<1024x1024xi32>
    %reduce_min3A_128 = arith.constant dense<2147483647> : vector<1024xi32>
    %reduce_min3A_129 = vector.multi_reduction <minsi>, %select_n3A_127, %reduce_min3A_128 [0] : vector<1024x1024xi32> to vector<1024xi32>
    %broadcast_in_dim3A_130 = vector.shape_cast %reduce_min3A_129 : vector<1024xi32> to vector<1x1024xi32>
    %eq3A_131 = vector.broadcast %broadcast_in_dim3A_130 : vector<1x1024xi32> to vector<1024x1024xi32>
    %eq3A_132 = arith.cmpi eq, %reshape3A_5, %eq3A_131 : vector<1024x1024xi32>
    %jit3A_133 = arith.constant 0xFF800000 : f32
    %broadcast_in_dim3A_134 = vector.broadcast %jit3A_133 : f32 to vector<1024x1024xf32>
    %select_n3A_135 = arith.select %eq3A_132, %broadcast_in_dim3A_134, %select_n3A_119 : vector<1024x1024xi1>, vector<1024x1024xf32>
    %reduce_max3A_136 = arith.constant dense<0xFF800000> : vector<1024xf32>
    %reduce_max3A_137 = vector.multi_reduction <maximumf>, %select_n3A_135, %reduce_max3A_136 [0] : vector<1024x1024xf32> to vector<1024xf32>
    %broadcast_in_dim3A_138 = vector.shape_cast %reduce_max3A_137 : vector<1024xf32> to vector<1x1024xf32>
    %eq3A_139 = vector.broadcast %broadcast_in_dim3A_138 : vector<1x1024xf32> to vector<1024x1024xf32>
    %eq3A_140 = arith.cmpf oeq, %select_n3A_135, %eq3A_139 : vector<1024x1024xf32>
    %jit3A_141 = arith.constant 2147483647 : i32
    %broadcast_in_dim3A_142 = vector.broadcast %jit3A_141 : i32 to vector<1024x1024xi32>
    %select_n3A_143 = arith.select %eq3A_140, %reshape3A_5, %broadcast_in_dim3A_142 : vector<1024x1024xi1>, vector<1024x1024xi32>
    %reduce_min3A_144 = arith.constant dense<2147483647> : vector<1024xi32>
    %reduce_min3A_145 = vector.multi_reduction <minsi>, %select_n3A_143, %reduce_min3A_144 [0] : vector<1024x1024xi32> to vector<1024xi32>
    %broadcast_in_dim3A_146 = vector.shape_cast %reduce_min3A_145 : vector<1024xi32> to vector<1x1024xi32>
    %eq3A_147 = vector.broadcast %broadcast_in_dim3A_146 : vector<1x1024xi32> to vector<1024x1024xi32>
    %eq3A_148 = arith.cmpi eq, %reshape3A_5, %eq3A_147 : vector<1024x1024xi32>
    %jit3A_149 = arith.constant 0xFF800000 : f32
    %broadcast_in_dim3A_150 = vector.broadcast %jit3A_149 : f32 to vector<1024x1024xf32>
    %select_n3A_151 = arith.select %eq3A_148, %broadcast_in_dim3A_150, %select_n3A_135 : vector<1024x1024xi1>, vector<1024x1024xf32>
    %reduce_max3A_152 = arith.constant dense<0xFF800000> : vector<1024xf32>
    %reduce_max3A_153 = vector.multi_reduction <maximumf>, %select_n3A_151, %reduce_max3A_152 [0] : vector<1024x1024xf32> to vector<1024xf32>
    %broadcast_in_dim3A_154 = vector.shape_cast %reduce_max3A_153 : vector<1024xf32> to vector<1x1024xf32>
    %eq3A_155 = vector.broadcast %broadcast_in_dim3A_154 : vector<1x1024xf32> to vector<1024x1024xf32>
    %eq3A_156 = arith.cmpf oeq, %select_n3A_151, %eq3A_155 : vector<1024x1024xf32>
    %jit3A_157 = arith.constant 2147483647 : i32
    %broadcast_in_dim3A_158 = vector.broadcast %jit3A_157 : i32 to vector<1024x1024xi32>
    %select_n3A_159 = arith.select %eq3A_156, %reshape3A_5, %broadcast_in_dim3A_158 : vector<1024x1024xi1>, vector<1024x1024xi32>
    %reduce_min3A_160 = arith.constant dense<2147483647> : vector<1024xi32>
    %reduce_min3A_161 = vector.multi_reduction <minsi>, %select_n3A_159, %reduce_min3A_160 [0] : vector<1024x1024xi32> to vector<1024xi32>
    %broadcast_in_dim3A_162 = vector.shape_cast %reduce_min3A_161 : vector<1024xi32> to vector<1x1024xi32>
    %eq3A_163 = vector.broadcast %broadcast_in_dim3A_162 : vector<1x1024xi32> to vector<1024x1024xi32>
    %eq3A_164 = arith.cmpi eq, %reshape3A_5, %eq3A_163 : vector<1024x1024xi32>
    %jit3A_165 = arith.constant 0xFF800000 : f32
    %broadcast_in_dim3A_166 = vector.broadcast %jit3A_165 : f32 to vector<1024x1024xf32>
    %select_n3A_167 = arith.select %eq3A_164, %broadcast_in_dim3A_166, %select_n3A_151 : vector<1024x1024xi1>, vector<1024x1024xf32>
    %reduce_max3A_168 = arith.constant dense<0xFF800000> : vector<1024xf32>
    %reduce_max3A_169 = vector.multi_reduction <maximumf>, %select_n3A_167, %reduce_max3A_168 [0] : vector<1024x1024xf32> to vector<1024xf32>
    %broadcast_in_dim3A_170 = vector.shape_cast %reduce_max3A_169 : vector<1024xf32> to vector<1x1024xf32>
    %eq3A_171 = vector.broadcast %broadcast_in_dim3A_170 : vector<1x1024xf32> to vector<1024x1024xf32>
    %eq3A_172 = arith.cmpf oeq, %select_n3A_167, %eq3A_171 : vector<1024x1024xf32>
    %jit3A_173 = arith.constant 2147483647 : i32
    %broadcast_in_dim3A_174 = vector.broadcast %jit3A_173 : i32 to vector<1024x1024xi32>
    %select_n3A_175 = arith.select %eq3A_172, %reshape3A_5, %broadcast_in_dim3A_174 : vector<1024x1024xi1>, vector<1024x1024xi32>
    %reduce_min3A_176 = arith.constant dense<2147483647> : vector<1024xi32>
    %reduce_min3A_177 = vector.multi_reduction <minsi>, %select_n3A_175, %reduce_min3A_176 [0] : vector<1024x1024xi32> to vector<1024xi32>
    %broadcast_in_dim3A_178 = vector.shape_cast %reduce_min3A_177 : vector<1024xi32> to vector<1x1024xi32>
    %eq3A_179 = vector.broadcast %broadcast_in_dim3A_178 : vector<1x1024xi32> to vector<1024x1024xi32>
    %eq3A_180 = arith.cmpi eq, %reshape3A_5, %eq3A_179 : vector<1024x1024xi32>
    %jit3A_181 = arith.constant 0xFF800000 : f32
    %broadcast_in_dim3A_182 = vector.broadcast %jit3A_181 : f32 to vector<1024x1024xf32>
    %select_n3A_183 = arith.select %eq3A_180, %broadcast_in_dim3A_182, %select_n3A_167 : vector<1024x1024xi1>, vector<1024x1024xf32>
    %reduce_max3A_184 = arith.constant dense<0xFF800000> : vector<1024xf32>
    %reduce_max3A_185 = vector.multi_reduction <maximumf>, %select_n3A_183, %reduce_max3A_184 [0] : vector<1024x1024xf32> to vector<1024xf32>
    %broadcast_in_dim3A_186 = vector.shape_cast %reduce_max3A_185 : vector<1024xf32> to vector<1x1024xf32>
    %eq3A_187 = vector.broadcast %broadcast_in_dim3A_186 : vector<1x1024xf32> to vector<1024x1024xf32>
    %eq3A_188 = arith.cmpf oeq, %select_n3A_183, %eq3A_187 : vector<1024x1024xf32>
    %jit3A_189 = arith.constant 2147483647 : i32
    %broadcast_in_dim3A_190 = vector.broadcast %jit3A_189 : i32 to vector<1024x1024xi32>
    %select_n3A_191 = arith.select %eq3A_188, %reshape3A_5, %broadcast_in_dim3A_190 : vector<1024x1024xi1>, vector<1024x1024xi32>
    %reduce_min3A_192 = arith.constant dense<2147483647> : vector<1024xi32>
    %reduce_min3A_193 = vector.multi_reduction <minsi>, %select_n3A_191, %reduce_min3A_192 [0] : vector<1024x1024xi32> to vector<1024xi32>
    %broadcast_in_dim3A_194 = vector.shape_cast %reduce_min3A_193 : vector<1024xi32> to vector<1x1024xi32>
    %eq3A_195 = vector.broadcast %broadcast_in_dim3A_194 : vector<1x1024xi32> to vector<1024x1024xi32>
    %eq3A_196 = arith.cmpi eq, %reshape3A_5, %eq3A_195 : vector<1024x1024xi32>
    %jit3A_197 = arith.constant 0xFF800000 : f32
    %broadcast_in_dim3A_198 = vector.broadcast %jit3A_197 : f32 to vector<1024x1024xf32>
    %select_n3A_199 = arith.select %eq3A_196, %broadcast_in_dim3A_198, %select_n3A_183 : vector<1024x1024xi1>, vector<1024x1024xf32>
    %reduce_max3A_200 = arith.constant dense<0xFF800000> : vector<1024xf32>
    %reduce_max3A_201 = vector.multi_reduction <maximumf>, %select_n3A_199, %reduce_max3A_200 [0] : vector<1024x1024xf32> to vector<1024xf32>
    %broadcast_in_dim3A_202 = vector.shape_cast %reduce_max3A_201 : vector<1024xf32> to vector<1x1024xf32>
    %eq3A_203 = vector.broadcast %broadcast_in_dim3A_202 : vector<1x1024xf32> to vector<1024x1024xf32>
    %eq3A_204 = arith.cmpf oeq, %select_n3A_199, %eq3A_203 : vector<1024x1024xf32>
    %jit3A_205 = arith.constant 2147483647 : i32
    %broadcast_in_dim3A_206 = vector.broadcast %jit3A_205 : i32 to vector<1024x1024xi32>
    %select_n3A_207 = arith.select %eq3A_204, %reshape3A_5, %broadcast_in_dim3A_206 : vector<1024x1024xi1>, vector<1024x1024xi32>
    %reduce_min3A_208 = arith.constant dense<2147483647> : vector<1024xi32>
    %reduce_min3A_209 = vector.multi_reduction <minsi>, %select_n3A_207, %reduce_min3A_208 [0] : vector<1024x1024xi32> to vector<1024xi32>
    %broadcast_in_dim3A_210 = vector.shape_cast %reduce_min3A_209 : vector<1024xi32> to vector<1x1024xi32>
    %eq3A_211 = vector.broadcast %broadcast_in_dim3A_210 : vector<1x1024xi32> to vector<1024x1024xi32>
    %eq3A_212 = arith.cmpi eq, %reshape3A_5, %eq3A_211 : vector<1024x1024xi32>
    %jit3A_213 = arith.constant 0xFF800000 : f32
    %broadcast_in_dim3A_214 = vector.broadcast %jit3A_213 : f32 to vector<1024x1024xf32>
    %select_n3A_215 = arith.select %eq3A_212, %broadcast_in_dim3A_214, %select_n3A_199 : vector<1024x1024xi1>, vector<1024x1024xf32>
    %reduce_max3A_216 = arith.constant dense<0xFF800000> : vector<1024xf32>
    %reduce_max3A_217 = vector.multi_reduction <maximumf>, %select_n3A_215, %reduce_max3A_216 [0] : vector<1024x1024xf32> to vector<1024xf32>
    %broadcast_in_dim3A_218 = vector.shape_cast %reduce_max3A_217 : vector<1024xf32> to vector<1x1024xf32>
    %eq3A_219 = vector.broadcast %broadcast_in_dim3A_218 : vector<1x1024xf32> to vector<1024x1024xf32>
    %eq3A_220 = arith.cmpf oeq, %select_n3A_215, %eq3A_219 : vector<1024x1024xf32>
    %jit3A_221 = arith.constant 2147483647 : i32
    %broadcast_in_dim3A_222 = vector.broadcast %jit3A_221 : i32 to vector<1024x1024xi32>
    %select_n3A_223 = arith.select %eq3A_220, %reshape3A_5, %broadcast_in_dim3A_222 : vector<1024x1024xi1>, vector<1024x1024xi32>
    %reduce_min3A_224 = arith.constant dense<2147483647> : vector<1024xi32>
    %reduce_min3A_225 = vector.multi_reduction <minsi>, %select_n3A_223, %reduce_min3A_224 [0] : vector<1024x1024xi32> to vector<1024xi32>
    %broadcast_in_dim3A_226 = vector.shape_cast %reduce_min3A_225 : vector<1024xi32> to vector<1x1024xi32>
    %eq3A_227 = vector.broadcast %broadcast_in_dim3A_226 : vector<1x1024xi32> to vector<1024x1024xi32>
    %eq3A_228 = arith.cmpi eq, %reshape3A_5, %eq3A_227 : vector<1024x1024xi32>
    %jit3A_229 = arith.constant 0xFF800000 : f32
    %broadcast_in_dim3A_230 = vector.broadcast %jit3A_229 : f32 to vector<1024x1024xf32>
    %select_n3A_231 = arith.select %eq3A_228, %broadcast_in_dim3A_230, %select_n3A_215 : vector<1024x1024xi1>, vector<1024x1024xf32>
    %reduce_max3A_232 = arith.constant dense<0xFF800000> : vector<1024xf32>
    %reduce_max3A_233 = vector.multi_reduction <maximumf>, %select_n3A_231, %reduce_max3A_232 [0] : vector<1024x1024xf32> to vector<1024xf32>
    %broadcast_in_dim3A_234 = vector.shape_cast %reduce_max3A_233 : vector<1024xf32> to vector<1x1024xf32>
    %eq3A_235 = vector.broadcast %broadcast_in_dim3A_234 : vector<1x1024xf32> to vector<1024x1024xf32>
    %eq3A_236 = arith.cmpf oeq, %select_n3A_231, %eq3A_235 : vector<1024x1024xf32>
    %jit3A_237 = arith.constant 2147483647 : i32
    %broadcast_in_dim3A_238 = vector.broadcast %jit3A_237 : i32 to vector<1024x1024xi32>
    %select_n3A_239 = arith.select %eq3A_236, %reshape3A_5, %broadcast_in_dim3A_238 : vector<1024x1024xi1>, vector<1024x1024xi32>
    %reduce_min3A_240 = arith.constant dense<2147483647> : vector<1024xi32>
    %reduce_min3A_241 = vector.multi_reduction <minsi>, %select_n3A_239, %reduce_min3A_240 [0] : vector<1024x1024xi32> to vector<1024xi32>
    %broadcast_in_dim3A_242 = vector.shape_cast %reduce_min3A_241 : vector<1024xi32> to vector<1x1024xi32>
    %eq3A_243 = vector.broadcast %broadcast_in_dim3A_242 : vector<1x1024xi32> to vector<1024x1024xi32>
    %eq3A_244 = arith.cmpi eq, %reshape3A_5, %eq3A_243 : vector<1024x1024xi32>
    %jit3A_245 = arith.constant 0xFF800000 : f32
    %broadcast_in_dim3A_246 = vector.broadcast %jit3A_245 : f32 to vector<1024x1024xf32>
    %select_n3A_247 = arith.select %eq3A_244, %broadcast_in_dim3A_246, %select_n3A_231 : vector<1024x1024xi1>, vector<1024x1024xf32>
    %reduce_max3A_248 = arith.constant dense<0xFF800000> : vector<1024xf32>
    %reduce_max3A_249 = vector.multi_reduction <maximumf>, %select_n3A_247, %reduce_max3A_248 [0] : vector<1024x1024xf32> to vector<1024xf32>
    %broadcast_in_dim3A_250 = vector.shape_cast %reduce_max3A_249 : vector<1024xf32> to vector<1x1024xf32>
    %eq3A_251 = vector.broadcast %broadcast_in_dim3A_250 : vector<1x1024xf32> to vector<1024x1024xf32>
    %eq3A_252 = arith.cmpf oeq, %select_n3A_247, %eq3A_251 : vector<1024x1024xf32>
    %jit3A_253 = arith.constant 2147483647 : i32
    %broadcast_in_dim3A_254 = vector.broadcast %jit3A_253 : i32 to vector<1024x1024xi32>
    %select_n3A_255 = arith.select %eq3A_252, %reshape3A_5, %broadcast_in_dim3A_254 : vector<1024x1024xi1>, vector<1024x1024xi32>
    %reduce_min3A_256 = arith.constant dense<2147483647> : vector<1024xi32>
    %reduce_min3A_257 = vector.multi_reduction <minsi>, %select_n3A_255, %reduce_min3A_256 [0] : vector<1024x1024xi32> to vector<1024xi32>
    %broadcast_in_dim3A_258 = vector.shape_cast %reduce_min3A_257 : vector<1024xi32> to vector<1x1024xi32>
    %eq3A_259 = vector.broadcast %broadcast_in_dim3A_258 : vector<1x1024xi32> to vector<1024x1024xi32>
    %eq3A_260 = arith.cmpi eq, %reshape3A_5, %eq3A_259 : vector<1024x1024xi32>
    %jit3A_261 = arith.constant 0xFF800000 : f32
    %broadcast_in_dim3A_262 = vector.broadcast %jit3A_261 : f32 to vector<1024x1024xf32>
    %select_n3A_263 = arith.select %eq3A_260, %broadcast_in_dim3A_262, %select_n3A_247 : vector<1024x1024xi1>, vector<1024x1024xf32>
    %reduce_max3A_264 = arith.constant dense<0xFF800000> : vector<1024xf32>
    %reduce_max3A_265 = vector.multi_reduction <maximumf>, %select_n3A_263, %reduce_max3A_264 [0] : vector<1024x1024xf32> to vector<1024xf32>
    %broadcast_in_dim3A_266 = vector.shape_cast %reduce_max3A_265 : vector<1024xf32> to vector<1x1024xf32>
    %eq3A_267 = vector.broadcast %broadcast_in_dim3A_266 : vector<1x1024xf32> to vector<1024x1024xf32>
    %eq3A_268 = arith.cmpf oeq, %select_n3A_263, %eq3A_267 : vector<1024x1024xf32>
    %jit3A_269 = arith.constant 2147483647 : i32
    %broadcast_in_dim3A_270 = vector.broadcast %jit3A_269 : i32 to vector<1024x1024xi32>
    %select_n3A_271 = arith.select %eq3A_268, %reshape3A_5, %broadcast_in_dim3A_270 : vector<1024x1024xi1>, vector<1024x1024xi32>
    %reduce_min3A_272 = arith.constant dense<2147483647> : vector<1024xi32>
    %reduce_min3A_273 = vector.multi_reduction <minsi>, %select_n3A_271, %reduce_min3A_272 [0] : vector<1024x1024xi32> to vector<1024xi32>
    %broadcast_in_dim3A_274 = vector.shape_cast %reduce_min3A_273 : vector<1024xi32> to vector<1x1024xi32>
    %eq3A_275 = vector.broadcast %broadcast_in_dim3A_274 : vector<1x1024xi32> to vector<1024x1024xi32>
    %eq3A_276 = arith.cmpi eq, %reshape3A_5, %eq3A_275 : vector<1024x1024xi32>
    %jit3A_277 = arith.constant 0xFF800000 : f32
    %broadcast_in_dim3A_278 = vector.broadcast %jit3A_277 : f32 to vector<1024x1024xf32>
    %select_n3A_279 = arith.select %eq3A_276, %broadcast_in_dim3A_278, %select_n3A_263 : vector<1024x1024xi1>, vector<1024x1024xf32>
    %reduce_max3A_280 = arith.constant dense<0xFF800000> : vector<1024xf32>
    %reduce_max3A_281 = vector.multi_reduction <maximumf>, %select_n3A_279, %reduce_max3A_280 [0] : vector<1024x1024xf32> to vector<1024xf32>
    %broadcast_in_dim3A_282 = vector.shape_cast %reduce_max3A_281 : vector<1024xf32> to vector<1x1024xf32>
    %eq3A_283 = vector.broadcast %broadcast_in_dim3A_282 : vector<1x1024xf32> to vector<1024x1024xf32>
    %eq3A_284 = arith.cmpf oeq, %select_n3A_279, %eq3A_283 : vector<1024x1024xf32>
    %jit3A_285 = arith.constant 2147483647 : i32
    %broadcast_in_dim3A_286 = vector.broadcast %jit3A_285 : i32 to vector<1024x1024xi32>
    %select_n3A_287 = arith.select %eq3A_284, %reshape3A_5, %broadcast_in_dim3A_286 : vector<1024x1024xi1>, vector<1024x1024xi32>
    %reduce_min3A_288 = arith.constant dense<2147483647> : vector<1024xi32>
    %reduce_min3A_289 = vector.multi_reduction <minsi>, %select_n3A_287, %reduce_min3A_288 [0] : vector<1024x1024xi32> to vector<1024xi32>
    %broadcast_in_dim3A_290 = vector.shape_cast %reduce_min3A_289 : vector<1024xi32> to vector<1x1024xi32>
    %eq3A_291 = vector.broadcast %broadcast_in_dim3A_290 : vector<1x1024xi32> to vector<1024x1024xi32>
    %eq3A_292 = arith.cmpi eq, %reshape3A_5, %eq3A_291 : vector<1024x1024xi32>
    %jit3A_293 = arith.constant 0xFF800000 : f32
    %broadcast_in_dim3A_294 = vector.broadcast %jit3A_293 : f32 to vector<1024x1024xf32>
    %select_n3A_295 = arith.select %eq3A_292, %broadcast_in_dim3A_294, %select_n3A_279 : vector<1024x1024xi1>, vector<1024x1024xf32>
    %reduce_max3A_296 = arith.constant dense<0xFF800000> : vector<1024xf32>
    %reduce_max3A_297 = vector.multi_reduction <maximumf>, %select_n3A_295, %reduce_max3A_296 [0] : vector<1024x1024xf32> to vector<1024xf32>
    %broadcast_in_dim3A_298 = vector.shape_cast %reduce_max3A_297 : vector<1024xf32> to vector<1x1024xf32>
    %eq3A_299 = vector.broadcast %broadcast_in_dim3A_298 : vector<1x1024xf32> to vector<1024x1024xf32>
    %eq3A_300 = arith.cmpf oeq, %select_n3A_295, %eq3A_299 : vector<1024x1024xf32>
    %jit3A_301 = arith.constant 2147483647 : i32
    %broadcast_in_dim3A_302 = vector.broadcast %jit3A_301 : i32 to vector<1024x1024xi32>
    %select_n3A_303 = arith.select %eq3A_300, %reshape3A_5, %broadcast_in_dim3A_302 : vector<1024x1024xi1>, vector<1024x1024xi32>
    %reduce_min3A_304 = arith.constant dense<2147483647> : vector<1024xi32>
    %reduce_min3A_305 = vector.multi_reduction <minsi>, %select_n3A_303, %reduce_min3A_304 [0] : vector<1024x1024xi32> to vector<1024xi32>
    %broadcast_in_dim3A_306 = vector.shape_cast %reduce_min3A_305 : vector<1024xi32> to vector<1x1024xi32>
    %eq3A_307 = vector.broadcast %broadcast_in_dim3A_306 : vector<1x1024xi32> to vector<1024x1024xi32>
    %eq3A_308 = arith.cmpi eq, %reshape3A_5, %eq3A_307 : vector<1024x1024xi32>
    %jit3A_309 = arith.constant 0xFF800000 : f32
    %broadcast_in_dim3A_310 = vector.broadcast %jit3A_309 : f32 to vector<1024x1024xf32>
    %select_n3A_311 = arith.select %eq3A_308, %broadcast_in_dim3A_310, %select_n3A_295 : vector<1024x1024xi1>, vector<1024x1024xf32>
    %reduce_max3A_312 = arith.constant dense<0xFF800000> : vector<1024xf32>
    %reduce_max3A_313 = vector.multi_reduction <maximumf>, %select_n3A_311, %reduce_max3A_312 [0] : vector<1024x1024xf32> to vector<1024xf32>
    %broadcast_in_dim3A_314 = vector.shape_cast %reduce_max3A_313 : vector<1024xf32> to vector<1x1024xf32>
    %eq3A_315 = vector.broadcast %broadcast_in_dim3A_314 : vector<1x1024xf32> to vector<1024x1024xf32>
    %eq3A_316 = arith.cmpf oeq, %select_n3A_311, %eq3A_315 : vector<1024x1024xf32>
    %jit3A_317 = arith.constant 2147483647 : i32
    %broadcast_in_dim3A_318 = vector.broadcast %jit3A_317 : i32 to vector<1024x1024xi32>
    %select_n3A_319 = arith.select %eq3A_316, %reshape3A_5, %broadcast_in_dim3A_318 : vector<1024x1024xi1>, vector<1024x1024xi32>
    %reduce_min3A_320 = arith.constant dense<2147483647> : vector<1024xi32>
    %reduce_min3A_321 = vector.multi_reduction <minsi>, %select_n3A_319, %reduce_min3A_320 [0] : vector<1024x1024xi32> to vector<1024xi32>
    %broadcast_in_dim3A_322 = vector.shape_cast %reduce_min3A_321 : vector<1024xi32> to vector<1x1024xi32>
    %eq3A_323 = vector.broadcast %broadcast_in_dim3A_322 : vector<1x1024xi32> to vector<1024x1024xi32>
    %eq3A_324 = arith.cmpi eq, %reshape3A_5, %eq3A_323 : vector<1024x1024xi32>
    %jit3A_325 = arith.constant 0xFF800000 : f32
    %broadcast_in_dim3A_326 = vector.broadcast %jit3A_325 : f32 to vector<1024x1024xf32>
    %select_n3A_327 = arith.select %eq3A_324, %broadcast_in_dim3A_326, %select_n3A_311 : vector<1024x1024xi1>, vector<1024x1024xf32>
    %reduce_max3A_328 = arith.constant dense<0xFF800000> : vector<1024xf32>
    %reduce_max3A_329 = vector.multi_reduction <maximumf>, %select_n3A_327, %reduce_max3A_328 [0] : vector<1024x1024xf32> to vector<1024xf32>
    %broadcast_in_dim3A_330 = vector.shape_cast %reduce_max3A_329 : vector<1024xf32> to vector<1x1024xf32>
    %eq3A_331 = vector.broadcast %broadcast_in_dim3A_330 : vector<1x1024xf32> to vector<1024x1024xf32>
    %eq3A_332 = arith.cmpf oeq, %select_n3A_327, %eq3A_331 : vector<1024x1024xf32>
    %jit3A_333 = arith.constant 2147483647 : i32
    %broadcast_in_dim3A_334 = vector.broadcast %jit3A_333 : i32 to vector<1024x1024xi32>
    %select_n3A_335 = arith.select %eq3A_332, %reshape3A_5, %broadcast_in_dim3A_334 : vector<1024x1024xi1>, vector<1024x1024xi32>
    %reduce_min3A_336 = arith.constant dense<2147483647> : vector<1024xi32>
    %reduce_min3A_337 = vector.multi_reduction <minsi>, %select_n3A_335, %reduce_min3A_336 [0] : vector<1024x1024xi32> to vector<1024xi32>
    %broadcast_in_dim3A_338 = vector.shape_cast %reduce_min3A_337 : vector<1024xi32> to vector<1x1024xi32>
    %eq3A_339 = vector.broadcast %broadcast_in_dim3A_338 : vector<1x1024xi32> to vector<1024x1024xi32>
    %eq3A_340 = arith.cmpi eq, %reshape3A_5, %eq3A_339 : vector<1024x1024xi32>
    %jit3A_341 = arith.constant 0xFF800000 : f32
    %broadcast_in_dim3A_342 = vector.broadcast %jit3A_341 : f32 to vector<1024x1024xf32>
    %select_n3A_343 = arith.select %eq3A_340, %broadcast_in_dim3A_342, %select_n3A_327 : vector<1024x1024xi1>, vector<1024x1024xf32>
    %reduce_max3A_344 = arith.constant dense<0xFF800000> : vector<1024xf32>
    %reduce_max3A_345 = vector.multi_reduction <maximumf>, %select_n3A_343, %reduce_max3A_344 [0] : vector<1024x1024xf32> to vector<1024xf32>
    %broadcast_in_dim3A_346 = vector.shape_cast %reduce_max3A_345 : vector<1024xf32> to vector<1x1024xf32>
    %eq3A_347 = vector.broadcast %broadcast_in_dim3A_346 : vector<1x1024xf32> to vector<1024x1024xf32>
    %eq3A_348 = arith.cmpf oeq, %select_n3A_343, %eq3A_347 : vector<1024x1024xf32>
    %jit3A_349 = arith.constant 2147483647 : i32
    %broadcast_in_dim3A_350 = vector.broadcast %jit3A_349 : i32 to vector<1024x1024xi32>
    %select_n3A_351 = arith.select %eq3A_348, %reshape3A_5, %broadcast_in_dim3A_350 : vector<1024x1024xi1>, vector<1024x1024xi32>
    %reduce_min3A_352 = arith.constant dense<2147483647> : vector<1024xi32>
    %reduce_min3A_353 = vector.multi_reduction <minsi>, %select_n3A_351, %reduce_min3A_352 [0] : vector<1024x1024xi32> to vector<1024xi32>
    %broadcast_in_dim3A_354 = vector.shape_cast %reduce_min3A_353 : vector<1024xi32> to vector<1x1024xi32>
    %eq3A_355 = vector.broadcast %broadcast_in_dim3A_354 : vector<1x1024xi32> to vector<1024x1024xi32>
    %eq3A_356 = arith.cmpi eq, %reshape3A_5, %eq3A_355 : vector<1024x1024xi32>
    %jit3A_357 = arith.constant 0xFF800000 : f32
    %broadcast_in_dim3A_358 = vector.broadcast %jit3A_357 : f32 to vector<1024x1024xf32>
    %select_n3A_359 = arith.select %eq3A_356, %broadcast_in_dim3A_358, %select_n3A_343 : vector<1024x1024xi1>, vector<1024x1024xf32>
    %reduce_max3A_360 = arith.constant dense<0xFF800000> : vector<1024xf32>
    %reduce_max3A_361 = vector.multi_reduction <maximumf>, %select_n3A_359, %reduce_max3A_360 [0] : vector<1024x1024xf32> to vector<1024xf32>
    %broadcast_in_dim3A_362 = vector.shape_cast %reduce_max3A_361 : vector<1024xf32> to vector<1x1024xf32>
    %eq3A_363 = vector.broadcast %broadcast_in_dim3A_362 : vector<1x1024xf32> to vector<1024x1024xf32>
    %eq3A_364 = arith.cmpf oeq, %select_n3A_359, %eq3A_363 : vector<1024x1024xf32>
    %jit3A_365 = arith.constant 2147483647 : i32
    %broadcast_in_dim3A_366 = vector.broadcast %jit3A_365 : i32 to vector<1024x1024xi32>
    %select_n3A_367 = arith.select %eq3A_364, %reshape3A_5, %broadcast_in_dim3A_366 : vector<1024x1024xi1>, vector<1024x1024xi32>
    %reduce_min3A_368 = arith.constant dense<2147483647> : vector<1024xi32>
    %reduce_min3A_369 = vector.multi_reduction <minsi>, %select_n3A_367, %reduce_min3A_368 [0] : vector<1024x1024xi32> to vector<1024xi32>
    %broadcast_in_dim3A_370 = vector.shape_cast %reduce_min3A_369 : vector<1024xi32> to vector<1x1024xi32>
    %eq3A_371 = vector.broadcast %broadcast_in_dim3A_370 : vector<1x1024xi32> to vector<1024x1024xi32>
    %eq3A_372 = arith.cmpi eq, %reshape3A_5, %eq3A_371 : vector<1024x1024xi32>
    %jit3A_373 = arith.constant 0xFF800000 : f32
    %broadcast_in_dim3A_374 = vector.broadcast %jit3A_373 : f32 to vector<1024x1024xf32>
    %select_n3A_375 = arith.select %eq3A_372, %broadcast_in_dim3A_374, %select_n3A_359 : vector<1024x1024xi1>, vector<1024x1024xf32>
    %reduce_max3A_376 = arith.constant dense<0xFF800000> : vector<1024xf32>
    %reduce_max3A_377 = vector.multi_reduction <maximumf>, %select_n3A_375, %reduce_max3A_376 [0] : vector<1024x1024xf32> to vector<1024xf32>
    %broadcast_in_dim3A_378 = vector.shape_cast %reduce_max3A_377 : vector<1024xf32> to vector<1x1024xf32>
    %eq3A_379 = vector.broadcast %broadcast_in_dim3A_378 : vector<1x1024xf32> to vector<1024x1024xf32>
    %eq3A_380 = arith.cmpf oeq, %select_n3A_375, %eq3A_379 : vector<1024x1024xf32>
    %jit3A_381 = arith.constant 2147483647 : i32
    %broadcast_in_dim3A_382 = vector.broadcast %jit3A_381 : i32 to vector<1024x1024xi32>
    %select_n3A_383 = arith.select %eq3A_380, %reshape3A_5, %broadcast_in_dim3A_382 : vector<1024x1024xi1>, vector<1024x1024xi32>
    %reduce_min3A_384 = arith.constant dense<2147483647> : vector<1024xi32>
    %reduce_min3A_385 = vector.multi_reduction <minsi>, %select_n3A_383, %reduce_min3A_384 [0] : vector<1024x1024xi32> to vector<1024xi32>
    %broadcast_in_dim3A_386 = vector.shape_cast %reduce_min3A_385 : vector<1024xi32> to vector<1x1024xi32>
    %eq3A_387 = vector.broadcast %broadcast_in_dim3A_386 : vector<1x1024xi32> to vector<1024x1024xi32>
    %eq3A_388 = arith.cmpi eq, %reshape3A_5, %eq3A_387 : vector<1024x1024xi32>
    %jit3A_389 = arith.constant 0xFF800000 : f32
    %broadcast_in_dim3A_390 = vector.broadcast %jit3A_389 : f32 to vector<1024x1024xf32>
    %select_n3A_391 = arith.select %eq3A_388, %broadcast_in_dim3A_390, %select_n3A_375 : vector<1024x1024xi1>, vector<1024x1024xf32>
    %reduce_max3A_392 = arith.constant dense<0xFF800000> : vector<1024xf32>
    %reduce_max3A_393 = vector.multi_reduction <maximumf>, %select_n3A_391, %reduce_max3A_392 [0] : vector<1024x1024xf32> to vector<1024xf32>
    %broadcast_in_dim3A_394 = vector.shape_cast %reduce_max3A_393 : vector<1024xf32> to vector<1x1024xf32>
    %eq3A_395 = vector.broadcast %broadcast_in_dim3A_394 : vector<1x1024xf32> to vector<1024x1024xf32>
    %eq3A_396 = arith.cmpf oeq, %select_n3A_391, %eq3A_395 : vector<1024x1024xf32>
    %jit3A_397 = arith.constant 2147483647 : i32
    %broadcast_in_dim3A_398 = vector.broadcast %jit3A_397 : i32 to vector<1024x1024xi32>
    %select_n3A_399 = arith.select %eq3A_396, %reshape3A_5, %broadcast_in_dim3A_398 : vector<1024x1024xi1>, vector<1024x1024xi32>
    %reduce_min3A_400 = arith.constant dense<2147483647> : vector<1024xi32>
    %reduce_min3A_401 = vector.multi_reduction <minsi>, %select_n3A_399, %reduce_min3A_400 [0] : vector<1024x1024xi32> to vector<1024xi32>
    %broadcast_in_dim3A_402 = vector.shape_cast %reduce_min3A_401 : vector<1024xi32> to vector<1x1024xi32>
    %eq3A_403 = vector.broadcast %broadcast_in_dim3A_402 : vector<1x1024xi32> to vector<1024x1024xi32>
    %eq3A_404 = arith.cmpi eq, %reshape3A_5, %eq3A_403 : vector<1024x1024xi32>
    %jit3A_405 = arith.constant 0xFF800000 : f32
    %broadcast_in_dim3A_406 = vector.broadcast %jit3A_405 : f32 to vector<1024x1024xf32>
    %select_n3A_407 = arith.select %eq3A_404, %broadcast_in_dim3A_406, %select_n3A_391 : vector<1024x1024xi1>, vector<1024x1024xf32>
    %reduce_max3A_408 = arith.constant dense<0xFF800000> : vector<1024xf32>
    %reduce_max3A_409 = vector.multi_reduction <maximumf>, %select_n3A_407, %reduce_max3A_408 [0] : vector<1024x1024xf32> to vector<1024xf32>
    %broadcast_in_dim3A_410 = vector.shape_cast %reduce_max3A_409 : vector<1024xf32> to vector<1x1024xf32>
    %eq3A_411 = vector.broadcast %broadcast_in_dim3A_410 : vector<1x1024xf32> to vector<1024x1024xf32>
    %eq3A_412 = arith.cmpf oeq, %select_n3A_407, %eq3A_411 : vector<1024x1024xf32>
    %jit3A_413 = arith.constant 2147483647 : i32
    %broadcast_in_dim3A_414 = vector.broadcast %jit3A_413 : i32 to vector<1024x1024xi32>
    %select_n3A_415 = arith.select %eq3A_412, %reshape3A_5, %broadcast_in_dim3A_414 : vector<1024x1024xi1>, vector<1024x1024xi32>
    %reduce_min3A_416 = arith.constant dense<2147483647> : vector<1024xi32>
    %reduce_min3A_417 = vector.multi_reduction <minsi>, %select_n3A_415, %reduce_min3A_416 [0] : vector<1024x1024xi32> to vector<1024xi32>
    %broadcast_in_dim3A_418 = vector.shape_cast %reduce_min3A_417 : vector<1024xi32> to vector<1x1024xi32>
    %eq3A_419 = vector.broadcast %broadcast_in_dim3A_418 : vector<1x1024xi32> to vector<1024x1024xi32>
    %eq3A_420 = arith.cmpi eq, %reshape3A_5, %eq3A_419 : vector<1024x1024xi32>
    %jit3A_421 = arith.constant 0xFF800000 : f32
    %broadcast_in_dim3A_422 = vector.broadcast %jit3A_421 : f32 to vector<1024x1024xf32>
    %select_n3A_423 = arith.select %eq3A_420, %broadcast_in_dim3A_422, %select_n3A_407 : vector<1024x1024xi1>, vector<1024x1024xf32>
    %reduce_max3A_424 = arith.constant dense<0xFF800000> : vector<1024xf32>
    %reduce_max3A_425 = vector.multi_reduction <maximumf>, %select_n3A_423, %reduce_max3A_424 [0] : vector<1024x1024xf32> to vector<1024xf32>
    %broadcast_in_dim3A_426 = vector.shape_cast %reduce_max3A_425 : vector<1024xf32> to vector<1x1024xf32>
    %eq3A_427 = vector.broadcast %broadcast_in_dim3A_426 : vector<1x1024xf32> to vector<1024x1024xf32>
    %eq3A_428 = arith.cmpf oeq, %select_n3A_423, %eq3A_427 : vector<1024x1024xf32>
    %jit3A_429 = arith.constant 2147483647 : i32
    %broadcast_in_dim3A_430 = vector.broadcast %jit3A_429 : i32 to vector<1024x1024xi32>
    %select_n3A_431 = arith.select %eq3A_428, %reshape3A_5, %broadcast_in_dim3A_430 : vector<1024x1024xi1>, vector<1024x1024xi32>
    %reduce_min3A_432 = arith.constant dense<2147483647> : vector<1024xi32>
    %reduce_min3A_433 = vector.multi_reduction <minsi>, %select_n3A_431, %reduce_min3A_432 [0] : vector<1024x1024xi32> to vector<1024xi32>
    %broadcast_in_dim3A_434 = vector.shape_cast %reduce_min3A_433 : vector<1024xi32> to vector<1x1024xi32>
    %eq3A_435 = vector.broadcast %broadcast_in_dim3A_434 : vector<1x1024xi32> to vector<1024x1024xi32>
    %eq3A_436 = arith.cmpi eq, %reshape3A_5, %eq3A_435 : vector<1024x1024xi32>
    %jit3A_437 = arith.constant 0xFF800000 : f32
    %broadcast_in_dim3A_438 = vector.broadcast %jit3A_437 : f32 to vector<1024x1024xf32>
    %select_n3A_439 = arith.select %eq3A_436, %broadcast_in_dim3A_438, %select_n3A_423 : vector<1024x1024xi1>, vector<1024x1024xf32>
    %reduce_max3A_440 = arith.constant dense<0xFF800000> : vector<1024xf32>
    %reduce_max3A_441 = vector.multi_reduction <maximumf>, %select_n3A_439, %reduce_max3A_440 [0] : vector<1024x1024xf32> to vector<1024xf32>
    %broadcast_in_dim3A_442 = vector.shape_cast %reduce_max3A_441 : vector<1024xf32> to vector<1x1024xf32>
    %eq3A_443 = vector.broadcast %broadcast_in_dim3A_442 : vector<1x1024xf32> to vector<1024x1024xf32>
    %eq3A_444 = arith.cmpf oeq, %select_n3A_439, %eq3A_443 : vector<1024x1024xf32>
    %jit3A_445 = arith.constant 2147483647 : i32
    %broadcast_in_dim3A_446 = vector.broadcast %jit3A_445 : i32 to vector<1024x1024xi32>
    %select_n3A_447 = arith.select %eq3A_444, %reshape3A_5, %broadcast_in_dim3A_446 : vector<1024x1024xi1>, vector<1024x1024xi32>
    %reduce_min3A_448 = arith.constant dense<2147483647> : vector<1024xi32>
    %reduce_min3A_449 = vector.multi_reduction <minsi>, %select_n3A_447, %reduce_min3A_448 [0] : vector<1024x1024xi32> to vector<1024xi32>
    %broadcast_in_dim3A_450 = vector.shape_cast %reduce_min3A_449 : vector<1024xi32> to vector<1x1024xi32>
    %eq3A_451 = vector.broadcast %broadcast_in_dim3A_450 : vector<1x1024xi32> to vector<1024x1024xi32>
    %eq3A_452 = arith.cmpi eq, %reshape3A_5, %eq3A_451 : vector<1024x1024xi32>
    %jit3A_453 = arith.constant 0xFF800000 : f32
    %broadcast_in_dim3A_454 = vector.broadcast %jit3A_453 : f32 to vector<1024x1024xf32>
    %select_n3A_455 = arith.select %eq3A_452, %broadcast_in_dim3A_454, %select_n3A_439 : vector<1024x1024xi1>, vector<1024x1024xf32>
    %reduce_max3A_456 = arith.constant dense<0xFF800000> : vector<1024xf32>
    %reduce_max3A_457 = vector.multi_reduction <maximumf>, %select_n3A_455, %reduce_max3A_456 [0] : vector<1024x1024xf32> to vector<1024xf32>
    %broadcast_in_dim3A_458 = vector.shape_cast %reduce_max3A_457 : vector<1024xf32> to vector<1x1024xf32>
    %eq3A_459 = vector.broadcast %broadcast_in_dim3A_458 : vector<1x1024xf32> to vector<1024x1024xf32>
    %eq3A_460 = arith.cmpf oeq, %select_n3A_455, %eq3A_459 : vector<1024x1024xf32>
    %jit3A_461 = arith.constant 2147483647 : i32
    %broadcast_in_dim3A_462 = vector.broadcast %jit3A_461 : i32 to vector<1024x1024xi32>
    %select_n3A_463 = arith.select %eq3A_460, %reshape3A_5, %broadcast_in_dim3A_462 : vector<1024x1024xi1>, vector<1024x1024xi32>
    %reduce_min3A_464 = arith.constant dense<2147483647> : vector<1024xi32>
    %reduce_min3A_465 = vector.multi_reduction <minsi>, %select_n3A_463, %reduce_min3A_464 [0] : vector<1024x1024xi32> to vector<1024xi32>
    %broadcast_in_dim3A_466 = vector.shape_cast %reduce_min3A_465 : vector<1024xi32> to vector<1x1024xi32>
    %eq3A_467 = vector.broadcast %broadcast_in_dim3A_466 : vector<1x1024xi32> to vector<1024x1024xi32>
    %eq3A_468 = arith.cmpi eq, %reshape3A_5, %eq3A_467 : vector<1024x1024xi32>
    %jit3A_469 = arith.constant 0xFF800000 : f32
    %broadcast_in_dim3A_470 = vector.broadcast %jit3A_469 : f32 to vector<1024x1024xf32>
    %select_n3A_471 = arith.select %eq3A_468, %broadcast_in_dim3A_470, %select_n3A_455 : vector<1024x1024xi1>, vector<1024x1024xf32>
    %reduce_max3A_472 = arith.constant dense<0xFF800000> : vector<1024xf32>
    %reduce_max3A_473 = vector.multi_reduction <maximumf>, %select_n3A_471, %reduce_max3A_472 [0] : vector<1024x1024xf32> to vector<1024xf32>
    %broadcast_in_dim3A_474 = vector.shape_cast %reduce_max3A_473 : vector<1024xf32> to vector<1x1024xf32>
    %eq3A_475 = vector.broadcast %broadcast_in_dim3A_474 : vector<1x1024xf32> to vector<1024x1024xf32>
    %eq3A_476 = arith.cmpf oeq, %select_n3A_471, %eq3A_475 : vector<1024x1024xf32>
    %jit3A_477 = arith.constant 2147483647 : i32
    %broadcast_in_dim3A_478 = vector.broadcast %jit3A_477 : i32 to vector<1024x1024xi32>
    %select_n3A_479 = arith.select %eq3A_476, %reshape3A_5, %broadcast_in_dim3A_478 : vector<1024x1024xi1>, vector<1024x1024xi32>
    %reduce_min3A_480 = arith.constant dense<2147483647> : vector<1024xi32>
    %reduce_min3A_481 = vector.multi_reduction <minsi>, %select_n3A_479, %reduce_min3A_480 [0] : vector<1024x1024xi32> to vector<1024xi32>
    %broadcast_in_dim3A_482 = vector.shape_cast %reduce_min3A_481 : vector<1024xi32> to vector<1x1024xi32>
    %eq3A_483 = vector.broadcast %broadcast_in_dim3A_482 : vector<1x1024xi32> to vector<1024x1024xi32>
    %eq3A_484 = arith.cmpi eq, %reshape3A_5, %eq3A_483 : vector<1024x1024xi32>
    %jit3A_485 = arith.constant 0xFF800000 : f32
    %broadcast_in_dim3A_486 = vector.broadcast %jit3A_485 : f32 to vector<1024x1024xf32>
    %select_n3A_487 = arith.select %eq3A_484, %broadcast_in_dim3A_486, %select_n3A_471 : vector<1024x1024xi1>, vector<1024x1024xf32>
    %reduce_max3A_488 = arith.constant dense<0xFF800000> : vector<1024xf32>
    %reduce_max3A_489 = vector.multi_reduction <maximumf>, %select_n3A_487, %reduce_max3A_488 [0] : vector<1024x1024xf32> to vector<1024xf32>
    %broadcast_in_dim3A_490 = vector.shape_cast %reduce_max3A_489 : vector<1024xf32> to vector<1x1024xf32>
    %eq3A_491 = vector.broadcast %broadcast_in_dim3A_490 : vector<1x1024xf32> to vector<1024x1024xf32>
    %eq3A_492 = arith.cmpf oeq, %select_n3A_487, %eq3A_491 : vector<1024x1024xf32>
    %jit3A_493 = arith.constant 2147483647 : i32
    %broadcast_in_dim3A_494 = vector.broadcast %jit3A_493 : i32 to vector<1024x1024xi32>
    %select_n3A_495 = arith.select %eq3A_492, %reshape3A_5, %broadcast_in_dim3A_494 : vector<1024x1024xi1>, vector<1024x1024xi32>
    %reduce_min3A_496 = arith.constant dense<2147483647> : vector<1024xi32>
    %reduce_min3A_497 = vector.multi_reduction <minsi>, %select_n3A_495, %reduce_min3A_496 [0] : vector<1024x1024xi32> to vector<1024xi32>
    %broadcast_in_dim3A_498 = vector.shape_cast %reduce_min3A_497 : vector<1024xi32> to vector<1x1024xi32>
    %eq3A_499 = vector.broadcast %broadcast_in_dim3A_498 : vector<1x1024xi32> to vector<1024x1024xi32>
    %eq3A_500 = arith.cmpi eq, %reshape3A_5, %eq3A_499 : vector<1024x1024xi32>
    %jit3A_501 = arith.constant 0xFF800000 : f32
    %broadcast_in_dim3A_502 = vector.broadcast %jit3A_501 : f32 to vector<1024x1024xf32>
    %select_n3A_503 = arith.select %eq3A_500, %broadcast_in_dim3A_502, %select_n3A_487 : vector<1024x1024xi1>, vector<1024x1024xf32>
    %reduce_max3A_504 = arith.constant dense<0xFF800000> : vector<1024xf32>
    %reduce_max3A_505 = vector.multi_reduction <maximumf>, %select_n3A_503, %reduce_max3A_504 [0] : vector<1024x1024xf32> to vector<1024xf32>
    %broadcast_in_dim3A_506 = vector.shape_cast %reduce_max3A_505 : vector<1024xf32> to vector<1x1024xf32>
    %eq3A_507 = vector.broadcast %broadcast_in_dim3A_506 : vector<1x1024xf32> to vector<1024x1024xf32>
    %eq3A_508 = arith.cmpf oeq, %select_n3A_503, %eq3A_507 : vector<1024x1024xf32>
    %jit3A_509 = arith.constant 2147483647 : i32
    %broadcast_in_dim3A_510 = vector.broadcast %jit3A_509 : i32 to vector<1024x1024xi32>
    %select_n3A_511 = arith.select %eq3A_508, %reshape3A_5, %broadcast_in_dim3A_510 : vector<1024x1024xi1>, vector<1024x1024xi32>
    %reduce_min3A_512 = arith.constant dense<2147483647> : vector<1024xi32>
    %reduce_min3A_513 = vector.multi_reduction <minsi>, %select_n3A_511, %reduce_min3A_512 [0] : vector<1024x1024xi32> to vector<1024xi32>
    %broadcast_in_dim3A_514 = vector.shape_cast %reduce_min3A_513 : vector<1024xi32> to vector<1x1024xi32>
    %concatenate3A = tpu.concatenate %broadcast_in_dim3A_18, %broadcast_in_dim3A_34, %broadcast_in_dim3A_50, %broadcast_in_dim3A_66, %broadcast_in_dim3A_82, %broadcast_in_dim3A_98, %broadcast_in_dim3A_114, %broadcast_in_dim3A_130, %broadcast_in_dim3A_146, %broadcast_in_dim3A_162, %broadcast_in_dim3A_178, %broadcast_in_dim3A_194, %broadcast_in_dim3A_210, %broadcast_in_dim3A_226, %broadcast_in_dim3A_242, %broadcast_in_dim3A_258, %broadcast_in_dim3A_274, %broadcast_in_dim3A_290, %broadcast_in_dim3A_306, %broadcast_in_dim3A_322, %broadcast_in_dim3A_338, %broadcast_in_dim3A_354, %broadcast_in_dim3A_370, %broadcast_in_dim3A_386, %broadcast_in_dim3A_402, %broadcast_in_dim3A_418, %broadcast_in_dim3A_434, %broadcast_in_dim3A_450, %broadcast_in_dim3A_466, %broadcast_in_dim3A_482, %broadcast_in_dim3A_498, %broadcast_in_dim3A_514 in 0 : vector<1x1024xi32>, vector<1x1024xi32>, vector<1x1024xi32>, vector<1x1024xi32>, vector<1x1024xi32>, vector<1x1024xi32>, vector<1x1024xi32>, vector<1x1024xi32>, vector<1x1024xi32>, vector<1x1024xi32>, vector<1x1024xi32>, vector<1x1024xi32>, vector<1x1024xi32>, vector<1x1024xi32>, vector<1x1024xi32>, vector<1x1024xi32>, vector<1x1024xi32>, vector<1x1024xi32>, vector<1x1024xi32>, vector<1x1024xi32>, vector<1x1024xi32>, vector<1x1024xi32>, vector<1x1024xi32>, vector<1x1024xi32>, vector<1x1024xi32>, vector<1x1024xi32>, vector<1x1024xi32>, vector<1x1024xi32>, vector<1x1024xi32>, vector<1x1024xi32>, vector<1x1024xi32>, vector<1x1024xi32> -> vector<32x1024xi32>
    %swap3A = arith.constant 0 : index
    %swap3A_515 = arith.constant 0 : index
    %swap3A_516 = vector.load %arg2[%swap3A, %swap3A_515] : memref<32x1024xi32, #tpu.memory_space<vmem>>, vector<32x1024xi32>
    tpu.vector_store %arg2[%swap3A, %swap3A_515], %concatenate3A {strides = array<i32>} : memref<32x1024xi32, #tpu.memory_space<vmem>>, vector<32x1024xi32>,
    return
  }
}

</mosaic_0001>

<sc_bundles>
// kernel: kernel.10.cloned.1.call-start
scs
__scs_entry_jumppad:
0x0: {  	(pc) =	sbr.rel $0x88, $3  }
0x1: {  	(tag) =	ssettag $0x0;
	lr =	simm.s32 $0x1  }
0x2: {  	[smem:$0x3F9E] =	sst lr;
	_ =	strace $0xD0000000  }
0x3: {  	_ = 	snop  }
0x4: {  	_ = 	snop  }
0x5: {  	_ = 	snop  }
0x6: {  	_ = 	snop  }
0x7: {  	_ = 	snop  }
__scs_overlays_trampoline_lowered:
0x8: {  	[smem:$0x3FAD] =	sst s0  }
0x9: {  	[smem:$0x3FAE] =	sst s1  }
0xa: {  	[smem:$0x3FAF] =	sst s2  }
0xb: {  	[smem:$0x3FB0] =	sst s3  }
0xc: {  	[smem:$0x3FB1] =	sst s4  }
0xd: {  	[smem:$0x3FB2] =	sst s5  }
0xe: {  	[smem:$0x3FB3] =	sst s6  }
0xf: {  	[smem:$0x3FB4] =	sst s7  }
0x10: {  	[smem:$0x3FB5] =	sst s8  }
0x11: {  	[smem:$0x3FB6] =	sst s9;
	s0 =	simm.s32 @!p0 $0x0  }
0x12: {  	s1 =	sld [smem:$0x3F9C];
	s0 =	simm.s32 @p0 $0x1  }
0x13: {  	[smem:$0x3FB7] =	sst s0;
	s0 =	simm.s32 @!p1 $0x0  }
0x14: {  	s2 =	sld [smem:$0x3F9B];
	s0 =	simm.s32 @p1 $0x1  }
0x15: {  	[smem:$0x3FB8] =	sst s0;
	s0 =	simm.s32 @!p2 $0x0  }
0x16: {  	s3 =	sld [smem:$0x3FDB];
	s0 =	simm.s32 @p2 $0x1  }
0x17: {  	s4 =	simm.s32 $0x1BF5;
	[smem:$0x3FBA] =	sst s0  }
0x18: {  	s0 =	sld [smem:$0x3F9D];
	_ =	swait.ge [sflag:s4], $0x0  }
0x19: {  	s7 =	sld [smem:$0x3F9E]  }
0x1a: {  	s8 =	sadd.s32 $0xFFFFE003, lr  }
0x1b: {  	s9 =	sadd.s32 $0xFFFFFEF7, lr;
	s5 =	simm.s32 $0xFFFFFFFF;
	p2 =	slt.u32 s8, $0xFFFFF086  }
0x1c: {  	p1 =	slt.u32 s9, $0xF7A;
	s5 =	simm.s32 @!p2 $0x0  }
0x1d: {  	s5 =	simm.s32 @p1 $0x1;
	p0 =	seq.s32 s7, s2  }
0x1e: {  	s7 =	smul.u32 @!p0 $0xF7A, s2;
	p2 =	seq.s32 @!p0 s5, $0x0  }
0x1f: {  	s9 =	smul.u32 $0xF7A, s1;
	s8 =	simm.s32 @!p0 $0x1BF5;
	p2 =	por !p2, p0  }
0x20: {  	[sflag:s8] =	ssyncset.s32 @!p0 $0xFFFFF086;
	s6 =	sadd.s32 @!p0 s3, s7;
	s7 =	simm.s32 @!p0 $0x108  }
0x21: {  	s3 =	sadd.s32 s3, s9;
	s6 =	sadd.s32 @!p0 $0x88, s6;
	s7 =	simm.s32 @p2 $0x1082  }
0x22: {  	[simem:s7], [sflag:s8] =	dma.local @!p0 [hbm:s6], $0xF7A  }
0x23: {  	s9 =	sor.u32 $0xD0000000, s2;
	s6 =	simm.s32 $0x108;
	_ =	swait.ge @!p0 [sflag:s8], $0x0  }
0x24: {  	s3 =	sadd.s32 $0x88, s3;
	s6 =	simm.s32 @!p1 $0x1082;
	[sflag:s4] =	ssyncset.s32 $0xFFFFF086  }
0x25: {  	[simem:s6], [sflag:s4] =	dma.local [hbm:s3], $0xF7A  }
0x26: {  	[smem:$0x3F9E] =	sst s1;
	(tag) =	ssettag s2;
	_ =	strace s9  }
0x27: {  	s1 =	sld [smem:$0x3FAE]  }
0x28: {  	s2 =	sld [smem:$0x3FAF]  }
0x29: {  	s4 =	sld [smem:$0x3FB1]  }
0x2a: {  	p0 =	seq.s32 s5, $0x0;
	s5 =	sld [smem:$0x3FB2]  }
0x2b: {  	s6 =	sld [smem:$0x3FB3]  }
0x2c: {  	s7 =	sld [smem:$0x3FB4]  }
0x2d: {  	s3 =	simm.s32 $0x108;
	s8 =	sld [smem:$0x3FB5]  }
0x2e: {  	s3 =	simm.s32 @!p0 $0x1082;
	s9 =	sld [smem:$0x3FB6]  }
0x2f: {  	lr =	sadd.s32 s0, s3;
	s0 =	sld [smem:$0x3FAD]  }
0x30: {  	s3 =	sld [smem:$0x3FB0]  }
0x31: {  	[smem:$0x3FB9] =	sst s10  }
0x32: {  	s10 =	sld [smem:$0x3FB7];
	_ =	sdelay $0x3  }
0x33: {  	p0 =	seq.s32 s10, $0x1;
	s10 =	sld [smem:$0x3FB9];
	_ =	sdelay $0x3  }
0x34: {  	[smem:$0x3FB9] =	sst s10  }
0x35: {  	s10 =	sld [smem:$0x3FB8];
	_ =	sdelay $0x3  }
0x36: {  	p1 =	seq.s32 s10, $0x1;
	s10 =	sld [smem:$0x3FB9];
	_ =	sdelay $0x3  }
0x37: {  	[smem:$0x3FB9] =	sst s10  }
0x38: {  	s10 =	sld [smem:$0x3FBA]  }
0x39: {  	_ = 	snop;
	(pc) =	sbr.ind lr, $3  }
0x3a: {  	_ = 	snop  }
0x3b: {  	_ = 	snop  }
0x3c: {  	p2 =	seq.s32 s10, $0x1;
	s10 =	sld [smem:$0x3FB9]  }
0x3d: {  	_ =	shalt  }
0x3e: {  	_ =	shalt  }
0x3f: {  	_ =	shalt  }
0x40: {  	_ =	shalt  }
0x41: {  	_ =	shalt  }
0x42: {  	_ =	shalt  }
0x43: {  	_ =	shalt  }
0x44: {  	_ =	shalt  }
0x45: {  	_ =	shalt  }
0x46: {  	_ =	shalt  }
0x47: {  	_ =	shalt  }
0x48: {  	_ =	shalt  }
0x49: {  	_ =	shalt  }
0x4a: {  	_ =	shalt  }
0x4b: {  	_ =	shalt  }
0x4c: {  	_ =	shalt  }
0x4d: {  	_ =	shalt  }
0x4e: {  	_ =	shalt  }
0x4f: {  	_ =	shalt  }
0x50: {  	_ =	shalt  }
0x51: {  	_ =	shalt  }
0x52: {  	_ =	shalt  }
0x53: {  	_ =	shalt  }
0x54: {  	_ =	shalt  }
0x55: {  	_ =	shalt  }
0x56: {  	_ =	shalt  }
0x57: {  	_ =	shalt  }
0x58: {  	_ =	shalt  }
0x59: {  	_ =	shalt  }
0x5a: {  	_ =	shalt  }
0x5b: {  	_ =	shalt  }
0x5c: {  	_ =	shalt  }
0x5d: {  	_ =	shalt  }
0x5e: {  	_ =	shalt  }
0x5f: {  	_ =	shalt  }
0x60: {  	_ =	shalt  }
0x61: {  	_ =	shalt  }
0x62: {  	_ =	shalt  }
0x63: {  	_ =	shalt  }
0x64: {  	_ =	shalt  }
0x65: {  	_ =	shalt  }
0x66: {  	_ =	shalt  }
0x67: {  	_ =	shalt  }
0x68: {  	_ =	shalt  }
0x69: {  	_ =	shalt  }
0x6a: {  	_ =	shalt  }
0x6b: {  	_ =	shalt  }
0x6c: {  	_ =	shalt  }
0x6d: {  	_ =	shalt  }
0x6e: {  	_ =	shalt  }
0x6f: {  	_ =	shalt  }
0x70: {  	_ =	shalt  }
0x71: {  	_ =	shalt  }
0x72: {  	_ =	shalt  }
0x73: {  	_ =	shalt  }
0x74: {  	_ =	shalt  }
0x75: {  	_ =	shalt  }
0x76: {  	_ =	shalt  }
0x77: {  	_ =	shalt  }
0x78: {  	_ =	shalt  }
0x79: {  	_ =	shalt  }
0x7a: {  	_ =	shalt  }
0x7b: {  	_ =	shalt  }
0x7c: {  	_ =	shalt  }
0x7d: {  	_ =	shalt  }
0x7e: {  	_ =	shalt  }
0x7f: {  	_ =	shalt  }
0x80: {  	_ =	shalt  }
0x81: {  	_ =	shalt  }
0x82: {  	_ =	shalt  }
0x83: {  	_ =	shalt  }
0x84: {  	_ =	shalt  }
0x85: {  	_ =	shalt  }
0x86: {  	_ =	shalt  }
0x87: {  	_ =	shalt  }
.Lfunc_end0:
.L_simem_size_0:
called_computation_lowered:
.L_overlay_start_0:
0x88: {  	s2 =	sld [smem:$0x3FD9]  }
0x89: {  	s3 =	sld [smem:$0x3FFE];
	_ =	sdelay $0x1  }
0x8a: {  	s1 =	srdreg.scid  }
0x8b: {  	s0 =	sand.u32 $0x1, s1  }
0x8c: {  	s14 =	sshll.u32 s0, $0xA;
	s2 =	sadd.s32 s3, s2  }
0x8d: {  	s2 =	sadd.s32 s2, s14  }
0x8e: {  	[smem:$0x3FC5] =	sst s2  }
0x8f: {  	_ = 	snop  }
0x90: {  	s2 =	sld [smem:$0x3FD0];
	_ =	sdelay $0x2  }
0x91: {  	s15 =	simm.s32 $0xA;
	s4 =	simm.s32 $0x10  }
0x92: {  	[smem:s4], [sflag:s15] =	dma.local [hbm:s2], $0x1  }
0x93: {  	_ =	swait.eq [sflag:s15], $0x1  }
0x94: {  	[sflag:s15] =	ssyncset.done $0x0  }
0x95: {  	[sflag:s15] =	ssyncadd.s32 $0xFFFFFFFF  }
0x96: {  	s16 =	sld [smem:$0x10];
	(tm) =	ssettm $0x1  }
0x97: {  	s17 =	sld [smem:$0x3FFB];
	_ =	sdelay $0x3  }
0x98: {  	_ =	strace s17  }
0x99: {  	s3 =	sld [smem:$0x3FFC];
	_ =	sdelay $0x3  }
0x9a: {  	_ =	strace s3  }
0x9b: {  	s3 =	sld [smem:$0x3FFD];
	_ =	sdelay $0x3  }
0x9c: {  	_ =	strace s3  }
0x9d: {  	_ =	strace $0x8FFFFFFF  }
0x9e: {  	s18 =	sld [smem:$0x3FDB];
	_ =	sdelay $0x1  }
0x9f: {  	s19 =	simm.s32 $_scs_section_size  }
0xa0: {  	s5 =	simm.s32 $_size__tile_overlayer_lowered;
	s6 =	simm.s32 $_tile_overlayer_lowered  }
0xa1: {  	s22 =	simm.s32 $0x1BFF;
	s21 =	sshll.u32 s6, $0x1;
	s3 =	sadd.s32 s19, s18  }
0xa2: {  	s7 =	simm.s32 $0x0;
	s20 =	sshll.u32 s5, $0x1;
	s5 =	sadd.s32 s21, s3  }
0xa3: {  	[timem:s7], [sflag:s22] =	dma.local [hbm:s5], s20  }
0xa4: {  	_ =	swait.ge [sflag:s22], s20  }
0xa5: {  	s4 =	ssub.s32 $0x0, s20;
	[sflag:s22] =	ssyncset.done $0x0  }
0xa6: {  	[sflag:s22] =	ssyncadd.s32 s4;
	_ =	sdelay $0x1  }
0xa7: {  	s23 =	simm.s32 $0x1B8B  }
0xa8: {  	_ =	swait.ge [sflag:s23], $0x1  }
0xa9: {  	[sflag:s23] =	ssyncset.done $0x0  }
0xaa: {  	s25 =	simm.s32 $0x1B8E;
	s24 =	sld [smem:$0x3FFE];
	[sflag:s23] =	ssyncadd.s32 $0xFFFFFFFF  }
0xab: {  	s26 =	simm.s32 $execute0_lowered;
	[smem:$0x3FD2] =	sst s25  }
0xac: {  	s5 =	sshll.u32 s26, $0x1;
	_ =	strace $0x80000046;
	[dreg:$0x1] =	wrdreg $0xFFFFFFFF  }
0xad: {  	s28 =	simm.s32 $_size_execute0_lowered;
	s3 =	sadd.s32 s3, s5;
	[dreg:$0x0] =	wrdreg $0x0  }
0xae: {  	s5 =	sshll.u32 s28, $0x1;
	[dreg:$0x2] =	wrdreg s3  }
0xaf: {  	[dreg:$0x3] =	wrdreg s5  }
0xb0: {  	[dreg:$0x4] =	wrdreg $0xC0  }
0xb1: {  	_ =	task [dreg:s7], $0x5FFFF  }
0xb2: {  	[dreg:$0x1] =	wrdreg $0xFFFFFFFF  }
0xb3: {  	[dreg:$0x0] =	wrdreg $0x60  }
0xb4: {  	[dreg:$0x2] =	wrdreg s24  }
0xb5: {  	[dreg:$0x3] =	wrdreg s16  }
0xb6: {  	[dreg:$0x4] =	wrdreg $0x9  }
0xb7: {  	_ =	task.clear_ibuf [dreg:s7], $0x5FFFF;
	_ =	strace $0x90000046  }
0xb8: {  	s29 =	simm.s32 $0x9;
	_ =	strace $0x8000004F  }
0xb9: {  	_ =	swait.ge [sflag:s29], $0x1  }
0xba: {  	[sflag:s29] =	ssyncadd.s32 $0xFFFFFFFF  }
0xbb: {  	_ =	strace $0x9000004F  }
0xbc: {  	_ =	sfence  }
0xbd: {  	s30 =	sld [smem:$0x0];
	_ =	sdelay $0x2  }
0xbe: {  	s31 =	sshll.u32 s1, $0xD;
	s1 =	sshrl.u32 s1, $0x2  }
0xbf: {  	s3 =	sand.u32 $0x4000, s31;
	s1 =	sadd.s32 s1, s30  }
0xc0: {  	s0 =	sor.u32 s3, s0;
	s1 =	sshll.u32 s1, $0x11  }
0xc1: {  	s0 =	sor.u32 s1, s0  }
0xc2: {  	s0 =	sadd.s32 $0x8F2B, s0  }
0xc3: {  	[sflag:s0] =	ssyncadd.remote.s32 $0x1  }
0xc4: {  	_ =	sfence.sel $0xFFFF  }
0xc5: {  	[dreg:$0x0] =	wrdreg $0xFFFFFFFF;
	(pc) =	sbr.abs _section_cstart, $3  }
0xc6: {  	[dreg:$0x1] =	wrdreg $0xFFFFFFFF  }
0xc7: {  	_ =	task.clear_ibuf [dreg:s7], $0x2FFFF;
	_ =	strace $0x9FFFFFFF  }
0xc8: {  	(tm) =	ssettm $0x7FFFFFFF  }
0xc9: {  	_ =	shalt  }
tec
execute0_lowered:
.L_overlay_start_1:
0x0: {  	(tag) =	ssettag $0x1  }
0x1: {  	s3 =	rddreg [dreg:$0x0]  }
0x2: {  	s0 =	rddreg [dreg:$0x1]  }
0x3: {  	s1 =	simm.s32 $0x0;
	[dreg:$0x5] =	wrdreg s0  }
0x4: {  	s2 =	srdreg.scid;
	s8 =	simm.s32 $0x80;
	s0 =	rddreg [dreg:$0x2]  }
0x5: {  	s9 =	simm.s32 $0x4;
	s10 =	simm.s32 $0x0;
	[smem:$0x7FF] =	sst s1  }
0x6: {  	s4 =	sadd.s32 $0x24DA00, s3;
	s5 =	sand.u32 $0x1, s2;
	s2 =	stileid.u32  }
0x7: {  	s3 =	sadd.s32 $0x2A00, s3;
	_ =	strace $0x80000047;
	[dreg:$0x3] =	wrdreg s4  }
0x8: {  	s6 =	ssub.s32 $0x2, s5;
	s5 =	sshll.u32 s5, $0x4;
	[dreg:$0x4] =	wrdreg s8  }
0x9: {  	s8 =	simm.s32 $0x5;
	s31 =	sshrl.u32 s6, $0x1;
	s5 =	sor.u32 s2, s5  }
0xa: {  	s6 =	ssub.s32 s6, s31;
	s7 =	sshll.u32 s5, $0x7;
	s4 =	sshll.u32 s5, $0x3  }
0xb: {  	s5 =	sadd.s32 s3, s7;
	s6 =	smax.u32 s6, $0x1;
	s7 =	simm.s32 $0x1  }
.LBB2_1:
0xc: {  	_ =	strace $0x80000048;
	s11 =	simm.s32 $0x1;
	p0 =	por $0x0, $0x0  }
0xd: {  	[tilespmem:s1], [sflag:$0x1] =	stream.linear.gather [hbm4b:s5+s1], $0x80, $0x200038;
	[tilespmem:$0x8100] =	vst v63  }
0xe: {  	s11 =	simm.s32 @p0 $0x0  }
0xf: {  	p4 =	por $0x1, $0x1;
	s20 =	sand.u32 $0x1, s1;
	p1 =	sne.s32 s11, $0x0  }
0x10: {  	p2 =	por $0x1, $0x1;
	s18 =	simm.s32 $0x6;
	p0 =	por !p4, !p1  }
0x11: {  	s16 =	simm.s32 $0x0;
	p5 =	por $0x0, $0x0;
	p0 =	por !p0, !p0  }
0x12: {  	s23 =	sadd.s32 $0x0, s4;
	s30 =	sadd.s32 $0x1, s20;
	s12 =	sadd.s32 @p0 s4, s11  }
0x13: {  	_ =	strace $0x90000048;
	s13 =	sand.u32 @p0 $0x1, s7;
	s12 =	sshll.u32 @p0 s12, $0x4  }
0x14: {  	_ =	strace @p0 $0x80000049;
	s15 =	simm.s32 @p0 $0x0;
	s12 =	sand.u32 @p0 $0x1FFFFFF0, s12  }
0x15: {  	s14 =	sshll.u32 @p0 s13, $0x7;
	s13 =	sadd.s32 @p0 $0x1, s13;
	s12 =	sadd.s32 @p0 s3, s12  }
0x16: {  	[tilespmem:s14], [sflag:s13] =	stream.linear.gather @p0 [hbm4b:s12+s15], $0x80, $0x200038;
	[tilespmem:$0x8100] =	vst v63  }
0x17: {  	p3 =	por p2, p2;
	s21 =	sshll.u32 s20, $0xE;
	_ =	strace @p0 $0x90000049  }
0x18: {  	s16 =	sand.u32 $0x80, s16;
	p2 =	por p5, p5;
	_ =	strace $0x8000004A  }
0x19: {  	s17 =	sadd.s32 $0x1, s11;
	s22 =	sor.u32 $0x100, s21;
	_ =	swait.ge [sflag:s30], $0x80  }
0x1a: {  	s21 =	simm.s32 $0x1;
	p6 =	por p1, p1;
	[sflag:s30] =	ssyncset.done $0x0  }
0x1b: {  	p1 =	por p3, p3;
	p4 =	por $0x1, $0x1;
	[sflag:s30] =	ssyncadd.s32 $0xFFFFFF80  }
0x1c: {  	s12 =	simm.s32 $0x7;
	s15 =	sand.u32 @!p3 $0x1, s1;
	_ =	strace $0x9000004A  }
0x1d: {  	s13 =	simm.s32 $0x1;
	p3 =	seq.s32 s17, $0x8;
	_ =	strace $0x8000004B  }
0x1e: {  	s13 =	simm.s32 @!p0 $0x0;
	s17 =	simm.s32 @p3 $0x0;
	s19 =	rddreg [dreg:$0x4]  }
0x1f: {  	p0 =	por $0x0, $0x0;
	s14 =	sadd.s32 $0x1, s13;
	s31 =	rddreg [dreg:$0x3]  }
0x20: {  	[tilespmem:s22], [sflag:$0x5] =	stream.indirect.gather [hbm4b:s31+s19], $0x80, s16, s19, $0x2000b8;
	[tilespmem:$0x8100] =	vst v63  }
0x21: {  	p3 =	sne.s32 s11, s17;
	s21 =	simm.s32 @!p0 $0x0;
	_ =	swait.ge [sflag:s8], $0x4000  }
0x22: {  	p5 =	por !p4, !p3;
	p4 =	por $0x0, $0x0;
	[sflag:s8] =	ssyncset.done $0x0  }
0x23: {  	s13 =	simm.s32 $0x0;
	p6 =	por p4, p6;
	[sflag:s8] =	ssyncadd.s32 $0xFFFFC000  }
0x24: {  	s16 =	simm.s32 $0x0;
	s19 =	simm.s32 $0x0;
	_ =	strace $0x9000004B  }
.LBB2_2:
0x25: {  	_ =	strace @p6 $0x8000004C;
	s13 =	sadd.s32 s21, s13;
	s21 =	smov.u32 s12  }
0x26: {  	s12 =	smov.u32 s18;
	s18 =	sadd.s32 $0xFFFFFFFF, s18;
	p0 =	por p3, p3  }
0x27: {  	s28 =	sshll.u32 @p6 s23, $0xB;
	s20 =	sadd.s32 @p6 $0x3, s20;
	s24 =	simm.s32 @!p0 $0x0  }
0x28: {  	s25 =	rddreg [dreg:$0x5];
	s28 =	sand.u32 @p6 $0x1FFFF800, s28;
	s24 =	simm.s32 @p0 $0x1  }
0x29: {  	s25 =	sadd.s32 @p6 s25, s28;
	s28 =	simm.s32 @p6 $0x0;
	p0 =	sne.s32 s18, $0x0  }
0x2a: {  	[hbm4b:s25+s28] =	stream.linear.scatter @p6 [tilespmem:s22], [sflag:s20], $0x4000, $0x200038;
	[tilespmem:$0x8100] =	vst v63  }
0x2b: {  	s20 =	sadd.s32 @!p1 $0x3, s15;
	s15 =	simm.s32 @!p0 $0x0  }
0x2c: {  	s26 =	simm.s32 $0x1;
	[smem:$0x7FC] =	sst s24;
	s15 =	simm.s32 @p0 $0x1  }
0x2d: {  	s26 =	simm.s32 @!p6 $0x0;
	_ =	strace @p6 $0x9000004C;
	[smem:$0x7FD] =	sst s15  }
0x2e: {  	p5 =	por !p5, !p5;
	s19 =	sadd.s32 s26, s19;
	_ =	strace @!p1 $0x8000004D  }
0x2f: {  	s24 =	sand.u32 @!p2 $0x1, s13;
	s22 =	sand.u32 @p5 $0x1, s14;
	_ =	swait.ge @!p1 [sflag:s20], $0x4000  }
0x30: {  	s15 =	smov.u32 s24;
	s24 =	sadd.s32 @p5 s4, s17;
	[sflag:s20] =	ssyncset.done @!p1 $0x0  }
0x31: {  	s25 =	sshll.u32 @p5 s22, $0x7;
	s24 =	sshll.u32 @p5 s24, $0x4;
	[sflag:s20] =	ssyncadd.s32 @!p1 $0xFFFFC000  }
0x32: {  	s20 =	sadd.s32 @p5 $0x1, s22;
	s22 =	sand.u32 @p5 $0x1FFFFFF0, s24;
	_ =	strace @!p1 $0x9000004D  }
0x33: {  	s24 =	simm.s32 @p5 $0x0;
	s22 =	sadd.s32 @p5 s3, s22;
	_ =	strace @p5 $0x80000049  }
0x34: {  	[tilespmem:s25], [sflag:s20] =	stream.linear.gather @p5 [hbm4b:s22+s24], $0x80, $0x200038;
	[tilespmem:$0x8100] =	vst v63  }
0x35: {  	s16 =	sadd.s32 s26, s16;
	s26 =	sand.u32 $0x1, s19;
	_ =	strace @p5 $0x90000049  }
0x36: {  	s24 =	sadd.s32 $0x1, s26;
	_ =	strace $0x8000004A  }
0x37: {  	_ =	swait.ge [sflag:s24], $0x80  }
0x38: {  	[sflag:s24] =	ssyncset.done $0x0  }
0x39: {  	s20 =	simm.s32 $0x1;
	[sflag:s24] =	ssyncadd.s32 $0xFFFFFF80  }
0x3a: {  	s20 =	simm.s32 @!p5 $0x0;
	_ =	strace $0x9000004A  }
0x3b: {  	s14 =	sadd.s32 s20, s14;
	s20 =	sand.u32 $0x1, s16;
	_ =	strace $0x8000004B  }
0x3c: {  	s29 =	sshll.u32 s19, $0x7;
	s25 =	sshll.u32 s20, $0xE;
	s26 =	rddreg [dreg:$0x4]  }
0x3d: {  	s29 =	sand.u32 $0x80, s29;
	s22 =	sor.u32 $0x100, s25;
	s30 =	rddreg [dreg:$0x3]  }
0x3e: {  	[tilespmem:s22], [sflag:$0x5] =	stream.indirect.gather [hbm4b:s30+s26], $0x80, s29, s26, $0x2000b8;
	[tilespmem:$0x8100] =	vst v63  }
0x3f: {  	_ =	swait.ge [sflag:s8], $0x4000  }
0x40: {  	s31 =	sadd.s32 $0x1, s17;
	[sflag:s8] =	ssyncset.done $0x0  }
0x41: {  	s23 =	sadd.s32 s4, s11;
	s11 =	smov.u32 s17;
	[sflag:s8] =	ssyncadd.s32 $0xFFFFC000  }
0x42: {  	p3 =	seq.s32 s31, $0x8;
	s17 =	smov.u32 s31;
	_ =	strace $0x9000004B  }
0x43: {  	s17 =	simm.s32 @p3 $0x0;
	s31 =	sld [smem:$0x7FD]  }
0x44: {  	p6 =	sne.s32 s12, $0x1;
	p0 =	sne.s32 s21, $0x8;
	p3 =	sne.s32 s11, s17  }
0x45: {  	p5 =	por !p6, !p3;
	p6 =	seq.s32 s21, $0x1;
	s21 =	simm.s32 $0x1  }
0x46: {  	s21 =	simm.s32 @!p0 $0x0;
	p0 =	seq.s32 s31, $0x1  }
.Ltmp0:
0x47: {  	s30 =	sld [smem:$0x7FC];
	(pc) =	sbr.rel @p0 .LBB2_2-.Ltmp0, $4  }
0x48: {  	_ = 	snop  }
0x49: {  	p4 =	seq.s32 s12, $0x8  }
0x4a: {  	p1 =	por p2, p2;
	p2 =	por p4, p4;
	p4 =	seq.s32 s30, $0x1  }
0x4b: {  	p6 =	por p6, p4  }
0x4c: {  	_ =	strace @p6 $0x8000004C;
	s23 =	sshll.u32 @p6 s23, $0xB  }
0x4d: {  	s18 =	rddreg [dreg:$0x5];
	s23 =	sand.u32 @p6 $0x1FFFF800, s23  }
0x4e: {  	s20 =	sadd.s32 @p6 $0x3, s20;
	s18 =	sadd.s32 @p6 s18, s23;
	s23 =	simm.s32 @p6 $0x0  }
0x4f: {  	[hbm4b:s18+s23] =	stream.linear.scatter @p6 [tilespmem:s22], [sflag:s20], $0x4000, $0x200038;
	[tilespmem:$0x8100] =	vst v63  }
0x50: {  	p0 =	por !p5, !p5;
	_ =	strace @p6 $0x9000004C  }
0x51: {  	s15 =	sadd.s32 @!p1 $0x3, s15;
	s17 =	sadd.s32 @p0 s4, s17;
	_ =	strace @!p1 $0x8000004D  }
0x52: {  	s14 =	sand.u32 @p0 $0x1, s14;
	s17 =	sshll.u32 @p0 s17, $0x4;
	_ =	swait.ge @!p1 [sflag:s15], $0x4000  }
0x53: {  	s18 =	simm.s32 $0x1;
	s20 =	sshll.u32 @p0 s14, $0x7;
	[sflag:s15] =	ssyncset.done @!p1 $0x0  }
0x54: {  	s14 =	sadd.s32 @p0 $0x1, s14;
	s18 =	simm.s32 @!p6 $0x0;
	[sflag:s15] =	ssyncadd.s32 @!p1 $0xFFFFC000  }
0x55: {  	s19 =	sadd.s32 s18, s19;
	s15 =	sand.u32 @p0 $0x1FFFFFF0, s17;
	_ =	strace @!p1 $0x9000004D  }
0x56: {  	s17 =	simm.s32 @p0 $0x0;
	s15 =	sadd.s32 @p0 s3, s15;
	_ =	strace @p0 $0x80000049  }
0x57: {  	[tilespmem:s20], [sflag:s14] =	stream.linear.gather @p0 [hbm4b:s15+s17], $0x80, $0x200038;
	[tilespmem:$0x8100] =	vst v63  }
0x58: {  	s25 =	sand.u32 $0x1, s19;
	_ =	strace @p0 $0x90000049  }
0x59: {  	s14 =	sadd.s32 $0x1, s25;
	_ =	strace $0x8000004A  }
0x5a: {  	_ =	swait.ge [sflag:s14], $0x80  }
0x5b: {  	[sflag:s14] =	ssyncset.done $0x0  }
0x5c: {  	[sflag:s14] =	ssyncadd.s32 $0xFFFFFF80  }
0x5d: {  	s26 =	sadd.s32 s18, s16;
	_ =	strace $0x9000004A  }
0x5e: {  	s14 =	sand.u32 $0x1, s26;
	_ =	strace $0x8000004B  }
0x5f: {  	s30 =	sshll.u32 s19, $0x7;
	s31 =	sshll.u32 s14, $0xE;
	s28 =	rddreg [dreg:$0x4]  }
0x60: {  	s17 =	sand.u32 $0x80, s30;
	s18 =	sor.u32 $0x100, s31;
	s29 =	rddreg [dreg:$0x3]  }
0x61: {  	[tilespmem:s18], [sflag:$0x5] =	stream.indirect.gather [hbm4b:s29+s28], $0x80, s17, s28, $0x2000b8;
	[tilespmem:$0x8100] =	vst v63  }
0x62: {  	_ =	swait.ge [sflag:s8], $0x4000  }
0x63: {  	[sflag:s8] =	ssyncset.done $0x0  }
0x64: {  	p5 =	por p3, p3;
	p6 =	seq.s32 s12, $0x1;
	[sflag:s8] =	ssyncadd.s32 $0xFFFFC000  }
0x65: {  	s11 =	sadd.s32 s4, s11;
	p0 =	por p6, p5;
	_ =	strace $0x9000004B  }
0x66: {  	s11 =	sshll.u32 @p0 s11, $0xB;
	_ =	strace @p0 $0x8000004C  }
0x67: {  	s13 =	sadd.s32 s21, s13;
	s11 =	sand.u32 @p0 $0x1FFFF800, s11;
	s12 =	rddreg [dreg:$0x5]  }
0x68: {  	s14 =	sadd.s32 @p0 $0x3, s14;
	s11 =	sadd.s32 @p0 s12, s11;
	s12 =	simm.s32 @p0 $0x0  }
0x69: {  	[hbm4b:s11+s12] =	stream.linear.scatter @p0 [tilespmem:s18], [sflag:s14], $0x4000, $0x200038;
	[tilespmem:$0x8100] =	vst v63  }
0x6a: {  	p1 =	por p2, p2;
	s11 =	sand.u32 @!p2 $0x1, s13;
	_ =	strace @p0 $0x9000004C  }
0x6b: {  	s11 =	sadd.s32 @!p1 $0x3, s11;
	_ =	strace @!p1 $0x8000004D  }
0x6c: {  	_ =	swait.ge @!p1 [sflag:s11], $0x4000  }
0x6d: {  	[sflag:s11] =	ssyncset.done @!p1 $0x0  }
0x6e: {  	s10 =	sadd.s32 $0x1, s10;
	[sflag:s11] =	ssyncadd.s32 @!p1 $0xFFFFC000  }
0x6f: {  	p0 =	sne.s32 s10, s6;
	_ =	strace @!p1 $0x9000004D  }
.Ltmp1:
0x70: {  	_ =	strace $0x8000004E;
	(pc) =	sbr.rel @p0 .LBB2_1-.Ltmp1, $4  }
0x71: {  	_ =	swait.ge [sflag:s9], $0x4000  }
0x72: {  	[sflag:s9] =	ssyncset.done $0x0  }
0x73: {  	[sflag:s9] =	ssyncadd.s32 $0xFFFFC000  }
0x74: {  	_ =	strace $0x9000004E  }
0x75: {  	_ =	sfence.sel $0x180000  }
0x76: {  	[bflag:$0x0] =	sbarrier.arrive $0xFFFF  }
0x77: {  	p0 =	sne.s32 s2, $0x0;
	_ =	strace $0x90000047  }
0x78: {  	s0 =	sadd.s32 @!p0 $0x100000, s0;
	[bflag:$0x2] =	sbarrier.arrive $0xFFFF  }
0x79: {  	[sflag:s0] =	ssyncadd.tile.s32 @!p0 $0x1;
	_ =	shalt  }
.Lfunc_end2:
_tile_overlayer_lowered:
.L_overlay_start_2:
0x7a: {  	(tag) =	ssettag $0x2  }
0x7b: {  	s0 =	rddreg [dreg:$0x0];
	s2 =	stileid.u32  }
0x7c: {  	s1 =	rddreg [dreg:$0x1];
	p0 =	sne.s32 s2, $0x0  }
0x7d: {  	s3 =	rddreg [dreg:$0x2];
	[bflag:$0x3] =	sbarrier.arrive $0xFFFF;
	s2 =	simm.s32 @!p0 $0x1C01  }
0x7e: {  	[timem:s3], [sflag:s2] =	dma.local @!p0 [hbm:s0], s1  }
0x7f: {  	s0 =	simm.s32 @!p0 $0x1  }
0x80: {  	_ =	swait.ge @!p0 [sflag:s0], s1  }
0x81: {  	s1 =	ssub.s32 @!p0 $0x0, s1;
	[sflag:s0] =	ssyncset.done @!p0 $0x0  }
0x82: {  	[sflag:s0] =	ssyncadd.s32 @!p0 s1  }
0x83: {  	[bflag:$0x3] =	sbarrier.arrive $0xFFFF  }
0x84: {  	_ =	shalt  }

// kernel: kernel.13.cloned.1.call-start
scs
__scs_entry_jumppad:
0x0: {  	(pc) =	sbr.rel $0x88, $3  }
0x1: {  	(tag) =	ssettag $0x0;
	lr =	simm.s32 $0x1  }
0x2: {  	[smem:$0x3F9E] =	sst lr;
	_ =	strace $0xD0000000  }
0x3: {  	_ = 	snop  }
0x4: {  	_ = 	snop  }
0x5: {  	_ = 	snop  }
0x6: {  	_ = 	snop  }
0x7: {  	_ = 	snop  }
__scs_overlays_trampoline_lowered:
0x8: {  	[smem:$0x3FAD] =	sst s0  }
0x9: {  	[smem:$0x3FAE] =	sst s1  }
0xa: {  	[smem:$0x3FAF] =	sst s2  }
0xb: {  	[smem:$0x3FB0] =	sst s3  }
0xc: {  	[smem:$0x3FB1] =	sst s4  }
0xd: {  	[smem:$0x3FB2] =	sst s5  }
0xe: {  	[smem:$0x3FB3] =	sst s6  }
0xf: {  	[smem:$0x3FB4] =	sst s7  }
0x10: {  	[smem:$0x3FB5] =	sst s8  }
0x11: {  	[smem:$0x3FB6] =	sst s9;
	s0 =	simm.s32 @!p0 $0x0  }
0x12: {  	s1 =	sld [smem:$0x3F9C];
	s0 =	simm.s32 @p0 $0x1  }
0x13: {  	[smem:$0x3FB7] =	sst s0;
	s0 =	simm.s32 @!p1 $0x0  }
0x14: {  	s2 =	sld [smem:$0x3F9B];
	s0 =	simm.s32 @p1 $0x1  }
0x15: {  	[smem:$0x3FB8] =	sst s0;
	s0 =	simm.s32 @!p2 $0x0  }
0x16: {  	s3 =	sld [smem:$0x3FDB];
	s0 =	simm.s32 @p2 $0x1  }
0x17: {  	s4 =	simm.s32 $0x1BF5;
	[smem:$0x3FBA] =	sst s0  }
0x18: {  	s0 =	sld [smem:$0x3F9D];
	_ =	swait.ge [sflag:s4], $0x0  }
0x19: {  	s7 =	sld [smem:$0x3F9E]  }
0x1a: {  	s8 =	sadd.s32 $0xFFFFE003, lr  }
0x1b: {  	s9 =	sadd.s32 $0xFFFFFEF7, lr;
	s5 =	simm.s32 $0xFFFFFFFF;
	p2 =	slt.u32 s8, $0xFFFFF086  }
0x1c: {  	p1 =	slt.u32 s9, $0xF7A;
	s5 =	simm.s32 @!p2 $0x0  }
0x1d: {  	s5 =	simm.s32 @p1 $0x1;
	p0 =	seq.s32 s7, s2  }
0x1e: {  	s7 =	smul.u32 @!p0 $0xF7A, s2;
	p2 =	seq.s32 @!p0 s5, $0x0  }
0x1f: {  	s9 =	smul.u32 $0xF7A, s1;
	s8 =	simm.s32 @!p0 $0x1BF5;
	p2 =	por !p2, p0  }
0x20: {  	[sflag:s8] =	ssyncset.s32 @!p0 $0xFFFFF086;
	s6 =	sadd.s32 @!p0 s3, s7;
	s7 =	simm.s32 @!p0 $0x108  }
0x21: {  	s3 =	sadd.s32 s3, s9;
	s6 =	sadd.s32 @!p0 $0x88, s6;
	s7 =	simm.s32 @p2 $0x1082  }
0x22: {  	[simem:s7], [sflag:s8] =	dma.local @!p0 [hbm:s6], $0xF7A  }
0x23: {  	s9 =	sor.u32 $0xD0000000, s2;
	s6 =	simm.s32 $0x108;
	_ =	swait.ge @!p0 [sflag:s8], $0x0  }
0x24: {  	s3 =	sadd.s32 $0x88, s3;
	s6 =	simm.s32 @!p1 $0x1082;
	[sflag:s4] =	ssyncset.s32 $0xFFFFF086  }
0x25: {  	[simem:s6], [sflag:s4] =	dma.local [hbm:s3], $0xF7A  }
0x26: {  	[smem:$0x3F9E] =	sst s1;
	(tag) =	ssettag s2;
	_ =	strace s9  }
0x27: {  	s1 =	sld [smem:$0x3FAE]  }
0x28: {  	s2 =	sld [smem:$0x3FAF]  }
0x29: {  	s4 =	sld [smem:$0x3FB1]  }
0x2a: {  	p0 =	seq.s32 s5, $0x0;
	s5 =	sld [smem:$0x3FB2]  }
0x2b: {  	s6 =	sld [smem:$0x3FB3]  }
0x2c: {  	s7 =	sld [smem:$0x3FB4]  }
0x2d: {  	s3 =	simm.s32 $0x108;
	s8 =	sld [smem:$0x3FB5]  }
0x2e: {  	s3 =	simm.s32 @!p0 $0x1082;
	s9 =	sld [smem:$0x3FB6]  }
0x2f: {  	lr =	sadd.s32 s0, s3;
	s0 =	sld [smem:$0x3FAD]  }
0x30: {  	s3 =	sld [smem:$0x3FB0]  }
0x31: {  	[smem:$0x3FB9] =	sst s10  }
0x32: {  	s10 =	sld [smem:$0x3FB7];
	_ =	sdelay $0x3  }
0x33: {  	p0 =	seq.s32 s10, $0x1;
	s10 =	sld [smem:$0x3FB9];
	_ =	sdelay $0x3  }
0x34: {  	[smem:$0x3FB9] =	sst s10  }
0x35: {  	s10 =	sld [smem:$0x3FB8];
	_ =	sdelay $0x3  }
0x36: {  	p1 =	seq.s32 s10, $0x1;
	s10 =	sld [smem:$0x3FB9];
	_ =	sdelay $0x3  }
0x37: {  	[smem:$0x3FB9] =	sst s10  }
0x38: {  	s10 =	sld [smem:$0x3FBA]  }
0x39: {  	_ = 	snop;
	(pc) =	sbr.ind lr, $3  }
0x3a: {  	_ = 	snop  }
0x3b: {  	_ = 	snop  }
0x3c: {  	p2 =	seq.s32 s10, $0x1;
	s10 =	sld [smem:$0x3FB9]  }
0x3d: {  	_ =	shalt  }
0x3e: {  	_ =	shalt  }
0x3f: {  	_ =	shalt  }
0x40: {  	_ =	shalt  }
0x41: {  	_ =	shalt  }
0x42: {  	_ =	shalt  }
0x43: {  	_ =	shalt  }
0x44: {  	_ =	shalt  }
0x45: {  	_ =	shalt  }
0x46: {  	_ =	shalt  }
0x47: {  	_ =	shalt  }
0x48: {  	_ =	shalt  }
0x49: {  	_ =	shalt  }
0x4a: {  	_ =	shalt  }
0x4b: {  	_ =	shalt  }
0x4c: {  	_ =	shalt  }
0x4d: {  	_ =	shalt  }
0x4e: {  	_ =	shalt  }
0x4f: {  	_ =	shalt  }
0x50: {  	_ =	shalt  }
0x51: {  	_ =	shalt  }
0x52: {  	_ =	shalt  }
0x53: {  	_ =	shalt  }
0x54: {  	_ =	shalt  }
0x55: {  	_ =	shalt  }
0x56: {  	_ =	shalt  }
0x57: {  	_ =	shalt  }
0x58: {  	_ =	shalt  }
0x59: {  	_ =	shalt  }
0x5a: {  	_ =	shalt  }
0x5b: {  	_ =	shalt  }
0x5c: {  	_ =	shalt  }
0x5d: {  	_ =	shalt  }
0x5e: {  	_ =	shalt  }
0x5f: {  	_ =	shalt  }
0x60: {  	_ =	shalt  }
0x61: {  	_ =	shalt  }
0x62: {  	_ =	shalt  }
0x63: {  	_ =	shalt  }
0x64: {  	_ =	shalt  }
0x65: {  	_ =	shalt  }
0x66: {  	_ =	shalt  }
0x67: {  	_ =	shalt  }
0x68: {  	_ =	shalt  }
0x69: {  	_ =	shalt  }
0x6a: {  	_ =	shalt  }
0x6b: {  	_ =	shalt  }
0x6c: {  	_ =	shalt  }
0x6d: {  	_ =	shalt  }
0x6e: {  	_ =	shalt  }
0x6f: {  	_ =	shalt  }
0x70: {  	_ =	shalt  }
0x71: {  	_ =	shalt  }
0x72: {  	_ =	shalt  }
0x73: {  	_ =	shalt  }
0x74: {  	_ =	shalt  }
0x75: {  	_ =	shalt  }
0x76: {  	_ =	shalt  }
0x77: {  	_ =	shalt  }
0x78: {  	_ =	shalt  }
0x79: {  	_ =	shalt  }
0x7a: {  	_ =	shalt  }
0x7b: {  	_ =	shalt  }
0x7c: {  	_ =	shalt  }
0x7d: {  	_ =	shalt  }
0x7e: {  	_ =	shalt  }
0x7f: {  	_ =	shalt  }
0x80: {  	_ =	shalt  }
0x81: {  	_ =	shalt  }
0x82: {  	_ =	shalt  }
0x83: {  	_ =	shalt  }
0x84: {  	_ =	shalt  }
0x85: {  	_ =	shalt  }
0x86: {  	_ =	shalt  }
0x87: {  	_ =	shalt  }
.Lfunc_end0:
.L_simem_size_0:
called_computation.1_lowered:
.L_overlay_start_0:
0x88: {  	s2 =	sld [smem:$0x3FD9]  }
0x89: {  	s3 =	sld [smem:$0x3FFE];
	_ =	sdelay $0x1  }
0x8a: {  	s1 =	srdreg.scid  }
0x8b: {  	s0 =	sand.u32 $0x1, s1  }
0x8c: {  	s14 =	sshll.u32 s0, $0xA;
	s2 =	sadd.s32 s3, s2  }
0x8d: {  	s2 =	sadd.s32 s2, s14  }
0x8e: {  	[smem:$0x3FC5] =	sst s2  }
0x8f: {  	_ = 	snop  }
0x90: {  	s2 =	sld [smem:$0x3FD0];
	_ =	sdelay $0x2  }
0x91: {  	s15 =	simm.s32 $0xA;
	s4 =	simm.s32 $0x10  }
0x92: {  	[smem:s4], [sflag:s15] =	dma.local [hbm:s2], $0x1  }
0x93: {  	_ =	swait.eq [sflag:s15], $0x1  }
0x94: {  	[sflag:s15] =	ssyncset.done $0x0  }
0x95: {  	s16 =	sld [smem:$0x10];
	[sflag:s15] =	ssyncadd.s32 $0xFFFFFFFF  }
0x96: {  	s17 =	sld [smem:$0x11];
	(tm) =	ssettm $0x1  }
0x97: {  	s18 =	sld [smem:$0x3FFB];
	_ =	sdelay $0x3  }
0x98: {  	_ =	strace s18  }
0x99: {  	s4 =	sld [smem:$0x3FFC];
	_ =	sdelay $0x3  }
0x9a: {  	_ =	strace s4  }
0x9b: {  	s4 =	sld [smem:$0x3FFD];
	_ =	sdelay $0x3  }
0x9c: {  	_ =	strace s4  }
0x9d: {  	_ =	strace $0x8FFFFFFF  }
0x9e: {  	s19 =	sld [smem:$0x3FDB];
	_ =	sdelay $0x1  }
0x9f: {  	s5 =	simm.s32 $_scs_section_size  }
0xa0: {  	s6 =	simm.s32 $_size__tile_overlayer_lowered;
	s7 =	simm.s32 $_tile_overlayer_lowered  }
0xa1: {  	s22 =	simm.s32 $0x1BFF;
	s21 =	sshll.u32 s7, $0x1;
	s4 =	sadd.s32 s5, s19  }
0xa2: {  	s8 =	simm.s32 $0x0;
	s20 =	sshll.u32 s6, $0x1;
	s6 =	sadd.s32 s21, s4  }
0xa3: {  	[timem:s8], [sflag:s22] =	dma.local [hbm:s6], s20  }
0xa4: {  	_ =	swait.ge [sflag:s22], s20  }
0xa5: {  	s5 =	ssub.s32 $0x0, s20;
	[sflag:s22] =	ssyncset.done $0x0  }
0xa6: {  	[sflag:s22] =	ssyncadd.s32 s5;
	_ =	sdelay $0x1  }
0xa7: {  	s23 =	simm.s32 $0x1B8B  }
0xa8: {  	_ =	swait.ge [sflag:s23], $0x1  }
0xa9: {  	[sflag:s23] =	ssyncset.done $0x0  }
0xaa: {  	s25 =	simm.s32 $0x1B8E;
	s24 =	sld [smem:$0x3FFE];
	[sflag:s23] =	ssyncadd.s32 $0xFFFFFFFF  }
0xab: {  	s26 =	simm.s32 $execute0_lowered;
	[smem:$0x3FD2] =	sst s25  }
0xac: {  	s6 =	sshll.u32 s26, $0x1;
	_ =	strace $0x80000050;
	[dreg:$0x1] =	wrdreg $0xFFFFFFFF  }
0xad: {  	s28 =	simm.s32 $_size_execute0_lowered;
	s4 =	sadd.s32 s4, s6;
	[dreg:$0x0] =	wrdreg $0x0  }
0xae: {  	s6 =	sshll.u32 s28, $0x1;
	[dreg:$0x2] =	wrdreg s4  }
0xaf: {  	[dreg:$0x3] =	wrdreg s6  }
0xb0: {  	[dreg:$0x4] =	wrdreg $0xC0  }
0xb1: {  	_ =	task [dreg:s8], $0x5FFFF  }
0xb2: {  	[dreg:$0x1] =	wrdreg $0xFFFFFFFF  }
0xb3: {  	[dreg:$0x0] =	wrdreg $0x60  }
0xb4: {  	[dreg:$0x2] =	wrdreg s16  }
0xb5: {  	[dreg:$0x3] =	wrdreg s24  }
0xb6: {  	[dreg:$0x4] =	wrdreg s17  }
0xb7: {  	[dreg:$0x5] =	wrdreg $0x9  }
0xb8: {  	_ =	task.clear_ibuf [dreg:s8], $0x6FFFF;
	_ =	strace $0x90000050  }
0xb9: {  	s29 =	simm.s32 $0x9;
	_ =	strace $0x80000059  }
0xba: {  	_ =	swait.ge [sflag:s29], $0x1  }
0xbb: {  	[sflag:s29] =	ssyncadd.s32 $0xFFFFFFFF  }
0xbc: {  	_ =	strace $0x90000059  }
0xbd: {  	_ =	sfence  }
0xbe: {  	s30 =	sld [smem:$0x0];
	_ =	sdelay $0x2  }
0xbf: {  	s31 =	sshll.u32 s1, $0xD;
	s1 =	sshrl.u32 s1, $0x2  }
0xc0: {  	s3 =	sand.u32 $0x4000, s31;
	s1 =	sadd.s32 s1, s30  }
0xc1: {  	s0 =	sor.u32 s3, s0;
	s1 =	sshll.u32 s1, $0x11  }
0xc2: {  	s0 =	sor.u32 s1, s0  }
0xc3: {  	s0 =	sadd.s32 $0x8F2B, s0  }
0xc4: {  	[sflag:s0] =	ssyncadd.remote.s32 $0x1  }
0xc5: {  	_ =	sfence.sel $0xFFFF  }
0xc6: {  	[dreg:$0x0] =	wrdreg $0xFFFFFFFF;
	(pc) =	sbr.abs _section_cstart, $3  }
0xc7: {  	[dreg:$0x1] =	wrdreg $0xFFFFFFFF  }
0xc8: {  	_ =	task.clear_ibuf [dreg:s8], $0x2FFFF;
	_ =	strace $0x9FFFFFFF  }
0xc9: {  	(tm) =	ssettm $0x7FFFFFFF  }
tec
execute0_lowered:
.L_overlay_start_1:
0x0: {  	(tag) =	ssettag $0x1  }
0x1: {  	s0 =	rddreg [dreg:$0x0]  }
0x2: {  	s3 =	rddreg [dreg:$0x1]  }
0x3: {  	s30 =	rddreg [dreg:$0x2]  }
0x4: {  	[dreg:$0x4] =	wrdreg s0  }
0x5: {  	s2 =	simm.s32 $0x0;
	s1 =	srdreg.scid;
	[dreg:$0x6] =	wrdreg s30  }
0x6: {  	s8 =	simm.s32 $0x80;
	s7 =	simm.s32 $0x1;
	s0 =	rddreg [dreg:$0x3]  }
0x7: {  	s9 =	simm.s32 $0x4;
	s10 =	simm.s32 $0x0;
	[smem:$0x7FF] =	sst s2  }
0x8: {  	s4 =	sand.u32 $0x1, s1;
	s1 =	stileid.u32;
	s3 =	sadd.s32 $0x1A00, s3  }
0x9: {  	s5 =	ssub.s32 $0x2, s4;
	s4 =	sshll.u32 s4, $0x4;
	_ =	strace $0x80000051  }
0xa: {  	[dreg:$0x5] =	wrdreg s8;
	s6 =	sshrl.u32 s5, $0x1;
	s4 =	sor.u32 s1, s4  }
0xb: {  	s8 =	simm.s32 $0x5;
	s6 =	ssub.s32 s5, s6;
	s31 =	sshll.u32 s4, $0x7  }
0xc: {  	s4 =	sshll.u32 s4, $0x3;
	s5 =	sadd.s32 s3, s31;
	s6 =	smax.u32 s6, $0x1  }
.LBB2_1:
0xd: {  	_ =	strace $0x80000052;
	s11 =	simm.s32 $0x1;
	p0 =	por $0x0, $0x0  }
0xe: {  	[tilespmem:s2], [sflag:$0x1] =	stream.linear.gather [hbm4b:s5+s2], $0x80, $0x200038;
	[tilespmem:$0x2100] =	vst v63  }
0xf: {  	s11 =	simm.s32 @p0 $0x0  }
0x10: {  	p4 =	por $0x1, $0x1;
	s20 =	sand.u32 $0x1, s2;
	p1 =	sne.s32 s11, $0x0  }
0x11: {  	p2 =	por $0x1, $0x1;
	s18 =	simm.s32 $0x6;
	p0 =	por !p4, !p1  }
0x12: {  	s16 =	simm.s32 $0x0;
	p5 =	por $0x0, $0x0;
	p0 =	por !p0, !p0  }
0x13: {  	s23 =	sadd.s32 $0x0, s4;
	s30 =	sadd.s32 $0x1, s20;
	s12 =	sadd.s32 @p0 s4, s11  }
0x14: {  	_ =	strace $0x90000052;
	s13 =	sand.u32 @p0 $0x1, s7;
	s12 =	sshll.u32 @p0 s12, $0x4  }
0x15: {  	_ =	strace @p0 $0x80000053;
	s15 =	simm.s32 @p0 $0x0;
	s12 =	sand.u32 @p0 $0x1FFFFFF0, s12  }
0x16: {  	s14 =	sshll.u32 @p0 s13, $0x7;
	s13 =	sadd.s32 @p0 $0x1, s13;
	s12 =	sadd.s32 @p0 s3, s12  }
0x17: {  	[tilespmem:s14], [sflag:s13] =	stream.linear.gather @p0 [hbm4b:s12+s15], $0x80, $0x200038;
	[tilespmem:$0x2100] =	vst v63  }
0x18: {  	p3 =	por p2, p2;
	s21 =	sshll.u32 s20, $0xC;
	_ =	strace @p0 $0x90000053  }
0x19: {  	s16 =	sand.u32 $0x80, s16;
	p2 =	por p5, p5;
	_ =	strace $0x80000054  }
0x1a: {  	s17 =	sadd.s32 $0x1, s11;
	s22 =	sor.u32 $0x100, s21;
	_ =	swait.ge [sflag:s30], $0x80  }
0x1b: {  	s21 =	simm.s32 $0x1;
	p6 =	por p1, p1;
	[sflag:s30] =	ssyncset.done $0x0  }
0x1c: {  	p1 =	por p3, p3;
	p4 =	por $0x1, $0x1;
	[sflag:s30] =	ssyncadd.s32 $0xFFFFFF80  }
0x1d: {  	s12 =	simm.s32 $0x7;
	s15 =	sand.u32 @!p3 $0x1, s2;
	_ =	strace $0x90000054  }
0x1e: {  	s13 =	simm.s32 $0x1;
	p3 =	seq.s32 s17, $0x8;
	_ =	strace $0x80000055  }
0x1f: {  	s13 =	simm.s32 @!p0 $0x0;
	s17 =	simm.s32 @p3 $0x0;
	s19 =	rddreg [dreg:$0x5]  }
0x20: {  	p0 =	por $0x0, $0x0;
	s14 =	sadd.s32 $0x1, s13;
	s31 =	rddreg [dreg:$0x4]  }
0x21: {  	[tilespmem:s22], [sflag:$0x5] =	stream.indirect.gather [hbm4b:s31+s19], $0x20, s16, s19, $0x2000b8;
	[tilespmem:$0x2100] =	vst v63  }
0x22: {  	p3 =	sne.s32 s11, s17;
	s21 =	simm.s32 @!p0 $0x0;
	_ =	swait.ge [sflag:s8], $0x1000  }
0x23: {  	p5 =	por !p4, !p3;
	p4 =	por $0x0, $0x0;
	[sflag:s8] =	ssyncset.done $0x0  }
0x24: {  	s13 =	simm.s32 $0x0;
	p6 =	por p4, p6;
	[sflag:s8] =	ssyncadd.s32 $0xFFFFF000  }
0x25: {  	s16 =	simm.s32 $0x0;
	s19 =	simm.s32 $0x0;
	_ =	strace $0x90000055  }
.LBB2_2:
0x26: {  	_ =	strace @p6 $0x80000056;
	s13 =	sadd.s32 s21, s13;
	s21 =	smov.u32 s12  }
0x27: {  	s12 =	smov.u32 s18;
	s18 =	sadd.s32 $0xFFFFFFFF, s18;
	p0 =	por p3, p3  }
0x28: {  	s28 =	sshll.u32 @p6 s23, $0x9;
	s20 =	sadd.s32 @p6 $0x3, s20;
	s24 =	simm.s32 @!p0 $0x0  }
0x29: {  	s25 =	rddreg [dreg:$0x6];
	s28 =	sand.u32 @p6 $0x1FFFFE00, s28;
	s24 =	simm.s32 @p0 $0x1  }
0x2a: {  	s25 =	sadd.s32 @p6 s25, s28;
	s28 =	simm.s32 @p6 $0x0;
	p0 =	sne.s32 s18, $0x0  }
0x2b: {  	[hbm4b:s25+s28] =	stream.linear.scatter @p6 [tilespmem:s22], [sflag:s20], $0x1000, $0x200038;
	[tilespmem:$0x2100] =	vst v63  }
0x2c: {  	s20 =	sadd.s32 @!p1 $0x3, s15;
	s15 =	simm.s32 @!p0 $0x0  }
0x2d: {  	s26 =	simm.s32 $0x1;
	[smem:$0x7FC] =	sst s24;
	s15 =	simm.s32 @p0 $0x1  }
0x2e: {  	s26 =	simm.s32 @!p6 $0x0;
	_ =	strace @p6 $0x90000056;
	[smem:$0x7FD] =	sst s15  }
0x2f: {  	p5 =	por !p5, !p5;
	s19 =	sadd.s32 s26, s19;
	_ =	strace @!p1 $0x80000057  }
0x30: {  	s24 =	sand.u32 @!p2 $0x1, s13;
	s22 =	sand.u32 @p5 $0x1, s14;
	_ =	swait.ge @!p1 [sflag:s20], $0x1000  }
0x31: {  	s15 =	smov.u32 s24;
	s24 =	sadd.s32 @p5 s4, s17;
	[sflag:s20] =	ssyncset.done @!p1 $0x0  }
0x32: {  	s25 =	sshll.u32 @p5 s22, $0x7;
	s24 =	sshll.u32 @p5 s24, $0x4;
	[sflag:s20] =	ssyncadd.s32 @!p1 $0xFFFFF000  }
0x33: {  	s20 =	sadd.s32 @p5 $0x1, s22;
	s22 =	sand.u32 @p5 $0x1FFFFFF0, s24;
	_ =	strace @!p1 $0x90000057  }
0x34: {  	s24 =	simm.s32 @p5 $0x0;
	s22 =	sadd.s32 @p5 s3, s22;
	_ =	strace @p5 $0x80000053  }
0x35: {  	[tilespmem:s25], [sflag:s20] =	stream.linear.gather @p5 [hbm4b:s22+s24], $0x80, $0x200038;
	[tilespmem:$0x2100] =	vst v63  }
0x36: {  	s16 =	sadd.s32 s26, s16;
	s26 =	sand.u32 $0x1, s19;
	_ =	strace @p5 $0x90000053  }
0x37: {  	s24 =	sadd.s32 $0x1, s26;
	_ =	strace $0x80000054  }
0x38: {  	_ =	swait.ge [sflag:s24], $0x80  }
0x39: {  	[sflag:s24] =	ssyncset.done $0x0  }
0x3a: {  	s20 =	simm.s32 $0x1;
	[sflag:s24] =	ssyncadd.s32 $0xFFFFFF80  }
0x3b: {  	s20 =	simm.s32 @!p5 $0x0;
	_ =	strace $0x90000054  }
0x3c: {  	s14 =	sadd.s32 s20, s14;
	s20 =	sand.u32 $0x1, s16;
	_ =	strace $0x80000055  }
0x3d: {  	s29 =	sshll.u32 s19, $0x7;
	s25 =	sshll.u32 s20, $0xC;
	s26 =	rddreg [dreg:$0x5]  }
0x3e: {  	s29 =	sand.u32 $0x80, s29;
	s22 =	sor.u32 $0x100, s25;
	s30 =	rddreg [dreg:$0x4]  }
0x3f: {  	[tilespmem:s22], [sflag:$0x5] =	stream.indirect.gather [hbm4b:s30+s26], $0x20, s29, s26, $0x2000b8;
	[tilespmem:$0x2100] =	vst v63  }
0x40: {  	_ =	swait.ge [sflag:s8], $0x1000  }
0x41: {  	s31 =	sadd.s32 $0x1, s17;
	[sflag:s8] =	ssyncset.done $0x0  }
0x42: {  	s23 =	sadd.s32 s4, s11;
	s11 =	smov.u32 s17;
	[sflag:s8] =	ssyncadd.s32 $0xFFFFF000  }
0x43: {  	p3 =	seq.s32 s31, $0x8;
	s17 =	smov.u32 s31;
	_ =	strace $0x90000055  }
0x44: {  	s17 =	simm.s32 @p3 $0x0;
	s31 =	sld [smem:$0x7FD]  }
0x45: {  	p6 =	sne.s32 s12, $0x1;
	p0 =	sne.s32 s21, $0x8;
	p3 =	sne.s32 s11, s17  }
0x46: {  	p5 =	por !p6, !p3;
	p6 =	seq.s32 s21, $0x1;
	s21 =	simm.s32 $0x1  }
0x47: {  	s21 =	simm.s32 @!p0 $0x0;
	p0 =	seq.s32 s31, $0x1  }
.Ltmp0:
0x48: {  	s30 =	sld [smem:$0x7FC];
	(pc) =	sbr.rel @p0 .LBB2_2-.Ltmp0, $4  }
0x49: {  	_ = 	snop  }
0x4a: {  	p4 =	seq.s32 s12, $0x8  }
0x4b: {  	p1 =	por p2, p2;
	p2 =	por p4, p4;
	p4 =	seq.s32 s30, $0x1  }
0x4c: {  	p6 =	por p6, p4  }
0x4d: {  	_ =	strace @p6 $0x80000056;
	s23 =	sshll.u32 @p6 s23, $0x9  }
0x4e: {  	s18 =	rddreg [dreg:$0x6];
	s23 =	sand.u32 @p6 $0x1FFFFE00, s23  }
0x4f: {  	s20 =	sadd.s32 @p6 $0x3, s20;
	s18 =	sadd.s32 @p6 s18, s23;
	s23 =	simm.s32 @p6 $0x0  }
0x50: {  	[hbm4b:s18+s23] =	stream.linear.scatter @p6 [tilespmem:s22], [sflag:s20], $0x1000, $0x200038;
	[tilespmem:$0x2100] =	vst v63  }
0x51: {  	p0 =	por !p5, !p5;
	_ =	strace @p6 $0x90000056  }
0x52: {  	s15 =	sadd.s32 @!p1 $0x3, s15;
	s17 =	sadd.s32 @p0 s4, s17;
	_ =	strace @!p1 $0x80000057  }
0x53: {  	s14 =	sand.u32 @p0 $0x1, s14;
	s17 =	sshll.u32 @p0 s17, $0x4;
	_ =	swait.ge @!p1 [sflag:s15], $0x1000  }
0x54: {  	s18 =	simm.s32 $0x1;
	s20 =	sshll.u32 @p0 s14, $0x7;
	[sflag:s15] =	ssyncset.done @!p1 $0x0  }
0x55: {  	s14 =	sadd.s32 @p0 $0x1, s14;
	s18 =	simm.s32 @!p6 $0x0;
	[sflag:s15] =	ssyncadd.s32 @!p1 $0xFFFFF000  }
0x56: {  	s19 =	sadd.s32 s18, s19;
	s15 =	sand.u32 @p0 $0x1FFFFFF0, s17;
	_ =	strace @!p1 $0x90000057  }
0x57: {  	s17 =	simm.s32 @p0 $0x0;
	s15 =	sadd.s32 @p0 s3, s15;
	_ =	strace @p0 $0x80000053  }
0x58: {  	[tilespmem:s20], [sflag:s14] =	stream.linear.gather @p0 [hbm4b:s15+s17], $0x80, $0x200038;
	[tilespmem:$0x2100] =	vst v63  }
0x59: {  	s25 =	sand.u32 $0x1, s19;
	_ =	strace @p0 $0x90000053  }
0x5a: {  	s14 =	sadd.s32 $0x1, s25;
	_ =	strace $0x80000054  }
0x5b: {  	_ =	swait.ge [sflag:s14], $0x80  }
0x5c: {  	[sflag:s14] =	ssyncset.done $0x0  }
0x5d: {  	[sflag:s14] =	ssyncadd.s32 $0xFFFFFF80  }
0x5e: {  	s26 =	sadd.s32 s18, s16;
	_ =	strace $0x90000054  }
0x5f: {  	s14 =	sand.u32 $0x1, s26;
	_ =	strace $0x80000055  }
0x60: {  	s30 =	sshll.u32 s19, $0x7;
	s31 =	sshll.u32 s14, $0xC;
	s28 =	rddreg [dreg:$0x5]  }
0x61: {  	s17 =	sand.u32 $0x80, s30;
	s18 =	sor.u32 $0x100, s31;
	s29 =	rddreg [dreg:$0x4]  }
0x62: {  	[tilespmem:s18], [sflag:$0x5] =	stream.indirect.gather [hbm4b:s29+s28], $0x20, s17, s28, $0x2000b8;
	[tilespmem:$0x2100] =	vst v63  }
0x63: {  	_ =	swait.ge [sflag:s8], $0x1000  }
0x64: {  	[sflag:s8] =	ssyncset.done $0x0  }
0x65: {  	p5 =	por p3, p3;
	p6 =	seq.s32 s12, $0x1;
	[sflag:s8] =	ssyncadd.s32 $0xFFFFF000  }
0x66: {  	s11 =	sadd.s32 s4, s11;
	p0 =	por p6, p5;
	_ =	strace $0x90000055  }
0x67: {  	s11 =	sshll.u32 @p0 s11, $0x9;
	_ =	strace @p0 $0x80000056  }
0x68: {  	s13 =	sadd.s32 s21, s13;
	s11 =	sand.u32 @p0 $0x1FFFFE00, s11;
	s12 =	rddreg [dreg:$0x6]  }
0x69: {  	s14 =	sadd.s32 @p0 $0x3, s14;
	s11 =	sadd.s32 @p0 s12, s11;
	s12 =	simm.s32 @p0 $0x0  }
0x6a: {  	[hbm4b:s11+s12] =	stream.linear.scatter @p0 [tilespmem:s18], [sflag:s14], $0x1000, $0x200038;
	[tilespmem:$0x2100] =	vst v63  }
0x6b: {  	p1 =	por p2, p2;
	s11 =	sand.u32 @!p2 $0x1, s13;
	_ =	strace @p0 $0x90000056  }
0x6c: {  	s11 =	sadd.s32 @!p1 $0x3, s11;
	_ =	strace @!p1 $0x80000057  }
0x6d: {  	_ =	swait.ge @!p1 [sflag:s11], $0x1000  }
0x6e: {  	[sflag:s11] =	ssyncset.done @!p1 $0x0  }
0x6f: {  	s10 =	sadd.s32 $0x1, s10;
	[sflag:s11] =	ssyncadd.s32 @!p1 $0xFFFFF000  }
0x70: {  	p0 =	sne.s32 s10, s6;
	_ =	strace @!p1 $0x90000057  }
.Ltmp1:
0x71: {  	_ =	strace $0x80000058;
	(pc) =	sbr.rel @p0 .LBB2_1-.Ltmp1, $4  }
0x72: {  	_ =	swait.ge [sflag:s9], $0x1000  }
0x73: {  	[sflag:s9] =	ssyncset.done $0x0  }
0x74: {  	[sflag:s9] =	ssyncadd.s32 $0xFFFFF000  }
0x75: {  	_ =	strace $0x90000058  }
0x76: {  	_ =	sfence.sel $0x180000  }
0x77: {  	[bflag:$0x0] =	sbarrier.arrive $0xFFFF  }
0x78: {  	p0 =	sne.s32 s1, $0x0;
	_ =	strace $0x90000051  }
0x79: {  	s0 =	sadd.s32 @!p0 $0x100000, s0;
	[bflag:$0x2] =	sbarrier.arrive $0xFFFF  }
0x7a: {  	[sflag:s0] =	ssyncadd.tile.s32 @!p0 $0x1;
	_ =	shalt  }
.Lfunc_end2:
_tile_overlayer_lowered:
.L_overlay_start_2:
0x7b: {  	(tag) =	ssettag $0x2  }
0x7c: {  	s0 =	rddreg [dreg:$0x0];
	s2 =	stileid.u32  }
0x7d: {  	s1 =	rddreg [dreg:$0x1];
	p0 =	sne.s32 s2, $0x0  }
0x7e: {  	s3 =	rddreg [dreg:$0x2];
	[bflag:$0x3] =	sbarrier.arrive $0xFFFF;
	s2 =	simm.s32 @!p0 $0x1C01  }
0x7f: {  	[timem:s3], [sflag:s2] =	dma.local @!p0 [hbm:s0], s1  }
0x80: {  	s0 =	simm.s32 @!p0 $0x1  }
0x81: {  	_ =	swait.ge @!p0 [sflag:s0], s1  }
0x82: {  	s1 =	ssub.s32 @!p0 $0x0, s1;
	[sflag:s0] =	ssyncset.done @!p0 $0x0  }
0x83: {  	[sflag:s0] =	ssyncadd.s32 @!p0 s1  }
0x84: {  	[bflag:$0x3] =	sbarrier.arrive $0xFFFF  }
0x85: {  	_ =	shalt  }

// kernel: kernel.16.cloned.1.call-start
scs
__scs_entry_jumppad:
0x0: {  	(pc) =	sbr.rel $0x88, $3  }
0x1: {  	(tag) =	ssettag $0x0;
	lr =	simm.s32 $0x1  }
0x2: {  	[smem:$0x3F9E] =	sst lr;
	_ =	strace $0xD0000000  }
0x3: {  	_ = 	snop  }
0x4: {  	_ = 	snop  }
0x5: {  	_ = 	snop  }
0x6: {  	_ = 	snop  }
0x7: {  	_ = 	snop  }
__scs_overlays_trampoline_lowered:
0x8: {  	[smem:$0x3FAD] =	sst s0  }
0x9: {  	[smem:$0x3FAE] =	sst s1  }
0xa: {  	[smem:$0x3FAF] =	sst s2  }
0xb: {  	[smem:$0x3FB0] =	sst s3  }
0xc: {  	[smem:$0x3FB1] =	sst s4  }
0xd: {  	[smem:$0x3FB2] =	sst s5  }
0xe: {  	[smem:$0x3FB3] =	sst s6  }
0xf: {  	[smem:$0x3FB4] =	sst s7  }
0x10: {  	[smem:$0x3FB5] =	sst s8  }
0x11: {  	[smem:$0x3FB6] =	sst s9;
	s0 =	simm.s32 @!p0 $0x0  }
0x12: {  	s1 =	sld [smem:$0x3F9C];
	s0 =	simm.s32 @p0 $0x1  }
0x13: {  	[smem:$0x3FB7] =	sst s0;
	s0 =	simm.s32 @!p1 $0x0  }
0x14: {  	s2 =	sld [smem:$0x3F9B];
	s0 =	simm.s32 @p1 $0x1  }
0x15: {  	[smem:$0x3FB8] =	sst s0;
	s0 =	simm.s32 @!p2 $0x0  }
0x16: {  	s3 =	sld [smem:$0x3FDB];
	s0 =	simm.s32 @p2 $0x1  }
0x17: {  	s4 =	simm.s32 $0x1BF5;
	[smem:$0x3FBA] =	sst s0  }
0x18: {  	s0 =	sld [smem:$0x3F9D];
	_ =	swait.ge [sflag:s4], $0x0  }
0x19: {  	s7 =	sld [smem:$0x3F9E]  }
0x1a: {  	s8 =	sadd.s32 $0xFFFFE003, lr  }
0x1b: {  	s9 =	sadd.s32 $0xFFFFFEF7, lr;
	s5 =	simm.s32 $0xFFFFFFFF;
	p2 =	slt.u32 s8, $0xFFFFF086  }
0x1c: {  	p1 =	slt.u32 s9, $0xF7A;
	s5 =	simm.s32 @!p2 $0x0  }
0x1d: {  	s5 =	simm.s32 @p1 $0x1;
	p0 =	seq.s32 s7, s2  }
0x1e: {  	s7 =	smul.u32 @!p0 $0xF7A, s2;
	p2 =	seq.s32 @!p0 s5, $0x0  }
0x1f: {  	s9 =	smul.u32 $0xF7A, s1;
	s8 =	simm.s32 @!p0 $0x1BF5;
	p2 =	por !p2, p0  }
0x20: {  	[sflag:s8] =	ssyncset.s32 @!p0 $0xFFFFF086;
	s6 =	sadd.s32 @!p0 s3, s7;
	s7 =	simm.s32 @!p0 $0x108  }
0x21: {  	s3 =	sadd.s32 s3, s9;
	s6 =	sadd.s32 @!p0 $0x88, s6;
	s7 =	simm.s32 @p2 $0x1082  }
0x22: {  	[simem:s7], [sflag:s8] =	dma.local @!p0 [hbm:s6], $0xF7A  }
0x23: {  	s9 =	sor.u32 $0xD0000000, s2;
	s6 =	simm.s32 $0x108;
	_ =	swait.ge @!p0 [sflag:s8], $0x0  }
0x24: {  	s3 =	sadd.s32 $0x88, s3;
	s6 =	simm.s32 @!p1 $0x1082;
	[sflag:s4] =	ssyncset.s32 $0xFFFFF086  }
0x25: {  	[simem:s6], [sflag:s4] =	dma.local [hbm:s3], $0xF7A  }
0x26: {  	[smem:$0x3F9E] =	sst s1;
	(tag) =	ssettag s2;
	_ =	strace s9  }
0x27: {  	s1 =	sld [smem:$0x3FAE]  }
0x28: {  	s2 =	sld [smem:$0x3FAF]  }
0x29: {  	s4 =	sld [smem:$0x3FB1]  }
0x2a: {  	p0 =	seq.s32 s5, $0x0;
	s5 =	sld [smem:$0x3FB2]  }
0x2b: {  	s6 =	sld [smem:$0x3FB3]  }
0x2c: {  	s7 =	sld [smem:$0x3FB4]  }
0x2d: {  	s3 =	simm.s32 $0x108;
	s8 =	sld [smem:$0x3FB5]  }
0x2e: {  	s3 =	simm.s32 @!p0 $0x1082;
	s9 =	sld [smem:$0x3FB6]  }
0x2f: {  	lr =	sadd.s32 s0, s3;
	s0 =	sld [smem:$0x3FAD]  }
0x30: {  	s3 =	sld [smem:$0x3FB0]  }
0x31: {  	[smem:$0x3FB9] =	sst s10  }
0x32: {  	s10 =	sld [smem:$0x3FB7];
	_ =	sdelay $0x3  }
0x33: {  	p0 =	seq.s32 s10, $0x1;
	s10 =	sld [smem:$0x3FB9];
	_ =	sdelay $0x3  }
0x34: {  	[smem:$0x3FB9] =	sst s10  }
0x35: {  	s10 =	sld [smem:$0x3FB8];
	_ =	sdelay $0x3  }
0x36: {  	p1 =	seq.s32 s10, $0x1;
	s10 =	sld [smem:$0x3FB9];
	_ =	sdelay $0x3  }
0x37: {  	[smem:$0x3FB9] =	sst s10  }
0x38: {  	s10 =	sld [smem:$0x3FBA]  }
0x39: {  	_ = 	snop;
	(pc) =	sbr.ind lr, $3  }
0x3a: {  	_ = 	snop  }
0x3b: {  	_ = 	snop  }
0x3c: {  	p2 =	seq.s32 s10, $0x1;
	s10 =	sld [smem:$0x3FB9]  }
0x3d: {  	_ =	shalt  }
0x3e: {  	_ =	shalt  }
0x3f: {  	_ =	shalt  }
0x40: {  	_ =	shalt  }
0x41: {  	_ =	shalt  }
0x42: {  	_ =	shalt  }
0x43: {  	_ =	shalt  }
0x44: {  	_ =	shalt  }
0x45: {  	_ =	shalt  }
0x46: {  	_ =	shalt  }
0x47: {  	_ =	shalt  }
0x48: {  	_ =	shalt  }
0x49: {  	_ =	shalt  }
0x4a: {  	_ =	shalt  }
0x4b: {  	_ =	shalt  }
0x4c: {  	_ =	shalt  }
0x4d: {  	_ =	shalt  }
0x4e: {  	_ =	shalt  }
0x4f: {  	_ =	shalt  }
0x50: {  	_ =	shalt  }
0x51: {  	_ =	shalt  }
0x52: {  	_ =	shalt  }
0x53: {  	_ =	shalt  }
0x54: {  	_ =	shalt  }
0x55: {  	_ =	shalt  }
0x56: {  	_ =	shalt  }
0x57: {  	_ =	shalt  }
0x58: {  	_ =	shalt  }
0x59: {  	_ =	shalt  }
0x5a: {  	_ =	shalt  }
0x5b: {  	_ =	shalt  }
0x5c: {  	_ =	shalt  }
0x5d: {  	_ =	shalt  }
0x5e: {  	_ =	shalt  }
0x5f: {  	_ =	shalt  }
0x60: {  	_ =	shalt  }
0x61: {  	_ =	shalt  }
0x62: {  	_ =	shalt  }
0x63: {  	_ =	shalt  }
0x64: {  	_ =	shalt  }
0x65: {  	_ =	shalt  }
0x66: {  	_ =	shalt  }
0x67: {  	_ =	shalt  }
0x68: {  	_ =	shalt  }
0x69: {  	_ =	shalt  }
0x6a: {  	_ =	shalt  }
0x6b: {  	_ =	shalt  }
0x6c: {  	_ =	shalt  }
0x6d: {  	_ =	shalt  }
0x6e: {  	_ =	shalt  }
0x6f: {  	_ =	shalt  }
0x70: {  	_ =	shalt  }
0x71: {  	_ =	shalt  }
0x72: {  	_ =	shalt  }
0x73: {  	_ =	shalt  }
0x74: {  	_ =	shalt  }
0x75: {  	_ =	shalt  }
0x76: {  	_ =	shalt  }
0x77: {  	_ =	shalt  }
0x78: {  	_ =	shalt  }
0x79: {  	_ =	shalt  }
0x7a: {  	_ =	shalt  }
0x7b: {  	_ =	shalt  }
0x7c: {  	_ =	shalt  }
0x7d: {  	_ =	shalt  }
0x7e: {  	_ =	shalt  }
0x7f: {  	_ =	shalt  }
0x80: {  	_ =	shalt  }
0x81: {  	_ =	shalt  }
0x82: {  	_ =	shalt  }
0x83: {  	_ =	shalt  }
0x84: {  	_ =	shalt  }
0x85: {  	_ =	shalt  }
0x86: {  	_ =	shalt  }
0x87: {  	_ =	shalt  }
.Lfunc_end0:
.L_simem_size_0:
called_computation.2_lowered:
.L_overlay_start_0:
0x88: {  	s2 =	sld [smem:$0x3FD9]  }
0x89: {  	s3 =	sld [smem:$0x3FFE];
	_ =	sdelay $0x1  }
0x8a: {  	s1 =	srdreg.scid  }
0x8b: {  	s0 =	sand.u32 $0x1, s1  }
0x8c: {  	s14 =	sshll.u32 s0, $0xA;
	s2 =	sadd.s32 s3, s2  }
0x8d: {  	s2 =	sadd.s32 s2, s14  }
0x8e: {  	[smem:$0x3FC5] =	sst s2  }
0x8f: {  	_ = 	snop  }
0x90: {  	s2 =	sld [smem:$0x3FD0];
	_ =	sdelay $0x1  }
0x91: {  	s15 =	sld [smem:$0x3FC8]  }
0x92: {  	s5 =	simm.s32 $0xA;
	s6 =	simm.s32 $0x10;
	s4 =	sld [smem:$0x3FC7]  }
0x93: {  	[smem:s6], [sflag:s5] =	dma.local [hbm:s2], $0x1  }
0x94: {  	_ =	swait.eq [sflag:s5], $0x1  }
0x95: {  	[sflag:s5] =	ssyncset.done $0x0  }
0x96: {  	s16 =	sld [smem:$0x10];
	[sflag:s5] =	ssyncadd.s32 $0xFFFFFFFF  }
0x97: {  	s17 =	sld [smem:$0x11];
	(tm) =	ssettm $0x1  }
0x98: {  	s18 =	sld [smem:$0x3FFB];
	_ =	sdelay $0x3  }
0x99: {  	_ =	strace s18  }
0x9a: {  	s6 =	sld [smem:$0x3FFC];
	_ =	sdelay $0x3  }
0x9b: {  	_ =	strace s6  }
0x9c: {  	s6 =	sld [smem:$0x3FFD];
	_ =	sdelay $0x3  }
0x9d: {  	_ =	strace s6  }
0x9e: {  	_ =	strace $0x8FFFFFFF  }
0x9f: {  	s19 =	sld [smem:$0x3FDB];
	_ =	sdelay $0x1  }
0xa0: {  	s7 =	simm.s32 $_scs_section_size  }
0xa1: {  	s8 =	simm.s32 $_size__tile_overlayer_lowered;
	s9 =	simm.s32 $_tile_overlayer_lowered  }
0xa2: {  	s22 =	simm.s32 $0x1BFF;
	s21 =	sshll.u32 s9, $0x1;
	s6 =	sadd.s32 s7, s19  }
0xa3: {  	s10 =	simm.s32 $0x0;
	s20 =	sshll.u32 s8, $0x1;
	s8 =	sadd.s32 s21, s6  }
0xa4: {  	[timem:s10], [sflag:s22] =	dma.local [hbm:s8], s20  }
0xa5: {  	_ =	swait.ge [sflag:s22], s20  }
0xa6: {  	s7 =	ssub.s32 $0x0, s20;
	[sflag:s22] =	ssyncset.done $0x0  }
0xa7: {  	[sflag:s22] =	ssyncadd.s32 s7;
	_ =	sdelay $0x1  }
0xa8: {  	s23 =	simm.s32 $0x1B8B  }
0xa9: {  	_ =	swait.ge [sflag:s23], $0x1  }
0xaa: {  	[sflag:s23] =	ssyncset.done $0x0  }
0xab: {  	s25 =	simm.s32 $0x1B8E;
	s24 =	sld [smem:$0x3FFE];
	[sflag:s23] =	ssyncadd.s32 $0xFFFFFFFF  }
0xac: {  	s26 =	simm.s32 $execute0_lowered;
	[smem:$0x3FD2] =	sst s25  }
0xad: {  	s8 =	sshll.u32 s26, $0x1;
	_ =	strace $0x8000005A;
	[dreg:$0x1] =	wrdreg $0xFFFFFFFF  }
0xae: {  	s28 =	simm.s32 $_size_execute0_lowered;
	s6 =	sadd.s32 s6, s8;
	[dreg:$0x0] =	wrdreg $0x0  }
0xaf: {  	s8 =	sshll.u32 s28, $0x1;
	[dreg:$0x2] =	wrdreg s6  }
0xb0: {  	[dreg:$0x3] =	wrdreg s8  }
0xb1: {  	[dreg:$0x4] =	wrdreg $0xC0  }
0xb2: {  	_ =	task [dreg:s10], $0x5FFFF  }
0xb3: {  	[dreg:$0x1] =	wrdreg $0xFFFFFFFF  }
0xb4: {  	[dreg:$0x0] =	wrdreg $0x60  }
0xb5: {  	[dreg:$0x2] =	wrdreg s15  }
0xb6: {  	[dreg:$0x3] =	wrdreg s4  }
0xb7: {  	[dreg:$0x4] =	wrdreg s24  }
0xb8: {  	[dreg:$0x5] =	wrdreg s16  }
0xb9: {  	[dreg:$0x6] =	wrdreg s17  }
0xba: {  	[dreg:$0x7] =	wrdreg $0x9  }
0xbb: {  	_ =	task.clear_ibuf [dreg:s10], $0x8FFFF;
	_ =	strace $0x9000005A  }
0xbc: {  	s29 =	simm.s32 $0x9;
	_ =	strace $0x80000065  }
0xbd: {  	_ =	swait.ge [sflag:s29], $0x1  }
0xbe: {  	[sflag:s29] =	ssyncadd.s32 $0xFFFFFFFF  }
0xbf: {  	_ =	strace $0x90000065  }
0xc0: {  	_ =	sfence  }
0xc1: {  	s30 =	sld [smem:$0x0];
	_ =	sdelay $0x2  }
0xc2: {  	s31 =	sshll.u32 s1, $0xD;
	s1 =	sshrl.u32 s1, $0x2  }
0xc3: {  	s3 =	sand.u32 $0x4000, s31;
	s1 =	sadd.s32 s1, s30  }
0xc4: {  	s0 =	sor.u32 s3, s0;
	s1 =	sshll.u32 s1, $0x11  }
0xc5: {  	s0 =	sor.u32 s1, s0  }
0xc6: {  	s0 =	sadd.s32 $0x8F2B, s0  }
0xc7: {  	[sflag:s0] =	ssyncadd.remote.s32 $0x1  }
0xc8: {  	_ =	sfence.sel $0xFFFF  }
0xc9: {  	[dreg:$0x0] =	wrdreg $0xFFFFFFFF;
	(pc) =	sbr.abs _section_cstart, $3  }
0xca: {  	[dreg:$0x1] =	wrdreg $0xFFFFFFFF  }
0xcb: {  	_ =	task.clear_ibuf [dreg:s10], $0x2FFFF;
	_ =	strace $0x9FFFFFFF  }
0xcc: {  	(tm) =	ssettm $0x7FFFFFFF  }
0xcd: {  	_ =	shalt  }
tec
execute0_lowered:
.L_overlay_start_1:
0x0: {  	(tag) =	ssettag $0x1  }
0x1: {  	s1 =	rddreg [dreg:$0x0]  }
0x2: {  	s2 =	rddreg [dreg:$0x1]  }
0x3: {  	s7 =	rddreg [dreg:$0x2]  }
0x4: {  	s3 =	rddreg [dreg:$0x3]  }
0x5: {  	s4 =	rddreg [dreg:$0x4]  }
0x6: {  	s0 =	rddreg [dreg:$0x5];
	s6 =	simm.s32 $0x0  }
0x7: {  	s5 =	srdreg.scid;
	s11 =	simm.s32 $0x80;
	s12 =	simm.s32 $0x7  }
0x8: {  	s13 =	simm.s32 $0x0;
	[smem:$0x7FF] =	sst s6;
	s8 =	sand.u32 $0x1, s5  }
0x9: {  	s5 =	stileid.u32;
	s9 =	ssub.s32 $0x2, s8;
	s8 =	sshll.u32 s8, $0x4  }
0xa: {  	s7 =	sadd.s32 $0x1A00, s7;
	s10 =	sshrl.u32 s9, $0x1;
	s8 =	sor.u32 s5, s8  }
0xb: {  	_ =	strace $0x8000005B;
	s10 =	ssub.s32 s9, s10;
	s31 =	sshll.u32 s8, $0x7  }
0xc: {  	s8 =	sshll.u32 s8, $0x3;
	s9 =	sadd.s32 s7, s31;
	s10 =	smax.u32 s10, $0x1  }
.LBB2_1:
0xd: {  	_ =	strace $0x8000005C  }
0xe: {  	s15 =	simm.s32 $0x8;
	s22 =	simm.s32 $0x0;
	s14 =	simm.s32 $0x0  }
0xf: {  	s16 =	simm.s32 $0x0;
	s20 =	simm.s32 $0x0;
	s17 =	simm.s32 $0x0  }
0x10: {  	[tilespmem:s6], [sflag:$0x1] =	stream.linear.gather [hbm4b:s9+s6], $0x80, $0x200038;
	[tilespmem:$0x10100] =	vst v63  }
0x11: {  	s18 =	simm.s32 $0x0;
	s19 =	simm.s32 $0x1;
	_ =	strace $0x9000005C  }
.LBB2_2:
0x12: {  	s21 =	sadd.s32 $0x1, s22  }
0x13: {  	p0 =	seq.s32 s21, $0x8  }
0x14: {  	s21 =	simm.s32 @p0 $0x0  }
0x15: {  	p1 =	sne.s32 s15, $0x1;
	p0 =	sne.s32 s22, s21  }
0x16: {  	p0 =	por !p1, !p0  }
0x17: {  	p0 =	por !p0, !p0  }
0x18: {  	s23 =	sadd.s32 @p0 s8, s21  }
0x19: {  	s24 =	sand.u32 @p0 $0x1, s19;
	s23 =	sshll.u32 @p0 s23, $0x4  }
0x1a: {  	_ =	strace @p0 $0x8000005D;
	s26 =	simm.s32 @p0 $0x0;
	s23 =	sand.u32 @p0 $0x1FFFFFF0, s23  }
0x1b: {  	s25 =	sshll.u32 @p0 s24, $0x7;
	s24 =	sadd.s32 @p0 $0x1, s24;
	s23 =	sadd.s32 @p0 s7, s23  }
0x1c: {  	[tilespmem:s25], [sflag:s24] =	stream.linear.gather @p0 [hbm4b:s23+s26], $0x80, $0x200038;
	[tilespmem:$0x10100] =	vst v63  }
0x1d: {  	s28 =	sand.u32 $0x1, s18;
	_ =	strace @p0 $0x9000005D  }
0x1e: {  	s23 =	sadd.s32 $0x1, s28;
	_ =	strace $0x8000005E  }
0x1f: {  	_ =	swait.ge [sflag:s23], $0x80  }
0x20: {  	[sflag:s23] =	ssyncset.done $0x0  }
0x21: {  	s24 =	sand.u32 $0x1, s17;
	[sflag:s23] =	ssyncadd.s32 $0xFFFFFF80  }
0x22: {  	s30 =	sshll.u32 s18, $0x7;
	s29 =	sshll.u32 s24, $0xE;
	_ =	strace $0x9000005E  }
0x23: {  	s31 =	sand.u32 $0x80, s30;
	s26 =	sor.u32 $0x100, s29;
	_ =	strace $0x8000005F  }
0x24: {  	[tilespmem:s26], [sflag:$0x7] =	stream.indirect.gather [hbm4b:s1+s11], $0x80, s31, s11, $0x2000b8;
	[tilespmem:$0x10100] =	vst v63  }
0x25: {  	s25 =	sand.u32 $0x1, s16;
	_ =	swait.ge [sflag:s12], $0x4000  }
0x26: {  	p1 =	seq.s32 s15, $0x1;
	s28 =	sshll.u32 s25, $0xE;
	[sflag:s12] =	ssyncset.done $0x0  }
0x27: {  	p2 =	seq.s32 @!p1 s22, s21;
	s28 =	sor.u32 $0x8100, s28;
	[sflag:s12] =	ssyncadd.s32 $0xFFFFC000  }
0x28: {  	[tilespmem:s28], [sflag:$0x7] =	stream.indirect.gather [hbm4b:s2+s11], $0x80, s31, s11, $0x2000b8;
	[tilespmem:$0x10100] =	vst v63  }
0x29: {  	p1 =	por p1, !p2;
	_ =	swait.ge [sflag:s12], $0x4000  }
0x2a: {  	s22 =	sadd.s32 @p1 s8, s22;
	[sflag:s12] =	ssyncset.done $0x0  }
0x2b: {  	s22 =	sshll.u32 @p1 s22, $0xB;
	[sflag:s12] =	ssyncadd.s32 $0xFFFFC000  }
0x2c: {  	s22 =	sand.u32 @p1 $0x1FFFF800, s22;
	s23 =	simm.s32 $0x0;
	_ =	strace $0x9000005F  }
0x2d: {  	s23 =	sadd.s32 @p1 $0x3, s24;
	s24 =	sadd.s32 @p1 s3, s22;
	_ =	strace @p1 $0x80000060  }
0x2e: {  	[hbm4b:s24+s6] =	stream.linear.scatter @p1 [tilespmem:s26], [sflag:s23], $0x4000, $0x200038;
	[tilespmem:$0x10100] =	vst v63  }
0x2f: {  	s17 =	sadd.s32 @p1 $0x1, s17;
	_ =	strace @p1 $0x90000060  }
0x30: {  	s22 =	sadd.s32 @p1 s4, s22;
	s23 =	sadd.s32 @p1 $0x5, s25;
	_ =	strace @p1 $0x80000061  }
0x31: {  	[hbm4b:s22+s6] =	stream.linear.scatter @p1 [tilespmem:s28], [sflag:s23], $0x4000, $0x200038;
	[tilespmem:$0x10100] =	vst v63  }
0x32: {  	s23 =	simm.s32 @p1 $0x1;
	_ =	strace @p1 $0x90000061;
	p1 =	seq.s32 s15, $0x8  }
0x33: {  	s22 =	sand.u32 @!p1 $0x1, s20  }
0x34: {  	_ =	strace @!p1 $0x80000062;
	s22 =	sadd.s32 @!p1 $0x3, s22  }
0x35: {  	_ =	swait.ge @!p1 [sflag:s22], $0x4000  }
0x36: {  	s24 =	simm.s32 $0x1;
	[sflag:s22] =	ssyncset.done @!p1 $0x0  }
0x37: {  	s24 =	simm.s32 @!p0 $0x0;
	[sflag:s22] =	ssyncadd.s32 @!p1 $0xFFFFC000  }
0x38: {  	s15 =	sadd.s32 $0xFFFFFFFF, s15;
	s22 =	sand.u32 @!p1 $0x1, s14;
	_ =	strace @!p1 $0x90000062  }
0x39: {  	p0 =	sne.s32 s15, $0x0;
	s22 =	sadd.s32 @!p1 $0x5, s22;
	_ =	strace @!p1 $0x80000063  }
.Ltmp0:
0x3a: {  	s19 =	sadd.s32 s24, s19;
	_ =	swait.ge @!p1 [sflag:s22], $0x4000;
	(pc) =	sbr.rel @p0 .LBB2_2-.Ltmp0, $4  }
0x3b: {  	s16 =	sadd.s32 s16, s23;
	s24 =	sadd.s32 @!p1 $0x1, s20;
	[sflag:s22] =	ssyncset.done @!p1 $0x0  }
0x3c: {  	s24 =	smov.u32 @p1 s20;
	[sflag:s22] =	ssyncadd.s32 @!p1 $0xFFFFC000;
	s22 =	simm.s32 @!p1 $0x1  }
0x3d: {  	s18 =	sadd.s32 s18, s23;
	s20 =	smov.u32 s24;
	s22 =	simm.s32 @p1 $0x0  }
0x3e: {  	_ =	strace @!p1 $0x90000063;
	s14 =	sadd.s32 s14, s22;
	s22 =	smov.u32 s21  }
0x3f: {  	s15 =	sand.u32 $0x1, s24  }
0x40: {  	_ =	strace $0x80000064;
	s15 =	sadd.s32 $0x3, s15  }
0x41: {  	s13 =	sadd.s32 $0x1, s13;
	_ =	swait.ge [sflag:s15], $0x4000  }
0x42: {  	s14 =	sand.u32 $0x1, s14;
	p0 =	sne.s32 s13, s10;
	[sflag:s15] =	ssyncset.done $0x0  }
.Ltmp1:
0x43: {  	s14 =	sadd.s32 $0x5, s14;
	[sflag:s15] =	ssyncadd.s32 $0xFFFFC000;
	(pc) =	sbr.rel @p0 .LBB2_1-.Ltmp1, $4  }
0x44: {  	_ =	swait.ge [sflag:s14], $0x4000  }
0x45: {  	[sflag:s14] =	ssyncset.done $0x0  }
0x46: {  	[sflag:s14] =	ssyncadd.s32 $0xFFFFC000  }
0x47: {  	_ =	strace $0x90000064  }
0x48: {  	_ =	sfence.sel $0x180000  }
0x49: {  	[bflag:$0x0] =	sbarrier.arrive $0xFFFF  }
0x4a: {  	p0 =	sne.s32 s5, $0x0;
	_ =	strace $0x9000005B  }
0x4b: {  	s0 =	sadd.s32 @!p0 $0x100000, s0;
	[bflag:$0x2] =	sbarrier.arrive $0xFFFF  }
0x4c: {  	[sflag:s0] =	ssyncadd.tile.s32 @!p0 $0x1;
	_ =	shalt  }
.Lfunc_end2:
_tile_overlayer_lowered:
.L_overlay_start_2:
0x4d: {  	(tag) =	ssettag $0x2  }
0x4e: {  	s0 =	rddreg [dreg:$0x0];
	s2 =	stileid.u32  }
0x4f: {  	s1 =	rddreg [dreg:$0x1];
	p0 =	sne.s32 s2, $0x0  }
0x50: {  	s3 =	rddreg [dreg:$0x2];
	[bflag:$0x3] =	sbarrier.arrive $0xFFFF;
	s2 =	simm.s32 @!p0 $0x1C01  }
0x51: {  	[timem:s3], [sflag:s2] =	dma.local @!p0 [hbm:s0], s1  }
0x52: {  	s0 =	simm.s32 @!p0 $0x1  }
0x53: {  	_ =	swait.ge @!p0 [sflag:s0], s1  }
0x54: {  	s1 =	ssub.s32 @!p0 $0x0, s1;
	[sflag:s0] =	ssyncset.done @!p0 $0x0  }
0x55: {  	[sflag:s0] =	ssyncadd.s32 @!p0 s1  }
0x56: {  	[bflag:$0x3] =	sbarrier.arrive $0xFFFF  }
0x57: {  	_ =	shalt  }

</sc_bundles>
